<compile_context>
chip_gen: v7x
topology: tpu7x:2x2x1
jax: 0.10.2.dev20260603
libtpu: 0.0.44.dev20260713+nightly
codegen_flags: <defaults>
</compile_context>

<pallas_src>
import functools

import jax
import jax.numpy as jnp
from jax import lax
from jax.experimental import pallas as pl
from jax.experimental.pallas import tpu as pltpu
from jax.experimental.pallas import tpu_sc as plsc

TOKENS = 32768
D = 1024
NSEG = 16
R = 64
C = 8
STEP = R * C
NB = TOKENS // R
NSTEPS = TOKENS // STEP
NW = 2 * NSEG
LANES = 16


NBUF = 4


def _meta_body(lens_ref, seg_out, lim_out, meta_out, lensf_out):
    lens_row = lens_ref[...].astype(jnp.float32)
    r = lax.broadcasted_iota(jnp.int32, (NSEG, NSEG), 0)
    c = lax.broadcasted_iota(jnp.int32, (NSEG, NSEG), 1)
    ends_i = jnp.sum(jnp.where(r >= c, lens_row, 0.0), axis=1,
                     keepdims=True).astype(jnp.int32)
    lens_i = jnp.sum(jnp.where(r == c, lens_row, 0.0), axis=1,
                     keepdims=True).astype(jnp.int32)
    starts_i = ends_i - lens_i
    fb = (starts_i + (R - 1)) // R
    lb = ends_i // R

    b = lax.broadcasted_iota(jnp.int32, (NSEG, NB), 1)
    j = lax.broadcasted_iota(jnp.int32, (NSEG, NB), 0)
    owned = (b >= fb) & (b < lb)
    seg_out[...] = NSEG + jnp.sum(jnp.where(owned, j - NSEG, 0), axis=0,
                                  keepdims=True)

    last_end = jnp.sum(jnp.where(r[:, :1] == NSEG - 1, ends_i, 0), axis=0,
                       keepdims=True)
    lim_out[...] = (last_end - 1) // STEP

    h0 = starts_i
    hn = jnp.minimum(fb * R, ends_i) - starts_i
    t0 = jnp.maximum(lb * R, starts_i)
    tn = jnp.where(lb >= fb, ends_i - t0, 0)
    bk_h = jnp.clip(h0 // R, 0, NB - 1)
    bk_t = jnp.clip(t0 // R, 0, NB - 1)
    cc = c

    def _pack(bk, lo, n):
        return (jnp.where(cc == 0, bk, 0) + jnp.where(cc == 1, lo, 0)
                + jnp.where(cc == 2, n, 0))

    meta_out[...] = jnp.concatenate(
        [_pack(bk_h, h0 - bk_h * R, hn), _pack(bk_t, t0 - bk_t * R, tn)],
        axis=0)
    lensf_out[...] = lens_i.astype(jnp.float32)


_meta = pl.pallas_call(
    _meta_body,
    out_shape=(
        jax.ShapeDtypeStruct((1, NB), jnp.int32),
        jax.ShapeDtypeStruct((1, 1), jnp.int32),
        jax.ShapeDtypeStruct((NW, LANES), jnp.int32),
        jax.ShapeDtypeStruct((NSEG, 1), jnp.float32),
    ),
)


def _block_sums_body(seg_ref, lim_ref, x_hbm, acc_ref, buf_ref, sems):
    lim = lim_ref[0, 0]
    acc_ref[...] = jnp.zeros_like(acc_ref)
    iota = lax.broadcasted_iota(jnp.int32, (NSEG, 1), 0)

    H = STEP // 2

    def dma(i, b, h):
        return pltpu.make_async_copy(
            x_hbm.at[pl.ds(i * STEP + h * H, H)],
            buf_ref.at[b, pl.ds(h * H, H)], sems.at[b, h])

    for b in range(NBUF):
        @pl.when(b <= lim)
        def _(b=b):
            dma(b, b, 0).start()
            dma(b, b, 1).start()

    def group(g, carry):
        for b in range(NBUF):
            i = g * NBUF + b

            @pl.when(i <= lim)
            def _(i=i, b=b):
                dma(i, b, 0).wait()
                dma(i, b, 1).wait()
                x = buf_ref[b]
                subs = jnp.sum(x.reshape(C, R, D), axis=1)
                total = jnp.zeros((NSEG, D), jnp.float32)
                for j in range(C):
                    s = seg_ref[0, i * C + j]
                    total = total + jnp.where(iota == s, subs[j:j + 1, :], 0.0)
                acc_ref[...] += total

                @pl.when(i + NBUF <= lim)
                def _():
                    dma(i + NBUF, b, 0).start()
                    dma(i + NBUF, b, 1).start()
        return carry

    lax.fori_loop(0, (lim + NBUF) // NBUF, group, 0)


_block_sums = pl.pallas_call(
    _block_sums_body,
    in_specs=[
        pl.BlockSpec(memory_space=pltpu.SMEM),
        pl.BlockSpec(memory_space=pltpu.SMEM),
        pl.BlockSpec(memory_space=pl.ANY),
    ],
    out_specs=pl.BlockSpec(memory_space=pltpu.VMEM),
    out_shape=jax.ShapeDtypeStruct((NSEG, D), jnp.float32),
    scratch_shapes=[
        pltpu.VMEM((NBUF, STEP, D), jnp.float32),
        pltpu.SemaphoreType.DMA((NBUF, 2)),
    ],
)


@functools.cache
def _make_edge_sums():
    @functools.partial(
        pl.kernel,
        out_type=jax.ShapeDtypeStruct((NW, D), jnp.float32),
        mesh=plsc.VectorSubcoreMesh(core_axis_name="c", subcore_axis_name="s"),
        scratch_types=[
            pltpu.VMEM((LANES,), jnp.int32),
            pltpu.VMEM((R, D), jnp.float32),
            pltpu.VMEM((D,), jnp.float32),
            pltpu.SemaphoreType.DMA,
        ],
        compiler_params=pltpu.CompilerParams(needs_layout_passes=False),
    )
    def _edge_sums(x_hbm, meta_hbm, out_hbm, meta_v, buf_v, acc_v, sem):
        wid = lax.axis_index("c") * 16 + lax.axis_index("s")
        pltpu.sync_copy(meta_hbm.at[wid], meta_v)
        mv = meta_v[...]
        iota = lax.iota(jnp.int32, LANES)

        def _scalar(pos):
            return jnp.sum(jnp.where(iota == pos, mv, 0))

        bk = _scalar(0)
        lo = _scalar(1)
        n = _scalar(2)

        @pl.loop(0, D, step=LANES)
        def _(c):
            acc_v[pl.ds(c, LANES)] = jnp.zeros((LANES,), jnp.float32)

        @pl.when(n > 0)
        def _():
            g0 = lo // 8
            ng = (lo + n + 7) // 8 - g0

            def fire(g, carry):
                pltpu.make_async_copy(
                    x_hbm.at[pl.ds(bk * R + (g0 + g) * 8, 8)],
                    buf_v.at[pl.ds(g * 8, 8)], sem).start()
                return carry

            lax.fori_loop(0, ng, fire, 0)

            def drain(g, carry):
                pltpu.make_async_copy(
                    x_hbm.at[pl.ds(0, 8)], buf_v.at[pl.ds(0, 8)], sem).wait()
                return carry

            lax.fori_loop(0, ng, drain, 0)

            lo2 = lo - g0 * 8
            hi2 = lo2 + n
            for c in range(0, D, LANES):
                def body(i, carry, c=c):
                    return carry + buf_v[i, pl.ds(c, LANES)]
                acc_v[pl.ds(c, LANES)] = lax.fori_loop(
                    lo2, hi2, body, jnp.zeros((LANES,), jnp.float32))

        pltpu.sync_copy(acc_v, out_hbm.at[wid])

    return _edge_sums


def _combine_body(acc_ref, edge_ref, len_ref, o_ref):
    tot = acc_ref[...] + edge_ref[0:NSEG, :] + edge_ref[NSEG:NW, :]
    mean = tot / len_ref[...]
    norm = jnp.sqrt(jnp.sum(mean * mean, axis=1, keepdims=True))
    o_ref[...] = mean / jnp.maximum(norm, 1e-12)


_combine = pl.pallas_call(
    _combine_body,
    out_shape=jax.ShapeDtypeStruct((NSEG, D), jnp.float32),
)


def kernel(hidden_states, prompt_lens):
    lens_row = prompt_lens.astype(jnp.int32).reshape(1, NSEG)
    blockseg, lim, meta, lens_f32 = _meta(lens_row)
    acc = _block_sums(blockseg, lim, hidden_states)
    edges = _make_edge_sums()(hidden_states, meta)
    return _combine(acc, edges, lens_f32)

# --- scband reference (transcript-rebuilt; emitter-appended) ---
"""Pipeline reference for scband-pooler-56461640073239 (READ-ONLY COPY).

The authoritative reference and input builder live on the scoring server;
editing this copy changes nothing except your own understanding.
"""

import jax, jax.numpy as jnp
import numpy as np

TOTAL_TOKENS = 32768
D_MODEL = 1024
BATCH = 16

def setup_inputs(seed: int = 0) -> dict:
    key = jax.random.key(seed)
    k1, k2 = jax.random.split(key)
    hidden_states = jax.random.normal(k1, (TOTAL_TOKENS, D_MODEL), dtype=jnp.float32)
    # prompt lens in [1, 2048); sum <= 16*2047 = 32752 < 32768 so all flat indices are in range
    prompt_lens = jax.random.randint(k2, (BATCH,), 1, 2048, dtype=jnp.int64)
    return {"hidden_states": hidden_states, "prompt_lens": prompt_lens}

def reference(hidden_states, prompt_lens):
    # MEAN pooling over ragged segments via prefix-sum differencing (faithful to torch module)
    cumsum = jnp.cumsum(hidden_states, axis=0)
    start_indices = jnp.concatenate([jnp.zeros((1,), dtype=prompt_lens.dtype), jnp.cumsum(prompt_lens[:-1])])
    end_indices = jnp.cumsum(prompt_lens)
    pooled_data = (cumsum[end_indices - 1] - cumsum[start_indices] + hidden_states[start_indices]) / prompt_lens[:, None].astype(hidden_states.dtype)
    # normalize=True: L2 normalize along dim=1 (torch F.normalize with eps=1e-12)
    norm = jnp.linalg.norm(pooled_data, ord=2, axis=1, keepdims=True)
    pooled_data = pooled_data / jnp.maximum(norm, 1e-12)
    return pooled_data

if __name__ == "__main__":
    import jax
    _d = setup_inputs()
    print(jax.jit(kernel)(*tuple(_d.values())))

</pallas_src>

<mosaic_0001>
#map = affine_map<(d0, d1) -> (0, 0)>
module attributes {stable_mosaic.version = 14 : i64} {
  func.func @_edge_sums(%arg0: i32, %arg1: i32, %arg2: memref<32768x1024xf32, #tpu.memory_space<hbm>>, %arg3: memref<32x16xi32, #tpu.memory_space<hbm>>, %arg4: memref<32x1024xf32, #tpu.memory_space<hbm>>, %arg5: memref<16xi32, #tpu.memory_space<vmem>>, %arg6: memref<64x1024xf32, #tpu.memory_space<vmem>>, %arg7: memref<1024xf32, #tpu.memory_space<vmem>>, %arg8: memref<!tpu.dma_semaphore, #tpu.memory_space<semaphore_mem>>) attributes {dimension_semantics = [#tpu.dimension_semantics<core_parallel>, #tpu.dimension_semantics<subcore_parallel>], iteration_bounds = array<i64: 2, 16>, scalar_prefetch = 0 : i64, scratch_operands = 4 : i64, tpu.core_type = #tpu.core_type<sc_vector_subcore>, window_params = [{transform_indices = #map}, {transform_indices = #map}, {transform_indices = #map}]} {
    %mul3A = arith.constant 16 : i32
    %mul3A_0 = arith.muli %arg0, %mul3A : i32
    %add3A = arith.addi %mul3A_0, %arg1 : i32
    "tpu.region"() ({
      %run_scoped3A = tpu.sem_alloc : memref<!tpu.dma_semaphore, #tpu.memory_space<semaphore_mem>>
      %dma_start3A = arith.constant 0 : i32
      %dma_start3A_33 = tpu.memref_slice %arg3[%add3A, %dma_start3A] : memref<32x16xi32, #tpu.memory_space<hbm>> -> memref<1x16xi32, #tpu.memory_space<hbm>>
      %dma_start3A_34 = tpu.memref_squeeze %dma_start3A_33 : memref<1x16xi32, #tpu.memory_space<hbm>> -> memref<16xi32, #tpu.memory_space<hbm>>
      %dma_start3A_35 = arith.constant 0 : i32
      %dma_start3A_36 = tpu.memref_slice %arg3[%add3A, %dma_start3A_35] : memref<32x16xi32, #tpu.memory_space<hbm>> -> memref<1x16xi32, #tpu.memory_space<hbm>>
      %dma_start3A_37 = tpu.memref_squeeze %dma_start3A_36 : memref<1x16xi32, #tpu.memory_space<hbm>> -> memref<16xi32, #tpu.memory_space<hbm>>
      tpu.enqueue_dma source(%dma_start3A_37 : memref<16xi32, #tpu.memory_space<hbm>>) target(%arg5 : memref<16xi32, #tpu.memory_space<vmem>>) target_semaphore(%run_scoped3A : memref<!tpu.dma_semaphore, #tpu.memory_space<semaphore_mem>>)
      %dma_wait3A = arith.constant 0 : i32
      %dma_wait3A_38 = tpu.memref_slice %arg3[%add3A, %dma_wait3A] : memref<32x16xi32, #tpu.memory_space<hbm>> -> memref<1x16xi32, #tpu.memory_space<hbm>>
      %dma_wait3A_39 = tpu.memref_squeeze %dma_wait3A_38 : memref<1x16xi32, #tpu.memory_space<hbm>> -> memref<16xi32, #tpu.memory_space<hbm>>
      %dma_wait3A_40 = arith.constant 0 : i32
      %dma_wait3A_41 = tpu.memref_slice %arg3[%add3A, %dma_wait3A_40] : memref<32x16xi32, #tpu.memory_space<hbm>> -> memref<1x16xi32, #tpu.memory_space<hbm>>
      %dma_wait3A_42 = tpu.memref_squeeze %dma_wait3A_41 : memref<1x16xi32, #tpu.memory_space<hbm>> -> memref<16xi32, #tpu.memory_space<hbm>>
      tpu.wait_dma2 semaphore(%run_scoped3A : memref<!tpu.dma_semaphore, #tpu.memory_space<semaphore_mem>>) src(%dma_wait3A_42 : memref<16xi32, #tpu.memory_space<hbm>>) dst(%arg5 : memref<16xi32, #tpu.memory_space<vmem>>)
      tpu.yield
    }) : () -> ()
    %get3A = arith.constant 0 : index
    %get3A_1 = tpu.vector_load %arg5[%get3A] {strides = array<i32>} : memref<16xi32, #tpu.memory_space<vmem>>, vector<16xi32>,
    %iota3A = tpu.iota {dimensions = array<i32: 0>} : vector<16xi32>
    %eq3A = arith.constant 0 : i32
    %eq3A_2 = vector.broadcast %eq3A : i32 to vector<16xi32>
    %eq3A_3 = arith.cmpi eq, %iota3A, %eq3A_2 : vector<16xi32>
    %jit3A = arith.constant 0 : i32
    %broadcast_in_dim3A = vector.broadcast %jit3A : i32 to vector<16xi32>
    %select_n3A = arith.select %eq3A_3, %get3A_1, %broadcast_in_dim3A : vector<16xi1>, vector<16xi32>
    %reduce_sum3A = arith.constant true
    %reduce_sum3A_4 = vector.broadcast %reduce_sum3A : i1 to vector<16xi1>
    %reduce_sum3A_5 = tpu.scan <sum>, %select_n3A masked %reduce_sum3A_4 : vector<16xi32>, vector<16xi1> -> vector<16xi32>
    %reduce_sum3A_6 = vector.extract %reduce_sum3A_5[15] : i32 from vector<16xi32>
    %eq3A_7 = arith.constant 1 : i32
    %eq3A_8 = vector.broadcast %eq3A_7 : i32 to vector<16xi32>
    %eq3A_9 = arith.cmpi eq, %iota3A, %eq3A_8 : vector<16xi32>
    %jit3A_10 = arith.constant 0 : i32
    %broadcast_in_dim3A_11 = vector.broadcast %jit3A_10 : i32 to vector<16xi32>
    %select_n3A_12 = arith.select %eq3A_9, %get3A_1, %broadcast_in_dim3A_11 : vector<16xi1>, vector<16xi32>
    %reduce_sum3A_13 = arith.constant true
    %reduce_sum3A_14 = vector.broadcast %reduce_sum3A_13 : i1 to vector<16xi1>
    %reduce_sum3A_15 = tpu.scan <sum>, %select_n3A_12 masked %reduce_sum3A_14 : vector<16xi32>, vector<16xi1> -> vector<16xi32>
    %reduce_sum3A_16 = vector.extract %reduce_sum3A_15[15] : i32 from vector<16xi32>
    %eq3A_17 = arith.constant 2 : i32
    %eq3A_18 = vector.broadcast %eq3A_17 : i32 to vector<16xi32>
    %eq3A_19 = arith.cmpi eq, %iota3A, %eq3A_18 : vector<16xi32>
    %jit3A_20 = arith.constant 0 : i32
    %broadcast_in_dim3A_21 = vector.broadcast %jit3A_20 : i32 to vector<16xi32>
    %select_n3A_22 = arith.select %eq3A_19, %get3A_1, %broadcast_in_dim3A_21 : vector<16xi1>, vector<16xi32>
    %reduce_sum3A_23 = arith.constant true
    %reduce_sum3A_24 = vector.broadcast %reduce_sum3A_23 : i1 to vector<16xi1>
    %reduce_sum3A_25 = tpu.scan <sum>, %select_n3A_22 masked %reduce_sum3A_24 : vector<16xi32>, vector<16xi1> -> vector<16xi32>
    %reduce_sum3A_26 = vector.extract %reduce_sum3A_25[15] : i32 from vector<16xi32>
    %scan3A = arith.constant 0 : i32
    %scan3A_27 = arith.constant 64 : i32
    %scan3A_28 = arith.addi %scan3A, %scan3A_27 : i32
    %scan3A_29 = arith.constant 1 : i32
    scf.for %scan3A_33 = %scan3A to %scan3A_28 step %scan3A_29  : i32 {
      %mul3A_34 = arith.constant 16 : i32
      %mul3A_35 = arith.muli %scan3A_33, %mul3A_34 : i32
      %add3A_36 = arith.constant 0 : i32
      %add3A_37 = arith.addi %add3A_36, %mul3A_35 : i32
      %broadcast_in_dim3A_38 = arith.constant 0.000000e+00 : f32
      %broadcast_in_dim3A_39 = vector.broadcast %broadcast_in_dim3A_38 : f32 to vector<16xf32>
      %swap3A = arith.index_cast %add3A_37 : i32 to index
      %swap3A_40 = tpu.vector_load %arg7[%swap3A] {strides = array<i32>} : memref<1024xf32, #tpu.memory_space<vmem>>, vector<16xf32>,
      tpu.vector_store %arg7[%swap3A], %broadcast_in_dim3A_39 {strides = array<i32>} : memref<1024xf32, #tpu.memory_space<vmem>>, vector<16xf32>,
    }
    %scan3A_30 = arith.constant 64 : i32
    %gt3A = arith.constant 0 : i32
    %gt3A_31 = arith.cmpi sgt, %reduce_sum3A_26, %gt3A : i32
    %convert_element_type3A = arith.extui %gt3A_31 : i1 to i32
    %cond3A = arith.constant 0 : i32
    %cond3A_32 = arith.cmpi ne, %convert_element_type3A, %cond3A : i32
    scf.if %cond3A_32 {
      %jit3A_33 = arith.constant 8 : i32
      %div3A = arith.divsi %reduce_sum3A_16, %jit3A_33 : i32
      %sign3A = arith.constant 0 : i32
      %sign3A_34 = arith.cmpi sgt, %reduce_sum3A_16, %sign3A : i32
      %sign3A_35 = arith.extui %sign3A_34 : i1 to i32
      %sign3A_36 = arith.constant 0 : i32
      %sign3A_37 = arith.cmpi slt, %reduce_sum3A_16, %sign3A_36 : i32
      %sign3A_38 = arith.extui %sign3A_37 : i1 to i32
      %sign3A_39 = arith.subi %sign3A_35, %sign3A_38 : i32
      %sign3A_40 = arith.constant 0 : i32
      %sign3A_41 = arith.cmpi sgt, %jit3A_33, %sign3A_40 : i32
      %sign3A_42 = arith.extui %sign3A_41 : i1 to i32
      %sign3A_43 = arith.constant 0 : i32
      %sign3A_44 = arith.cmpi slt, %jit3A_33, %sign3A_43 : i32
      %sign3A_45 = arith.extui %sign3A_44 : i1 to i32
      %sign3A_46 = arith.subi %sign3A_42, %sign3A_45 : i32
      %ne3A = arith.cmpi ne, %sign3A_39, %sign3A_46 : i32
      %rem3A = arith.remsi %reduce_sum3A_16, %jit3A_33 : i32
      %ne3A_47 = arith.constant 0 : i32
      %ne3A_48 = arith.cmpi ne, %rem3A, %ne3A_47 : i32
      %and3A = arith.andi %ne3A, %ne3A_48 : i1
      %sub3A = arith.constant 1 : i32
      %sub3A_49 = arith.subi %div3A, %sub3A : i32
      %select_n3A_50 = arith.select %and3A, %sub3A_49, %div3A : i32
      %add3A_51 = arith.addi %reduce_sum3A_16, %reduce_sum3A_26 : i32
      %add3A_52 = arith.constant 7 : i32
      %add3A_53 = arith.addi %add3A_51, %add3A_52 : i32
      %jit3A_54 = arith.constant 8 : i32
      %div3A_55 = arith.divsi %add3A_53, %jit3A_54 : i32
      %sign3A_56 = arith.constant 0 : i32
      %sign3A_57 = arith.cmpi sgt, %add3A_53, %sign3A_56 : i32
      %sign3A_58 = arith.extui %sign3A_57 : i1 to i32
      %sign3A_59 = arith.constant 0 : i32
      %sign3A_60 = arith.cmpi slt, %add3A_53, %sign3A_59 : i32
      %sign3A_61 = arith.extui %sign3A_60 : i1 to i32
      %sign3A_62 = arith.subi %sign3A_58, %sign3A_61 : i32
      %sign3A_63 = arith.constant 0 : i32
      %sign3A_64 = arith.cmpi sgt, %jit3A_54, %sign3A_63 : i32
      %sign3A_65 = arith.extui %sign3A_64 : i1 to i32
      %sign3A_66 = arith.constant 0 : i32
      %sign3A_67 = arith.cmpi slt, %jit3A_54, %sign3A_66 : i32
      %sign3A_68 = arith.extui %sign3A_67 : i1 to i32
      %sign3A_69 = arith.subi %sign3A_65, %sign3A_68 : i32
      %ne3A_70 = arith.cmpi ne, %sign3A_62, %sign3A_69 : i32
      %rem3A_71 = arith.remsi %add3A_53, %jit3A_54 : i32
      %ne3A_72 = arith.constant 0 : i32
      %ne3A_73 = arith.cmpi ne, %rem3A_71, %ne3A_72 : i32
      %and3A_74 = arith.andi %ne3A_70, %ne3A_73 : i1
      %sub3A_75 = arith.constant 1 : i32
      %sub3A_76 = arith.subi %div3A_55, %sub3A_75 : i32
      %select_n3A_77 = arith.select %and3A_74, %sub3A_76, %div3A_55 : i32
      %sub3A_78 = arith.subi %select_n3A_77, %select_n3A_50 : i32
      %while3A = arith.constant 0 : i32
      %while3A_79 = arith.constant 0 : i32
      %while3A_80 = arith.subi %sub3A_78, %while3A_79 : i32
      %while3A_81 = arith.addi %while3A_79, %while3A_80 : i32
      %while3A_82 = arith.constant 1 : i32
      %while3A_83 = arith.divsi %while3A_80, %while3A_82 : i32
      %while3A_84 = arith.muli %while3A_83, %while3A_82 : i32
      %while3A_85 = arith.addi %while3A_79, %while3A_84 : i32
      %while3A_86 = arith.constant 1 : i32
      scf.for %while3A_997 = %while3A_79 to %while3A_85 step %while3A_86  : i32 {
        %mul3A_998 = arith.constant 64 : i32
        %mul3A_999 = arith.muli %reduce_sum3A_6, %mul3A_998 : i32
        %add3A_1000 = arith.addi %select_n3A_50, %while3A_997 : i32
        %mul3A_1001 = arith.constant 8 : i32
        %mul3A_1002 = arith.muli %add3A_1000, %mul3A_1001 : i32
        %add3A_1003 = arith.addi %mul3A_999, %mul3A_1002 : i32
        %mul3A_1004 = arith.constant 8 : i32
        %mul3A_1005 = arith.muli %while3A_997, %mul3A_1004 : i32
        %dma_start3A = arith.constant 0 : i32
        %dma_start3A_1006 = tpu.memref_slice %arg6[%mul3A_1005, %dma_start3A] : memref<64x1024xf32, #tpu.memory_space<vmem>> -> memref<8x1024xf32, #tpu.memory_space<vmem>>
        %dma_start3A_1007 = arith.constant 0 : i32
        %dma_start3A_1008 = tpu.memref_slice %arg2[%add3A_1003, %dma_start3A_1007] : memref<32768x1024xf32, #tpu.memory_space<hbm>> -> memref<8x1024xf32, #tpu.memory_space<hbm>>
        %dma_start3A_1009 = arith.constant 0 : i32
        %dma_start3A_1010 = tpu.memref_slice %arg6[%mul3A_1005, %dma_start3A_1009] : memref<64x1024xf32, #tpu.memory_space<vmem>> -> memref<8x1024xf32, #tpu.memory_space<vmem>>
        %dma_start3A_1011 = arith.constant 0 : i32
        %dma_start3A_1012 = tpu.memref_slice %arg2[%add3A_1003, %dma_start3A_1011] : memref<32768x1024xf32, #tpu.memory_space<hbm>> -> memref<8x1024xf32, #tpu.memory_space<hbm>>
        tpu.enqueue_dma source(%dma_start3A_1012 : memref<8x1024xf32, #tpu.memory_space<hbm>>) target(%dma_start3A_1010 : memref<8x1024xf32, #tpu.memory_space<vmem>>) target_semaphore(%arg8 : memref<!tpu.dma_semaphore, #tpu.memory_space<semaphore_mem>>)
      }
      %while3A_87 = arith.constant 1 : i32
      scf.for %while3A_997 = %while3A_85 to %while3A_81 step %while3A_87  : i32 {
        %mul3A_998 = arith.constant 64 : i32
        %mul3A_999 = arith.muli %reduce_sum3A_6, %mul3A_998 : i32
        %add3A_1000 = arith.addi %select_n3A_50, %while3A_997 : i32
        %mul3A_1001 = arith.constant 8 : i32
        %mul3A_1002 = arith.muli %add3A_1000, %mul3A_1001 : i32
        %add3A_1003 = arith.addi %mul3A_999, %mul3A_1002 : i32
        %mul3A_1004 = arith.constant 8 : i32
        %mul3A_1005 = arith.muli %while3A_997, %mul3A_1004 : i32
        %dma_start3A = arith.constant 0 : i32
        %dma_start3A_1006 = tpu.memref_slice %arg6[%mul3A_1005, %dma_start3A] : memref<64x1024xf32, #tpu.memory_space<vmem>> -> memref<8x1024xf32, #tpu.memory_space<vmem>>
        %dma_start3A_1007 = arith.constant 0 : i32
        %dma_start3A_1008 = tpu.memref_slice %arg2[%add3A_1003, %dma_start3A_1007] : memref<32768x1024xf32, #tpu.memory_space<hbm>> -> memref<8x1024xf32, #tpu.memory_space<hbm>>
        %dma_start3A_1009 = arith.constant 0 : i32
        %dma_start3A_1010 = tpu.memref_slice %arg6[%mul3A_1005, %dma_start3A_1009] : memref<64x1024xf32, #tpu.memory_space<vmem>> -> memref<8x1024xf32, #tpu.memory_space<vmem>>
        %dma_start3A_1011 = arith.constant 0 : i32
        %dma_start3A_1012 = tpu.memref_slice %arg2[%add3A_1003, %dma_start3A_1011] : memref<32768x1024xf32, #tpu.memory_space<hbm>> -> memref<8x1024xf32, #tpu.memory_space<hbm>>
        tpu.enqueue_dma source(%dma_start3A_1012 : memref<8x1024xf32, #tpu.memory_space<hbm>>) target(%dma_start3A_1010 : memref<8x1024xf32, #tpu.memory_space<vmem>>) target_semaphore(%arg8 : memref<!tpu.dma_semaphore, #tpu.memory_space<semaphore_mem>>)
      }
      %while3A_88 = arith.constant 0 : i32
      %while3A_89 = arith.constant 0 : i32
      %while3A_90 = arith.subi %sub3A_78, %while3A_89 : i32
      %while3A_91 = arith.addi %while3A_89, %while3A_90 : i32
      %while3A_92 = arith.constant 1 : i32
      %while3A_93 = arith.divsi %while3A_90, %while3A_92 : i32
      %while3A_94 = arith.muli %while3A_93, %while3A_92 : i32
      %while3A_95 = arith.addi %while3A_89, %while3A_94 : i32
      %while3A_96 = arith.constant 1 : i32
      scf.for %while3A_997 = %while3A_89 to %while3A_95 step %while3A_96  : i32 {
        %dma_wait3A = arith.constant 0 : i32
        %dma_wait3A_998 = arith.constant 0 : i32
        %dma_wait3A_999 = tpu.memref_slice %arg6[%dma_wait3A, %dma_wait3A_998] : memref<64x1024xf32, #tpu.memory_space<vmem>> -> memref<8x1024xf32, #tpu.memory_space<vmem>>
        %dma_wait3A_1000 = arith.constant 0 : i32
        %dma_wait3A_1001 = arith.constant 0 : i32
        %dma_wait3A_1002 = tpu.memref_slice %arg2[%dma_wait3A_1000, %dma_wait3A_1001] : memref<32768x1024xf32, #tpu.memory_space<hbm>> -> memref<8x1024xf32, #tpu.memory_space<hbm>>
        %dma_wait3A_1003 = arith.constant 0 : i32
        %dma_wait3A_1004 = arith.constant 0 : i32
        %dma_wait3A_1005 = tpu.memref_slice %arg6[%dma_wait3A_1003, %dma_wait3A_1004] : memref<64x1024xf32, #tpu.memory_space<vmem>> -> memref<8x1024xf32, #tpu.memory_space<vmem>>
        %dma_wait3A_1006 = arith.constant 0 : i32
        %dma_wait3A_1007 = arith.constant 0 : i32
        %dma_wait3A_1008 = tpu.memref_slice %arg2[%dma_wait3A_1006, %dma_wait3A_1007] : memref<32768x1024xf32, #tpu.memory_space<hbm>> -> memref<8x1024xf32, #tpu.memory_space<hbm>>
        tpu.wait_dma2 semaphore(%arg8 : memref<!tpu.dma_semaphore, #tpu.memory_space<semaphore_mem>>) src(%dma_wait3A_1008 : memref<8x1024xf32, #tpu.memory_space<hbm>>) dst(%dma_wait3A_1005 : memref<8x1024xf32, #tpu.memory_space<vmem>>)
      }
      %while3A_97 = arith.constant 1 : i32
      scf.for %while3A_997 = %while3A_95 to %while3A_91 step %while3A_97  : i32 {
        %dma_wait3A = arith.constant 0 : i32
        %dma_wait3A_998 = arith.constant 0 : i32
        %dma_wait3A_999 = tpu.memref_slice %arg6[%dma_wait3A, %dma_wait3A_998] : memref<64x1024xf32, #tpu.memory_space<vmem>> -> memref<8x1024xf32, #tpu.memory_space<vmem>>
        %dma_wait3A_1000 = arith.constant 0 : i32
        %dma_wait3A_1001 = arith.constant 0 : i32
        %dma_wait3A_1002 = tpu.memref_slice %arg2[%dma_wait3A_1000, %dma_wait3A_1001] : memref<32768x1024xf32, #tpu.memory_space<hbm>> -> memref<8x1024xf32, #tpu.memory_space<hbm>>
        %dma_wait3A_1003 = arith.constant 0 : i32
        %dma_wait3A_1004 = arith.constant 0 : i32
        %dma_wait3A_1005 = tpu.memref_slice %arg6[%dma_wait3A_1003, %dma_wait3A_1004] : memref<64x1024xf32, #tpu.memory_space<vmem>> -> memref<8x1024xf32, #tpu.memory_space<vmem>>
        %dma_wait3A_1006 = arith.constant 0 : i32
        %dma_wait3A_1007 = arith.constant 0 : i32
        %dma_wait3A_1008 = tpu.memref_slice %arg2[%dma_wait3A_1006, %dma_wait3A_1007] : memref<32768x1024xf32, #tpu.memory_space<hbm>> -> memref<8x1024xf32, #tpu.memory_space<hbm>>
        tpu.wait_dma2 semaphore(%arg8 : memref<!tpu.dma_semaphore, #tpu.memory_space<semaphore_mem>>) src(%dma_wait3A_1008 : memref<8x1024xf32, #tpu.memory_space<hbm>>) dst(%dma_wait3A_1005 : memref<8x1024xf32, #tpu.memory_space<vmem>>)
      }
      %mul3A_98 = arith.constant 8 : i32
      %mul3A_99 = arith.muli %select_n3A_50, %mul3A_98 : i32
      %sub3A_100 = arith.subi %reduce_sum3A_16, %mul3A_99 : i32
      %add3A_101 = arith.addi %sub3A_100, %reduce_sum3A_26 : i32
      %broadcast_in_dim3A_102 = arith.constant 0.000000e+00 : f32
      %broadcast_in_dim3A_103 = vector.broadcast %broadcast_in_dim3A_102 : f32 to vector<16xf32>
      %while3A_104 = arith.subi %add3A_101, %sub3A_100 : i32
      %while3A_105 = arith.addi %sub3A_100, %while3A_104 : i32
      %while3A_106 = arith.constant 1 : i32
      %while3A_107 = arith.divsi %while3A_104, %while3A_106 : i32
      %while3A_108 = arith.muli %while3A_107, %while3A_106 : i32
      %while3A_109 = arith.addi %sub3A_100, %while3A_108 : i32
      %while3A_110 = arith.constant 1 : i32
      %while3A_111 = scf.for %while3A_997 = %sub3A_100 to %while3A_109 step %while3A_110 iter_args(%while3A_998 = %broadcast_in_dim3A_103) -> (vector<16xf32>)  : i32 {
        %get3A_999 = arith.index_cast %while3A_997 : i32 to index
        %get3A_1000 = arith.constant 0 : index
        %get3A_1001 = tpu.vector_load %arg6[%get3A_999, %get3A_1000] {strides = array<i32>} : memref<64x1024xf32, #tpu.memory_space<vmem>>, vector<16xf32>,
        %add3A_1002 = arith.addf %while3A_998, %get3A_1001 : vector<16xf32>
        scf.yield %add3A_1002 : vector<16xf32>
      }
      %while3A_112 = arith.constant 1 : i32
      %while3A_113 = scf.for %while3A_997 = %while3A_109 to %while3A_105 step %while3A_112 iter_args(%while3A_998 = %while3A_111) -> (vector<16xf32>)  : i32 {
        %get3A_999 = arith.index_cast %while3A_997 : i32 to index
        %get3A_1000 = arith.constant 0 : index
        %get3A_1001 = tpu.vector_load %arg6[%get3A_999, %get3A_1000] {strides = array<i32>} : memref<64x1024xf32, #tpu.memory_space<vmem>>, vector<16xf32>,
        %add3A_1002 = arith.addf %while3A_998, %get3A_1001 : vector<16xf32>
        scf.yield %add3A_1002 : vector<16xf32>
      }
      %swap3A = arith.constant 0 : index
      %swap3A_114 = tpu.vector_load %arg7[%swap3A] {strides = array<i32>} : memref<1024xf32, #tpu.memory_space<vmem>>, vector<16xf32>,
      tpu.vector_store %arg7[%swap3A], %while3A_113 {strides = array<i32>} : memref<1024xf32, #tpu.memory_space<vmem>>, vector<16xf32>,
      %broadcast_in_dim3A_115 = arith.constant 0.000000e+00 : f32
      %broadcast_in_dim3A_116 = vector.broadcast %broadcast_in_dim3A_115 : f32 to vector<16xf32>
      %while3A_117 = arith.subi %add3A_101, %sub3A_100 : i32
      %while3A_118 = arith.addi %sub3A_100, %while3A_117 : i32
      %while3A_119 = arith.constant 1 : i32
      %while3A_120 = arith.divsi %while3A_117, %while3A_119 : i32
      %while3A_121 = arith.muli %while3A_120, %while3A_119 : i32
      %while3A_122 = arith.addi %sub3A_100, %while3A_121 : i32
      %while3A_123 = arith.constant 1 : i32
      %while3A_124 = scf.for %while3A_997 = %sub3A_100 to %while3A_122 step %while3A_123 iter_args(%while3A_998 = %broadcast_in_dim3A_116) -> (vector<16xf32>)  : i32 {
        %get3A_999 = arith.index_cast %while3A_997 : i32 to index
        %get3A_1000 = arith.constant 16 : index
        %get3A_1001 = tpu.vector_load %arg6[%get3A_999, %get3A_1000] {strides = array<i32>} : memref<64x1024xf32, #tpu.memory_space<vmem>>, vector<16xf32>,
        %add3A_1002 = arith.addf %while3A_998, %get3A_1001 : vector<16xf32>
        scf.yield %add3A_1002 : vector<16xf32>
      }
      %while3A_125 = arith.constant 1 : i32
      %while3A_126 = scf.for %while3A_997 = %while3A_122 to %while3A_118 step %while3A_125 iter_args(%while3A_998 = %while3A_124) -> (vector<16xf32>)  : i32 {
        %get3A_999 = arith.index_cast %while3A_997 : i32 to index
        %get3A_1000 = arith.constant 16 : index
        %get3A_1001 = tpu.vector_load %arg6[%get3A_999, %get3A_1000] {strides = array<i32>} : memref<64x1024xf32, #tpu.memory_space<vmem>>, vector<16xf32>,
        %add3A_1002 = arith.addf %while3A_998, %get3A_1001 : vector<16xf32>
        scf.yield %add3A_1002 : vector<16xf32>
      }
      %swap3A_127 = arith.constant 16 : index
      %swap3A_128 = tpu.vector_load %arg7[%swap3A_127] {strides = array<i32>} : memref<1024xf32, #tpu.memory_space<vmem>>, vector<16xf32>,
      tpu.vector_store %arg7[%swap3A_127], %while3A_126 {strides = array<i32>} : memref<1024xf32, #tpu.memory_space<vmem>>, vector<16xf32>,
      %broadcast_in_dim3A_129 = arith.constant 0.000000e+00 : f32
      %broadcast_in_dim3A_130 = vector.broadcast %broadcast_in_dim3A_129 : f32 to vector<16xf32>
      %while3A_131 = arith.subi %add3A_101, %sub3A_100 : i32
      %while3A_132 = arith.addi %sub3A_100, %while3A_131 : i32
      %while3A_133 = arith.constant 1 : i32
      %while3A_134 = arith.divsi %while3A_131, %while3A_133 : i32
      %while3A_135 = arith.muli %while3A_134, %while3A_133 : i32
      %while3A_136 = arith.addi %sub3A_100, %while3A_135 : i32
      %while3A_137 = arith.constant 1 : i32
      %while3A_138 = scf.for %while3A_997 = %sub3A_100 to %while3A_136 step %while3A_137 iter_args(%while3A_998 = %broadcast_in_dim3A_130) -> (vector<16xf32>)  : i32 {
        %get3A_999 = arith.index_cast %while3A_997 : i32 to index
        %get3A_1000 = arith.constant 32 : index
        %get3A_1001 = tpu.vector_load %arg6[%get3A_999, %get3A_1000] {strides = array<i32>} : memref<64x1024xf32, #tpu.memory_space<vmem>>, vector<16xf32>,
        %add3A_1002 = arith.addf %while3A_998, %get3A_1001 : vector<16xf32>
        scf.yield %add3A_1002 : vector<16xf32>
      }
      %while3A_139 = arith.constant 1 : i32
      %while3A_140 = scf.for %while3A_997 = %while3A_136 to %while3A_132 step %while3A_139 iter_args(%while3A_998 = %while3A_138) -> (vector<16xf32>)  : i32 {
        %get3A_999 = arith.index_cast %while3A_997 : i32 to index
        %get3A_1000 = arith.constant 32 : index
        %get3A_1001 = tpu.vector_load %arg6[%get3A_999, %get3A_1000] {strides = array<i32>} : memref<64x1024xf32, #tpu.memory_space<vmem>>, vector<16xf32>,
        %add3A_1002 = arith.addf %while3A_998, %get3A_1001 : vector<16xf32>
        scf.yield %add3A_1002 : vector<16xf32>
      }
      %swap3A_141 = arith.constant 32 : index
      %swap3A_142 = tpu.vector_load %arg7[%swap3A_141] {strides = array<i32>} : memref<1024xf32, #tpu.memory_space<vmem>>, vector<16xf32>,
      tpu.vector_store %arg7[%swap3A_141], %while3A_140 {strides = array<i32>} : memref<1024xf32, #tpu.memory_space<vmem>>, vector<16xf32>,
      %broadcast_in_dim3A_143 = arith.constant 0.000000e+00 : f32
      %broadcast_in_dim3A_144 = vector.broadcast %broadcast_in_dim3A_143 : f32 to vector<16xf32>
      %while3A_145 = arith.subi %add3A_101, %sub3A_100 : i32
      %while3A_146 = arith.addi %sub3A_100, %while3A_145 : i32
      %while3A_147 = arith.constant 1 : i32
      %while3A_148 = arith.divsi %while3A_145, %while3A_147 : i32
      %while3A_149 = arith.muli %while3A_148, %while3A_147 : i32
      %while3A_150 = arith.addi %sub3A_100, %while3A_149 : i32
      %while3A_151 = arith.constant 1 : i32
      %while3A_152 = scf.for %while3A_997 = %sub3A_100 to %while3A_150 step %while3A_151 iter_args(%while3A_998 = %broadcast_in_dim3A_144) -> (vector<16xf32>)  : i32 {
        %get3A_999 = arith.index_cast %while3A_997 : i32 to index
        %get3A_1000 = arith.constant 48 : index
        %get3A_1001 = tpu.vector_load %arg6[%get3A_999, %get3A_1000] {strides = array<i32>} : memref<64x1024xf32, #tpu.memory_space<vmem>>, vector<16xf32>,
        %add3A_1002 = arith.addf %while3A_998, %get3A_1001 : vector<16xf32>
        scf.yield %add3A_1002 : vector<16xf32>
      }
      %while3A_153 = arith.constant 1 : i32
      %while3A_154 = scf.for %while3A_997 = %while3A_150 to %while3A_146 step %while3A_153 iter_args(%while3A_998 = %while3A_152) -> (vector<16xf32>)  : i32 {
        %get3A_999 = arith.index_cast %while3A_997 : i32 to index
        %get3A_1000 = arith.constant 48 : index
        %get3A_1001 = tpu.vector_load %arg6[%get3A_999, %get3A_1000] {strides = array<i32>} : memref<64x1024xf32, #tpu.memory_space<vmem>>, vector<16xf32>,
        %add3A_1002 = arith.addf %while3A_998, %get3A_1001 : vector<16xf32>
        scf.yield %add3A_1002 : vector<16xf32>
      }
      %swap3A_155 = arith.constant 48 : index
      %swap3A_156 = tpu.vector_load %arg7[%swap3A_155] {strides = array<i32>} : memref<1024xf32, #tpu.memory_space<vmem>>, vector<16xf32>,
      tpu.vector_store %arg7[%swap3A_155], %while3A_154 {strides = array<i32>} : memref<1024xf32, #tpu.memory_space<vmem>>, vector<16xf32>,
      %broadcast_in_dim3A_157 = arith.constant 0.000000e+00 : f32
      %broadcast_in_dim3A_158 = vector.broadcast %broadcast_in_dim3A_157 : f32 to vector<16xf32>
      %while3A_159 = arith.subi %add3A_101, %sub3A_100 : i32
      %while3A_160 = arith.addi %sub3A_100, %while3A_159 : i32
      %while3A_161 = arith.constant 1 : i32
      %while3A_162 = arith.divsi %while3A_159, %while3A_161 : i32
      %while3A_163 = arith.muli %while3A_162, %while3A_161 : i32
      %while3A_164 = arith.addi %sub3A_100, %while3A_163 : i32
      %while3A_165 = arith.constant 1 : i32
      %while3A_166 = scf.for %while3A_997 = %sub3A_100 to %while3A_164 step %while3A_165 iter_args(%while3A_998 = %broadcast_in_dim3A_158) -> (vector<16xf32>)  : i32 {
        %get3A_999 = arith.index_cast %while3A_997 : i32 to index
        %get3A_1000 = arith.constant 64 : index
        %get3A_1001 = tpu.vector_load %arg6[%get3A_999, %get3A_1000] {strides = array<i32>} : memref<64x1024xf32, #tpu.memory_space<vmem>>, vector<16xf32>,
        %add3A_1002 = arith.addf %while3A_998, %get3A_1001 : vector<16xf32>
        scf.yield %add3A_1002 : vector<16xf32>
      }
      %while3A_167 = arith.constant 1 : i32
      %while3A_168 = scf.for %while3A_997 = %while3A_164 to %while3A_160 step %while3A_167 iter_args(%while3A_998 = %while3A_166) -> (vector<16xf32>)  : i32 {
        %get3A_999 = arith.index_cast %while3A_997 : i32 to index
        %get3A_1000 = arith.constant 64 : index
        %get3A_1001 = tpu.vector_load %arg6[%get3A_999, %get3A_1000] {strides = array<i32>} : memref<64x1024xf32, #tpu.memory_space<vmem>>, vector<16xf32>,
        %add3A_1002 = arith.addf %while3A_998, %get3A_1001 : vector<16xf32>
        scf.yield %add3A_1002 : vector<16xf32>
      }
      %swap3A_169 = arith.constant 64 : index
      %swap3A_170 = tpu.vector_load %arg7[%swap3A_169] {strides = array<i32>} : memref<1024xf32, #tpu.memory_space<vmem>>, vector<16xf32>,
      tpu.vector_store %arg7[%swap3A_169], %while3A_168 {strides = array<i32>} : memref<1024xf32, #tpu.memory_space<vmem>>, vector<16xf32>,
      %broadcast_in_dim3A_171 = arith.constant 0.000000e+00 : f32
      %broadcast_in_dim3A_172 = vector.broadcast %broadcast_in_dim3A_171 : f32 to vector<16xf32>
      %while3A_173 = arith.subi %add3A_101, %sub3A_100 : i32
      %while3A_174 = arith.addi %sub3A_100, %while3A_173 : i32
      %while3A_175 = arith.constant 1 : i32
      %while3A_176 = arith.divsi %while3A_173, %while3A_175 : i32
      %while3A_177 = arith.muli %while3A_176, %while3A_175 : i32
      %while3A_178 = arith.addi %sub3A_100, %while3A_177 : i32
      %while3A_179 = arith.constant 1 : i32
      %while3A_180 = scf.for %while3A_997 = %sub3A_100 to %while3A_178 step %while3A_179 iter_args(%while3A_998 = %broadcast_in_dim3A_172) -> (vector<16xf32>)  : i32 {
        %get3A_999 = arith.index_cast %while3A_997 : i32 to index
        %get3A_1000 = arith.constant 80 : index
        %get3A_1001 = tpu.vector_load %arg6[%get3A_999, %get3A_1000] {strides = array<i32>} : memref<64x1024xf32, #tpu.memory_space<vmem>>, vector<16xf32>,
        %add3A_1002 = arith.addf %while3A_998, %get3A_1001 : vector<16xf32>
        scf.yield %add3A_1002 : vector<16xf32>
      }
      %while3A_181 = arith.constant 1 : i32
      %while3A_182 = scf.for %while3A_997 = %while3A_178 to %while3A_174 step %while3A_181 iter_args(%while3A_998 = %while3A_180) -> (vector<16xf32>)  : i32 {
        %get3A_999 = arith.index_cast %while3A_997 : i32 to index
        %get3A_1000 = arith.constant 80 : index
        %get3A_1001 = tpu.vector_load %arg6[%get3A_999, %get3A_1000] {strides = array<i32>} : memref<64x1024xf32, #tpu.memory_space<vmem>>, vector<16xf32>,
        %add3A_1002 = arith.addf %while3A_998, %get3A_1001 : vector<16xf32>
        scf.yield %add3A_1002 : vector<16xf32>
      }
      %swap3A_183 = arith.constant 80 : index
      %swap3A_184 = tpu.vector_load %arg7[%swap3A_183] {strides = array<i32>} : memref<1024xf32, #tpu.memory_space<vmem>>, vector<16xf32>,
      tpu.vector_store %arg7[%swap3A_183], %while3A_182 {strides = array<i32>} : memref<1024xf32, #tpu.memory_space<vmem>>, vector<16xf32>,
      %broadcast_in_dim3A_185 = arith.constant 0.000000e+00 : f32
      %broadcast_in_dim3A_186 = vector.broadcast %broadcast_in_dim3A_185 : f32 to vector<16xf32>
      %while3A_187 = arith.subi %add3A_101, %sub3A_100 : i32
      %while3A_188 = arith.addi %sub3A_100, %while3A_187 : i32
      %while3A_189 = arith.constant 1 : i32
      %while3A_190 = arith.divsi %while3A_187, %while3A_189 : i32
      %while3A_191 = arith.muli %while3A_190, %while3A_189 : i32
      %while3A_192 = arith.addi %sub3A_100, %while3A_191 : i32
      %while3A_193 = arith.constant 1 : i32
      %while3A_194 = scf.for %while3A_997 = %sub3A_100 to %while3A_192 step %while3A_193 iter_args(%while3A_998 = %broadcast_in_dim3A_186) -> (vector<16xf32>)  : i32 {
        %get3A_999 = arith.index_cast %while3A_997 : i32 to index
        %get3A_1000 = arith.constant 96 : index
        %get3A_1001 = tpu.vector_load %arg6[%get3A_999, %get3A_1000] {strides = array<i32>} : memref<64x1024xf32, #tpu.memory_space<vmem>>, vector<16xf32>,
        %add3A_1002 = arith.addf %while3A_998, %get3A_1001 : vector<16xf32>
        scf.yield %add3A_1002 : vector<16xf32>
      }
      %while3A_195 = arith.constant 1 : i32
      %while3A_196 = scf.for %while3A_997 = %while3A_192 to %while3A_188 step %while3A_195 iter_args(%while3A_998 = %while3A_194) -> (vector<16xf32>)  : i32 {
        %get3A_999 = arith.index_cast %while3A_997 : i32 to index
        %get3A_1000 = arith.constant 96 : index
        %get3A_1001 = tpu.vector_load %arg6[%get3A_999, %get3A_1000] {strides = array<i32>} : memref<64x1024xf32, #tpu.memory_space<vmem>>, vector<16xf32>,
        %add3A_1002 = arith.addf %while3A_998, %get3A_1001 : vector<16xf32>
        scf.yield %add3A_1002 : vector<16xf32>
      }
      %swap3A_197 = arith.constant 96 : index
      %swap3A_198 = tpu.vector_load %arg7[%swap3A_197] {strides = array<i32>} : memref<1024xf32, #tpu.memory_space<vmem>>, vector<16xf32>,
      tpu.vector_store %arg7[%swap3A_197], %while3A_196 {strides = array<i32>} : memref<1024xf32, #tpu.memory_space<vmem>>, vector<16xf32>,
      %broadcast_in_dim3A_199 = arith.constant 0.000000e+00 : f32
      %broadcast_in_dim3A_200 = vector.broadcast %broadcast_in_dim3A_199 : f32 to vector<16xf32>
      %while3A_201 = arith.subi %add3A_101, %sub3A_100 : i32
      %while3A_202 = arith.addi %sub3A_100, %while3A_201 : i32
      %while3A_203 = arith.constant 1 : i32
      %while3A_204 = arith.divsi %while3A_201, %while3A_203 : i32
      %while3A_205 = arith.muli %while3A_204, %while3A_203 : i32
      %while3A_206 = arith.addi %sub3A_100, %while3A_205 : i32
      %while3A_207 = arith.constant 1 : i32
      %while3A_208 = scf.for %while3A_997 = %sub3A_100 to %while3A_206 step %while3A_207 iter_args(%while3A_998 = %broadcast_in_dim3A_200) -> (vector<16xf32>)  : i32 {
        %get3A_999 = arith.index_cast %while3A_997 : i32 to index
        %get3A_1000 = arith.constant 112 : index
        %get3A_1001 = tpu.vector_load %arg6[%get3A_999, %get3A_1000] {strides = array<i32>} : memref<64x1024xf32, #tpu.memory_space<vmem>>, vector<16xf32>,
        %add3A_1002 = arith.addf %while3A_998, %get3A_1001 : vector<16xf32>
        scf.yield %add3A_1002 : vector<16xf32>
      }
      %while3A_209 = arith.constant 1 : i32
      %while3A_210 = scf.for %while3A_997 = %while3A_206 to %while3A_202 step %while3A_209 iter_args(%while3A_998 = %while3A_208) -> (vector<16xf32>)  : i32 {
        %get3A_999 = arith.index_cast %while3A_997 : i32 to index
        %get3A_1000 = arith.constant 112 : index
        %get3A_1001 = tpu.vector_load %arg6[%get3A_999, %get3A_1000] {strides = array<i32>} : memref<64x1024xf32, #tpu.memory_space<vmem>>, vector<16xf32>,
        %add3A_1002 = arith.addf %while3A_998, %get3A_1001 : vector<16xf32>
        scf.yield %add3A_1002 : vector<16xf32>
      }
      %swap3A_211 = arith.constant 112 : index
      %swap3A_212 = tpu.vector_load %arg7[%swap3A_211] {strides = array<i32>} : memref<1024xf32, #tpu.memory_space<vmem>>, vector<16xf32>,
      tpu.vector_store %arg7[%swap3A_211], %while3A_210 {strides = array<i32>} : memref<1024xf32, #tpu.memory_space<vmem>>, vector<16xf32>,
      %broadcast_in_dim3A_213 = arith.constant 0.000000e+00 : f32
      %broadcast_in_dim3A_214 = vector.broadcast %broadcast_in_dim3A_213 : f32 to vector<16xf32>
      %while3A_215 = arith.subi %add3A_101, %sub3A_100 : i32
      %while3A_216 = arith.addi %sub3A_100, %while3A_215 : i32
      %while3A_217 = arith.constant 1 : i32
      %while3A_218 = arith.divsi %while3A_215, %while3A_217 : i32
      %while3A_219 = arith.muli %while3A_218, %while3A_217 : i32
      %while3A_220 = arith.addi %sub3A_100, %while3A_219 : i32
      %while3A_221 = arith.constant 1 : i32
      %while3A_222 = scf.for %while3A_997 = %sub3A_100 to %while3A_220 step %while3A_221 iter_args(%while3A_998 = %broadcast_in_dim3A_214) -> (vector<16xf32>)  : i32 {
        %get3A_999 = arith.index_cast %while3A_997 : i32 to index
        %get3A_1000 = arith.constant 128 : index
        %get3A_1001 = tpu.vector_load %arg6[%get3A_999, %get3A_1000] {strides = array<i32>} : memref<64x1024xf32, #tpu.memory_space<vmem>>, vector<16xf32>,
        %add3A_1002 = arith.addf %while3A_998, %get3A_1001 : vector<16xf32>
        scf.yield %add3A_1002 : vector<16xf32>
      }
      %while3A_223 = arith.constant 1 : i32
      %while3A_224 = scf.for %while3A_997 = %while3A_220 to %while3A_216 step %while3A_223 iter_args(%while3A_998 = %while3A_222) -> (vector<16xf32>)  : i32 {
        %get3A_999 = arith.index_cast %while3A_997 : i32 to index
        %get3A_1000 = arith.constant 128 : index
        %get3A_1001 = tpu.vector_load %arg6[%get3A_999, %get3A_1000] {strides = array<i32>} : memref<64x1024xf32, #tpu.memory_space<vmem>>, vector<16xf32>,
        %add3A_1002 = arith.addf %while3A_998, %get3A_1001 : vector<16xf32>
        scf.yield %add3A_1002 : vector<16xf32>
      }
      %swap3A_225 = arith.constant 128 : index
      %swap3A_226 = tpu.vector_load %arg7[%swap3A_225] {strides = array<i32>} : memref<1024xf32, #tpu.memory_space<vmem>>, vector<16xf32>,
      tpu.vector_store %arg7[%swap3A_225], %while3A_224 {strides = array<i32>} : memref<1024xf32, #tpu.memory_space<vmem>>, vector<16xf32>,
      %broadcast_in_dim3A_227 = arith.constant 0.000000e+00 : f32
      %broadcast_in_dim3A_228 = vector.broadcast %broadcast_in_dim3A_227 : f32 to vector<16xf32>
      %while3A_229 = arith.subi %add3A_101, %sub3A_100 : i32
      %while3A_230 = arith.addi %sub3A_100, %while3A_229 : i32
      %while3A_231 = arith.constant 1 : i32
      %while3A_232 = arith.divsi %while3A_229, %while3A_231 : i32
      %while3A_233 = arith.muli %while3A_232, %while3A_231 : i32
      %while3A_234 = arith.addi %sub3A_100, %while3A_233 : i32
      %while3A_235 = arith.constant 1 : i32
      %while3A_236 = scf.for %while3A_997 = %sub3A_100 to %while3A_234 step %while3A_235 iter_args(%while3A_998 = %broadcast_in_dim3A_228) -> (vector<16xf32>)  : i32 {
        %get3A_999 = arith.index_cast %while3A_997 : i32 to index
        %get3A_1000 = arith.constant 144 : index
        %get3A_1001 = tpu.vector_load %arg6[%get3A_999, %get3A_1000] {strides = array<i32>} : memref<64x1024xf32, #tpu.memory_space<vmem>>, vector<16xf32>,
        %add3A_1002 = arith.addf %while3A_998, %get3A_1001 : vector<16xf32>
        scf.yield %add3A_1002 : vector<16xf32>
      }
      %while3A_237 = arith.constant 1 : i32
      %while3A_238 = scf.for %while3A_997 = %while3A_234 to %while3A_230 step %while3A_237 iter_args(%while3A_998 = %while3A_236) -> (vector<16xf32>)  : i32 {
        %get3A_999 = arith.index_cast %while3A_997 : i32 to index
        %get3A_1000 = arith.constant 144 : index
        %get3A_1001 = tpu.vector_load %arg6[%get3A_999, %get3A_1000] {strides = array<i32>} : memref<64x1024xf32, #tpu.memory_space<vmem>>, vector<16xf32>,
        %add3A_1002 = arith.addf %while3A_998, %get3A_1001 : vector<16xf32>
        scf.yield %add3A_1002 : vector<16xf32>
      }
      %swap3A_239 = arith.constant 144 : index
      %swap3A_240 = tpu.vector_load %arg7[%swap3A_239] {strides = array<i32>} : memref<1024xf32, #tpu.memory_space<vmem>>, vector<16xf32>,
      tpu.vector_store %arg7[%swap3A_239], %while3A_238 {strides = array<i32>} : memref<1024xf32, #tpu.memory_space<vmem>>, vector<16xf32>,
      %broadcast_in_dim3A_241 = arith.constant 0.000000e+00 : f32
      %broadcast_in_dim3A_242 = vector.broadcast %broadcast_in_dim3A_241 : f32 to vector<16xf32>
      %while3A_243 = arith.subi %add3A_101, %sub3A_100 : i32
      %while3A_244 = arith.addi %sub3A_100, %while3A_243 : i32
      %while3A_245 = arith.constant 1 : i32
      %while3A_246 = arith.divsi %while3A_243, %while3A_245 : i32
      %while3A_247 = arith.muli %while3A_246, %while3A_245 : i32
      %while3A_248 = arith.addi %sub3A_100, %while3A_247 : i32
      %while3A_249 = arith.constant 1 : i32
      %while3A_250 = scf.for %while3A_997 = %sub3A_100 to %while3A_248 step %while3A_249 iter_args(%while3A_998 = %broadcast_in_dim3A_242) -> (vector<16xf32>)  : i32 {
        %get3A_999 = arith.index_cast %while3A_997 : i32 to index
        %get3A_1000 = arith.constant 160 : index
        %get3A_1001 = tpu.vector_load %arg6[%get3A_999, %get3A_1000] {strides = array<i32>} : memref<64x1024xf32, #tpu.memory_space<vmem>>, vector<16xf32>,
        %add3A_1002 = arith.addf %while3A_998, %get3A_1001 : vector<16xf32>
        scf.yield %add3A_1002 : vector<16xf32>
      }
      %while3A_251 = arith.constant 1 : i32
      %while3A_252 = scf.for %while3A_997 = %while3A_248 to %while3A_244 step %while3A_251 iter_args(%while3A_998 = %while3A_250) -> (vector<16xf32>)  : i32 {
        %get3A_999 = arith.index_cast %while3A_997 : i32 to index
        %get3A_1000 = arith.constant 160 : index
        %get3A_1001 = tpu.vector_load %arg6[%get3A_999, %get3A_1000] {strides = array<i32>} : memref<64x1024xf32, #tpu.memory_space<vmem>>, vector<16xf32>,
        %add3A_1002 = arith.addf %while3A_998, %get3A_1001 : vector<16xf32>
        scf.yield %add3A_1002 : vector<16xf32>
      }
      %swap3A_253 = arith.constant 160 : index
      %swap3A_254 = tpu.vector_load %arg7[%swap3A_253] {strides = array<i32>} : memref<1024xf32, #tpu.memory_space<vmem>>, vector<16xf32>,
      tpu.vector_store %arg7[%swap3A_253], %while3A_252 {strides = array<i32>} : memref<1024xf32, #tpu.memory_space<vmem>>, vector<16xf32>,
      %broadcast_in_dim3A_255 = arith.constant 0.000000e+00 : f32
      %broadcast_in_dim3A_256 = vector.broadcast %broadcast_in_dim3A_255 : f32 to vector<16xf32>
      %while3A_257 = arith.subi %add3A_101, %sub3A_100 : i32
      %while3A_258 = arith.addi %sub3A_100, %while3A_257 : i32
      %while3A_259 = arith.constant 1 : i32
      %while3A_260 = arith.divsi %while3A_257, %while3A_259 : i32
      %while3A_261 = arith.muli %while3A_260, %while3A_259 : i32
      %while3A_262 = arith.addi %sub3A_100, %while3A_261 : i32
      %while3A_263 = arith.constant 1 : i32
      %while3A_264 = scf.for %while3A_997 = %sub3A_100 to %while3A_262 step %while3A_263 iter_args(%while3A_998 = %broadcast_in_dim3A_256) -> (vector<16xf32>)  : i32 {
        %get3A_999 = arith.index_cast %while3A_997 : i32 to index
        %get3A_1000 = arith.constant 176 : index
        %get3A_1001 = tpu.vector_load %arg6[%get3A_999, %get3A_1000] {strides = array<i32>} : memref<64x1024xf32, #tpu.memory_space<vmem>>, vector<16xf32>,
        %add3A_1002 = arith.addf %while3A_998, %get3A_1001 : vector<16xf32>
        scf.yield %add3A_1002 : vector<16xf32>
      }
      %while3A_265 = arith.constant 1 : i32
      %while3A_266 = scf.for %while3A_997 = %while3A_262 to %while3A_258 step %while3A_265 iter_args(%while3A_998 = %while3A_264) -> (vector<16xf32>)  : i32 {
        %get3A_999 = arith.index_cast %while3A_997 : i32 to index
        %get3A_1000 = arith.constant 176 : index
        %get3A_1001 = tpu.vector_load %arg6[%get3A_999, %get3A_1000] {strides = array<i32>} : memref<64x1024xf32, #tpu.memory_space<vmem>>, vector<16xf32>,
        %add3A_1002 = arith.addf %while3A_998, %get3A_1001 : vector<16xf32>
        scf.yield %add3A_1002 : vector<16xf32>
      }
      %swap3A_267 = arith.constant 176 : index
      %swap3A_268 = tpu.vector_load %arg7[%swap3A_267] {strides = array<i32>} : memref<1024xf32, #tpu.memory_space<vmem>>, vector<16xf32>,
      tpu.vector_store %arg7[%swap3A_267], %while3A_266 {strides = array<i32>} : memref<1024xf32, #tpu.memory_space<vmem>>, vector<16xf32>,
      %broadcast_in_dim3A_269 = arith.constant 0.000000e+00 : f32
      %broadcast_in_dim3A_270 = vector.broadcast %broadcast_in_dim3A_269 : f32 to vector<16xf32>
      %while3A_271 = arith.subi %add3A_101, %sub3A_100 : i32
      %while3A_272 = arith.addi %sub3A_100, %while3A_271 : i32
      %while3A_273 = arith.constant 1 : i32
      %while3A_274 = arith.divsi %while3A_271, %while3A_273 : i32
      %while3A_275 = arith.muli %while3A_274, %while3A_273 : i32
      %while3A_276 = arith.addi %sub3A_100, %while3A_275 : i32
      %while3A_277 = arith.constant 1 : i32
      %while3A_278 = scf.for %while3A_997 = %sub3A_100 to %while3A_276 step %while3A_277 iter_args(%while3A_998 = %broadcast_in_dim3A_270) -> (vector<16xf32>)  : i32 {
        %get3A_999 = arith.index_cast %while3A_997 : i32 to index
        %get3A_1000 = arith.constant 192 : index
        %get3A_1001 = tpu.vector_load %arg6[%get3A_999, %get3A_1000] {strides = array<i32>} : memref<64x1024xf32, #tpu.memory_space<vmem>>, vector<16xf32>,
        %add3A_1002 = arith.addf %while3A_998, %get3A_1001 : vector<16xf32>
        scf.yield %add3A_1002 : vector<16xf32>
      }
      %while3A_279 = arith.constant 1 : i32
      %while3A_280 = scf.for %while3A_997 = %while3A_276 to %while3A_272 step %while3A_279 iter_args(%while3A_998 = %while3A_278) -> (vector<16xf32>)  : i32 {
        %get3A_999 = arith.index_cast %while3A_997 : i32 to index
        %get3A_1000 = arith.constant 192 : index
        %get3A_1001 = tpu.vector_load %arg6[%get3A_999, %get3A_1000] {strides = array<i32>} : memref<64x1024xf32, #tpu.memory_space<vmem>>, vector<16xf32>,
        %add3A_1002 = arith.addf %while3A_998, %get3A_1001 : vector<16xf32>
        scf.yield %add3A_1002 : vector<16xf32>
      }
      %swap3A_281 = arith.constant 192 : index
      %swap3A_282 = tpu.vector_load %arg7[%swap3A_281] {strides = array<i32>} : memref<1024xf32, #tpu.memory_space<vmem>>, vector<16xf32>,
      tpu.vector_store %arg7[%swap3A_281], %while3A_280 {strides = array<i32>} : memref<1024xf32, #tpu.memory_space<vmem>>, vector<16xf32>,
      %broadcast_in_dim3A_283 = arith.constant 0.000000e+00 : f32
      %broadcast_in_dim3A_284 = vector.broadcast %broadcast_in_dim3A_283 : f32 to vector<16xf32>
      %while3A_285 = arith.subi %add3A_101, %sub3A_100 : i32
      %while3A_286 = arith.addi %sub3A_100, %while3A_285 : i32
      %while3A_287 = arith.constant 1 : i32
      %while3A_288 = arith.divsi %while3A_285, %while3A_287 : i32
      %while3A_289 = arith.muli %while3A_288, %while3A_287 : i32
      %while3A_290 = arith.addi %sub3A_100, %while3A_289 : i32
      %while3A_291 = arith.constant 1 : i32
      %while3A_292 = scf.for %while3A_997 = %sub3A_100 to %while3A_290 step %while3A_291 iter_args(%while3A_998 = %broadcast_in_dim3A_284) -> (vector<16xf32>)  : i32 {
        %get3A_999 = arith.index_cast %while3A_997 : i32 to index
        %get3A_1000 = arith.constant 208 : index
        %get3A_1001 = tpu.vector_load %arg6[%get3A_999, %get3A_1000] {strides = array<i32>} : memref<64x1024xf32, #tpu.memory_space<vmem>>, vector<16xf32>,
        %add3A_1002 = arith.addf %while3A_998, %get3A_1001 : vector<16xf32>
        scf.yield %add3A_1002 : vector<16xf32>
      }
      %while3A_293 = arith.constant 1 : i32
      %while3A_294 = scf.for %while3A_997 = %while3A_290 to %while3A_286 step %while3A_293 iter_args(%while3A_998 = %while3A_292) -> (vector<16xf32>)  : i32 {
        %get3A_999 = arith.index_cast %while3A_997 : i32 to index
        %get3A_1000 = arith.constant 208 : index
        %get3A_1001 = tpu.vector_load %arg6[%get3A_999, %get3A_1000] {strides = array<i32>} : memref<64x1024xf32, #tpu.memory_space<vmem>>, vector<16xf32>,
        %add3A_1002 = arith.addf %while3A_998, %get3A_1001 : vector<16xf32>
        scf.yield %add3A_1002 : vector<16xf32>
      }
      %swap3A_295 = arith.constant 208 : index
      %swap3A_296 = tpu.vector_load %arg7[%swap3A_295] {strides = array<i32>} : memref<1024xf32, #tpu.memory_space<vmem>>, vector<16xf32>,
      tpu.vector_store %arg7[%swap3A_295], %while3A_294 {strides = array<i32>} : memref<1024xf32, #tpu.memory_space<vmem>>, vector<16xf32>,
      %broadcast_in_dim3A_297 = arith.constant 0.000000e+00 : f32
      %broadcast_in_dim3A_298 = vector.broadcast %broadcast_in_dim3A_297 : f32 to vector<16xf32>
      %while3A_299 = arith.subi %add3A_101, %sub3A_100 : i32
      %while3A_300 = arith.addi %sub3A_100, %while3A_299 : i32
      %while3A_301 = arith.constant 1 : i32
      %while3A_302 = arith.divsi %while3A_299, %while3A_301 : i32
      %while3A_303 = arith.muli %while3A_302, %while3A_301 : i32
      %while3A_304 = arith.addi %sub3A_100, %while3A_303 : i32
      %while3A_305 = arith.constant 1 : i32
      %while3A_306 = scf.for %while3A_997 = %sub3A_100 to %while3A_304 step %while3A_305 iter_args(%while3A_998 = %broadcast_in_dim3A_298) -> (vector<16xf32>)  : i32 {
        %get3A_999 = arith.index_cast %while3A_997 : i32 to index
        %get3A_1000 = arith.constant 224 : index
        %get3A_1001 = tpu.vector_load %arg6[%get3A_999, %get3A_1000] {strides = array<i32>} : memref<64x1024xf32, #tpu.memory_space<vmem>>, vector<16xf32>,
        %add3A_1002 = arith.addf %while3A_998, %get3A_1001 : vector<16xf32>
        scf.yield %add3A_1002 : vector<16xf32>
      }
      %while3A_307 = arith.constant 1 : i32
      %while3A_308 = scf.for %while3A_997 = %while3A_304 to %while3A_300 step %while3A_307 iter_args(%while3A_998 = %while3A_306) -> (vector<16xf32>)  : i32 {
        %get3A_999 = arith.index_cast %while3A_997 : i32 to index
        %get3A_1000 = arith.constant 224 : index
        %get3A_1001 = tpu.vector_load %arg6[%get3A_999, %get3A_1000] {strides = array<i32>} : memref<64x1024xf32, #tpu.memory_space<vmem>>, vector<16xf32>,
        %add3A_1002 = arith.addf %while3A_998, %get3A_1001 : vector<16xf32>
        scf.yield %add3A_1002 : vector<16xf32>
      }
      %swap3A_309 = arith.constant 224 : index
      %swap3A_310 = tpu.vector_load %arg7[%swap3A_309] {strides = array<i32>} : memref<1024xf32, #tpu.memory_space<vmem>>, vector<16xf32>,
      tpu.vector_store %arg7[%swap3A_309], %while3A_308 {strides = array<i32>} : memref<1024xf32, #tpu.memory_space<vmem>>, vector<16xf32>,
      %broadcast_in_dim3A_311 = arith.constant 0.000000e+00 : f32
      %broadcast_in_dim3A_312 = vector.broadcast %broadcast_in_dim3A_311 : f32 to vector<16xf32>
      %while3A_313 = arith.subi %add3A_101, %sub3A_100 : i32
      %while3A_314 = arith.addi %sub3A_100, %while3A_313 : i32
      %while3A_315 = arith.constant 1 : i32
      %while3A_316 = arith.divsi %while3A_313, %while3A_315 : i32
      %while3A_317 = arith.muli %while3A_316, %while3A_315 : i32
      %while3A_318 = arith.addi %sub3A_100, %while3A_317 : i32
      %while3A_319 = arith.constant 1 : i32
      %while3A_320 = scf.for %while3A_997 = %sub3A_100 to %while3A_318 step %while3A_319 iter_args(%while3A_998 = %broadcast_in_dim3A_312) -> (vector<16xf32>)  : i32 {
        %get3A_999 = arith.index_cast %while3A_997 : i32 to index
        %get3A_1000 = arith.constant 240 : index
        %get3A_1001 = tpu.vector_load %arg6[%get3A_999, %get3A_1000] {strides = array<i32>} : memref<64x1024xf32, #tpu.memory_space<vmem>>, vector<16xf32>,
        %add3A_1002 = arith.addf %while3A_998, %get3A_1001 : vector<16xf32>
        scf.yield %add3A_1002 : vector<16xf32>
      }
      %while3A_321 = arith.constant 1 : i32
      %while3A_322 = scf.for %while3A_997 = %while3A_318 to %while3A_314 step %while3A_321 iter_args(%while3A_998 = %while3A_320) -> (vector<16xf32>)  : i32 {
        %get3A_999 = arith.index_cast %while3A_997 : i32 to index
        %get3A_1000 = arith.constant 240 : index
        %get3A_1001 = tpu.vector_load %arg6[%get3A_999, %get3A_1000] {strides = array<i32>} : memref<64x1024xf32, #tpu.memory_space<vmem>>, vector<16xf32>,
        %add3A_1002 = arith.addf %while3A_998, %get3A_1001 : vector<16xf32>
        scf.yield %add3A_1002 : vector<16xf32>
      }
      %swap3A_323 = arith.constant 240 : index
      %swap3A_324 = tpu.vector_load %arg7[%swap3A_323] {strides = array<i32>} : memref<1024xf32, #tpu.memory_space<vmem>>, vector<16xf32>,
      tpu.vector_store %arg7[%swap3A_323], %while3A_322 {strides = array<i32>} : memref<1024xf32, #tpu.memory_space<vmem>>, vector<16xf32>,
      %broadcast_in_dim3A_325 = arith.constant 0.000000e+00 : f32
      %broadcast_in_dim3A_326 = vector.broadcast %broadcast_in_dim3A_325 : f32 to vector<16xf32>
      %while3A_327 = arith.subi %add3A_101, %sub3A_100 : i32
      %while3A_328 = arith.addi %sub3A_100, %while3A_327 : i32
      %while3A_329 = arith.constant 1 : i32
      %while3A_330 = arith.divsi %while3A_327, %while3A_329 : i32
      %while3A_331 = arith.muli %while3A_330, %while3A_329 : i32
      %while3A_332 = arith.addi %sub3A_100, %while3A_331 : i32
      %while3A_333 = arith.constant 1 : i32
      %while3A_334 = scf.for %while3A_997 = %sub3A_100 to %while3A_332 step %while3A_333 iter_args(%while3A_998 = %broadcast_in_dim3A_326) -> (vector<16xf32>)  : i32 {
        %get3A_999 = arith.index_cast %while3A_997 : i32 to index
        %get3A_1000 = arith.constant 256 : index
        %get3A_1001 = tpu.vector_load %arg6[%get3A_999, %get3A_1000] {strides = array<i32>} : memref<64x1024xf32, #tpu.memory_space<vmem>>, vector<16xf32>,
        %add3A_1002 = arith.addf %while3A_998, %get3A_1001 : vector<16xf32>
        scf.yield %add3A_1002 : vector<16xf32>
      }
      %while3A_335 = arith.constant 1 : i32
      %while3A_336 = scf.for %while3A_997 = %while3A_332 to %while3A_328 step %while3A_335 iter_args(%while3A_998 = %while3A_334) -> (vector<16xf32>)  : i32 {
        %get3A_999 = arith.index_cast %while3A_997 : i32 to index
        %get3A_1000 = arith.constant 256 : index
        %get3A_1001 = tpu.vector_load %arg6[%get3A_999, %get3A_1000] {strides = array<i32>} : memref<64x1024xf32, #tpu.memory_space<vmem>>, vector<16xf32>,
        %add3A_1002 = arith.addf %while3A_998, %get3A_1001 : vector<16xf32>
        scf.yield %add3A_1002 : vector<16xf32>
      }
      %swap3A_337 = arith.constant 256 : index
      %swap3A_338 = tpu.vector_load %arg7[%swap3A_337] {strides = array<i32>} : memref<1024xf32, #tpu.memory_space<vmem>>, vector<16xf32>,
      tpu.vector_store %arg7[%swap3A_337], %while3A_336 {strides = array<i32>} : memref<1024xf32, #tpu.memory_space<vmem>>, vector<16xf32>,
      %broadcast_in_dim3A_339 = arith.constant 0.000000e+00 : f32
      %broadcast_in_dim3A_340 = vector.broadcast %broadcast_in_dim3A_339 : f32 to vector<16xf32>
      %while3A_341 = arith.subi %add3A_101, %sub3A_100 : i32
      %while3A_342 = arith.addi %sub3A_100, %while3A_341 : i32
      %while3A_343 = arith.constant 1 : i32
      %while3A_344 = arith.divsi %while3A_341, %while3A_343 : i32
      %while3A_345 = arith.muli %while3A_344, %while3A_343 : i32
      %while3A_346 = arith.addi %sub3A_100, %while3A_345 : i32
      %while3A_347 = arith.constant 1 : i32
      %while3A_348 = scf.for %while3A_997 = %sub3A_100 to %while3A_346 step %while3A_347 iter_args(%while3A_998 = %broadcast_in_dim3A_340) -> (vector<16xf32>)  : i32 {
        %get3A_999 = arith.index_cast %while3A_997 : i32 to index
        %get3A_1000 = arith.constant 272 : index
        %get3A_1001 = tpu.vector_load %arg6[%get3A_999, %get3A_1000] {strides = array<i32>} : memref<64x1024xf32, #tpu.memory_space<vmem>>, vector<16xf32>,
        %add3A_1002 = arith.addf %while3A_998, %get3A_1001 : vector<16xf32>
        scf.yield %add3A_1002 : vector<16xf32>
      }
      %while3A_349 = arith.constant 1 : i32
      %while3A_350 = scf.for %while3A_997 = %while3A_346 to %while3A_342 step %while3A_349 iter_args(%while3A_998 = %while3A_348) -> (vector<16xf32>)  : i32 {
        %get3A_999 = arith.index_cast %while3A_997 : i32 to index
        %get3A_1000 = arith.constant 272 : index
        %get3A_1001 = tpu.vector_load %arg6[%get3A_999, %get3A_1000] {strides = array<i32>} : memref<64x1024xf32, #tpu.memory_space<vmem>>, vector<16xf32>,
        %add3A_1002 = arith.addf %while3A_998, %get3A_1001 : vector<16xf32>
        scf.yield %add3A_1002 : vector<16xf32>
      }
      %swap3A_351 = arith.constant 272 : index
      %swap3A_352 = tpu.vector_load %arg7[%swap3A_351] {strides = array<i32>} : memref<1024xf32, #tpu.memory_space<vmem>>, vector<16xf32>,
      tpu.vector_store %arg7[%swap3A_351], %while3A_350 {strides = array<i32>} : memref<1024xf32, #tpu.memory_space<vmem>>, vector<16xf32>,
      %broadcast_in_dim3A_353 = arith.constant 0.000000e+00 : f32
      %broadcast_in_dim3A_354 = vector.broadcast %broadcast_in_dim3A_353 : f32 to vector<16xf32>
      %while3A_355 = arith.subi %add3A_101, %sub3A_100 : i32
      %while3A_356 = arith.addi %sub3A_100, %while3A_355 : i32
      %while3A_357 = arith.constant 1 : i32
      %while3A_358 = arith.divsi %while3A_355, %while3A_357 : i32
      %while3A_359 = arith.muli %while3A_358, %while3A_357 : i32
      %while3A_360 = arith.addi %sub3A_100, %while3A_359 : i32
      %while3A_361 = arith.constant 1 : i32
      %while3A_362 = scf.for %while3A_997 = %sub3A_100 to %while3A_360 step %while3A_361 iter_args(%while3A_998 = %broadcast_in_dim3A_354) -> (vector<16xf32>)  : i32 {
        %get3A_999 = arith.index_cast %while3A_997 : i32 to index
        %get3A_1000 = arith.constant 288 : index
        %get3A_1001 = tpu.vector_load %arg6[%get3A_999, %get3A_1000] {strides = array<i32>} : memref<64x1024xf32, #tpu.memory_space<vmem>>, vector<16xf32>,
        %add3A_1002 = arith.addf %while3A_998, %get3A_1001 : vector<16xf32>
        scf.yield %add3A_1002 : vector<16xf32>
      }
      %while3A_363 = arith.constant 1 : i32
      %while3A_364 = scf.for %while3A_997 = %while3A_360 to %while3A_356 step %while3A_363 iter_args(%while3A_998 = %while3A_362) -> (vector<16xf32>)  : i32 {
        %get3A_999 = arith.index_cast %while3A_997 : i32 to index
        %get3A_1000 = arith.constant 288 : index
        %get3A_1001 = tpu.vector_load %arg6[%get3A_999, %get3A_1000] {strides = array<i32>} : memref<64x1024xf32, #tpu.memory_space<vmem>>, vector<16xf32>,
        %add3A_1002 = arith.addf %while3A_998, %get3A_1001 : vector<16xf32>
        scf.yield %add3A_1002 : vector<16xf32>
      }
      %swap3A_365 = arith.constant 288 : index
      %swap3A_366 = tpu.vector_load %arg7[%swap3A_365] {strides = array<i32>} : memref<1024xf32, #tpu.memory_space<vmem>>, vector<16xf32>,
      tpu.vector_store %arg7[%swap3A_365], %while3A_364 {strides = array<i32>} : memref<1024xf32, #tpu.memory_space<vmem>>, vector<16xf32>,
      %broadcast_in_dim3A_367 = arith.constant 0.000000e+00 : f32
      %broadcast_in_dim3A_368 = vector.broadcast %broadcast_in_dim3A_367 : f32 to vector<16xf32>
      %while3A_369 = arith.subi %add3A_101, %sub3A_100 : i32
      %while3A_370 = arith.addi %sub3A_100, %while3A_369 : i32
      %while3A_371 = arith.constant 1 : i32
      %while3A_372 = arith.divsi %while3A_369, %while3A_371 : i32
      %while3A_373 = arith.muli %while3A_372, %while3A_371 : i32
      %while3A_374 = arith.addi %sub3A_100, %while3A_373 : i32
      %while3A_375 = arith.constant 1 : i32
      %while3A_376 = scf.for %while3A_997 = %sub3A_100 to %while3A_374 step %while3A_375 iter_args(%while3A_998 = %broadcast_in_dim3A_368) -> (vector<16xf32>)  : i32 {
        %get3A_999 = arith.index_cast %while3A_997 : i32 to index
        %get3A_1000 = arith.constant 304 : index
        %get3A_1001 = tpu.vector_load %arg6[%get3A_999, %get3A_1000] {strides = array<i32>} : memref<64x1024xf32, #tpu.memory_space<vmem>>, vector<16xf32>,
        %add3A_1002 = arith.addf %while3A_998, %get3A_1001 : vector<16xf32>
        scf.yield %add3A_1002 : vector<16xf32>
      }
      %while3A_377 = arith.constant 1 : i32
      %while3A_378 = scf.for %while3A_997 = %while3A_374 to %while3A_370 step %while3A_377 iter_args(%while3A_998 = %while3A_376) -> (vector<16xf32>)  : i32 {
        %get3A_999 = arith.index_cast %while3A_997 : i32 to index
        %get3A_1000 = arith.constant 304 : index
        %get3A_1001 = tpu.vector_load %arg6[%get3A_999, %get3A_1000] {strides = array<i32>} : memref<64x1024xf32, #tpu.memory_space<vmem>>, vector<16xf32>,
        %add3A_1002 = arith.addf %while3A_998, %get3A_1001 : vector<16xf32>
        scf.yield %add3A_1002 : vector<16xf32>
      }
      %swap3A_379 = arith.constant 304 : index
      %swap3A_380 = tpu.vector_load %arg7[%swap3A_379] {strides = array<i32>} : memref<1024xf32, #tpu.memory_space<vmem>>, vector<16xf32>,
      tpu.vector_store %arg7[%swap3A_379], %while3A_378 {strides = array<i32>} : memref<1024xf32, #tpu.memory_space<vmem>>, vector<16xf32>,
      %broadcast_in_dim3A_381 = arith.constant 0.000000e+00 : f32
      %broadcast_in_dim3A_382 = vector.broadcast %broadcast_in_dim3A_381 : f32 to vector<16xf32>
      %while3A_383 = arith.subi %add3A_101, %sub3A_100 : i32
      %while3A_384 = arith.addi %sub3A_100, %while3A_383 : i32
      %while3A_385 = arith.constant 1 : i32
      %while3A_386 = arith.divsi %while3A_383, %while3A_385 : i32
      %while3A_387 = arith.muli %while3A_386, %while3A_385 : i32
      %while3A_388 = arith.addi %sub3A_100, %while3A_387 : i32
      %while3A_389 = arith.constant 1 : i32
      %while3A_390 = scf.for %while3A_997 = %sub3A_100 to %while3A_388 step %while3A_389 iter_args(%while3A_998 = %broadcast_in_dim3A_382) -> (vector<16xf32>)  : i32 {
        %get3A_999 = arith.index_cast %while3A_997 : i32 to index
        %get3A_1000 = arith.constant 320 : index
        %get3A_1001 = tpu.vector_load %arg6[%get3A_999, %get3A_1000] {strides = array<i32>} : memref<64x1024xf32, #tpu.memory_space<vmem>>, vector<16xf32>,
        %add3A_1002 = arith.addf %while3A_998, %get3A_1001 : vector<16xf32>
        scf.yield %add3A_1002 : vector<16xf32>
      }
      %while3A_391 = arith.constant 1 : i32
      %while3A_392 = scf.for %while3A_997 = %while3A_388 to %while3A_384 step %while3A_391 iter_args(%while3A_998 = %while3A_390) -> (vector<16xf32>)  : i32 {
        %get3A_999 = arith.index_cast %while3A_997 : i32 to index
        %get3A_1000 = arith.constant 320 : index
        %get3A_1001 = tpu.vector_load %arg6[%get3A_999, %get3A_1000] {strides = array<i32>} : memref<64x1024xf32, #tpu.memory_space<vmem>>, vector<16xf32>,
        %add3A_1002 = arith.addf %while3A_998, %get3A_1001 : vector<16xf32>
        scf.yield %add3A_1002 : vector<16xf32>
      }
      %swap3A_393 = arith.constant 320 : index
      %swap3A_394 = tpu.vector_load %arg7[%swap3A_393] {strides = array<i32>} : memref<1024xf32, #tpu.memory_space<vmem>>, vector<16xf32>,
      tpu.vector_store %arg7[%swap3A_393], %while3A_392 {strides = array<i32>} : memref<1024xf32, #tpu.memory_space<vmem>>, vector<16xf32>,
      %broadcast_in_dim3A_395 = arith.constant 0.000000e+00 : f32
      %broadcast_in_dim3A_396 = vector.broadcast %broadcast_in_dim3A_395 : f32 to vector<16xf32>
      %while3A_397 = arith.subi %add3A_101, %sub3A_100 : i32
      %while3A_398 = arith.addi %sub3A_100, %while3A_397 : i32
      %while3A_399 = arith.constant 1 : i32
      %while3A_400 = arith.divsi %while3A_397, %while3A_399 : i32
      %while3A_401 = arith.muli %while3A_400, %while3A_399 : i32
      %while3A_402 = arith.addi %sub3A_100, %while3A_401 : i32
      %while3A_403 = arith.constant 1 : i32
      %while3A_404 = scf.for %while3A_997 = %sub3A_100 to %while3A_402 step %while3A_403 iter_args(%while3A_998 = %broadcast_in_dim3A_396) -> (vector<16xf32>)  : i32 {
        %get3A_999 = arith.index_cast %while3A_997 : i32 to index
        %get3A_1000 = arith.constant 336 : index
        %get3A_1001 = tpu.vector_load %arg6[%get3A_999, %get3A_1000] {strides = array<i32>} : memref<64x1024xf32, #tpu.memory_space<vmem>>, vector<16xf32>,
        %add3A_1002 = arith.addf %while3A_998, %get3A_1001 : vector<16xf32>
        scf.yield %add3A_1002 : vector<16xf32>
      }
      %while3A_405 = arith.constant 1 : i32
      %while3A_406 = scf.for %while3A_997 = %while3A_402 to %while3A_398 step %while3A_405 iter_args(%while3A_998 = %while3A_404) -> (vector<16xf32>)  : i32 {
        %get3A_999 = arith.index_cast %while3A_997 : i32 to index
        %get3A_1000 = arith.constant 336 : index
        %get3A_1001 = tpu.vector_load %arg6[%get3A_999, %get3A_1000] {strides = array<i32>} : memref<64x1024xf32, #tpu.memory_space<vmem>>, vector<16xf32>,
        %add3A_1002 = arith.addf %while3A_998, %get3A_1001 : vector<16xf32>
        scf.yield %add3A_1002 : vector<16xf32>
      }
      %swap3A_407 = arith.constant 336 : index
      %swap3A_408 = tpu.vector_load %arg7[%swap3A_407] {strides = array<i32>} : memref<1024xf32, #tpu.memory_space<vmem>>, vector<16xf32>,
      tpu.vector_store %arg7[%swap3A_407], %while3A_406 {strides = array<i32>} : memref<1024xf32, #tpu.memory_space<vmem>>, vector<16xf32>,
      %broadcast_in_dim3A_409 = arith.constant 0.000000e+00 : f32
      %broadcast_in_dim3A_410 = vector.broadcast %broadcast_in_dim3A_409 : f32 to vector<16xf32>
      %while3A_411 = arith.subi %add3A_101, %sub3A_100 : i32
      %while3A_412 = arith.addi %sub3A_100, %while3A_411 : i32
      %while3A_413 = arith.constant 1 : i32
      %while3A_414 = arith.divsi %while3A_411, %while3A_413 : i32
      %while3A_415 = arith.muli %while3A_414, %while3A_413 : i32
      %while3A_416 = arith.addi %sub3A_100, %while3A_415 : i32
      %while3A_417 = arith.constant 1 : i32
      %while3A_418 = scf.for %while3A_997 = %sub3A_100 to %while3A_416 step %while3A_417 iter_args(%while3A_998 = %broadcast_in_dim3A_410) -> (vector<16xf32>)  : i32 {
        %get3A_999 = arith.index_cast %while3A_997 : i32 to index
        %get3A_1000 = arith.constant 352 : index
        %get3A_1001 = tpu.vector_load %arg6[%get3A_999, %get3A_1000] {strides = array<i32>} : memref<64x1024xf32, #tpu.memory_space<vmem>>, vector<16xf32>,
        %add3A_1002 = arith.addf %while3A_998, %get3A_1001 : vector<16xf32>
        scf.yield %add3A_1002 : vector<16xf32>
      }
      %while3A_419 = arith.constant 1 : i32
      %while3A_420 = scf.for %while3A_997 = %while3A_416 to %while3A_412 step %while3A_419 iter_args(%while3A_998 = %while3A_418) -> (vector<16xf32>)  : i32 {
        %get3A_999 = arith.index_cast %while3A_997 : i32 to index
        %get3A_1000 = arith.constant 352 : index
        %get3A_1001 = tpu.vector_load %arg6[%get3A_999, %get3A_1000] {strides = array<i32>} : memref<64x1024xf32, #tpu.memory_space<vmem>>, vector<16xf32>,
        %add3A_1002 = arith.addf %while3A_998, %get3A_1001 : vector<16xf32>
        scf.yield %add3A_1002 : vector<16xf32>
      }
      %swap3A_421 = arith.constant 352 : index
      %swap3A_422 = tpu.vector_load %arg7[%swap3A_421] {strides = array<i32>} : memref<1024xf32, #tpu.memory_space<vmem>>, vector<16xf32>,
      tpu.vector_store %arg7[%swap3A_421], %while3A_420 {strides = array<i32>} : memref<1024xf32, #tpu.memory_space<vmem>>, vector<16xf32>,
      %broadcast_in_dim3A_423 = arith.constant 0.000000e+00 : f32
      %broadcast_in_dim3A_424 = vector.broadcast %broadcast_in_dim3A_423 : f32 to vector<16xf32>
      %while3A_425 = arith.subi %add3A_101, %sub3A_100 : i32
      %while3A_426 = arith.addi %sub3A_100, %while3A_425 : i32
      %while3A_427 = arith.constant 1 : i32
      %while3A_428 = arith.divsi %while3A_425, %while3A_427 : i32
      %while3A_429 = arith.muli %while3A_428, %while3A_427 : i32
      %while3A_430 = arith.addi %sub3A_100, %while3A_429 : i32
      %while3A_431 = arith.constant 1 : i32
      %while3A_432 = scf.for %while3A_997 = %sub3A_100 to %while3A_430 step %while3A_431 iter_args(%while3A_998 = %broadcast_in_dim3A_424) -> (vector<16xf32>)  : i32 {
        %get3A_999 = arith.index_cast %while3A_997 : i32 to index
        %get3A_1000 = arith.constant 368 : index
        %get3A_1001 = tpu.vector_load %arg6[%get3A_999, %get3A_1000] {strides = array<i32>} : memref<64x1024xf32, #tpu.memory_space<vmem>>, vector<16xf32>,
        %add3A_1002 = arith.addf %while3A_998, %get3A_1001 : vector<16xf32>
        scf.yield %add3A_1002 : vector<16xf32>
      }
      %while3A_433 = arith.constant 1 : i32
      %while3A_434 = scf.for %while3A_997 = %while3A_430 to %while3A_426 step %while3A_433 iter_args(%while3A_998 = %while3A_432) -> (vector<16xf32>)  : i32 {
        %get3A_999 = arith.index_cast %while3A_997 : i32 to index
        %get3A_1000 = arith.constant 368 : index
        %get3A_1001 = tpu.vector_load %arg6[%get3A_999, %get3A_1000] {strides = array<i32>} : memref<64x1024xf32, #tpu.memory_space<vmem>>, vector<16xf32>,
        %add3A_1002 = arith.addf %while3A_998, %get3A_1001 : vector<16xf32>
        scf.yield %add3A_1002 : vector<16xf32>
      }
      %swap3A_435 = arith.constant 368 : index
      %swap3A_436 = tpu.vector_load %arg7[%swap3A_435] {strides = array<i32>} : memref<1024xf32, #tpu.memory_space<vmem>>, vector<16xf32>,
      tpu.vector_store %arg7[%swap3A_435], %while3A_434 {strides = array<i32>} : memref<1024xf32, #tpu.memory_space<vmem>>, vector<16xf32>,
      %broadcast_in_dim3A_437 = arith.constant 0.000000e+00 : f32
      %broadcast_in_dim3A_438 = vector.broadcast %broadcast_in_dim3A_437 : f32 to vector<16xf32>
      %while3A_439 = arith.subi %add3A_101, %sub3A_100 : i32
      %while3A_440 = arith.addi %sub3A_100, %while3A_439 : i32
      %while3A_441 = arith.constant 1 : i32
      %while3A_442 = arith.divsi %while3A_439, %while3A_441 : i32
      %while3A_443 = arith.muli %while3A_442, %while3A_441 : i32
      %while3A_444 = arith.addi %sub3A_100, %while3A_443 : i32
      %while3A_445 = arith.constant 1 : i32
      %while3A_446 = scf.for %while3A_997 = %sub3A_100 to %while3A_444 step %while3A_445 iter_args(%while3A_998 = %broadcast_in_dim3A_438) -> (vector<16xf32>)  : i32 {
        %get3A_999 = arith.index_cast %while3A_997 : i32 to index
        %get3A_1000 = arith.constant 384 : index
        %get3A_1001 = tpu.vector_load %arg6[%get3A_999, %get3A_1000] {strides = array<i32>} : memref<64x1024xf32, #tpu.memory_space<vmem>>, vector<16xf32>,
        %add3A_1002 = arith.addf %while3A_998, %get3A_1001 : vector<16xf32>
        scf.yield %add3A_1002 : vector<16xf32>
      }
      %while3A_447 = arith.constant 1 : i32
      %while3A_448 = scf.for %while3A_997 = %while3A_444 to %while3A_440 step %while3A_447 iter_args(%while3A_998 = %while3A_446) -> (vector<16xf32>)  : i32 {
        %get3A_999 = arith.index_cast %while3A_997 : i32 to index
        %get3A_1000 = arith.constant 384 : index
        %get3A_1001 = tpu.vector_load %arg6[%get3A_999, %get3A_1000] {strides = array<i32>} : memref<64x1024xf32, #tpu.memory_space<vmem>>, vector<16xf32>,
        %add3A_1002 = arith.addf %while3A_998, %get3A_1001 : vector<16xf32>
        scf.yield %add3A_1002 : vector<16xf32>
      }
      %swap3A_449 = arith.constant 384 : index
      %swap3A_450 = tpu.vector_load %arg7[%swap3A_449] {strides = array<i32>} : memref<1024xf32, #tpu.memory_space<vmem>>, vector<16xf32>,
      tpu.vector_store %arg7[%swap3A_449], %while3A_448 {strides = array<i32>} : memref<1024xf32, #tpu.memory_space<vmem>>, vector<16xf32>,
      %broadcast_in_dim3A_451 = arith.constant 0.000000e+00 : f32
      %broadcast_in_dim3A_452 = vector.broadcast %broadcast_in_dim3A_451 : f32 to vector<16xf32>
      %while3A_453 = arith.subi %add3A_101, %sub3A_100 : i32
      %while3A_454 = arith.addi %sub3A_100, %while3A_453 : i32
      %while3A_455 = arith.constant 1 : i32
      %while3A_456 = arith.divsi %while3A_453, %while3A_455 : i32
      %while3A_457 = arith.muli %while3A_456, %while3A_455 : i32
      %while3A_458 = arith.addi %sub3A_100, %while3A_457 : i32
      %while3A_459 = arith.constant 1 : i32
      %while3A_460 = scf.for %while3A_997 = %sub3A_100 to %while3A_458 step %while3A_459 iter_args(%while3A_998 = %broadcast_in_dim3A_452) -> (vector<16xf32>)  : i32 {
        %get3A_999 = arith.index_cast %while3A_997 : i32 to index
        %get3A_1000 = arith.constant 400 : index
        %get3A_1001 = tpu.vector_load %arg6[%get3A_999, %get3A_1000] {strides = array<i32>} : memref<64x1024xf32, #tpu.memory_space<vmem>>, vector<16xf32>,
        %add3A_1002 = arith.addf %while3A_998, %get3A_1001 : vector<16xf32>
        scf.yield %add3A_1002 : vector<16xf32>
      }
      %while3A_461 = arith.constant 1 : i32
      %while3A_462 = scf.for %while3A_997 = %while3A_458 to %while3A_454 step %while3A_461 iter_args(%while3A_998 = %while3A_460) -> (vector<16xf32>)  : i32 {
        %get3A_999 = arith.index_cast %while3A_997 : i32 to index
        %get3A_1000 = arith.constant 400 : index
        %get3A_1001 = tpu.vector_load %arg6[%get3A_999, %get3A_1000] {strides = array<i32>} : memref<64x1024xf32, #tpu.memory_space<vmem>>, vector<16xf32>,
        %add3A_1002 = arith.addf %while3A_998, %get3A_1001 : vector<16xf32>
        scf.yield %add3A_1002 : vector<16xf32>
      }
      %swap3A_463 = arith.constant 400 : index
      %swap3A_464 = tpu.vector_load %arg7[%swap3A_463] {strides = array<i32>} : memref<1024xf32, #tpu.memory_space<vmem>>, vector<16xf32>,
      tpu.vector_store %arg7[%swap3A_463], %while3A_462 {strides = array<i32>} : memref<1024xf32, #tpu.memory_space<vmem>>, vector<16xf32>,
      %broadcast_in_dim3A_465 = arith.constant 0.000000e+00 : f32
      %broadcast_in_dim3A_466 = vector.broadcast %broadcast_in_dim3A_465 : f32 to vector<16xf32>
      %while3A_467 = arith.subi %add3A_101, %sub3A_100 : i32
      %while3A_468 = arith.addi %sub3A_100, %while3A_467 : i32
      %while3A_469 = arith.constant 1 : i32
      %while3A_470 = arith.divsi %while3A_467, %while3A_469 : i32
      %while3A_471 = arith.muli %while3A_470, %while3A_469 : i32
      %while3A_472 = arith.addi %sub3A_100, %while3A_471 : i32
      %while3A_473 = arith.constant 1 : i32
      %while3A_474 = scf.for %while3A_997 = %sub3A_100 to %while3A_472 step %while3A_473 iter_args(%while3A_998 = %broadcast_in_dim3A_466) -> (vector<16xf32>)  : i32 {
        %get3A_999 = arith.index_cast %while3A_997 : i32 to index
        %get3A_1000 = arith.constant 416 : index
        %get3A_1001 = tpu.vector_load %arg6[%get3A_999, %get3A_1000] {strides = array<i32>} : memref<64x1024xf32, #tpu.memory_space<vmem>>, vector<16xf32>,
        %add3A_1002 = arith.addf %while3A_998, %get3A_1001 : vector<16xf32>
        scf.yield %add3A_1002 : vector<16xf32>
      }
      %while3A_475 = arith.constant 1 : i32
      %while3A_476 = scf.for %while3A_997 = %while3A_472 to %while3A_468 step %while3A_475 iter_args(%while3A_998 = %while3A_474) -> (vector<16xf32>)  : i32 {
        %get3A_999 = arith.index_cast %while3A_997 : i32 to index
        %get3A_1000 = arith.constant 416 : index
        %get3A_1001 = tpu.vector_load %arg6[%get3A_999, %get3A_1000] {strides = array<i32>} : memref<64x1024xf32, #tpu.memory_space<vmem>>, vector<16xf32>,
        %add3A_1002 = arith.addf %while3A_998, %get3A_1001 : vector<16xf32>
        scf.yield %add3A_1002 : vector<16xf32>
      }
      %swap3A_477 = arith.constant 416 : index
      %swap3A_478 = tpu.vector_load %arg7[%swap3A_477] {strides = array<i32>} : memref<1024xf32, #tpu.memory_space<vmem>>, vector<16xf32>,
      tpu.vector_store %arg7[%swap3A_477], %while3A_476 {strides = array<i32>} : memref<1024xf32, #tpu.memory_space<vmem>>, vector<16xf32>,
      %broadcast_in_dim3A_479 = arith.constant 0.000000e+00 : f32
      %broadcast_in_dim3A_480 = vector.broadcast %broadcast_in_dim3A_479 : f32 to vector<16xf32>
      %while3A_481 = arith.subi %add3A_101, %sub3A_100 : i32
      %while3A_482 = arith.addi %sub3A_100, %while3A_481 : i32
      %while3A_483 = arith.constant 1 : i32
      %while3A_484 = arith.divsi %while3A_481, %while3A_483 : i32
      %while3A_485 = arith.muli %while3A_484, %while3A_483 : i32
      %while3A_486 = arith.addi %sub3A_100, %while3A_485 : i32
      %while3A_487 = arith.constant 1 : i32
      %while3A_488 = scf.for %while3A_997 = %sub3A_100 to %while3A_486 step %while3A_487 iter_args(%while3A_998 = %broadcast_in_dim3A_480) -> (vector<16xf32>)  : i32 {
        %get3A_999 = arith.index_cast %while3A_997 : i32 to index
        %get3A_1000 = arith.constant 432 : index
        %get3A_1001 = tpu.vector_load %arg6[%get3A_999, %get3A_1000] {strides = array<i32>} : memref<64x1024xf32, #tpu.memory_space<vmem>>, vector<16xf32>,
        %add3A_1002 = arith.addf %while3A_998, %get3A_1001 : vector<16xf32>
        scf.yield %add3A_1002 : vector<16xf32>
      }
      %while3A_489 = arith.constant 1 : i32
      %while3A_490 = scf.for %while3A_997 = %while3A_486 to %while3A_482 step %while3A_489 iter_args(%while3A_998 = %while3A_488) -> (vector<16xf32>)  : i32 {
        %get3A_999 = arith.index_cast %while3A_997 : i32 to index
        %get3A_1000 = arith.constant 432 : index
        %get3A_1001 = tpu.vector_load %arg6[%get3A_999, %get3A_1000] {strides = array<i32>} : memref<64x1024xf32, #tpu.memory_space<vmem>>, vector<16xf32>,
        %add3A_1002 = arith.addf %while3A_998, %get3A_1001 : vector<16xf32>
        scf.yield %add3A_1002 : vector<16xf32>
      }
      %swap3A_491 = arith.constant 432 : index
      %swap3A_492 = tpu.vector_load %arg7[%swap3A_491] {strides = array<i32>} : memref<1024xf32, #tpu.memory_space<vmem>>, vector<16xf32>,
      tpu.vector_store %arg7[%swap3A_491], %while3A_490 {strides = array<i32>} : memref<1024xf32, #tpu.memory_space<vmem>>, vector<16xf32>,
      %broadcast_in_dim3A_493 = arith.constant 0.000000e+00 : f32
      %broadcast_in_dim3A_494 = vector.broadcast %broadcast_in_dim3A_493 : f32 to vector<16xf32>
      %while3A_495 = arith.subi %add3A_101, %sub3A_100 : i32
      %while3A_496 = arith.addi %sub3A_100, %while3A_495 : i32
      %while3A_497 = arith.constant 1 : i32
      %while3A_498 = arith.divsi %while3A_495, %while3A_497 : i32
      %while3A_499 = arith.muli %while3A_498, %while3A_497 : i32
      %while3A_500 = arith.addi %sub3A_100, %while3A_499 : i32
      %while3A_501 = arith.constant 1 : i32
      %while3A_502 = scf.for %while3A_997 = %sub3A_100 to %while3A_500 step %while3A_501 iter_args(%while3A_998 = %broadcast_in_dim3A_494) -> (vector<16xf32>)  : i32 {
        %get3A_999 = arith.index_cast %while3A_997 : i32 to index
        %get3A_1000 = arith.constant 448 : index
        %get3A_1001 = tpu.vector_load %arg6[%get3A_999, %get3A_1000] {strides = array<i32>} : memref<64x1024xf32, #tpu.memory_space<vmem>>, vector<16xf32>,
        %add3A_1002 = arith.addf %while3A_998, %get3A_1001 : vector<16xf32>
        scf.yield %add3A_1002 : vector<16xf32>
      }
      %while3A_503 = arith.constant 1 : i32
      %while3A_504 = scf.for %while3A_997 = %while3A_500 to %while3A_496 step %while3A_503 iter_args(%while3A_998 = %while3A_502) -> (vector<16xf32>)  : i32 {
        %get3A_999 = arith.index_cast %while3A_997 : i32 to index
        %get3A_1000 = arith.constant 448 : index
        %get3A_1001 = tpu.vector_load %arg6[%get3A_999, %get3A_1000] {strides = array<i32>} : memref<64x1024xf32, #tpu.memory_space<vmem>>, vector<16xf32>,
        %add3A_1002 = arith.addf %while3A_998, %get3A_1001 : vector<16xf32>
        scf.yield %add3A_1002 : vector<16xf32>
      }
      %swap3A_505 = arith.constant 448 : index
      %swap3A_506 = tpu.vector_load %arg7[%swap3A_505] {strides = array<i32>} : memref<1024xf32, #tpu.memory_space<vmem>>, vector<16xf32>,
      tpu.vector_store %arg7[%swap3A_505], %while3A_504 {strides = array<i32>} : memref<1024xf32, #tpu.memory_space<vmem>>, vector<16xf32>,
      %broadcast_in_dim3A_507 = arith.constant 0.000000e+00 : f32
      %broadcast_in_dim3A_508 = vector.broadcast %broadcast_in_dim3A_507 : f32 to vector<16xf32>
      %while3A_509 = arith.subi %add3A_101, %sub3A_100 : i32
      %while3A_510 = arith.addi %sub3A_100, %while3A_509 : i32
      %while3A_511 = arith.constant 1 : i32
      %while3A_512 = arith.divsi %while3A_509, %while3A_511 : i32
      %while3A_513 = arith.muli %while3A_512, %while3A_511 : i32
      %while3A_514 = arith.addi %sub3A_100, %while3A_513 : i32
      %while3A_515 = arith.constant 1 : i32
      %while3A_516 = scf.for %while3A_997 = %sub3A_100 to %while3A_514 step %while3A_515 iter_args(%while3A_998 = %broadcast_in_dim3A_508) -> (vector<16xf32>)  : i32 {
        %get3A_999 = arith.index_cast %while3A_997 : i32 to index
        %get3A_1000 = arith.constant 464 : index
        %get3A_1001 = tpu.vector_load %arg6[%get3A_999, %get3A_1000] {strides = array<i32>} : memref<64x1024xf32, #tpu.memory_space<vmem>>, vector<16xf32>,
        %add3A_1002 = arith.addf %while3A_998, %get3A_1001 : vector<16xf32>
        scf.yield %add3A_1002 : vector<16xf32>
      }
      %while3A_517 = arith.constant 1 : i32
      %while3A_518 = scf.for %while3A_997 = %while3A_514 to %while3A_510 step %while3A_517 iter_args(%while3A_998 = %while3A_516) -> (vector<16xf32>)  : i32 {
        %get3A_999 = arith.index_cast %while3A_997 : i32 to index
        %get3A_1000 = arith.constant 464 : index
        %get3A_1001 = tpu.vector_load %arg6[%get3A_999, %get3A_1000] {strides = array<i32>} : memref<64x1024xf32, #tpu.memory_space<vmem>>, vector<16xf32>,
        %add3A_1002 = arith.addf %while3A_998, %get3A_1001 : vector<16xf32>
        scf.yield %add3A_1002 : vector<16xf32>
      }
      %swap3A_519 = arith.constant 464 : index
      %swap3A_520 = tpu.vector_load %arg7[%swap3A_519] {strides = array<i32>} : memref<1024xf32, #tpu.memory_space<vmem>>, vector<16xf32>,
      tpu.vector_store %arg7[%swap3A_519], %while3A_518 {strides = array<i32>} : memref<1024xf32, #tpu.memory_space<vmem>>, vector<16xf32>,
      %broadcast_in_dim3A_521 = arith.constant 0.000000e+00 : f32
      %broadcast_in_dim3A_522 = vector.broadcast %broadcast_in_dim3A_521 : f32 to vector<16xf32>
      %while3A_523 = arith.subi %add3A_101, %sub3A_100 : i32
      %while3A_524 = arith.addi %sub3A_100, %while3A_523 : i32
      %while3A_525 = arith.constant 1 : i32
      %while3A_526 = arith.divsi %while3A_523, %while3A_525 : i32
      %while3A_527 = arith.muli %while3A_526, %while3A_525 : i32
      %while3A_528 = arith.addi %sub3A_100, %while3A_527 : i32
      %while3A_529 = arith.constant 1 : i32
      %while3A_530 = scf.for %while3A_997 = %sub3A_100 to %while3A_528 step %while3A_529 iter_args(%while3A_998 = %broadcast_in_dim3A_522) -> (vector<16xf32>)  : i32 {
        %get3A_999 = arith.index_cast %while3A_997 : i32 to index
        %get3A_1000 = arith.constant 480 : index
        %get3A_1001 = tpu.vector_load %arg6[%get3A_999, %get3A_1000] {strides = array<i32>} : memref<64x1024xf32, #tpu.memory_space<vmem>>, vector<16xf32>,
        %add3A_1002 = arith.addf %while3A_998, %get3A_1001 : vector<16xf32>
        scf.yield %add3A_1002 : vector<16xf32>
      }
      %while3A_531 = arith.constant 1 : i32
      %while3A_532 = scf.for %while3A_997 = %while3A_528 to %while3A_524 step %while3A_531 iter_args(%while3A_998 = %while3A_530) -> (vector<16xf32>)  : i32 {
        %get3A_999 = arith.index_cast %while3A_997 : i32 to index
        %get3A_1000 = arith.constant 480 : index
        %get3A_1001 = tpu.vector_load %arg6[%get3A_999, %get3A_1000] {strides = array<i32>} : memref<64x1024xf32, #tpu.memory_space<vmem>>, vector<16xf32>,
        %add3A_1002 = arith.addf %while3A_998, %get3A_1001 : vector<16xf32>
        scf.yield %add3A_1002 : vector<16xf32>
      }
      %swap3A_533 = arith.constant 480 : index
      %swap3A_534 = tpu.vector_load %arg7[%swap3A_533] {strides = array<i32>} : memref<1024xf32, #tpu.memory_space<vmem>>, vector<16xf32>,
      tpu.vector_store %arg7[%swap3A_533], %while3A_532 {strides = array<i32>} : memref<1024xf32, #tpu.memory_space<vmem>>, vector<16xf32>,
      %broadcast_in_dim3A_535 = arith.constant 0.000000e+00 : f32
      %broadcast_in_dim3A_536 = vector.broadcast %broadcast_in_dim3A_535 : f32 to vector<16xf32>
      %while3A_537 = arith.subi %add3A_101, %sub3A_100 : i32
      %while3A_538 = arith.addi %sub3A_100, %while3A_537 : i32
      %while3A_539 = arith.constant 1 : i32
      %while3A_540 = arith.divsi %while3A_537, %while3A_539 : i32
      %while3A_541 = arith.muli %while3A_540, %while3A_539 : i32
      %while3A_542 = arith.addi %sub3A_100, %while3A_541 : i32
      %while3A_543 = arith.constant 1 : i32
      %while3A_544 = scf.for %while3A_997 = %sub3A_100 to %while3A_542 step %while3A_543 iter_args(%while3A_998 = %broadcast_in_dim3A_536) -> (vector<16xf32>)  : i32 {
        %get3A_999 = arith.index_cast %while3A_997 : i32 to index
        %get3A_1000 = arith.constant 496 : index
        %get3A_1001 = tpu.vector_load %arg6[%get3A_999, %get3A_1000] {strides = array<i32>} : memref<64x1024xf32, #tpu.memory_space<vmem>>, vector<16xf32>,
        %add3A_1002 = arith.addf %while3A_998, %get3A_1001 : vector<16xf32>
        scf.yield %add3A_1002 : vector<16xf32>
      }
      %while3A_545 = arith.constant 1 : i32
      %while3A_546 = scf.for %while3A_997 = %while3A_542 to %while3A_538 step %while3A_545 iter_args(%while3A_998 = %while3A_544) -> (vector<16xf32>)  : i32 {
        %get3A_999 = arith.index_cast %while3A_997 : i32 to index
        %get3A_1000 = arith.constant 496 : index
        %get3A_1001 = tpu.vector_load %arg6[%get3A_999, %get3A_1000] {strides = array<i32>} : memref<64x1024xf32, #tpu.memory_space<vmem>>, vector<16xf32>,
        %add3A_1002 = arith.addf %while3A_998, %get3A_1001 : vector<16xf32>
        scf.yield %add3A_1002 : vector<16xf32>
      }
      %swap3A_547 = arith.constant 496 : index
      %swap3A_548 = tpu.vector_load %arg7[%swap3A_547] {strides = array<i32>} : memref<1024xf32, #tpu.memory_space<vmem>>, vector<16xf32>,
      tpu.vector_store %arg7[%swap3A_547], %while3A_546 {strides = array<i32>} : memref<1024xf32, #tpu.memory_space<vmem>>, vector<16xf32>,
      %broadcast_in_dim3A_549 = arith.constant 0.000000e+00 : f32
      %broadcast_in_dim3A_550 = vector.broadcast %broadcast_in_dim3A_549 : f32 to vector<16xf32>
      %while3A_551 = arith.subi %add3A_101, %sub3A_100 : i32
      %while3A_552 = arith.addi %sub3A_100, %while3A_551 : i32
      %while3A_553 = arith.constant 1 : i32
      %while3A_554 = arith.divsi %while3A_551, %while3A_553 : i32
      %while3A_555 = arith.muli %while3A_554, %while3A_553 : i32
      %while3A_556 = arith.addi %sub3A_100, %while3A_555 : i32
      %while3A_557 = arith.constant 1 : i32
      %while3A_558 = scf.for %while3A_997 = %sub3A_100 to %while3A_556 step %while3A_557 iter_args(%while3A_998 = %broadcast_in_dim3A_550) -> (vector<16xf32>)  : i32 {
        %get3A_999 = arith.index_cast %while3A_997 : i32 to index
        %get3A_1000 = arith.constant 512 : index
        %get3A_1001 = tpu.vector_load %arg6[%get3A_999, %get3A_1000] {strides = array<i32>} : memref<64x1024xf32, #tpu.memory_space<vmem>>, vector<16xf32>,
        %add3A_1002 = arith.addf %while3A_998, %get3A_1001 : vector<16xf32>
        scf.yield %add3A_1002 : vector<16xf32>
      }
      %while3A_559 = arith.constant 1 : i32
      %while3A_560 = scf.for %while3A_997 = %while3A_556 to %while3A_552 step %while3A_559 iter_args(%while3A_998 = %while3A_558) -> (vector<16xf32>)  : i32 {
        %get3A_999 = arith.index_cast %while3A_997 : i32 to index
        %get3A_1000 = arith.constant 512 : index
        %get3A_1001 = tpu.vector_load %arg6[%get3A_999, %get3A_1000] {strides = array<i32>} : memref<64x1024xf32, #tpu.memory_space<vmem>>, vector<16xf32>,
        %add3A_1002 = arith.addf %while3A_998, %get3A_1001 : vector<16xf32>
        scf.yield %add3A_1002 : vector<16xf32>
      }
      %swap3A_561 = arith.constant 512 : index
      %swap3A_562 = tpu.vector_load %arg7[%swap3A_561] {strides = array<i32>} : memref<1024xf32, #tpu.memory_space<vmem>>, vector<16xf32>,
      tpu.vector_store %arg7[%swap3A_561], %while3A_560 {strides = array<i32>} : memref<1024xf32, #tpu.memory_space<vmem>>, vector<16xf32>,
      %broadcast_in_dim3A_563 = arith.constant 0.000000e+00 : f32
      %broadcast_in_dim3A_564 = vector.broadcast %broadcast_in_dim3A_563 : f32 to vector<16xf32>
      %while3A_565 = arith.subi %add3A_101, %sub3A_100 : i32
      %while3A_566 = arith.addi %sub3A_100, %while3A_565 : i32
      %while3A_567 = arith.constant 1 : i32
      %while3A_568 = arith.divsi %while3A_565, %while3A_567 : i32
      %while3A_569 = arith.muli %while3A_568, %while3A_567 : i32
      %while3A_570 = arith.addi %sub3A_100, %while3A_569 : i32
      %while3A_571 = arith.constant 1 : i32
      %while3A_572 = scf.for %while3A_997 = %sub3A_100 to %while3A_570 step %while3A_571 iter_args(%while3A_998 = %broadcast_in_dim3A_564) -> (vector<16xf32>)  : i32 {
        %get3A_999 = arith.index_cast %while3A_997 : i32 to index
        %get3A_1000 = arith.constant 528 : index
        %get3A_1001 = tpu.vector_load %arg6[%get3A_999, %get3A_1000] {strides = array<i32>} : memref<64x1024xf32, #tpu.memory_space<vmem>>, vector<16xf32>,
        %add3A_1002 = arith.addf %while3A_998, %get3A_1001 : vector<16xf32>
        scf.yield %add3A_1002 : vector<16xf32>
      }
      %while3A_573 = arith.constant 1 : i32
      %while3A_574 = scf.for %while3A_997 = %while3A_570 to %while3A_566 step %while3A_573 iter_args(%while3A_998 = %while3A_572) -> (vector<16xf32>)  : i32 {
        %get3A_999 = arith.index_cast %while3A_997 : i32 to index
        %get3A_1000 = arith.constant 528 : index
        %get3A_1001 = tpu.vector_load %arg6[%get3A_999, %get3A_1000] {strides = array<i32>} : memref<64x1024xf32, #tpu.memory_space<vmem>>, vector<16xf32>,
        %add3A_1002 = arith.addf %while3A_998, %get3A_1001 : vector<16xf32>
        scf.yield %add3A_1002 : vector<16xf32>
      }
      %swap3A_575 = arith.constant 528 : index
      %swap3A_576 = tpu.vector_load %arg7[%swap3A_575] {strides = array<i32>} : memref<1024xf32, #tpu.memory_space<vmem>>, vector<16xf32>,
      tpu.vector_store %arg7[%swap3A_575], %while3A_574 {strides = array<i32>} : memref<1024xf32, #tpu.memory_space<vmem>>, vector<16xf32>,
      %broadcast_in_dim3A_577 = arith.constant 0.000000e+00 : f32
      %broadcast_in_dim3A_578 = vector.broadcast %broadcast_in_dim3A_577 : f32 to vector<16xf32>
      %while3A_579 = arith.subi %add3A_101, %sub3A_100 : i32
      %while3A_580 = arith.addi %sub3A_100, %while3A_579 : i32
      %while3A_581 = arith.constant 1 : i32
      %while3A_582 = arith.divsi %while3A_579, %while3A_581 : i32
      %while3A_583 = arith.muli %while3A_582, %while3A_581 : i32
      %while3A_584 = arith.addi %sub3A_100, %while3A_583 : i32
      %while3A_585 = arith.constant 1 : i32
      %while3A_586 = scf.for %while3A_997 = %sub3A_100 to %while3A_584 step %while3A_585 iter_args(%while3A_998 = %broadcast_in_dim3A_578) -> (vector<16xf32>)  : i32 {
        %get3A_999 = arith.index_cast %while3A_997 : i32 to index
        %get3A_1000 = arith.constant 544 : index
        %get3A_1001 = tpu.vector_load %arg6[%get3A_999, %get3A_1000] {strides = array<i32>} : memref<64x1024xf32, #tpu.memory_space<vmem>>, vector<16xf32>,
        %add3A_1002 = arith.addf %while3A_998, %get3A_1001 : vector<16xf32>
        scf.yield %add3A_1002 : vector<16xf32>
      }
      %while3A_587 = arith.constant 1 : i32
      %while3A_588 = scf.for %while3A_997 = %while3A_584 to %while3A_580 step %while3A_587 iter_args(%while3A_998 = %while3A_586) -> (vector<16xf32>)  : i32 {
        %get3A_999 = arith.index_cast %while3A_997 : i32 to index
        %get3A_1000 = arith.constant 544 : index
        %get3A_1001 = tpu.vector_load %arg6[%get3A_999, %get3A_1000] {strides = array<i32>} : memref<64x1024xf32, #tpu.memory_space<vmem>>, vector<16xf32>,
        %add3A_1002 = arith.addf %while3A_998, %get3A_1001 : vector<16xf32>
        scf.yield %add3A_1002 : vector<16xf32>
      }
      %swap3A_589 = arith.constant 544 : index
      %swap3A_590 = tpu.vector_load %arg7[%swap3A_589] {strides = array<i32>} : memref<1024xf32, #tpu.memory_space<vmem>>, vector<16xf32>,
      tpu.vector_store %arg7[%swap3A_589], %while3A_588 {strides = array<i32>} : memref<1024xf32, #tpu.memory_space<vmem>>, vector<16xf32>,
      %broadcast_in_dim3A_591 = arith.constant 0.000000e+00 : f32
      %broadcast_in_dim3A_592 = vector.broadcast %broadcast_in_dim3A_591 : f32 to vector<16xf32>
      %while3A_593 = arith.subi %add3A_101, %sub3A_100 : i32
      %while3A_594 = arith.addi %sub3A_100, %while3A_593 : i32
      %while3A_595 = arith.constant 1 : i32
      %while3A_596 = arith.divsi %while3A_593, %while3A_595 : i32
      %while3A_597 = arith.muli %while3A_596, %while3A_595 : i32
      %while3A_598 = arith.addi %sub3A_100, %while3A_597 : i32
      %while3A_599 = arith.constant 1 : i32
      %while3A_600 = scf.for %while3A_997 = %sub3A_100 to %while3A_598 step %while3A_599 iter_args(%while3A_998 = %broadcast_in_dim3A_592) -> (vector<16xf32>)  : i32 {
        %get3A_999 = arith.index_cast %while3A_997 : i32 to index
        %get3A_1000 = arith.constant 560 : index
        %get3A_1001 = tpu.vector_load %arg6[%get3A_999, %get3A_1000] {strides = array<i32>} : memref<64x1024xf32, #tpu.memory_space<vmem>>, vector<16xf32>,
        %add3A_1002 = arith.addf %while3A_998, %get3A_1001 : vector<16xf32>
        scf.yield %add3A_1002 : vector<16xf32>
      }
      %while3A_601 = arith.constant 1 : i32
      %while3A_602 = scf.for %while3A_997 = %while3A_598 to %while3A_594 step %while3A_601 iter_args(%while3A_998 = %while3A_600) -> (vector<16xf32>)  : i32 {
        %get3A_999 = arith.index_cast %while3A_997 : i32 to index
        %get3A_1000 = arith.constant 560 : index
        %get3A_1001 = tpu.vector_load %arg6[%get3A_999, %get3A_1000] {strides = array<i32>} : memref<64x1024xf32, #tpu.memory_space<vmem>>, vector<16xf32>,
        %add3A_1002 = arith.addf %while3A_998, %get3A_1001 : vector<16xf32>
        scf.yield %add3A_1002 : vector<16xf32>
      }
      %swap3A_603 = arith.constant 560 : index
      %swap3A_604 = tpu.vector_load %arg7[%swap3A_603] {strides = array<i32>} : memref<1024xf32, #tpu.memory_space<vmem>>, vector<16xf32>,
      tpu.vector_store %arg7[%swap3A_603], %while3A_602 {strides = array<i32>} : memref<1024xf32, #tpu.memory_space<vmem>>, vector<16xf32>,
      %broadcast_in_dim3A_605 = arith.constant 0.000000e+00 : f32
      %broadcast_in_dim3A_606 = vector.broadcast %broadcast_in_dim3A_605 : f32 to vector<16xf32>
      %while3A_607 = arith.subi %add3A_101, %sub3A_100 : i32
      %while3A_608 = arith.addi %sub3A_100, %while3A_607 : i32
      %while3A_609 = arith.constant 1 : i32
      %while3A_610 = arith.divsi %while3A_607, %while3A_609 : i32
      %while3A_611 = arith.muli %while3A_610, %while3A_609 : i32
      %while3A_612 = arith.addi %sub3A_100, %while3A_611 : i32
      %while3A_613 = arith.constant 1 : i32
      %while3A_614 = scf.for %while3A_997 = %sub3A_100 to %while3A_612 step %while3A_613 iter_args(%while3A_998 = %broadcast_in_dim3A_606) -> (vector<16xf32>)  : i32 {
        %get3A_999 = arith.index_cast %while3A_997 : i32 to index
        %get3A_1000 = arith.constant 576 : index
        %get3A_1001 = tpu.vector_load %arg6[%get3A_999, %get3A_1000] {strides = array<i32>} : memref<64x1024xf32, #tpu.memory_space<vmem>>, vector<16xf32>,
        %add3A_1002 = arith.addf %while3A_998, %get3A_1001 : vector<16xf32>
        scf.yield %add3A_1002 : vector<16xf32>
      }
      %while3A_615 = arith.constant 1 : i32
      %while3A_616 = scf.for %while3A_997 = %while3A_612 to %while3A_608 step %while3A_615 iter_args(%while3A_998 = %while3A_614) -> (vector<16xf32>)  : i32 {
        %get3A_999 = arith.index_cast %while3A_997 : i32 to index
        %get3A_1000 = arith.constant 576 : index
        %get3A_1001 = tpu.vector_load %arg6[%get3A_999, %get3A_1000] {strides = array<i32>} : memref<64x1024xf32, #tpu.memory_space<vmem>>, vector<16xf32>,
        %add3A_1002 = arith.addf %while3A_998, %get3A_1001 : vector<16xf32>
        scf.yield %add3A_1002 : vector<16xf32>
      }
      %swap3A_617 = arith.constant 576 : index
      %swap3A_618 = tpu.vector_load %arg7[%swap3A_617] {strides = array<i32>} : memref<1024xf32, #tpu.memory_space<vmem>>, vector<16xf32>,
      tpu.vector_store %arg7[%swap3A_617], %while3A_616 {strides = array<i32>} : memref<1024xf32, #tpu.memory_space<vmem>>, vector<16xf32>,
      %broadcast_in_dim3A_619 = arith.constant 0.000000e+00 : f32
      %broadcast_in_dim3A_620 = vector.broadcast %broadcast_in_dim3A_619 : f32 to vector<16xf32>
      %while3A_621 = arith.subi %add3A_101, %sub3A_100 : i32
      %while3A_622 = arith.addi %sub3A_100, %while3A_621 : i32
      %while3A_623 = arith.constant 1 : i32
      %while3A_624 = arith.divsi %while3A_621, %while3A_623 : i32
      %while3A_625 = arith.muli %while3A_624, %while3A_623 : i32
      %while3A_626 = arith.addi %sub3A_100, %while3A_625 : i32
      %while3A_627 = arith.constant 1 : i32
      %while3A_628 = scf.for %while3A_997 = %sub3A_100 to %while3A_626 step %while3A_627 iter_args(%while3A_998 = %broadcast_in_dim3A_620) -> (vector<16xf32>)  : i32 {
        %get3A_999 = arith.index_cast %while3A_997 : i32 to index
        %get3A_1000 = arith.constant 592 : index
        %get3A_1001 = tpu.vector_load %arg6[%get3A_999, %get3A_1000] {strides = array<i32>} : memref<64x1024xf32, #tpu.memory_space<vmem>>, vector<16xf32>,
        %add3A_1002 = arith.addf %while3A_998, %get3A_1001 : vector<16xf32>
        scf.yield %add3A_1002 : vector<16xf32>
      }
      %while3A_629 = arith.constant 1 : i32
      %while3A_630 = scf.for %while3A_997 = %while3A_626 to %while3A_622 step %while3A_629 iter_args(%while3A_998 = %while3A_628) -> (vector<16xf32>)  : i32 {
        %get3A_999 = arith.index_cast %while3A_997 : i32 to index
        %get3A_1000 = arith.constant 592 : index
        %get3A_1001 = tpu.vector_load %arg6[%get3A_999, %get3A_1000] {strides = array<i32>} : memref<64x1024xf32, #tpu.memory_space<vmem>>, vector<16xf32>,
        %add3A_1002 = arith.addf %while3A_998, %get3A_1001 : vector<16xf32>
        scf.yield %add3A_1002 : vector<16xf32>
      }
      %swap3A_631 = arith.constant 592 : index
      %swap3A_632 = tpu.vector_load %arg7[%swap3A_631] {strides = array<i32>} : memref<1024xf32, #tpu.memory_space<vmem>>, vector<16xf32>,
      tpu.vector_store %arg7[%swap3A_631], %while3A_630 {strides = array<i32>} : memref<1024xf32, #tpu.memory_space<vmem>>, vector<16xf32>,
      %broadcast_in_dim3A_633 = arith.constant 0.000000e+00 : f32
      %broadcast_in_dim3A_634 = vector.broadcast %broadcast_in_dim3A_633 : f32 to vector<16xf32>
      %while3A_635 = arith.subi %add3A_101, %sub3A_100 : i32
      %while3A_636 = arith.addi %sub3A_100, %while3A_635 : i32
      %while3A_637 = arith.constant 1 : i32
      %while3A_638 = arith.divsi %while3A_635, %while3A_637 : i32
      %while3A_639 = arith.muli %while3A_638, %while3A_637 : i32
      %while3A_640 = arith.addi %sub3A_100, %while3A_639 : i32
      %while3A_641 = arith.constant 1 : i32
      %while3A_642 = scf.for %while3A_997 = %sub3A_100 to %while3A_640 step %while3A_641 iter_args(%while3A_998 = %broadcast_in_dim3A_634) -> (vector<16xf32>)  : i32 {
        %get3A_999 = arith.index_cast %while3A_997 : i32 to index
        %get3A_1000 = arith.constant 608 : index
        %get3A_1001 = tpu.vector_load %arg6[%get3A_999, %get3A_1000] {strides = array<i32>} : memref<64x1024xf32, #tpu.memory_space<vmem>>, vector<16xf32>,
        %add3A_1002 = arith.addf %while3A_998, %get3A_1001 : vector<16xf32>
        scf.yield %add3A_1002 : vector<16xf32>
      }
      %while3A_643 = arith.constant 1 : i32
      %while3A_644 = scf.for %while3A_997 = %while3A_640 to %while3A_636 step %while3A_643 iter_args(%while3A_998 = %while3A_642) -> (vector<16xf32>)  : i32 {
        %get3A_999 = arith.index_cast %while3A_997 : i32 to index
        %get3A_1000 = arith.constant 608 : index
        %get3A_1001 = tpu.vector_load %arg6[%get3A_999, %get3A_1000] {strides = array<i32>} : memref<64x1024xf32, #tpu.memory_space<vmem>>, vector<16xf32>,
        %add3A_1002 = arith.addf %while3A_998, %get3A_1001 : vector<16xf32>
        scf.yield %add3A_1002 : vector<16xf32>
      }
      %swap3A_645 = arith.constant 608 : index
      %swap3A_646 = tpu.vector_load %arg7[%swap3A_645] {strides = array<i32>} : memref<1024xf32, #tpu.memory_space<vmem>>, vector<16xf32>,
      tpu.vector_store %arg7[%swap3A_645], %while3A_644 {strides = array<i32>} : memref<1024xf32, #tpu.memory_space<vmem>>, vector<16xf32>,
      %broadcast_in_dim3A_647 = arith.constant 0.000000e+00 : f32
      %broadcast_in_dim3A_648 = vector.broadcast %broadcast_in_dim3A_647 : f32 to vector<16xf32>
      %while3A_649 = arith.subi %add3A_101, %sub3A_100 : i32
      %while3A_650 = arith.addi %sub3A_100, %while3A_649 : i32
      %while3A_651 = arith.constant 1 : i32
      %while3A_652 = arith.divsi %while3A_649, %while3A_651 : i32
      %while3A_653 = arith.muli %while3A_652, %while3A_651 : i32
      %while3A_654 = arith.addi %sub3A_100, %while3A_653 : i32
      %while3A_655 = arith.constant 1 : i32
      %while3A_656 = scf.for %while3A_997 = %sub3A_100 to %while3A_654 step %while3A_655 iter_args(%while3A_998 = %broadcast_in_dim3A_648) -> (vector<16xf32>)  : i32 {
        %get3A_999 = arith.index_cast %while3A_997 : i32 to index
        %get3A_1000 = arith.constant 624 : index
        %get3A_1001 = tpu.vector_load %arg6[%get3A_999, %get3A_1000] {strides = array<i32>} : memref<64x1024xf32, #tpu.memory_space<vmem>>, vector<16xf32>,
        %add3A_1002 = arith.addf %while3A_998, %get3A_1001 : vector<16xf32>
        scf.yield %add3A_1002 : vector<16xf32>
      }
      %while3A_657 = arith.constant 1 : i32
      %while3A_658 = scf.for %while3A_997 = %while3A_654 to %while3A_650 step %while3A_657 iter_args(%while3A_998 = %while3A_656) -> (vector<16xf32>)  : i32 {
        %get3A_999 = arith.index_cast %while3A_997 : i32 to index
        %get3A_1000 = arith.constant 624 : index
        %get3A_1001 = tpu.vector_load %arg6[%get3A_999, %get3A_1000] {strides = array<i32>} : memref<64x1024xf32, #tpu.memory_space<vmem>>, vector<16xf32>,
        %add3A_1002 = arith.addf %while3A_998, %get3A_1001 : vector<16xf32>
        scf.yield %add3A_1002 : vector<16xf32>
      }
      %swap3A_659 = arith.constant 624 : index
      %swap3A_660 = tpu.vector_load %arg7[%swap3A_659] {strides = array<i32>} : memref<1024xf32, #tpu.memory_space<vmem>>, vector<16xf32>,
      tpu.vector_store %arg7[%swap3A_659], %while3A_658 {strides = array<i32>} : memref<1024xf32, #tpu.memory_space<vmem>>, vector<16xf32>,
      %broadcast_in_dim3A_661 = arith.constant 0.000000e+00 : f32
      %broadcast_in_dim3A_662 = vector.broadcast %broadcast_in_dim3A_661 : f32 to vector<16xf32>
      %while3A_663 = arith.subi %add3A_101, %sub3A_100 : i32
      %while3A_664 = arith.addi %sub3A_100, %while3A_663 : i32
      %while3A_665 = arith.constant 1 : i32
      %while3A_666 = arith.divsi %while3A_663, %while3A_665 : i32
      %while3A_667 = arith.muli %while3A_666, %while3A_665 : i32
      %while3A_668 = arith.addi %sub3A_100, %while3A_667 : i32
      %while3A_669 = arith.constant 1 : i32
      %while3A_670 = scf.for %while3A_997 = %sub3A_100 to %while3A_668 step %while3A_669 iter_args(%while3A_998 = %broadcast_in_dim3A_662) -> (vector<16xf32>)  : i32 {
        %get3A_999 = arith.index_cast %while3A_997 : i32 to index
        %get3A_1000 = arith.constant 640 : index
        %get3A_1001 = tpu.vector_load %arg6[%get3A_999, %get3A_1000] {strides = array<i32>} : memref<64x1024xf32, #tpu.memory_space<vmem>>, vector<16xf32>,
        %add3A_1002 = arith.addf %while3A_998, %get3A_1001 : vector<16xf32>
        scf.yield %add3A_1002 : vector<16xf32>
      }
      %while3A_671 = arith.constant 1 : i32
      %while3A_672 = scf.for %while3A_997 = %while3A_668 to %while3A_664 step %while3A_671 iter_args(%while3A_998 = %while3A_670) -> (vector<16xf32>)  : i32 {
        %get3A_999 = arith.index_cast %while3A_997 : i32 to index
        %get3A_1000 = arith.constant 640 : index
        %get3A_1001 = tpu.vector_load %arg6[%get3A_999, %get3A_1000] {strides = array<i32>} : memref<64x1024xf32, #tpu.memory_space<vmem>>, vector<16xf32>,
        %add3A_1002 = arith.addf %while3A_998, %get3A_1001 : vector<16xf32>
        scf.yield %add3A_1002 : vector<16xf32>
      }
      %swap3A_673 = arith.constant 640 : index
      %swap3A_674 = tpu.vector_load %arg7[%swap3A_673] {strides = array<i32>} : memref<1024xf32, #tpu.memory_space<vmem>>, vector<16xf32>,
      tpu.vector_store %arg7[%swap3A_673], %while3A_672 {strides = array<i32>} : memref<1024xf32, #tpu.memory_space<vmem>>, vector<16xf32>,
      %broadcast_in_dim3A_675 = arith.constant 0.000000e+00 : f32
      %broadcast_in_dim3A_676 = vector.broadcast %broadcast_in_dim3A_675 : f32 to vector<16xf32>
      %while3A_677 = arith.subi %add3A_101, %sub3A_100 : i32
      %while3A_678 = arith.addi %sub3A_100, %while3A_677 : i32
      %while3A_679 = arith.constant 1 : i32
      %while3A_680 = arith.divsi %while3A_677, %while3A_679 : i32
      %while3A_681 = arith.muli %while3A_680, %while3A_679 : i32
      %while3A_682 = arith.addi %sub3A_100, %while3A_681 : i32
      %while3A_683 = arith.constant 1 : i32
      %while3A_684 = scf.for %while3A_997 = %sub3A_100 to %while3A_682 step %while3A_683 iter_args(%while3A_998 = %broadcast_in_dim3A_676) -> (vector<16xf32>)  : i32 {
        %get3A_999 = arith.index_cast %while3A_997 : i32 to index
        %get3A_1000 = arith.constant 656 : index
        %get3A_1001 = tpu.vector_load %arg6[%get3A_999, %get3A_1000] {strides = array<i32>} : memref<64x1024xf32, #tpu.memory_space<vmem>>, vector<16xf32>,
        %add3A_1002 = arith.addf %while3A_998, %get3A_1001 : vector<16xf32>
        scf.yield %add3A_1002 : vector<16xf32>
      }
      %while3A_685 = arith.constant 1 : i32
      %while3A_686 = scf.for %while3A_997 = %while3A_682 to %while3A_678 step %while3A_685 iter_args(%while3A_998 = %while3A_684) -> (vector<16xf32>)  : i32 {
        %get3A_999 = arith.index_cast %while3A_997 : i32 to index
        %get3A_1000 = arith.constant 656 : index
        %get3A_1001 = tpu.vector_load %arg6[%get3A_999, %get3A_1000] {strides = array<i32>} : memref<64x1024xf32, #tpu.memory_space<vmem>>, vector<16xf32>,
        %add3A_1002 = arith.addf %while3A_998, %get3A_1001 : vector<16xf32>
        scf.yield %add3A_1002 : vector<16xf32>
      }
      %swap3A_687 = arith.constant 656 : index
      %swap3A_688 = tpu.vector_load %arg7[%swap3A_687] {strides = array<i32>} : memref<1024xf32, #tpu.memory_space<vmem>>, vector<16xf32>,
      tpu.vector_store %arg7[%swap3A_687], %while3A_686 {strides = array<i32>} : memref<1024xf32, #tpu.memory_space<vmem>>, vector<16xf32>,
      %broadcast_in_dim3A_689 = arith.constant 0.000000e+00 : f32
      %broadcast_in_dim3A_690 = vector.broadcast %broadcast_in_dim3A_689 : f32 to vector<16xf32>
      %while3A_691 = arith.subi %add3A_101, %sub3A_100 : i32
      %while3A_692 = arith.addi %sub3A_100, %while3A_691 : i32
      %while3A_693 = arith.constant 1 : i32
      %while3A_694 = arith.divsi %while3A_691, %while3A_693 : i32
      %while3A_695 = arith.muli %while3A_694, %while3A_693 : i32
      %while3A_696 = arith.addi %sub3A_100, %while3A_695 : i32
      %while3A_697 = arith.constant 1 : i32
      %while3A_698 = scf.for %while3A_997 = %sub3A_100 to %while3A_696 step %while3A_697 iter_args(%while3A_998 = %broadcast_in_dim3A_690) -> (vector<16xf32>)  : i32 {
        %get3A_999 = arith.index_cast %while3A_997 : i32 to index
        %get3A_1000 = arith.constant 672 : index
        %get3A_1001 = tpu.vector_load %arg6[%get3A_999, %get3A_1000] {strides = array<i32>} : memref<64x1024xf32, #tpu.memory_space<vmem>>, vector<16xf32>,
        %add3A_1002 = arith.addf %while3A_998, %get3A_1001 : vector<16xf32>
        scf.yield %add3A_1002 : vector<16xf32>
      }
      %while3A_699 = arith.constant 1 : i32
      %while3A_700 = scf.for %while3A_997 = %while3A_696 to %while3A_692 step %while3A_699 iter_args(%while3A_998 = %while3A_698) -> (vector<16xf32>)  : i32 {
        %get3A_999 = arith.index_cast %while3A_997 : i32 to index
        %get3A_1000 = arith.constant 672 : index
        %get3A_1001 = tpu.vector_load %arg6[%get3A_999, %get3A_1000] {strides = array<i32>} : memref<64x1024xf32, #tpu.memory_space<vmem>>, vector<16xf32>,
        %add3A_1002 = arith.addf %while3A_998, %get3A_1001 : vector<16xf32>
        scf.yield %add3A_1002 : vector<16xf32>
      }
      %swap3A_701 = arith.constant 672 : index
      %swap3A_702 = tpu.vector_load %arg7[%swap3A_701] {strides = array<i32>} : memref<1024xf32, #tpu.memory_space<vmem>>, vector<16xf32>,
      tpu.vector_store %arg7[%swap3A_701], %while3A_700 {strides = array<i32>} : memref<1024xf32, #tpu.memory_space<vmem>>, vector<16xf32>,
      %broadcast_in_dim3A_703 = arith.constant 0.000000e+00 : f32
      %broadcast_in_dim3A_704 = vector.broadcast %broadcast_in_dim3A_703 : f32 to vector<16xf32>
      %while3A_705 = arith.subi %add3A_101, %sub3A_100 : i32
      %while3A_706 = arith.addi %sub3A_100, %while3A_705 : i32
      %while3A_707 = arith.constant 1 : i32
      %while3A_708 = arith.divsi %while3A_705, %while3A_707 : i32
      %while3A_709 = arith.muli %while3A_708, %while3A_707 : i32
      %while3A_710 = arith.addi %sub3A_100, %while3A_709 : i32
      %while3A_711 = arith.constant 1 : i32
      %while3A_712 = scf.for %while3A_997 = %sub3A_100 to %while3A_710 step %while3A_711 iter_args(%while3A_998 = %broadcast_in_dim3A_704) -> (vector<16xf32>)  : i32 {
        %get3A_999 = arith.index_cast %while3A_997 : i32 to index
        %get3A_1000 = arith.constant 688 : index
        %get3A_1001 = tpu.vector_load %arg6[%get3A_999, %get3A_1000] {strides = array<i32>} : memref<64x1024xf32, #tpu.memory_space<vmem>>, vector<16xf32>,
        %add3A_1002 = arith.addf %while3A_998, %get3A_1001 : vector<16xf32>
        scf.yield %add3A_1002 : vector<16xf32>
      }
      %while3A_713 = arith.constant 1 : i32
      %while3A_714 = scf.for %while3A_997 = %while3A_710 to %while3A_706 step %while3A_713 iter_args(%while3A_998 = %while3A_712) -> (vector<16xf32>)  : i32 {
        %get3A_999 = arith.index_cast %while3A_997 : i32 to index
        %get3A_1000 = arith.constant 688 : index
        %get3A_1001 = tpu.vector_load %arg6[%get3A_999, %get3A_1000] {strides = array<i32>} : memref<64x1024xf32, #tpu.memory_space<vmem>>, vector<16xf32>,
        %add3A_1002 = arith.addf %while3A_998, %get3A_1001 : vector<16xf32>
        scf.yield %add3A_1002 : vector<16xf32>
      }
      %swap3A_715 = arith.constant 688 : index
      %swap3A_716 = tpu.vector_load %arg7[%swap3A_715] {strides = array<i32>} : memref<1024xf32, #tpu.memory_space<vmem>>, vector<16xf32>,
      tpu.vector_store %arg7[%swap3A_715], %while3A_714 {strides = array<i32>} : memref<1024xf32, #tpu.memory_space<vmem>>, vector<16xf32>,
      %broadcast_in_dim3A_717 = arith.constant 0.000000e+00 : f32
      %broadcast_in_dim3A_718 = vector.broadcast %broadcast_in_dim3A_717 : f32 to vector<16xf32>
      %while3A_719 = arith.subi %add3A_101, %sub3A_100 : i32
      %while3A_720 = arith.addi %sub3A_100, %while3A_719 : i32
      %while3A_721 = arith.constant 1 : i32
      %while3A_722 = arith.divsi %while3A_719, %while3A_721 : i32
      %while3A_723 = arith.muli %while3A_722, %while3A_721 : i32
      %while3A_724 = arith.addi %sub3A_100, %while3A_723 : i32
      %while3A_725 = arith.constant 1 : i32
      %while3A_726 = scf.for %while3A_997 = %sub3A_100 to %while3A_724 step %while3A_725 iter_args(%while3A_998 = %broadcast_in_dim3A_718) -> (vector<16xf32>)  : i32 {
        %get3A_999 = arith.index_cast %while3A_997 : i32 to index
        %get3A_1000 = arith.constant 704 : index
        %get3A_1001 = tpu.vector_load %arg6[%get3A_999, %get3A_1000] {strides = array<i32>} : memref<64x1024xf32, #tpu.memory_space<vmem>>, vector<16xf32>,
        %add3A_1002 = arith.addf %while3A_998, %get3A_1001 : vector<16xf32>
        scf.yield %add3A_1002 : vector<16xf32>
      }
      %while3A_727 = arith.constant 1 : i32
      %while3A_728 = scf.for %while3A_997 = %while3A_724 to %while3A_720 step %while3A_727 iter_args(%while3A_998 = %while3A_726) -> (vector<16xf32>)  : i32 {
        %get3A_999 = arith.index_cast %while3A_997 : i32 to index
        %get3A_1000 = arith.constant 704 : index
        %get3A_1001 = tpu.vector_load %arg6[%get3A_999, %get3A_1000] {strides = array<i32>} : memref<64x1024xf32, #tpu.memory_space<vmem>>, vector<16xf32>,
        %add3A_1002 = arith.addf %while3A_998, %get3A_1001 : vector<16xf32>
        scf.yield %add3A_1002 : vector<16xf32>
      }
      %swap3A_729 = arith.constant 704 : index
      %swap3A_730 = tpu.vector_load %arg7[%swap3A_729] {strides = array<i32>} : memref<1024xf32, #tpu.memory_space<vmem>>, vector<16xf32>,
      tpu.vector_store %arg7[%swap3A_729], %while3A_728 {strides = array<i32>} : memref<1024xf32, #tpu.memory_space<vmem>>, vector<16xf32>,
      %broadcast_in_dim3A_731 = arith.constant 0.000000e+00 : f32
      %broadcast_in_dim3A_732 = vector.broadcast %broadcast_in_dim3A_731 : f32 to vector<16xf32>
      %while3A_733 = arith.subi %add3A_101, %sub3A_100 : i32
      %while3A_734 = arith.addi %sub3A_100, %while3A_733 : i32
      %while3A_735 = arith.constant 1 : i32
      %while3A_736 = arith.divsi %while3A_733, %while3A_735 : i32
      %while3A_737 = arith.muli %while3A_736, %while3A_735 : i32
      %while3A_738 = arith.addi %sub3A_100, %while3A_737 : i32
      %while3A_739 = arith.constant 1 : i32
      %while3A_740 = scf.for %while3A_997 = %sub3A_100 to %while3A_738 step %while3A_739 iter_args(%while3A_998 = %broadcast_in_dim3A_732) -> (vector<16xf32>)  : i32 {
        %get3A_999 = arith.index_cast %while3A_997 : i32 to index
        %get3A_1000 = arith.constant 720 : index
        %get3A_1001 = tpu.vector_load %arg6[%get3A_999, %get3A_1000] {strides = array<i32>} : memref<64x1024xf32, #tpu.memory_space<vmem>>, vector<16xf32>,
        %add3A_1002 = arith.addf %while3A_998, %get3A_1001 : vector<16xf32>
        scf.yield %add3A_1002 : vector<16xf32>
      }
      %while3A_741 = arith.constant 1 : i32
      %while3A_742 = scf.for %while3A_997 = %while3A_738 to %while3A_734 step %while3A_741 iter_args(%while3A_998 = %while3A_740) -> (vector<16xf32>)  : i32 {
        %get3A_999 = arith.index_cast %while3A_997 : i32 to index
        %get3A_1000 = arith.constant 720 : index
        %get3A_1001 = tpu.vector_load %arg6[%get3A_999, %get3A_1000] {strides = array<i32>} : memref<64x1024xf32, #tpu.memory_space<vmem>>, vector<16xf32>,
        %add3A_1002 = arith.addf %while3A_998, %get3A_1001 : vector<16xf32>
        scf.yield %add3A_1002 : vector<16xf32>
      }
      %swap3A_743 = arith.constant 720 : index
      %swap3A_744 = tpu.vector_load %arg7[%swap3A_743] {strides = array<i32>} : memref<1024xf32, #tpu.memory_space<vmem>>, vector<16xf32>,
      tpu.vector_store %arg7[%swap3A_743], %while3A_742 {strides = array<i32>} : memref<1024xf32, #tpu.memory_space<vmem>>, vector<16xf32>,
      %broadcast_in_dim3A_745 = arith.constant 0.000000e+00 : f32
      %broadcast_in_dim3A_746 = vector.broadcast %broadcast_in_dim3A_745 : f32 to vector<16xf32>
      %while3A_747 = arith.subi %add3A_101, %sub3A_100 : i32
      %while3A_748 = arith.addi %sub3A_100, %while3A_747 : i32
      %while3A_749 = arith.constant 1 : i32
      %while3A_750 = arith.divsi %while3A_747, %while3A_749 : i32
      %while3A_751 = arith.muli %while3A_750, %while3A_749 : i32
      %while3A_752 = arith.addi %sub3A_100, %while3A_751 : i32
      %while3A_753 = arith.constant 1 : i32
      %while3A_754 = scf.for %while3A_997 = %sub3A_100 to %while3A_752 step %while3A_753 iter_args(%while3A_998 = %broadcast_in_dim3A_746) -> (vector<16xf32>)  : i32 {
        %get3A_999 = arith.index_cast %while3A_997 : i32 to index
        %get3A_1000 = arith.constant 736 : index
        %get3A_1001 = tpu.vector_load %arg6[%get3A_999, %get3A_1000] {strides = array<i32>} : memref<64x1024xf32, #tpu.memory_space<vmem>>, vector<16xf32>,
        %add3A_1002 = arith.addf %while3A_998, %get3A_1001 : vector<16xf32>
        scf.yield %add3A_1002 : vector<16xf32>
      }
      %while3A_755 = arith.constant 1 : i32
      %while3A_756 = scf.for %while3A_997 = %while3A_752 to %while3A_748 step %while3A_755 iter_args(%while3A_998 = %while3A_754) -> (vector<16xf32>)  : i32 {
        %get3A_999 = arith.index_cast %while3A_997 : i32 to index
        %get3A_1000 = arith.constant 736 : index
        %get3A_1001 = tpu.vector_load %arg6[%get3A_999, %get3A_1000] {strides = array<i32>} : memref<64x1024xf32, #tpu.memory_space<vmem>>, vector<16xf32>,
        %add3A_1002 = arith.addf %while3A_998, %get3A_1001 : vector<16xf32>
        scf.yield %add3A_1002 : vector<16xf32>
      }
      %swap3A_757 = arith.constant 736 : index
      %swap3A_758 = tpu.vector_load %arg7[%swap3A_757] {strides = array<i32>} : memref<1024xf32, #tpu.memory_space<vmem>>, vector<16xf32>,
      tpu.vector_store %arg7[%swap3A_757], %while3A_756 {strides = array<i32>} : memref<1024xf32, #tpu.memory_space<vmem>>, vector<16xf32>,
      %broadcast_in_dim3A_759 = arith.constant 0.000000e+00 : f32
      %broadcast_in_dim3A_760 = vector.broadcast %broadcast_in_dim3A_759 : f32 to vector<16xf32>
      %while3A_761 = arith.subi %add3A_101, %sub3A_100 : i32
      %while3A_762 = arith.addi %sub3A_100, %while3A_761 : i32
      %while3A_763 = arith.constant 1 : i32
      %while3A_764 = arith.divsi %while3A_761, %while3A_763 : i32
      %while3A_765 = arith.muli %while3A_764, %while3A_763 : i32
      %while3A_766 = arith.addi %sub3A_100, %while3A_765 : i32
      %while3A_767 = arith.constant 1 : i32
      %while3A_768 = scf.for %while3A_997 = %sub3A_100 to %while3A_766 step %while3A_767 iter_args(%while3A_998 = %broadcast_in_dim3A_760) -> (vector<16xf32>)  : i32 {
        %get3A_999 = arith.index_cast %while3A_997 : i32 to index
        %get3A_1000 = arith.constant 752 : index
        %get3A_1001 = tpu.vector_load %arg6[%get3A_999, %get3A_1000] {strides = array<i32>} : memref<64x1024xf32, #tpu.memory_space<vmem>>, vector<16xf32>,
        %add3A_1002 = arith.addf %while3A_998, %get3A_1001 : vector<16xf32>
        scf.yield %add3A_1002 : vector<16xf32>
      }
      %while3A_769 = arith.constant 1 : i32
      %while3A_770 = scf.for %while3A_997 = %while3A_766 to %while3A_762 step %while3A_769 iter_args(%while3A_998 = %while3A_768) -> (vector<16xf32>)  : i32 {
        %get3A_999 = arith.index_cast %while3A_997 : i32 to index
        %get3A_1000 = arith.constant 752 : index
        %get3A_1001 = tpu.vector_load %arg6[%get3A_999, %get3A_1000] {strides = array<i32>} : memref<64x1024xf32, #tpu.memory_space<vmem>>, vector<16xf32>,
        %add3A_1002 = arith.addf %while3A_998, %get3A_1001 : vector<16xf32>
        scf.yield %add3A_1002 : vector<16xf32>
      }
      %swap3A_771 = arith.constant 752 : index
      %swap3A_772 = tpu.vector_load %arg7[%swap3A_771] {strides = array<i32>} : memref<1024xf32, #tpu.memory_space<vmem>>, vector<16xf32>,
      tpu.vector_store %arg7[%swap3A_771], %while3A_770 {strides = array<i32>} : memref<1024xf32, #tpu.memory_space<vmem>>, vector<16xf32>,
      %broadcast_in_dim3A_773 = arith.constant 0.000000e+00 : f32
      %broadcast_in_dim3A_774 = vector.broadcast %broadcast_in_dim3A_773 : f32 to vector<16xf32>
      %while3A_775 = arith.subi %add3A_101, %sub3A_100 : i32
      %while3A_776 = arith.addi %sub3A_100, %while3A_775 : i32
      %while3A_777 = arith.constant 1 : i32
      %while3A_778 = arith.divsi %while3A_775, %while3A_777 : i32
      %while3A_779 = arith.muli %while3A_778, %while3A_777 : i32
      %while3A_780 = arith.addi %sub3A_100, %while3A_779 : i32
      %while3A_781 = arith.constant 1 : i32
      %while3A_782 = scf.for %while3A_997 = %sub3A_100 to %while3A_780 step %while3A_781 iter_args(%while3A_998 = %broadcast_in_dim3A_774) -> (vector<16xf32>)  : i32 {
        %get3A_999 = arith.index_cast %while3A_997 : i32 to index
        %get3A_1000 = arith.constant 768 : index
        %get3A_1001 = tpu.vector_load %arg6[%get3A_999, %get3A_1000] {strides = array<i32>} : memref<64x1024xf32, #tpu.memory_space<vmem>>, vector<16xf32>,
        %add3A_1002 = arith.addf %while3A_998, %get3A_1001 : vector<16xf32>
        scf.yield %add3A_1002 : vector<16xf32>
      }
      %while3A_783 = arith.constant 1 : i32
      %while3A_784 = scf.for %while3A_997 = %while3A_780 to %while3A_776 step %while3A_783 iter_args(%while3A_998 = %while3A_782) -> (vector<16xf32>)  : i32 {
        %get3A_999 = arith.index_cast %while3A_997 : i32 to index
        %get3A_1000 = arith.constant 768 : index
        %get3A_1001 = tpu.vector_load %arg6[%get3A_999, %get3A_1000] {strides = array<i32>} : memref<64x1024xf32, #tpu.memory_space<vmem>>, vector<16xf32>,
        %add3A_1002 = arith.addf %while3A_998, %get3A_1001 : vector<16xf32>
        scf.yield %add3A_1002 : vector<16xf32>
      }
      %swap3A_785 = arith.constant 768 : index
      %swap3A_786 = tpu.vector_load %arg7[%swap3A_785] {strides = array<i32>} : memref<1024xf32, #tpu.memory_space<vmem>>, vector<16xf32>,
      tpu.vector_store %arg7[%swap3A_785], %while3A_784 {strides = array<i32>} : memref<1024xf32, #tpu.memory_space<vmem>>, vector<16xf32>,
      %broadcast_in_dim3A_787 = arith.constant 0.000000e+00 : f32
      %broadcast_in_dim3A_788 = vector.broadcast %broadcast_in_dim3A_787 : f32 to vector<16xf32>
      %while3A_789 = arith.subi %add3A_101, %sub3A_100 : i32
      %while3A_790 = arith.addi %sub3A_100, %while3A_789 : i32
      %while3A_791 = arith.constant 1 : i32
      %while3A_792 = arith.divsi %while3A_789, %while3A_791 : i32
      %while3A_793 = arith.muli %while3A_792, %while3A_791 : i32
      %while3A_794 = arith.addi %sub3A_100, %while3A_793 : i32
      %while3A_795 = arith.constant 1 : i32
      %while3A_796 = scf.for %while3A_997 = %sub3A_100 to %while3A_794 step %while3A_795 iter_args(%while3A_998 = %broadcast_in_dim3A_788) -> (vector<16xf32>)  : i32 {
        %get3A_999 = arith.index_cast %while3A_997 : i32 to index
        %get3A_1000 = arith.constant 784 : index
        %get3A_1001 = tpu.vector_load %arg6[%get3A_999, %get3A_1000] {strides = array<i32>} : memref<64x1024xf32, #tpu.memory_space<vmem>>, vector<16xf32>,
        %add3A_1002 = arith.addf %while3A_998, %get3A_1001 : vector<16xf32>
        scf.yield %add3A_1002 : vector<16xf32>
      }
      %while3A_797 = arith.constant 1 : i32
      %while3A_798 = scf.for %while3A_997 = %while3A_794 to %while3A_790 step %while3A_797 iter_args(%while3A_998 = %while3A_796) -> (vector<16xf32>)  : i32 {
        %get3A_999 = arith.index_cast %while3A_997 : i32 to index
        %get3A_1000 = arith.constant 784 : index
        %get3A_1001 = tpu.vector_load %arg6[%get3A_999, %get3A_1000] {strides = array<i32>} : memref<64x1024xf32, #tpu.memory_space<vmem>>, vector<16xf32>,
        %add3A_1002 = arith.addf %while3A_998, %get3A_1001 : vector<16xf32>
        scf.yield %add3A_1002 : vector<16xf32>
      }
      %swap3A_799 = arith.constant 784 : index
      %swap3A_800 = tpu.vector_load %arg7[%swap3A_799] {strides = array<i32>} : memref<1024xf32, #tpu.memory_space<vmem>>, vector<16xf32>,
      tpu.vector_store %arg7[%swap3A_799], %while3A_798 {strides = array<i32>} : memref<1024xf32, #tpu.memory_space<vmem>>, vector<16xf32>,
      %broadcast_in_dim3A_801 = arith.constant 0.000000e+00 : f32
      %broadcast_in_dim3A_802 = vector.broadcast %broadcast_in_dim3A_801 : f32 to vector<16xf32>
      %while3A_803 = arith.subi %add3A_101, %sub3A_100 : i32
      %while3A_804 = arith.addi %sub3A_100, %while3A_803 : i32
      %while3A_805 = arith.constant 1 : i32
      %while3A_806 = arith.divsi %while3A_803, %while3A_805 : i32
      %while3A_807 = arith.muli %while3A_806, %while3A_805 : i32
      %while3A_808 = arith.addi %sub3A_100, %while3A_807 : i32
      %while3A_809 = arith.constant 1 : i32
      %while3A_810 = scf.for %while3A_997 = %sub3A_100 to %while3A_808 step %while3A_809 iter_args(%while3A_998 = %broadcast_in_dim3A_802) -> (vector<16xf32>)  : i32 {
        %get3A_999 = arith.index_cast %while3A_997 : i32 to index
        %get3A_1000 = arith.constant 800 : index
        %get3A_1001 = tpu.vector_load %arg6[%get3A_999, %get3A_1000] {strides = array<i32>} : memref<64x1024xf32, #tpu.memory_space<vmem>>, vector<16xf32>,
        %add3A_1002 = arith.addf %while3A_998, %get3A_1001 : vector<16xf32>
        scf.yield %add3A_1002 : vector<16xf32>
      }
      %while3A_811 = arith.constant 1 : i32
      %while3A_812 = scf.for %while3A_997 = %while3A_808 to %while3A_804 step %while3A_811 iter_args(%while3A_998 = %while3A_810) -> (vector<16xf32>)  : i32 {
        %get3A_999 = arith.index_cast %while3A_997 : i32 to index
        %get3A_1000 = arith.constant 800 : index
        %get3A_1001 = tpu.vector_load %arg6[%get3A_999, %get3A_1000] {strides = array<i32>} : memref<64x1024xf32, #tpu.memory_space<vmem>>, vector<16xf32>,
        %add3A_1002 = arith.addf %while3A_998, %get3A_1001 : vector<16xf32>
        scf.yield %add3A_1002 : vector<16xf32>
      }
      %swap3A_813 = arith.constant 800 : index
      %swap3A_814 = tpu.vector_load %arg7[%swap3A_813] {strides = array<i32>} : memref<1024xf32, #tpu.memory_space<vmem>>, vector<16xf32>,
      tpu.vector_store %arg7[%swap3A_813], %while3A_812 {strides = array<i32>} : memref<1024xf32, #tpu.memory_space<vmem>>, vector<16xf32>,
      %broadcast_in_dim3A_815 = arith.constant 0.000000e+00 : f32
      %broadcast_in_dim3A_816 = vector.broadcast %broadcast_in_dim3A_815 : f32 to vector<16xf32>
      %while3A_817 = arith.subi %add3A_101, %sub3A_100 : i32
      %while3A_818 = arith.addi %sub3A_100, %while3A_817 : i32
      %while3A_819 = arith.constant 1 : i32
      %while3A_820 = arith.divsi %while3A_817, %while3A_819 : i32
      %while3A_821 = arith.muli %while3A_820, %while3A_819 : i32
      %while3A_822 = arith.addi %sub3A_100, %while3A_821 : i32
      %while3A_823 = arith.constant 1 : i32
      %while3A_824 = scf.for %while3A_997 = %sub3A_100 to %while3A_822 step %while3A_823 iter_args(%while3A_998 = %broadcast_in_dim3A_816) -> (vector<16xf32>)  : i32 {
        %get3A_999 = arith.index_cast %while3A_997 : i32 to index
        %get3A_1000 = arith.constant 816 : index
        %get3A_1001 = tpu.vector_load %arg6[%get3A_999, %get3A_1000] {strides = array<i32>} : memref<64x1024xf32, #tpu.memory_space<vmem>>, vector<16xf32>,
        %add3A_1002 = arith.addf %while3A_998, %get3A_1001 : vector<16xf32>
        scf.yield %add3A_1002 : vector<16xf32>
      }
      %while3A_825 = arith.constant 1 : i32
      %while3A_826 = scf.for %while3A_997 = %while3A_822 to %while3A_818 step %while3A_825 iter_args(%while3A_998 = %while3A_824) -> (vector<16xf32>)  : i32 {
        %get3A_999 = arith.index_cast %while3A_997 : i32 to index
        %get3A_1000 = arith.constant 816 : index
        %get3A_1001 = tpu.vector_load %arg6[%get3A_999, %get3A_1000] {strides = array<i32>} : memref<64x1024xf32, #tpu.memory_space<vmem>>, vector<16xf32>,
        %add3A_1002 = arith.addf %while3A_998, %get3A_1001 : vector<16xf32>
        scf.yield %add3A_1002 : vector<16xf32>
      }
      %swap3A_827 = arith.constant 816 : index
      %swap3A_828 = tpu.vector_load %arg7[%swap3A_827] {strides = array<i32>} : memref<1024xf32, #tpu.memory_space<vmem>>, vector<16xf32>,
      tpu.vector_store %arg7[%swap3A_827], %while3A_826 {strides = array<i32>} : memref<1024xf32, #tpu.memory_space<vmem>>, vector<16xf32>,
      %broadcast_in_dim3A_829 = arith.constant 0.000000e+00 : f32
      %broadcast_in_dim3A_830 = vector.broadcast %broadcast_in_dim3A_829 : f32 to vector<16xf32>
      %while3A_831 = arith.subi %add3A_101, %sub3A_100 : i32
      %while3A_832 = arith.addi %sub3A_100, %while3A_831 : i32
      %while3A_833 = arith.constant 1 : i32
      %while3A_834 = arith.divsi %while3A_831, %while3A_833 : i32
      %while3A_835 = arith.muli %while3A_834, %while3A_833 : i32
      %while3A_836 = arith.addi %sub3A_100, %while3A_835 : i32
      %while3A_837 = arith.constant 1 : i32
      %while3A_838 = scf.for %while3A_997 = %sub3A_100 to %while3A_836 step %while3A_837 iter_args(%while3A_998 = %broadcast_in_dim3A_830) -> (vector<16xf32>)  : i32 {
        %get3A_999 = arith.index_cast %while3A_997 : i32 to index
        %get3A_1000 = arith.constant 832 : index
        %get3A_1001 = tpu.vector_load %arg6[%get3A_999, %get3A_1000] {strides = array<i32>} : memref<64x1024xf32, #tpu.memory_space<vmem>>, vector<16xf32>,
        %add3A_1002 = arith.addf %while3A_998, %get3A_1001 : vector<16xf32>
        scf.yield %add3A_1002 : vector<16xf32>
      }
      %while3A_839 = arith.constant 1 : i32
      %while3A_840 = scf.for %while3A_997 = %while3A_836 to %while3A_832 step %while3A_839 iter_args(%while3A_998 = %while3A_838) -> (vector<16xf32>)  : i32 {
        %get3A_999 = arith.index_cast %while3A_997 : i32 to index
        %get3A_1000 = arith.constant 832 : index
        %get3A_1001 = tpu.vector_load %arg6[%get3A_999, %get3A_1000] {strides = array<i32>} : memref<64x1024xf32, #tpu.memory_space<vmem>>, vector<16xf32>,
        %add3A_1002 = arith.addf %while3A_998, %get3A_1001 : vector<16xf32>
        scf.yield %add3A_1002 : vector<16xf32>
      }
      %swap3A_841 = arith.constant 832 : index
      %swap3A_842 = tpu.vector_load %arg7[%swap3A_841] {strides = array<i32>} : memref<1024xf32, #tpu.memory_space<vmem>>, vector<16xf32>,
      tpu.vector_store %arg7[%swap3A_841], %while3A_840 {strides = array<i32>} : memref<1024xf32, #tpu.memory_space<vmem>>, vector<16xf32>,
      %broadcast_in_dim3A_843 = arith.constant 0.000000e+00 : f32
      %broadcast_in_dim3A_844 = vector.broadcast %broadcast_in_dim3A_843 : f32 to vector<16xf32>
      %while3A_845 = arith.subi %add3A_101, %sub3A_100 : i32
      %while3A_846 = arith.addi %sub3A_100, %while3A_845 : i32
      %while3A_847 = arith.constant 1 : i32
      %while3A_848 = arith.divsi %while3A_845, %while3A_847 : i32
      %while3A_849 = arith.muli %while3A_848, %while3A_847 : i32
      %while3A_850 = arith.addi %sub3A_100, %while3A_849 : i32
      %while3A_851 = arith.constant 1 : i32
      %while3A_852 = scf.for %while3A_997 = %sub3A_100 to %while3A_850 step %while3A_851 iter_args(%while3A_998 = %broadcast_in_dim3A_844) -> (vector<16xf32>)  : i32 {
        %get3A_999 = arith.index_cast %while3A_997 : i32 to index
        %get3A_1000 = arith.constant 848 : index
        %get3A_1001 = tpu.vector_load %arg6[%get3A_999, %get3A_1000] {strides = array<i32>} : memref<64x1024xf32, #tpu.memory_space<vmem>>, vector<16xf32>,
        %add3A_1002 = arith.addf %while3A_998, %get3A_1001 : vector<16xf32>
        scf.yield %add3A_1002 : vector<16xf32>
      }
      %while3A_853 = arith.constant 1 : i32
      %while3A_854 = scf.for %while3A_997 = %while3A_850 to %while3A_846 step %while3A_853 iter_args(%while3A_998 = %while3A_852) -> (vector<16xf32>)  : i32 {
        %get3A_999 = arith.index_cast %while3A_997 : i32 to index
        %get3A_1000 = arith.constant 848 : index
        %get3A_1001 = tpu.vector_load %arg6[%get3A_999, %get3A_1000] {strides = array<i32>} : memref<64x1024xf32, #tpu.memory_space<vmem>>, vector<16xf32>,
        %add3A_1002 = arith.addf %while3A_998, %get3A_1001 : vector<16xf32>
        scf.yield %add3A_1002 : vector<16xf32>
      }
      %swap3A_855 = arith.constant 848 : index
      %swap3A_856 = tpu.vector_load %arg7[%swap3A_855] {strides = array<i32>} : memref<1024xf32, #tpu.memory_space<vmem>>, vector<16xf32>,
      tpu.vector_store %arg7[%swap3A_855], %while3A_854 {strides = array<i32>} : memref<1024xf32, #tpu.memory_space<vmem>>, vector<16xf32>,
      %broadcast_in_dim3A_857 = arith.constant 0.000000e+00 : f32
      %broadcast_in_dim3A_858 = vector.broadcast %broadcast_in_dim3A_857 : f32 to vector<16xf32>
      %while3A_859 = arith.subi %add3A_101, %sub3A_100 : i32
      %while3A_860 = arith.addi %sub3A_100, %while3A_859 : i32
      %while3A_861 = arith.constant 1 : i32
      %while3A_862 = arith.divsi %while3A_859, %while3A_861 : i32
      %while3A_863 = arith.muli %while3A_862, %while3A_861 : i32
      %while3A_864 = arith.addi %sub3A_100, %while3A_863 : i32
      %while3A_865 = arith.constant 1 : i32
      %while3A_866 = scf.for %while3A_997 = %sub3A_100 to %while3A_864 step %while3A_865 iter_args(%while3A_998 = %broadcast_in_dim3A_858) -> (vector<16xf32>)  : i32 {
        %get3A_999 = arith.index_cast %while3A_997 : i32 to index
        %get3A_1000 = arith.constant 864 : index
        %get3A_1001 = tpu.vector_load %arg6[%get3A_999, %get3A_1000] {strides = array<i32>} : memref<64x1024xf32, #tpu.memory_space<vmem>>, vector<16xf32>,
        %add3A_1002 = arith.addf %while3A_998, %get3A_1001 : vector<16xf32>
        scf.yield %add3A_1002 : vector<16xf32>
      }
      %while3A_867 = arith.constant 1 : i32
      %while3A_868 = scf.for %while3A_997 = %while3A_864 to %while3A_860 step %while3A_867 iter_args(%while3A_998 = %while3A_866) -> (vector<16xf32>)  : i32 {
        %get3A_999 = arith.index_cast %while3A_997 : i32 to index
        %get3A_1000 = arith.constant 864 : index
        %get3A_1001 = tpu.vector_load %arg6[%get3A_999, %get3A_1000] {strides = array<i32>} : memref<64x1024xf32, #tpu.memory_space<vmem>>, vector<16xf32>,
        %add3A_1002 = arith.addf %while3A_998, %get3A_1001 : vector<16xf32>
        scf.yield %add3A_1002 : vector<16xf32>
      }
      %swap3A_869 = arith.constant 864 : index
      %swap3A_870 = tpu.vector_load %arg7[%swap3A_869] {strides = array<i32>} : memref<1024xf32, #tpu.memory_space<vmem>>, vector<16xf32>,
      tpu.vector_store %arg7[%swap3A_869], %while3A_868 {strides = array<i32>} : memref<1024xf32, #tpu.memory_space<vmem>>, vector<16xf32>,
      %broadcast_in_dim3A_871 = arith.constant 0.000000e+00 : f32
      %broadcast_in_dim3A_872 = vector.broadcast %broadcast_in_dim3A_871 : f32 to vector<16xf32>
      %while3A_873 = arith.subi %add3A_101, %sub3A_100 : i32
      %while3A_874 = arith.addi %sub3A_100, %while3A_873 : i32
      %while3A_875 = arith.constant 1 : i32
      %while3A_876 = arith.divsi %while3A_873, %while3A_875 : i32
      %while3A_877 = arith.muli %while3A_876, %while3A_875 : i32
      %while3A_878 = arith.addi %sub3A_100, %while3A_877 : i32
      %while3A_879 = arith.constant 1 : i32
      %while3A_880 = scf.for %while3A_997 = %sub3A_100 to %while3A_878 step %while3A_879 iter_args(%while3A_998 = %broadcast_in_dim3A_872) -> (vector<16xf32>)  : i32 {
        %get3A_999 = arith.index_cast %while3A_997 : i32 to index
        %get3A_1000 = arith.constant 880 : index
        %get3A_1001 = tpu.vector_load %arg6[%get3A_999, %get3A_1000] {strides = array<i32>} : memref<64x1024xf32, #tpu.memory_space<vmem>>, vector<16xf32>,
        %add3A_1002 = arith.addf %while3A_998, %get3A_1001 : vector<16xf32>
        scf.yield %add3A_1002 : vector<16xf32>
      }
      %while3A_881 = arith.constant 1 : i32
      %while3A_882 = scf.for %while3A_997 = %while3A_878 to %while3A_874 step %while3A_881 iter_args(%while3A_998 = %while3A_880) -> (vector<16xf32>)  : i32 {
        %get3A_999 = arith.index_cast %while3A_997 : i32 to index
        %get3A_1000 = arith.constant 880 : index
        %get3A_1001 = tpu.vector_load %arg6[%get3A_999, %get3A_1000] {strides = array<i32>} : memref<64x1024xf32, #tpu.memory_space<vmem>>, vector<16xf32>,
        %add3A_1002 = arith.addf %while3A_998, %get3A_1001 : vector<16xf32>
        scf.yield %add3A_1002 : vector<16xf32>
      }
      %swap3A_883 = arith.constant 880 : index
      %swap3A_884 = tpu.vector_load %arg7[%swap3A_883] {strides = array<i32>} : memref<1024xf32, #tpu.memory_space<vmem>>, vector<16xf32>,
      tpu.vector_store %arg7[%swap3A_883], %while3A_882 {strides = array<i32>} : memref<1024xf32, #tpu.memory_space<vmem>>, vector<16xf32>,
      %broadcast_in_dim3A_885 = arith.constant 0.000000e+00 : f32
      %broadcast_in_dim3A_886 = vector.broadcast %broadcast_in_dim3A_885 : f32 to vector<16xf32>
      %while3A_887 = arith.subi %add3A_101, %sub3A_100 : i32
      %while3A_888 = arith.addi %sub3A_100, %while3A_887 : i32
      %while3A_889 = arith.constant 1 : i32
      %while3A_890 = arith.divsi %while3A_887, %while3A_889 : i32
      %while3A_891 = arith.muli %while3A_890, %while3A_889 : i32
      %while3A_892 = arith.addi %sub3A_100, %while3A_891 : i32
      %while3A_893 = arith.constant 1 : i32
      %while3A_894 = scf.for %while3A_997 = %sub3A_100 to %while3A_892 step %while3A_893 iter_args(%while3A_998 = %broadcast_in_dim3A_886) -> (vector<16xf32>)  : i32 {
        %get3A_999 = arith.index_cast %while3A_997 : i32 to index
        %get3A_1000 = arith.constant 896 : index
        %get3A_1001 = tpu.vector_load %arg6[%get3A_999, %get3A_1000] {strides = array<i32>} : memref<64x1024xf32, #tpu.memory_space<vmem>>, vector<16xf32>,
        %add3A_1002 = arith.addf %while3A_998, %get3A_1001 : vector<16xf32>
        scf.yield %add3A_1002 : vector<16xf32>
      }
      %while3A_895 = arith.constant 1 : i32
      %while3A_896 = scf.for %while3A_997 = %while3A_892 to %while3A_888 step %while3A_895 iter_args(%while3A_998 = %while3A_894) -> (vector<16xf32>)  : i32 {
        %get3A_999 = arith.index_cast %while3A_997 : i32 to index
        %get3A_1000 = arith.constant 896 : index
        %get3A_1001 = tpu.vector_load %arg6[%get3A_999, %get3A_1000] {strides = array<i32>} : memref<64x1024xf32, #tpu.memory_space<vmem>>, vector<16xf32>,
        %add3A_1002 = arith.addf %while3A_998, %get3A_1001 : vector<16xf32>
        scf.yield %add3A_1002 : vector<16xf32>
      }
      %swap3A_897 = arith.constant 896 : index
      %swap3A_898 = tpu.vector_load %arg7[%swap3A_897] {strides = array<i32>} : memref<1024xf32, #tpu.memory_space<vmem>>, vector<16xf32>,
      tpu.vector_store %arg7[%swap3A_897], %while3A_896 {strides = array<i32>} : memref<1024xf32, #tpu.memory_space<vmem>>, vector<16xf32>,
      %broadcast_in_dim3A_899 = arith.constant 0.000000e+00 : f32
      %broadcast_in_dim3A_900 = vector.broadcast %broadcast_in_dim3A_899 : f32 to vector<16xf32>
      %while3A_901 = arith.subi %add3A_101, %sub3A_100 : i32
      %while3A_902 = arith.addi %sub3A_100, %while3A_901 : i32
      %while3A_903 = arith.constant 1 : i32
      %while3A_904 = arith.divsi %while3A_901, %while3A_903 : i32
      %while3A_905 = arith.muli %while3A_904, %while3A_903 : i32
      %while3A_906 = arith.addi %sub3A_100, %while3A_905 : i32
      %while3A_907 = arith.constant 1 : i32
      %while3A_908 = scf.for %while3A_997 = %sub3A_100 to %while3A_906 step %while3A_907 iter_args(%while3A_998 = %broadcast_in_dim3A_900) -> (vector<16xf32>)  : i32 {
        %get3A_999 = arith.index_cast %while3A_997 : i32 to index
        %get3A_1000 = arith.constant 912 : index
        %get3A_1001 = tpu.vector_load %arg6[%get3A_999, %get3A_1000] {strides = array<i32>} : memref<64x1024xf32, #tpu.memory_space<vmem>>, vector<16xf32>,
        %add3A_1002 = arith.addf %while3A_998, %get3A_1001 : vector<16xf32>
        scf.yield %add3A_1002 : vector<16xf32>
      }
      %while3A_909 = arith.constant 1 : i32
      %while3A_910 = scf.for %while3A_997 = %while3A_906 to %while3A_902 step %while3A_909 iter_args(%while3A_998 = %while3A_908) -> (vector<16xf32>)  : i32 {
        %get3A_999 = arith.index_cast %while3A_997 : i32 to index
        %get3A_1000 = arith.constant 912 : index
        %get3A_1001 = tpu.vector_load %arg6[%get3A_999, %get3A_1000] {strides = array<i32>} : memref<64x1024xf32, #tpu.memory_space<vmem>>, vector<16xf32>,
        %add3A_1002 = arith.addf %while3A_998, %get3A_1001 : vector<16xf32>
        scf.yield %add3A_1002 : vector<16xf32>
      }
      %swap3A_911 = arith.constant 912 : index
      %swap3A_912 = tpu.vector_load %arg7[%swap3A_911] {strides = array<i32>} : memref<1024xf32, #tpu.memory_space<vmem>>, vector<16xf32>,
      tpu.vector_store %arg7[%swap3A_911], %while3A_910 {strides = array<i32>} : memref<1024xf32, #tpu.memory_space<vmem>>, vector<16xf32>,
      %broadcast_in_dim3A_913 = arith.constant 0.000000e+00 : f32
      %broadcast_in_dim3A_914 = vector.broadcast %broadcast_in_dim3A_913 : f32 to vector<16xf32>
      %while3A_915 = arith.subi %add3A_101, %sub3A_100 : i32
      %while3A_916 = arith.addi %sub3A_100, %while3A_915 : i32
      %while3A_917 = arith.constant 1 : i32
      %while3A_918 = arith.divsi %while3A_915, %while3A_917 : i32
      %while3A_919 = arith.muli %while3A_918, %while3A_917 : i32
      %while3A_920 = arith.addi %sub3A_100, %while3A_919 : i32
      %while3A_921 = arith.constant 1 : i32
      %while3A_922 = scf.for %while3A_997 = %sub3A_100 to %while3A_920 step %while3A_921 iter_args(%while3A_998 = %broadcast_in_dim3A_914) -> (vector<16xf32>)  : i32 {
        %get3A_999 = arith.index_cast %while3A_997 : i32 to index
        %get3A_1000 = arith.constant 928 : index
        %get3A_1001 = tpu.vector_load %arg6[%get3A_999, %get3A_1000] {strides = array<i32>} : memref<64x1024xf32, #tpu.memory_space<vmem>>, vector<16xf32>,
        %add3A_1002 = arith.addf %while3A_998, %get3A_1001 : vector<16xf32>
        scf.yield %add3A_1002 : vector<16xf32>
      }
      %while3A_923 = arith.constant 1 : i32
      %while3A_924 = scf.for %while3A_997 = %while3A_920 to %while3A_916 step %while3A_923 iter_args(%while3A_998 = %while3A_922) -> (vector<16xf32>)  : i32 {
        %get3A_999 = arith.index_cast %while3A_997 : i32 to index
        %get3A_1000 = arith.constant 928 : index
        %get3A_1001 = tpu.vector_load %arg6[%get3A_999, %get3A_1000] {strides = array<i32>} : memref<64x1024xf32, #tpu.memory_space<vmem>>, vector<16xf32>,
        %add3A_1002 = arith.addf %while3A_998, %get3A_1001 : vector<16xf32>
        scf.yield %add3A_1002 : vector<16xf32>
      }
      %swap3A_925 = arith.constant 928 : index
      %swap3A_926 = tpu.vector_load %arg7[%swap3A_925] {strides = array<i32>} : memref<1024xf32, #tpu.memory_space<vmem>>, vector<16xf32>,
      tpu.vector_store %arg7[%swap3A_925], %while3A_924 {strides = array<i32>} : memref<1024xf32, #tpu.memory_space<vmem>>, vector<16xf32>,
      %broadcast_in_dim3A_927 = arith.constant 0.000000e+00 : f32
      %broadcast_in_dim3A_928 = vector.broadcast %broadcast_in_dim3A_927 : f32 to vector<16xf32>
      %while3A_929 = arith.subi %add3A_101, %sub3A_100 : i32
      %while3A_930 = arith.addi %sub3A_100, %while3A_929 : i32
      %while3A_931 = arith.constant 1 : i32
      %while3A_932 = arith.divsi %while3A_929, %while3A_931 : i32
      %while3A_933 = arith.muli %while3A_932, %while3A_931 : i32
      %while3A_934 = arith.addi %sub3A_100, %while3A_933 : i32
      %while3A_935 = arith.constant 1 : i32
      %while3A_936 = scf.for %while3A_997 = %sub3A_100 to %while3A_934 step %while3A_935 iter_args(%while3A_998 = %broadcast_in_dim3A_928) -> (vector<16xf32>)  : i32 {
        %get3A_999 = arith.index_cast %while3A_997 : i32 to index
        %get3A_1000 = arith.constant 944 : index
        %get3A_1001 = tpu.vector_load %arg6[%get3A_999, %get3A_1000] {strides = array<i32>} : memref<64x1024xf32, #tpu.memory_space<vmem>>, vector<16xf32>,
        %add3A_1002 = arith.addf %while3A_998, %get3A_1001 : vector<16xf32>
        scf.yield %add3A_1002 : vector<16xf32>
      }
      %while3A_937 = arith.constant 1 : i32
      %while3A_938 = scf.for %while3A_997 = %while3A_934 to %while3A_930 step %while3A_937 iter_args(%while3A_998 = %while3A_936) -> (vector<16xf32>)  : i32 {
        %get3A_999 = arith.index_cast %while3A_997 : i32 to index
        %get3A_1000 = arith.constant 944 : index
        %get3A_1001 = tpu.vector_load %arg6[%get3A_999, %get3A_1000] {strides = array<i32>} : memref<64x1024xf32, #tpu.memory_space<vmem>>, vector<16xf32>,
        %add3A_1002 = arith.addf %while3A_998, %get3A_1001 : vector<16xf32>
        scf.yield %add3A_1002 : vector<16xf32>
      }
      %swap3A_939 = arith.constant 944 : index
      %swap3A_940 = tpu.vector_load %arg7[%swap3A_939] {strides = array<i32>} : memref<1024xf32, #tpu.memory_space<vmem>>, vector<16xf32>,
      tpu.vector_store %arg7[%swap3A_939], %while3A_938 {strides = array<i32>} : memref<1024xf32, #tpu.memory_space<vmem>>, vector<16xf32>,
      %broadcast_in_dim3A_941 = arith.constant 0.000000e+00 : f32
      %broadcast_in_dim3A_942 = vector.broadcast %broadcast_in_dim3A_941 : f32 to vector<16xf32>
      %while3A_943 = arith.subi %add3A_101, %sub3A_100 : i32
      %while3A_944 = arith.addi %sub3A_100, %while3A_943 : i32
      %while3A_945 = arith.constant 1 : i32
      %while3A_946 = arith.divsi %while3A_943, %while3A_945 : i32
      %while3A_947 = arith.muli %while3A_946, %while3A_945 : i32
      %while3A_948 = arith.addi %sub3A_100, %while3A_947 : i32
      %while3A_949 = arith.constant 1 : i32
      %while3A_950 = scf.for %while3A_997 = %sub3A_100 to %while3A_948 step %while3A_949 iter_args(%while3A_998 = %broadcast_in_dim3A_942) -> (vector<16xf32>)  : i32 {
        %get3A_999 = arith.index_cast %while3A_997 : i32 to index
        %get3A_1000 = arith.constant 960 : index
        %get3A_1001 = tpu.vector_load %arg6[%get3A_999, %get3A_1000] {strides = array<i32>} : memref<64x1024xf32, #tpu.memory_space<vmem>>, vector<16xf32>,
        %add3A_1002 = arith.addf %while3A_998, %get3A_1001 : vector<16xf32>
        scf.yield %add3A_1002 : vector<16xf32>
      }
      %while3A_951 = arith.constant 1 : i32
      %while3A_952 = scf.for %while3A_997 = %while3A_948 to %while3A_944 step %while3A_951 iter_args(%while3A_998 = %while3A_950) -> (vector<16xf32>)  : i32 {
        %get3A_999 = arith.index_cast %while3A_997 : i32 to index
        %get3A_1000 = arith.constant 960 : index
        %get3A_1001 = tpu.vector_load %arg6[%get3A_999, %get3A_1000] {strides = array<i32>} : memref<64x1024xf32, #tpu.memory_space<vmem>>, vector<16xf32>,
        %add3A_1002 = arith.addf %while3A_998, %get3A_1001 : vector<16xf32>
        scf.yield %add3A_1002 : vector<16xf32>
      }
      %swap3A_953 = arith.constant 960 : index
      %swap3A_954 = tpu.vector_load %arg7[%swap3A_953] {strides = array<i32>} : memref<1024xf32, #tpu.memory_space<vmem>>, vector<16xf32>,
      tpu.vector_store %arg7[%swap3A_953], %while3A_952 {strides = array<i32>} : memref<1024xf32, #tpu.memory_space<vmem>>, vector<16xf32>,
      %broadcast_in_dim3A_955 = arith.constant 0.000000e+00 : f32
      %broadcast_in_dim3A_956 = vector.broadcast %broadcast_in_dim3A_955 : f32 to vector<16xf32>
      %while3A_957 = arith.subi %add3A_101, %sub3A_100 : i32
      %while3A_958 = arith.addi %sub3A_100, %while3A_957 : i32
      %while3A_959 = arith.constant 1 : i32
      %while3A_960 = arith.divsi %while3A_957, %while3A_959 : i32
      %while3A_961 = arith.muli %while3A_960, %while3A_959 : i32
      %while3A_962 = arith.addi %sub3A_100, %while3A_961 : i32
      %while3A_963 = arith.constant 1 : i32
      %while3A_964 = scf.for %while3A_997 = %sub3A_100 to %while3A_962 step %while3A_963 iter_args(%while3A_998 = %broadcast_in_dim3A_956) -> (vector<16xf32>)  : i32 {
        %get3A_999 = arith.index_cast %while3A_997 : i32 to index
        %get3A_1000 = arith.constant 976 : index
        %get3A_1001 = tpu.vector_load %arg6[%get3A_999, %get3A_1000] {strides = array<i32>} : memref<64x1024xf32, #tpu.memory_space<vmem>>, vector<16xf32>,
        %add3A_1002 = arith.addf %while3A_998, %get3A_1001 : vector<16xf32>
        scf.yield %add3A_1002 : vector<16xf32>
      }
      %while3A_965 = arith.constant 1 : i32
      %while3A_966 = scf.for %while3A_997 = %while3A_962 to %while3A_958 step %while3A_965 iter_args(%while3A_998 = %while3A_964) -> (vector<16xf32>)  : i32 {
        %get3A_999 = arith.index_cast %while3A_997 : i32 to index
        %get3A_1000 = arith.constant 976 : index
        %get3A_1001 = tpu.vector_load %arg6[%get3A_999, %get3A_1000] {strides = array<i32>} : memref<64x1024xf32, #tpu.memory_space<vmem>>, vector<16xf32>,
        %add3A_1002 = arith.addf %while3A_998, %get3A_1001 : vector<16xf32>
        scf.yield %add3A_1002 : vector<16xf32>
      }
      %swap3A_967 = arith.constant 976 : index
      %swap3A_968 = tpu.vector_load %arg7[%swap3A_967] {strides = array<i32>} : memref<1024xf32, #tpu.memory_space<vmem>>, vector<16xf32>,
      tpu.vector_store %arg7[%swap3A_967], %while3A_966 {strides = array<i32>} : memref<1024xf32, #tpu.memory_space<vmem>>, vector<16xf32>,
      %broadcast_in_dim3A_969 = arith.constant 0.000000e+00 : f32
      %broadcast_in_dim3A_970 = vector.broadcast %broadcast_in_dim3A_969 : f32 to vector<16xf32>
      %while3A_971 = arith.subi %add3A_101, %sub3A_100 : i32
      %while3A_972 = arith.addi %sub3A_100, %while3A_971 : i32
      %while3A_973 = arith.constant 1 : i32
      %while3A_974 = arith.divsi %while3A_971, %while3A_973 : i32
      %while3A_975 = arith.muli %while3A_974, %while3A_973 : i32
      %while3A_976 = arith.addi %sub3A_100, %while3A_975 : i32
      %while3A_977 = arith.constant 1 : i32
      %while3A_978 = scf.for %while3A_997 = %sub3A_100 to %while3A_976 step %while3A_977 iter_args(%while3A_998 = %broadcast_in_dim3A_970) -> (vector<16xf32>)  : i32 {
        %get3A_999 = arith.index_cast %while3A_997 : i32 to index
        %get3A_1000 = arith.constant 992 : index
        %get3A_1001 = tpu.vector_load %arg6[%get3A_999, %get3A_1000] {strides = array<i32>} : memref<64x1024xf32, #tpu.memory_space<vmem>>, vector<16xf32>,
        %add3A_1002 = arith.addf %while3A_998, %get3A_1001 : vector<16xf32>
        scf.yield %add3A_1002 : vector<16xf32>
      }
      %while3A_979 = arith.constant 1 : i32
      %while3A_980 = scf.for %while3A_997 = %while3A_976 to %while3A_972 step %while3A_979 iter_args(%while3A_998 = %while3A_978) -> (vector<16xf32>)  : i32 {
        %get3A_999 = arith.index_cast %while3A_997 : i32 to index
        %get3A_1000 = arith.constant 992 : index
        %get3A_1001 = tpu.vector_load %arg6[%get3A_999, %get3A_1000] {strides = array<i32>} : memref<64x1024xf32, #tpu.memory_space<vmem>>, vector<16xf32>,
        %add3A_1002 = arith.addf %while3A_998, %get3A_1001 : vector<16xf32>
        scf.yield %add3A_1002 : vector<16xf32>
      }
      %swap3A_981 = arith.constant 992 : index
      %swap3A_982 = tpu.vector_load %arg7[%swap3A_981] {strides = array<i32>} : memref<1024xf32, #tpu.memory_space<vmem>>, vector<16xf32>,
      tpu.vector_store %arg7[%swap3A_981], %while3A_980 {strides = array<i32>} : memref<1024xf32, #tpu.memory_space<vmem>>, vector<16xf32>,
      %broadcast_in_dim3A_983 = arith.constant 0.000000e+00 : f32
      %broadcast_in_dim3A_984 = vector.broadcast %broadcast_in_dim3A_983 : f32 to vector<16xf32>
      %while3A_985 = arith.subi %add3A_101, %sub3A_100 : i32
      %while3A_986 = arith.addi %sub3A_100, %while3A_985 : i32
      %while3A_987 = arith.constant 1 : i32
      %while3A_988 = arith.divsi %while3A_985, %while3A_987 : i32
      %while3A_989 = arith.muli %while3A_988, %while3A_987 : i32
      %while3A_990 = arith.addi %sub3A_100, %while3A_989 : i32
      %while3A_991 = arith.constant 1 : i32
      %while3A_992 = scf.for %while3A_997 = %sub3A_100 to %while3A_990 step %while3A_991 iter_args(%while3A_998 = %broadcast_in_dim3A_984) -> (vector<16xf32>)  : i32 {
        %get3A_999 = arith.index_cast %while3A_997 : i32 to index
        %get3A_1000 = arith.constant 1008 : index
        %get3A_1001 = tpu.vector_load %arg6[%get3A_999, %get3A_1000] {strides = array<i32>} : memref<64x1024xf32, #tpu.memory_space<vmem>>, vector<16xf32>,
        %add3A_1002 = arith.addf %while3A_998, %get3A_1001 : vector<16xf32>
        scf.yield %add3A_1002 : vector<16xf32>
      }
      %while3A_993 = arith.constant 1 : i32
      %while3A_994 = scf.for %while3A_997 = %while3A_990 to %while3A_986 step %while3A_993 iter_args(%while3A_998 = %while3A_992) -> (vector<16xf32>)  : i32 {
        %get3A_999 = arith.index_cast %while3A_997 : i32 to index
        %get3A_1000 = arith.constant 1008 : index
        %get3A_1001 = tpu.vector_load %arg6[%get3A_999, %get3A_1000] {strides = array<i32>} : memref<64x1024xf32, #tpu.memory_space<vmem>>, vector<16xf32>,
        %add3A_1002 = arith.addf %while3A_998, %get3A_1001 : vector<16xf32>
        scf.yield %add3A_1002 : vector<16xf32>
      }
      %swap3A_995 = arith.constant 1008 : index
      %swap3A_996 = tpu.vector_load %arg7[%swap3A_995] {strides = array<i32>} : memref<1024xf32, #tpu.memory_space<vmem>>, vector<16xf32>,
      tpu.vector_store %arg7[%swap3A_995], %while3A_994 {strides = array<i32>} : memref<1024xf32, #tpu.memory_space<vmem>>, vector<16xf32>,
    } else {
    }
    "tpu.region"() ({
      %run_scoped3A = tpu.sem_alloc : memref<!tpu.dma_semaphore, #tpu.memory_space<semaphore_mem>>
      %dma_start3A = arith.constant 0 : i32
      %dma_start3A_33 = tpu.memref_slice %arg4[%add3A, %dma_start3A] : memref<32x1024xf32, #tpu.memory_space<hbm>> -> memref<1x1024xf32, #tpu.memory_space<hbm>>
      %dma_start3A_34 = tpu.memref_squeeze %dma_start3A_33 : memref<1x1024xf32, #tpu.memory_space<hbm>> -> memref<1024xf32, #tpu.memory_space<hbm>>
      %dma_start3A_35 = arith.constant 0 : i32
      %dma_start3A_36 = tpu.memref_slice %arg4[%add3A, %dma_start3A_35] : memref<32x1024xf32, #tpu.memory_space<hbm>> -> memref<1x1024xf32, #tpu.memory_space<hbm>>
      %dma_start3A_37 = tpu.memref_squeeze %dma_start3A_36 : memref<1x1024xf32, #tpu.memory_space<hbm>> -> memref<1024xf32, #tpu.memory_space<hbm>>
      tpu.enqueue_dma source(%arg7 : memref<1024xf32, #tpu.memory_space<vmem>>) target(%dma_start3A_37 : memref<1024xf32, #tpu.memory_space<hbm>>) target_semaphore(%run_scoped3A : memref<!tpu.dma_semaphore, #tpu.memory_space<semaphore_mem>>)
      %dma_wait3A = arith.constant 0 : i32
      %dma_wait3A_38 = tpu.memref_slice %arg4[%add3A, %dma_wait3A] : memref<32x1024xf32, #tpu.memory_space<hbm>> -> memref<1x1024xf32, #tpu.memory_space<hbm>>
      %dma_wait3A_39 = tpu.memref_squeeze %dma_wait3A_38 : memref<1x1024xf32, #tpu.memory_space<hbm>> -> memref<1024xf32, #tpu.memory_space<hbm>>
      %dma_wait3A_40 = arith.constant 0 : i32
      %dma_wait3A_41 = tpu.memref_slice %arg4[%add3A, %dma_wait3A_40] : memref<32x1024xf32, #tpu.memory_space<hbm>> -> memref<1x1024xf32, #tpu.memory_space<hbm>>
      %dma_wait3A_42 = tpu.memref_squeeze %dma_wait3A_41 : memref<1x1024xf32, #tpu.memory_space<hbm>> -> memref<1024xf32, #tpu.memory_space<hbm>>
      tpu.wait_dma2 semaphore(%run_scoped3A : memref<!tpu.dma_semaphore, #tpu.memory_space<semaphore_mem>>) src(%arg7 : memref<1024xf32, #tpu.memory_space<vmem>>) dst(%dma_wait3A_42 : memref<1024xf32, #tpu.memory_space<hbm>>)
      tpu.yield
    }) : () -> ()
    return
  }
}

module attributes {stable_mosaic.version = 14 : i64} {
  func.func @_combine_body(%arg0: memref<16x1024xf32, #tpu.memory_space<vmem>>, %arg1: memref<32x1024xf32, #tpu.memory_space<vmem>>, %arg2: memref<16x1xf32, #tpu.memory_space<vmem>>, %arg3: memref<16x1024xf32, #tpu.memory_space<vmem>>) attributes {dimension_semantics = [], scalar_prefetch = 0 : i64, scratch_operands = 0 : i64, tpu.core_type = #tpu.core_type<tc>} {
    %get3A = arith.constant 0 : index
    %get3A_0 = arith.constant 0 : index
    %get3A_1 = vector.load %arg0[%get3A, %get3A_0] : memref<16x1024xf32, #tpu.memory_space<vmem>>, vector<16x1024xf32>
    %get3A_2 = arith.constant 0 : index
    %get3A_3 = arith.constant 0 : index
    %get3A_4 = vector.load %arg1[%get3A_2, %get3A_3] : memref<32x1024xf32, #tpu.memory_space<vmem>>, vector<16x1024xf32>
    %add3A = arith.addf %get3A_1, %get3A_4 : vector<16x1024xf32>
    %get3A_5 = arith.constant 16 : index
    %get3A_6 = arith.constant 0 : index
    %get3A_7 = vector.load %arg1[%get3A_5, %get3A_6] : memref<32x1024xf32, #tpu.memory_space<vmem>>, vector<16x1024xf32>
    %add3A_8 = arith.addf %add3A, %get3A_7 : vector<16x1024xf32>
    %get3A_9 = arith.constant 0 : index
    %get3A_10 = arith.constant 0 : index
    %get3A_11 = vector.load %arg2[%get3A_9, %get3A_10] : memref<16x1xf32, #tpu.memory_space<vmem>>, vector<16x1xf32>
    %div3A = vector.broadcast %get3A_11 : vector<16x1xf32> to vector<16x1024xf32>
    %div3A_12 = arith.divf %add3A_8, %div3A : vector<16x1024xf32>
    %mul3A = arith.mulf %div3A_12, %div3A_12 : vector<16x1024xf32>
    %reduce_sum3A = arith.constant dense<0.000000e+00> : vector<16xf32>
    %reduce_sum3A_13 = vector.multi_reduction <add>, %mul3A, %reduce_sum3A [1] : vector<16x1024xf32> to vector<16xf32>
    %broadcast_in_dim3A = vector.shape_cast %reduce_sum3A_13 : vector<16xf32> to vector<16x1xf32>
    %sqrt3A = math.sqrt %broadcast_in_dim3A : vector<16x1xf32>
    %max3A = arith.constant 9.99999996E-13 : f32
    %max3A_14 = vector.broadcast %max3A : f32 to vector<16x1xf32>
    %max3A_15 = arith.maximumf %sqrt3A, %max3A_14 : vector<16x1xf32>
    %div3A_16 = vector.broadcast %max3A_15 : vector<16x1xf32> to vector<16x1024xf32>
    %div3A_17 = arith.divf %div3A_12, %div3A_16 : vector<16x1024xf32>
    %swap3A = arith.constant 0 : index
    %swap3A_18 = arith.constant 0 : index
    %swap3A_19 = vector.load %arg3[%swap3A, %swap3A_18] : memref<16x1024xf32, #tpu.memory_space<vmem>>, vector<16x1024xf32>
    tpu.vector_store %arg3[%swap3A, %swap3A_18], %div3A_17 {strides = array<i32>} : memref<16x1024xf32, #tpu.memory_space<vmem>>, vector<16x1024xf32>,
    return
  }
}

module attributes {stable_mosaic.version = 14 : i64} {
  func.func @_meta_body(%arg0: memref<1x16xi32, #tpu.memory_space<vmem>>, %arg1: memref<1x512xi32, #tpu.memory_space<vmem>>, %arg2: memref<1x1xi32, #tpu.memory_space<vmem>>, %arg3: memref<32x16xi32, #tpu.memory_space<vmem>>, %arg4: memref<16x1xf32, #tpu.memory_space<vmem>>) attributes {dimension_semantics = [], scalar_prefetch = 0 : i64, scratch_operands = 0 : i64, tpu.core_type = #tpu.core_type<tc>} {
    %get3A = arith.constant 0 : index
    %get3A_0 = arith.constant 0 : index
    %get3A_1 = vector.load %arg0[%get3A, %get3A_0] : memref<1x16xi32, #tpu.memory_space<vmem>>, vector<1x16xi32>
    %convert_element_type3A = arith.sitofp %get3A_1 : vector<1x16xi32> to vector<1x16xf32>
    %iota3A = tpu.iota {dimensions = array<i32: 0>} : vector<16x16xi32>
    %iota3A_2 = tpu.iota {dimensions = array<i32: 1>} : vector<16x16xi32>
    %ge3A = arith.cmpi sge, %iota3A, %iota3A_2 : vector<16x16xi32>
    %jit3A = arith.constant 0.000000e+00 : f32
    %broadcast_in_dim3A = vector.shape_cast %convert_element_type3A : vector<1x16xf32> to vector<1x16xf32>
    %broadcast_in_dim3A_3 = vector.broadcast %broadcast_in_dim3A : vector<1x16xf32> to vector<16x16xf32>
    %broadcast_in_dim3A_4 = vector.broadcast %jit3A : f32 to vector<16x16xf32>
    %select_n3A = arith.select %ge3A, %broadcast_in_dim3A_3, %broadcast_in_dim3A_4 : vector<16x16xi1>, vector<16x16xf32>
    %reduce_sum3A = arith.constant dense<0.000000e+00> : vector<16xf32>
    %reduce_sum3A_5 = vector.multi_reduction <add>, %select_n3A, %reduce_sum3A [1] : vector<16x16xf32> to vector<16xf32>
    %broadcast_in_dim3A_6 = vector.shape_cast %reduce_sum3A_5 : vector<16xf32> to vector<16x1xf32>
    %convert_element_type3A_7 = arith.fptosi %broadcast_in_dim3A_6 : vector<16x1xf32> to vector<16x1xi32>
    %eq3A = arith.cmpi eq, %iota3A, %iota3A_2 : vector<16x16xi32>
    %jit3A_8 = arith.constant 0.000000e+00 : f32
    %broadcast_in_dim3A_9 = vector.shape_cast %convert_element_type3A : vector<1x16xf32> to vector<1x16xf32>
    %broadcast_in_dim3A_10 = vector.broadcast %broadcast_in_dim3A_9 : vector<1x16xf32> to vector<16x16xf32>
    %broadcast_in_dim3A_11 = vector.broadcast %jit3A_8 : f32 to vector<16x16xf32>
    %select_n3A_12 = arith.select %eq3A, %broadcast_in_dim3A_10, %broadcast_in_dim3A_11 : vector<16x16xi1>, vector<16x16xf32>
    %reduce_sum3A_13 = arith.constant dense<0.000000e+00> : vector<16xf32>
    %reduce_sum3A_14 = vector.multi_reduction <add>, %select_n3A_12, %reduce_sum3A_13 [1] : vector<16x16xf32> to vector<16xf32>
    %broadcast_in_dim3A_15 = vector.shape_cast %reduce_sum3A_14 : vector<16xf32> to vector<16x1xf32>
    %convert_element_type3A_16 = arith.fptosi %broadcast_in_dim3A_15 : vector<16x1xf32> to vector<16x1xi32>
    %sub3A = arith.subi %convert_element_type3A_7, %convert_element_type3A_16 : vector<16x1xi32>
    %add3A = arith.constant 63 : i32
    %add3A_17 = vector.broadcast %add3A : i32 to vector<16x1xi32>
    %add3A_18 = arith.addi %sub3A, %add3A_17 : vector<16x1xi32>
    %jit3A_19 = arith.constant 64 : i32
    %div3A = vector.broadcast %jit3A_19 : i32 to vector<16x1xi32>
    %div3A_20 = arith.divsi %add3A_18, %div3A : vector<16x1xi32>
    %sign3A = arith.constant 0 : i32
    %sign3A_21 = vector.broadcast %sign3A : i32 to vector<16x1xi32>
    %sign3A_22 = arith.cmpi sgt, %add3A_18, %sign3A_21 : vector<16x1xi32>
    %sign3A_23 = arith.extui %sign3A_22 : vector<16x1xi1> to vector<16x1xi32>
    %sign3A_24 = arith.constant 0 : i32
    %sign3A_25 = vector.broadcast %sign3A_24 : i32 to vector<16x1xi32>
    %sign3A_26 = arith.cmpi slt, %add3A_18, %sign3A_25 : vector<16x1xi32>
    %sign3A_27 = arith.extui %sign3A_26 : vector<16x1xi1> to vector<16x1xi32>
    %sign3A_28 = arith.subi %sign3A_23, %sign3A_27 : vector<16x1xi32>
    %sign3A_29 = arith.constant 0 : i32
    %sign3A_30 = arith.cmpi sgt, %jit3A_19, %sign3A_29 : i32
    %sign3A_31 = arith.extui %sign3A_30 : i1 to i32
    %sign3A_32 = arith.constant 0 : i32
    %sign3A_33 = arith.cmpi slt, %jit3A_19, %sign3A_32 : i32
    %sign3A_34 = arith.extui %sign3A_33 : i1 to i32
    %sign3A_35 = arith.subi %sign3A_31, %sign3A_34 : i32
    %ne3A = vector.broadcast %sign3A_35 : i32 to vector<16x1xi32>
    %ne3A_36 = arith.cmpi ne, %sign3A_28, %ne3A : vector<16x1xi32>
    %rem3A = vector.broadcast %jit3A_19 : i32 to vector<16x1xi32>
    %rem3A_37 = arith.remsi %add3A_18, %rem3A : vector<16x1xi32>
    %ne3A_38 = arith.constant 0 : i32
    %ne3A_39 = vector.broadcast %ne3A_38 : i32 to vector<16x1xi32>
    %ne3A_40 = arith.cmpi ne, %rem3A_37, %ne3A_39 : vector<16x1xi32>
    %and3A = arith.andi %ne3A_36, %ne3A_40 : vector<16x1xi1>
    %sub3A_41 = arith.constant 1 : i32
    %sub3A_42 = vector.broadcast %sub3A_41 : i32 to vector<16x1xi32>
    %sub3A_43 = arith.subi %div3A_20, %sub3A_42 : vector<16x1xi32>
    %select_n3A_44 = arith.select %and3A, %sub3A_43, %div3A_20 : vector<16x1xi1>, vector<16x1xi32>
    %jit3A_45 = arith.constant 64 : i32
    %div3A_46 = vector.broadcast %jit3A_45 : i32 to vector<16x1xi32>
    %div3A_47 = arith.divsi %convert_element_type3A_7, %div3A_46 : vector<16x1xi32>
    %sign3A_48 = arith.constant 0 : i32
    %sign3A_49 = vector.broadcast %sign3A_48 : i32 to vector<16x1xi32>
    %sign3A_50 = arith.cmpi sgt, %convert_element_type3A_7, %sign3A_49 : vector<16x1xi32>
    %sign3A_51 = arith.extui %sign3A_50 : vector<16x1xi1> to vector<16x1xi32>
    %sign3A_52 = arith.constant 0 : i32
    %sign3A_53 = vector.broadcast %sign3A_52 : i32 to vector<16x1xi32>
    %sign3A_54 = arith.cmpi slt, %convert_element_type3A_7, %sign3A_53 : vector<16x1xi32>
    %sign3A_55 = arith.extui %sign3A_54 : vector<16x1xi1> to vector<16x1xi32>
    %sign3A_56 = arith.subi %sign3A_51, %sign3A_55 : vector<16x1xi32>
    %sign3A_57 = arith.constant 0 : i32
    %sign3A_58 = arith.cmpi sgt, %jit3A_45, %sign3A_57 : i32
    %sign3A_59 = arith.extui %sign3A_58 : i1 to i32
    %sign3A_60 = arith.constant 0 : i32
    %sign3A_61 = arith.cmpi slt, %jit3A_45, %sign3A_60 : i32
    %sign3A_62 = arith.extui %sign3A_61 : i1 to i32
    %sign3A_63 = arith.subi %sign3A_59, %sign3A_62 : i32
    %ne3A_64 = vector.broadcast %sign3A_63 : i32 to vector<16x1xi32>
    %ne3A_65 = arith.cmpi ne, %sign3A_56, %ne3A_64 : vector<16x1xi32>
    %rem3A_66 = vector.broadcast %jit3A_45 : i32 to vector<16x1xi32>
    %rem3A_67 = arith.remsi %convert_element_type3A_7, %rem3A_66 : vector<16x1xi32>
    %ne3A_68 = arith.constant 0 : i32
    %ne3A_69 = vector.broadcast %ne3A_68 : i32 to vector<16x1xi32>
    %ne3A_70 = arith.cmpi ne, %rem3A_67, %ne3A_69 : vector<16x1xi32>
    %and3A_71 = arith.andi %ne3A_65, %ne3A_70 : vector<16x1xi1>
    %sub3A_72 = arith.constant 1 : i32
    %sub3A_73 = vector.broadcast %sub3A_72 : i32 to vector<16x1xi32>
    %sub3A_74 = arith.subi %div3A_47, %sub3A_73 : vector<16x1xi32>
    %select_n3A_75 = arith.select %and3A_71, %sub3A_74, %div3A_47 : vector<16x1xi1>, vector<16x1xi32>
    %iota3A_76 = tpu.iota {dimensions = array<i32: 1>} : vector<16x512xi32>
    %iota3A_77 = tpu.iota {dimensions = array<i32: 0>} : vector<16x512xi32>
    %ge3A_78 = vector.broadcast %select_n3A_44 : vector<16x1xi32> to vector<16x512xi32>
    %ge3A_79 = arith.cmpi sge, %iota3A_76, %ge3A_78 : vector<16x512xi32>
    %lt3A = vector.broadcast %select_n3A_75 : vector<16x1xi32> to vector<16x512xi32>
    %lt3A_80 = arith.cmpi slt, %iota3A_76, %lt3A : vector<16x512xi32>
    %and3A_81 = arith.andi %ge3A_79, %lt3A_80 : vector<16x512xi1>
    %sub3A_82 = arith.constant 16 : i32
    %sub3A_83 = vector.broadcast %sub3A_82 : i32 to vector<16x512xi32>
    %sub3A_84 = arith.subi %iota3A_77, %sub3A_83 : vector<16x512xi32>
    %jit3A_85 = arith.constant 0 : i32
    %broadcast_in_dim3A_86 = vector.broadcast %jit3A_85 : i32 to vector<16x512xi32>
    %select_n3A_87 = arith.select %and3A_81, %sub3A_84, %broadcast_in_dim3A_86 : vector<16x512xi1>, vector<16x512xi32>
    %reduce_sum3A_88 = arith.constant dense<0> : vector<512xi32>
    %reduce_sum3A_89 = vector.multi_reduction <add>, %select_n3A_87, %reduce_sum3A_88 [0] : vector<16x512xi32> to vector<512xi32>
    %broadcast_in_dim3A_90 = vector.shape_cast %reduce_sum3A_89 : vector<512xi32> to vector<1x512xi32>
    %add3A_91 = arith.constant 16 : i32
    %add3A_92 = vector.broadcast %add3A_91 : i32 to vector<1x512xi32>
    %add3A_93 = arith.addi %add3A_92, %broadcast_in_dim3A_90 : vector<1x512xi32>
    %swap3A = arith.constant 0 : index
    %swap3A_94 = arith.constant 0 : index
    %swap3A_95 = vector.load %arg1[%swap3A, %swap3A_94] : memref<1x512xi32, #tpu.memory_space<vmem>>, vector<1x512xi32>
    tpu.vector_store %arg1[%swap3A, %swap3A_94], %add3A_93 {strides = array<i32>} : memref<1x512xi32, #tpu.memory_space<vmem>>, vector<1x512xi32>,
    %slice3A = vector.extract_strided_slice %iota3A {offsets = [0, 0], sizes = [16, 1], strides = [1, 1]} : vector<16x16xi32> to vector<16x1xi32>
    %eq3A_96 = arith.constant 15 : i32
    %eq3A_97 = vector.broadcast %eq3A_96 : i32 to vector<16x1xi32>
    %eq3A_98 = arith.cmpi eq, %slice3A, %eq3A_97 : vector<16x1xi32>
    %jit3A_99 = arith.constant 0 : i32
    %broadcast_in_dim3A_100 = vector.broadcast %jit3A_99 : i32 to vector<16x1xi32>
    %select_n3A_101 = arith.select %eq3A_98, %convert_element_type3A_7, %broadcast_in_dim3A_100 : vector<16x1xi1>, vector<16x1xi32>
    %reduce_sum3A_102 = arith.constant dense<0> : vector<1xi32>
    %reduce_sum3A_103 = vector.multi_reduction <add>, %select_n3A_101, %reduce_sum3A_102 [0] : vector<16x1xi32> to vector<1xi32>
    %broadcast_in_dim3A_104 = vector.shape_cast %reduce_sum3A_103 : vector<1xi32> to vector<1x1xi32>
    %sub3A_105 = arith.constant 1 : i32
    %sub3A_106 = vector.broadcast %sub3A_105 : i32 to vector<1x1xi32>
    %sub3A_107 = arith.subi %broadcast_in_dim3A_104, %sub3A_106 : vector<1x1xi32>
    %jit3A_108 = arith.constant 512 : i32
    %div3A_109 = vector.broadcast %jit3A_108 : i32 to vector<1x1xi32>
    %div3A_110 = arith.divsi %sub3A_107, %div3A_109 : vector<1x1xi32>
    %sign3A_111 = arith.constant 0 : i32
    %sign3A_112 = vector.broadcast %sign3A_111 : i32 to vector<1x1xi32>
    %sign3A_113 = arith.cmpi sgt, %sub3A_107, %sign3A_112 : vector<1x1xi32>
    %sign3A_114 = arith.extui %sign3A_113 : vector<1x1xi1> to vector<1x1xi32>
    %sign3A_115 = arith.constant 0 : i32
    %sign3A_116 = vector.broadcast %sign3A_115 : i32 to vector<1x1xi32>
    %sign3A_117 = arith.cmpi slt, %sub3A_107, %sign3A_116 : vector<1x1xi32>
    %sign3A_118 = arith.extui %sign3A_117 : vector<1x1xi1> to vector<1x1xi32>
    %sign3A_119 = arith.subi %sign3A_114, %sign3A_118 : vector<1x1xi32>
    %sign3A_120 = arith.constant 0 : i32
    %sign3A_121 = arith.cmpi sgt, %jit3A_108, %sign3A_120 : i32
    %sign3A_122 = arith.extui %sign3A_121 : i1 to i32
    %sign3A_123 = arith.constant 0 : i32
    %sign3A_124 = arith.cmpi slt, %jit3A_108, %sign3A_123 : i32
    %sign3A_125 = arith.extui %sign3A_124 : i1 to i32
    %sign3A_126 = arith.subi %sign3A_122, %sign3A_125 : i32
    %ne3A_127 = vector.broadcast %sign3A_126 : i32 to vector<1x1xi32>
    %ne3A_128 = arith.cmpi ne, %sign3A_119, %ne3A_127 : vector<1x1xi32>
    %rem3A_129 = vector.broadcast %jit3A_108 : i32 to vector<1x1xi32>
    %rem3A_130 = arith.remsi %sub3A_107, %rem3A_129 : vector<1x1xi32>
    %ne3A_131 = arith.constant 0 : i32
    %ne3A_132 = vector.broadcast %ne3A_131 : i32 to vector<1x1xi32>
    %ne3A_133 = arith.cmpi ne, %rem3A_130, %ne3A_132 : vector<1x1xi32>
    %and3A_134 = arith.andi %ne3A_128, %ne3A_133 : vector<1x1xi1>
    %sub3A_135 = arith.constant 1 : i32
    %sub3A_136 = vector.broadcast %sub3A_135 : i32 to vector<1x1xi32>
    %sub3A_137 = arith.subi %div3A_110, %sub3A_136 : vector<1x1xi32>
    %select_n3A_138 = arith.select %and3A_134, %sub3A_137, %div3A_110 : vector<1x1xi1>, vector<1x1xi32>
    %swap3A_139 = arith.constant 0 : index
    %swap3A_140 = arith.constant 0 : index
    %swap3A_141 = vector.load %arg2[%swap3A_139, %swap3A_140] : memref<1x1xi32, #tpu.memory_space<vmem>>, vector<1x1xi32>
    tpu.vector_store %arg2[%swap3A_139, %swap3A_140], %select_n3A_138 {strides = array<i32>} : memref<1x1xi32, #tpu.memory_space<vmem>>, vector<1x1xi32>,
    %mul3A = arith.constant 64 : i32
    %mul3A_142 = vector.broadcast %mul3A : i32 to vector<16x1xi32>
    %mul3A_143 = arith.muli %select_n3A_44, %mul3A_142 : vector<16x1xi32>
    %min3A = arith.minsi %mul3A_143, %convert_element_type3A_7 : vector<16x1xi32>
    %sub3A_144 = arith.subi %min3A, %sub3A : vector<16x1xi32>
    %mul3A_145 = arith.constant 64 : i32
    %mul3A_146 = vector.broadcast %mul3A_145 : i32 to vector<16x1xi32>
    %mul3A_147 = arith.muli %select_n3A_75, %mul3A_146 : vector<16x1xi32>
    %max3A = arith.maxsi %mul3A_147, %sub3A : vector<16x1xi32>
    %ge3A_148 = arith.cmpi sge, %select_n3A_75, %select_n3A_44 : vector<16x1xi32>
    %sub3A_149 = arith.subi %convert_element_type3A_7, %max3A : vector<16x1xi32>
    %jit3A_150 = arith.constant 0 : i32
    %broadcast_in_dim3A_151 = vector.broadcast %jit3A_150 : i32 to vector<16x1xi32>
    %select_n3A_152 = arith.select %ge3A_148, %sub3A_149, %broadcast_in_dim3A_151 : vector<16x1xi1>, vector<16x1xi32>
    %jit3A_153 = arith.constant 64 : i32
    %div3A_154 = vector.broadcast %jit3A_153 : i32 to vector<16x1xi32>
    %div3A_155 = arith.divsi %sub3A, %div3A_154 : vector<16x1xi32>
    %sign3A_156 = arith.constant 0 : i32
    %sign3A_157 = vector.broadcast %sign3A_156 : i32 to vector<16x1xi32>
    %sign3A_158 = arith.cmpi sgt, %sub3A, %sign3A_157 : vector<16x1xi32>
    %sign3A_159 = arith.extui %sign3A_158 : vector<16x1xi1> to vector<16x1xi32>
    %sign3A_160 = arith.constant 0 : i32
    %sign3A_161 = vector.broadcast %sign3A_160 : i32 to vector<16x1xi32>
    %sign3A_162 = arith.cmpi slt, %sub3A, %sign3A_161 : vector<16x1xi32>
    %sign3A_163 = arith.extui %sign3A_162 : vector<16x1xi1> to vector<16x1xi32>
    %sign3A_164 = arith.subi %sign3A_159, %sign3A_163 : vector<16x1xi32>
    %sign3A_165 = arith.constant 0 : i32
    %sign3A_166 = arith.cmpi sgt, %jit3A_153, %sign3A_165 : i32
    %sign3A_167 = arith.extui %sign3A_166 : i1 to i32
    %sign3A_168 = arith.constant 0 : i32
    %sign3A_169 = arith.cmpi slt, %jit3A_153, %sign3A_168 : i32
    %sign3A_170 = arith.extui %sign3A_169 : i1 to i32
    %sign3A_171 = arith.subi %sign3A_167, %sign3A_170 : i32
    %ne3A_172 = vector.broadcast %sign3A_171 : i32 to vector<16x1xi32>
    %ne3A_173 = arith.cmpi ne, %sign3A_164, %ne3A_172 : vector<16x1xi32>
    %rem3A_174 = vector.broadcast %jit3A_153 : i32 to vector<16x1xi32>
    %rem3A_175 = arith.remsi %sub3A, %rem3A_174 : vector<16x1xi32>
    %ne3A_176 = arith.constant 0 : i32
    %ne3A_177 = vector.broadcast %ne3A_176 : i32 to vector<16x1xi32>
    %ne3A_178 = arith.cmpi ne, %rem3A_175, %ne3A_177 : vector<16x1xi32>
    %and3A_179 = arith.andi %ne3A_173, %ne3A_178 : vector<16x1xi1>
    %sub3A_180 = arith.constant 1 : i32
    %sub3A_181 = vector.broadcast %sub3A_180 : i32 to vector<16x1xi32>
    %sub3A_182 = arith.subi %div3A_155, %sub3A_181 : vector<16x1xi32>
    %select_n3A_183 = arith.select %and3A_179, %sub3A_182, %div3A_155 : vector<16x1xi1>, vector<16x1xi32>
    %jit3A_184 = arith.constant 0 : i32
    %jit3A_185 = arith.constant 511 : i32
    %max3A_186 = vector.broadcast %jit3A_184 : i32 to vector<16x1xi32>
    %max3A_187 = arith.maxsi %max3A_186, %select_n3A_183 : vector<16x1xi32>
    %min3A_188 = vector.broadcast %jit3A_185 : i32 to vector<16x1xi32>
    %min3A_189 = arith.minsi %min3A_188, %max3A_187 : vector<16x1xi32>
    %jit3A_190 = arith.constant 64 : i32
    %div3A_191 = vector.broadcast %jit3A_190 : i32 to vector<16x1xi32>
    %div3A_192 = arith.divsi %max3A, %div3A_191 : vector<16x1xi32>
    %sign3A_193 = arith.constant 0 : i32
    %sign3A_194 = vector.broadcast %sign3A_193 : i32 to vector<16x1xi32>
    %sign3A_195 = arith.cmpi sgt, %max3A, %sign3A_194 : vector<16x1xi32>
    %sign3A_196 = arith.extui %sign3A_195 : vector<16x1xi1> to vector<16x1xi32>
    %sign3A_197 = arith.constant 0 : i32
    %sign3A_198 = vector.broadcast %sign3A_197 : i32 to vector<16x1xi32>
    %sign3A_199 = arith.cmpi slt, %max3A, %sign3A_198 : vector<16x1xi32>
    %sign3A_200 = arith.extui %sign3A_199 : vector<16x1xi1> to vector<16x1xi32>
    %sign3A_201 = arith.subi %sign3A_196, %sign3A_200 : vector<16x1xi32>
    %sign3A_202 = arith.constant 0 : i32
    %sign3A_203 = arith.cmpi sgt, %jit3A_190, %sign3A_202 : i32
    %sign3A_204 = arith.extui %sign3A_203 : i1 to i32
    %sign3A_205 = arith.constant 0 : i32
    %sign3A_206 = arith.cmpi slt, %jit3A_190, %sign3A_205 : i32
    %sign3A_207 = arith.extui %sign3A_206 : i1 to i32
    %sign3A_208 = arith.subi %sign3A_204, %sign3A_207 : i32
    %ne3A_209 = vector.broadcast %sign3A_208 : i32 to vector<16x1xi32>
    %ne3A_210 = arith.cmpi ne, %sign3A_201, %ne3A_209 : vector<16x1xi32>
    %rem3A_211 = vector.broadcast %jit3A_190 : i32 to vector<16x1xi32>
    %rem3A_212 = arith.remsi %max3A, %rem3A_211 : vector<16x1xi32>
    %ne3A_213 = arith.constant 0 : i32
    %ne3A_214 = vector.broadcast %ne3A_213 : i32 to vector<16x1xi32>
    %ne3A_215 = arith.cmpi ne, %rem3A_212, %ne3A_214 : vector<16x1xi32>
    %and3A_216 = arith.andi %ne3A_210, %ne3A_215 : vector<16x1xi1>
    %sub3A_217 = arith.constant 1 : i32
    %sub3A_218 = vector.broadcast %sub3A_217 : i32 to vector<16x1xi32>
    %sub3A_219 = arith.subi %div3A_192, %sub3A_218 : vector<16x1xi32>
    %select_n3A_220 = arith.select %and3A_216, %sub3A_219, %div3A_192 : vector<16x1xi1>, vector<16x1xi32>
    %jit3A_221 = arith.constant 0 : i32
    %jit3A_222 = arith.constant 511 : i32
    %max3A_223 = vector.broadcast %jit3A_221 : i32 to vector<16x1xi32>
    %max3A_224 = arith.maxsi %max3A_223, %select_n3A_220 : vector<16x1xi32>
    %min3A_225 = vector.broadcast %jit3A_222 : i32 to vector<16x1xi32>
    %min3A_226 = arith.minsi %min3A_225, %max3A_224 : vector<16x1xi32>
    %mul3A_227 = arith.constant 64 : i32
    %mul3A_228 = vector.broadcast %mul3A_227 : i32 to vector<16x1xi32>
    %mul3A_229 = arith.muli %min3A_189, %mul3A_228 : vector<16x1xi32>
    %sub3A_230 = arith.subi %sub3A, %mul3A_229 : vector<16x1xi32>
    %eq3A_231 = arith.constant 0 : i32
    %eq3A_232 = vector.broadcast %eq3A_231 : i32 to vector<16x16xi32>
    %eq3A_233 = arith.cmpi eq, %iota3A_2, %eq3A_232 : vector<16x16xi32>
    %jit3A_234 = arith.constant 0 : i32
    %broadcast_in_dim3A_235 = vector.shape_cast %min3A_189 : vector<16x1xi32> to vector<16x1xi32>
    %broadcast_in_dim3A_236 = vector.broadcast %broadcast_in_dim3A_235 : vector<16x1xi32> to vector<16x16xi32>
    %broadcast_in_dim3A_237 = vector.broadcast %jit3A_234 : i32 to vector<16x16xi32>
    %select_n3A_238 = arith.select %eq3A_233, %broadcast_in_dim3A_236, %broadcast_in_dim3A_237 : vector<16x16xi1>, vector<16x16xi32>
    %eq3A_239 = arith.constant 1 : i32
    %eq3A_240 = vector.broadcast %eq3A_239 : i32 to vector<16x16xi32>
    %eq3A_241 = arith.cmpi eq, %iota3A_2, %eq3A_240 : vector<16x16xi32>
    %jit3A_242 = arith.constant 0 : i32
    %broadcast_in_dim3A_243 = vector.shape_cast %sub3A_230 : vector<16x1xi32> to vector<16x1xi32>
    %broadcast_in_dim3A_244 = vector.broadcast %broadcast_in_dim3A_243 : vector<16x1xi32> to vector<16x16xi32>
    %broadcast_in_dim3A_245 = vector.broadcast %jit3A_242 : i32 to vector<16x16xi32>
    %select_n3A_246 = arith.select %eq3A_241, %broadcast_in_dim3A_244, %broadcast_in_dim3A_245 : vector<16x16xi1>, vector<16x16xi32>
    %add3A_247 = arith.addi %select_n3A_238, %select_n3A_246 : vector<16x16xi32>
    %eq3A_248 = arith.constant 2 : i32
    %eq3A_249 = vector.broadcast %eq3A_248 : i32 to vector<16x16xi32>
    %eq3A_250 = arith.cmpi eq, %iota3A_2, %eq3A_249 : vector<16x16xi32>
    %jit3A_251 = arith.constant 0 : i32
    %broadcast_in_dim3A_252 = vector.shape_cast %sub3A_144 : vector<16x1xi32> to vector<16x1xi32>
    %broadcast_in_dim3A_253 = vector.broadcast %broadcast_in_dim3A_252 : vector<16x1xi32> to vector<16x16xi32>
    %broadcast_in_dim3A_254 = vector.broadcast %jit3A_251 : i32 to vector<16x16xi32>
    %select_n3A_255 = arith.select %eq3A_250, %broadcast_in_dim3A_253, %broadcast_in_dim3A_254 : vector<16x16xi1>, vector<16x16xi32>
    %add3A_256 = arith.addi %add3A_247, %select_n3A_255 : vector<16x16xi32>
    %mul3A_257 = arith.constant 64 : i32
    %mul3A_258 = vector.broadcast %mul3A_257 : i32 to vector<16x1xi32>
    %mul3A_259 = arith.muli %min3A_226, %mul3A_258 : vector<16x1xi32>
    %sub3A_260 = arith.subi %max3A, %mul3A_259 : vector<16x1xi32>
    %eq3A_261 = arith.constant 0 : i32
    %eq3A_262 = vector.broadcast %eq3A_261 : i32 to vector<16x16xi32>
    %eq3A_263 = arith.cmpi eq, %iota3A_2, %eq3A_262 : vector<16x16xi32>
    %jit3A_264 = arith.constant 0 : i32
    %broadcast_in_dim3A_265 = vector.shape_cast %min3A_226 : vector<16x1xi32> to vector<16x1xi32>
    %broadcast_in_dim3A_266 = vector.broadcast %broadcast_in_dim3A_265 : vector<16x1xi32> to vector<16x16xi32>
    %broadcast_in_dim3A_267 = vector.broadcast %jit3A_264 : i32 to vector<16x16xi32>
    %select_n3A_268 = arith.select %eq3A_263, %broadcast_in_dim3A_266, %broadcast_in_dim3A_267 : vector<16x16xi1>, vector<16x16xi32>
    %eq3A_269 = arith.constant 1 : i32
    %eq3A_270 = vector.broadcast %eq3A_269 : i32 to vector<16x16xi32>
    %eq3A_271 = arith.cmpi eq, %iota3A_2, %eq3A_270 : vector<16x16xi32>
    %jit3A_272 = arith.constant 0 : i32
    %broadcast_in_dim3A_273 = vector.shape_cast %sub3A_260 : vector<16x1xi32> to vector<16x1xi32>
    %broadcast_in_dim3A_274 = vector.broadcast %broadcast_in_dim3A_273 : vector<16x1xi32> to vector<16x16xi32>
    %broadcast_in_dim3A_275 = vector.broadcast %jit3A_272 : i32 to vector<16x16xi32>
    %select_n3A_276 = arith.select %eq3A_271, %broadcast_in_dim3A_274, %broadcast_in_dim3A_275 : vector<16x16xi1>, vector<16x16xi32>
    %add3A_277 = arith.addi %select_n3A_268, %select_n3A_276 : vector<16x16xi32>
    %eq3A_278 = arith.constant 2 : i32
    %eq3A_279 = vector.broadcast %eq3A_278 : i32 to vector<16x16xi32>
    %eq3A_280 = arith.cmpi eq, %iota3A_2, %eq3A_279 : vector<16x16xi32>
    %jit3A_281 = arith.constant 0 : i32
    %broadcast_in_dim3A_282 = vector.shape_cast %select_n3A_152 : vector<16x1xi32> to vector<16x1xi32>
    %broadcast_in_dim3A_283 = vector.broadcast %broadcast_in_dim3A_282 : vector<16x1xi32> to vector<16x16xi32>
    %broadcast_in_dim3A_284 = vector.broadcast %jit3A_281 : i32 to vector<16x16xi32>
    %select_n3A_285 = arith.select %eq3A_280, %broadcast_in_dim3A_283, %broadcast_in_dim3A_284 : vector<16x16xi1>, vector<16x16xi32>
    %add3A_286 = arith.addi %add3A_277, %select_n3A_285 : vector<16x16xi32>
    %concatenate3A = tpu.concatenate %add3A_256, %add3A_286 in 0 : vector<16x16xi32>, vector<16x16xi32> -> vector<32x16xi32>
    %swap3A_287 = arith.constant 0 : index
    %swap3A_288 = arith.constant 0 : index
    %swap3A_289 = vector.load %arg3[%swap3A_287, %swap3A_288] : memref<32x16xi32, #tpu.memory_space<vmem>>, vector<32x16xi32>
    tpu.vector_store %arg3[%swap3A_287, %swap3A_288], %concatenate3A {strides = array<i32>} : memref<32x16xi32, #tpu.memory_space<vmem>>, vector<32x16xi32>,
    %convert_element_type3A_290 = arith.sitofp %convert_element_type3A_16 : vector<16x1xi32> to vector<16x1xf32>
    %swap3A_291 = arith.constant 0 : index
    %swap3A_292 = arith.constant 0 : index
    %swap3A_293 = vector.load %arg4[%swap3A_291, %swap3A_292] : memref<16x1xf32, #tpu.memory_space<vmem>>, vector<16x1xf32>
    tpu.vector_store %arg4[%swap3A_291, %swap3A_292], %convert_element_type3A_290 {strides = array<i32>} : memref<16x1xf32, #tpu.memory_space<vmem>>, vector<16x1xf32>,
    return
  }
}

module attributes {stable_mosaic.version = 14 : i64} {
  func.func @_block_sums_body(%arg0: memref<1x512xi32, #tpu.memory_space<smem>>, %arg1: memref<1x1xi32, #tpu.memory_space<smem>>, %arg2: memref<32768x1024xf32, #tpu.memory_space<any>>, %arg3: memref<16x1024xf32, #tpu.memory_space<vmem>>, %arg4: memref<4x512x1024xf32, #tpu.memory_space<vmem>>, %arg5: memref<4x2x!tpu.dma_semaphore, #tpu.memory_space<semaphore_mem>>) attributes {dimension_semantics = [], scalar_prefetch = 0 : i64, scratch_operands = 2 : i64, tpu.core_type = #tpu.core_type<tc>} {
    %get3A = arith.constant 0 : index
    %get3A_0 = arith.constant 0 : index
    %get3A_1 = memref.load %arg1[%get3A, %get3A_0] : memref<1x1xi32, #tpu.memory_space<smem>>
    %broadcast_in_dim3A = arith.constant 0.000000e+00 : f32
    %broadcast_in_dim3A_2 = vector.broadcast %broadcast_in_dim3A : f32 to vector<16x1024xf32>
    %swap3A = arith.constant 0 : index
    %swap3A_3 = arith.constant 0 : index
    %swap3A_4 = vector.load %arg3[%swap3A, %swap3A_3] : memref<16x1024xf32, #tpu.memory_space<vmem>>, vector<16x1024xf32>
    tpu.vector_store %arg3[%swap3A, %swap3A_3], %broadcast_in_dim3A_2 {strides = array<i32>} : memref<16x1024xf32, #tpu.memory_space<vmem>>, vector<16x1024xf32>,
    %iota3A = tpu.iota {dimensions = array<i32: 0>} : vector<16x1xi32>
    %ge3A = arith.constant 0 : i32
    %ge3A_5 = arith.cmpi sge, %get3A_1, %ge3A : i32
    %convert_element_type3A = arith.extui %ge3A_5 : i1 to i32
    %cond3A = arith.constant 0 : i32
    %cond3A_6 = arith.cmpi ne, %convert_element_type3A, %cond3A : i32
    scf.if %cond3A_6 {
      %dma_start3A = arith.constant 0 : i32
      %dma_start3A_48 = arith.constant 0 : i32
      %dma_start3A_49 = arith.constant 0 : i32
      %dma_start3A_50 = tpu.memref_slice %arg5[%dma_start3A_48, %dma_start3A_49] : memref<4x2x!tpu.dma_semaphore, #tpu.memory_space<semaphore_mem>> -> memref<1x1x!tpu.dma_semaphore, #tpu.memory_space<semaphore_mem>>
      %dma_start3A_51 = tpu.memref_squeeze %dma_start3A_50 : memref<1x1x!tpu.dma_semaphore, #tpu.memory_space<semaphore_mem>> -> memref<!tpu.dma_semaphore, #tpu.memory_space<semaphore_mem>>
      %dma_start3A_52 = arith.constant 0 : i32
      %dma_start3A_53 = arith.constant 0 : i32
      %dma_start3A_54 = tpu.memref_slice %arg4[%dma_start3A, %dma_start3A_52, %dma_start3A_53] : memref<4x512x1024xf32, #tpu.memory_space<vmem>> -> memref<1x256x1024xf32, #tpu.memory_space<vmem>>
      %dma_start3A_55 = tpu.memref_squeeze %dma_start3A_54 : memref<1x256x1024xf32, #tpu.memory_space<vmem>> -> memref<256x1024xf32, #tpu.memory_space<vmem>>
      %dma_start3A_56 = arith.constant 0 : i32
      %dma_start3A_57 = arith.constant 0 : i32
      %dma_start3A_58 = tpu.memref_slice %arg2[%dma_start3A_56, %dma_start3A_57] : memref<32768x1024xf32, #tpu.memory_space<any>> -> memref<256x1024xf32, #tpu.memory_space<any>>
      tpu.enqueue_dma source(%dma_start3A_58 : memref<256x1024xf32, #tpu.memory_space<any>>) target(%dma_start3A_55 : memref<256x1024xf32, #tpu.memory_space<vmem>>) target_semaphore(%dma_start3A_51 : memref<!tpu.dma_semaphore, #tpu.memory_space<semaphore_mem>>)
      %dma_start3A_59 = arith.constant 0 : i32
      %dma_start3A_60 = arith.constant 0 : i32
      %dma_start3A_61 = arith.constant 1 : i32
      %dma_start3A_62 = tpu.memref_slice %arg5[%dma_start3A_60, %dma_start3A_61] : memref<4x2x!tpu.dma_semaphore, #tpu.memory_space<semaphore_mem>> -> memref<1x1x!tpu.dma_semaphore, #tpu.memory_space<semaphore_mem>>
      %dma_start3A_63 = tpu.memref_squeeze %dma_start3A_62 : memref<1x1x!tpu.dma_semaphore, #tpu.memory_space<semaphore_mem>> -> memref<!tpu.dma_semaphore, #tpu.memory_space<semaphore_mem>>
      %dma_start3A_64 = arith.constant 256 : i32
      %dma_start3A_65 = arith.constant 0 : i32
      %dma_start3A_66 = tpu.memref_slice %arg4[%dma_start3A_59, %dma_start3A_64, %dma_start3A_65] : memref<4x512x1024xf32, #tpu.memory_space<vmem>> -> memref<1x256x1024xf32, #tpu.memory_space<vmem>>
      %dma_start3A_67 = tpu.memref_squeeze %dma_start3A_66 : memref<1x256x1024xf32, #tpu.memory_space<vmem>> -> memref<256x1024xf32, #tpu.memory_space<vmem>>
      %dma_start3A_68 = arith.constant 256 : i32
      %dma_start3A_69 = arith.constant 0 : i32
      %dma_start3A_70 = tpu.memref_slice %arg2[%dma_start3A_68, %dma_start3A_69] : memref<32768x1024xf32, #tpu.memory_space<any>> -> memref<256x1024xf32, #tpu.memory_space<any>>
      tpu.enqueue_dma source(%dma_start3A_70 : memref<256x1024xf32, #tpu.memory_space<any>>) target(%dma_start3A_67 : memref<256x1024xf32, #tpu.memory_space<vmem>>) target_semaphore(%dma_start3A_63 : memref<!tpu.dma_semaphore, #tpu.memory_space<semaphore_mem>>)
    } else {
    }
    %ge3A_7 = arith.constant 1 : i32
    %ge3A_8 = arith.cmpi sge, %get3A_1, %ge3A_7 : i32
    %convert_element_type3A_9 = arith.extui %ge3A_8 : i1 to i32
    %cond3A_10 = arith.constant 0 : i32
    %cond3A_11 = arith.cmpi ne, %convert_element_type3A_9, %cond3A_10 : i32
    scf.if %cond3A_11 {
      %dma_start3A = arith.constant 1 : i32
      %dma_start3A_48 = arith.constant 1 : i32
      %dma_start3A_49 = arith.constant 0 : i32
      %dma_start3A_50 = tpu.memref_slice %arg5[%dma_start3A_48, %dma_start3A_49] : memref<4x2x!tpu.dma_semaphore, #tpu.memory_space<semaphore_mem>> -> memref<1x1x!tpu.dma_semaphore, #tpu.memory_space<semaphore_mem>>
      %dma_start3A_51 = tpu.memref_squeeze %dma_start3A_50 : memref<1x1x!tpu.dma_semaphore, #tpu.memory_space<semaphore_mem>> -> memref<!tpu.dma_semaphore, #tpu.memory_space<semaphore_mem>>
      %dma_start3A_52 = arith.constant 0 : i32
      %dma_start3A_53 = arith.constant 0 : i32
      %dma_start3A_54 = tpu.memref_slice %arg4[%dma_start3A, %dma_start3A_52, %dma_start3A_53] : memref<4x512x1024xf32, #tpu.memory_space<vmem>> -> memref<1x256x1024xf32, #tpu.memory_space<vmem>>
      %dma_start3A_55 = tpu.memref_squeeze %dma_start3A_54 : memref<1x256x1024xf32, #tpu.memory_space<vmem>> -> memref<256x1024xf32, #tpu.memory_space<vmem>>
      %dma_start3A_56 = arith.constant 512 : i32
      %dma_start3A_57 = arith.constant 0 : i32
      %dma_start3A_58 = tpu.memref_slice %arg2[%dma_start3A_56, %dma_start3A_57] : memref<32768x1024xf32, #tpu.memory_space<any>> -> memref<256x1024xf32, #tpu.memory_space<any>>
      tpu.enqueue_dma source(%dma_start3A_58 : memref<256x1024xf32, #tpu.memory_space<any>>) target(%dma_start3A_55 : memref<256x1024xf32, #tpu.memory_space<vmem>>) target_semaphore(%dma_start3A_51 : memref<!tpu.dma_semaphore, #tpu.memory_space<semaphore_mem>>)
      %dma_start3A_59 = arith.constant 1 : i32
      %dma_start3A_60 = arith.constant 1 : i32
      %dma_start3A_61 = arith.constant 1 : i32
      %dma_start3A_62 = tpu.memref_slice %arg5[%dma_start3A_60, %dma_start3A_61] : memref<4x2x!tpu.dma_semaphore, #tpu.memory_space<semaphore_mem>> -> memref<1x1x!tpu.dma_semaphore, #tpu.memory_space<semaphore_mem>>
      %dma_start3A_63 = tpu.memref_squeeze %dma_start3A_62 : memref<1x1x!tpu.dma_semaphore, #tpu.memory_space<semaphore_mem>> -> memref<!tpu.dma_semaphore, #tpu.memory_space<semaphore_mem>>
      %dma_start3A_64 = arith.constant 256 : i32
      %dma_start3A_65 = arith.constant 0 : i32
      %dma_start3A_66 = tpu.memref_slice %arg4[%dma_start3A_59, %dma_start3A_64, %dma_start3A_65] : memref<4x512x1024xf32, #tpu.memory_space<vmem>> -> memref<1x256x1024xf32, #tpu.memory_space<vmem>>
      %dma_start3A_67 = tpu.memref_squeeze %dma_start3A_66 : memref<1x256x1024xf32, #tpu.memory_space<vmem>> -> memref<256x1024xf32, #tpu.memory_space<vmem>>
      %dma_start3A_68 = arith.constant 768 : i32
      %dma_start3A_69 = arith.constant 0 : i32
      %dma_start3A_70 = tpu.memref_slice %arg2[%dma_start3A_68, %dma_start3A_69] : memref<32768x1024xf32, #tpu.memory_space<any>> -> memref<256x1024xf32, #tpu.memory_space<any>>
      tpu.enqueue_dma source(%dma_start3A_70 : memref<256x1024xf32, #tpu.memory_space<any>>) target(%dma_start3A_67 : memref<256x1024xf32, #tpu.memory_space<vmem>>) target_semaphore(%dma_start3A_63 : memref<!tpu.dma_semaphore, #tpu.memory_space<semaphore_mem>>)
    } else {
    }
    %ge3A_12 = arith.constant 2 : i32
    %ge3A_13 = arith.cmpi sge, %get3A_1, %ge3A_12 : i32
    %convert_element_type3A_14 = arith.extui %ge3A_13 : i1 to i32
    %cond3A_15 = arith.constant 0 : i32
    %cond3A_16 = arith.cmpi ne, %convert_element_type3A_14, %cond3A_15 : i32
    scf.if %cond3A_16 {
      %dma_start3A = arith.constant 2 : i32
      %dma_start3A_48 = arith.constant 2 : i32
      %dma_start3A_49 = arith.constant 0 : i32
      %dma_start3A_50 = tpu.memref_slice %arg5[%dma_start3A_48, %dma_start3A_49] : memref<4x2x!tpu.dma_semaphore, #tpu.memory_space<semaphore_mem>> -> memref<1x1x!tpu.dma_semaphore, #tpu.memory_space<semaphore_mem>>
      %dma_start3A_51 = tpu.memref_squeeze %dma_start3A_50 : memref<1x1x!tpu.dma_semaphore, #tpu.memory_space<semaphore_mem>> -> memref<!tpu.dma_semaphore, #tpu.memory_space<semaphore_mem>>
      %dma_start3A_52 = arith.constant 0 : i32
      %dma_start3A_53 = arith.constant 0 : i32
      %dma_start3A_54 = tpu.memref_slice %arg4[%dma_start3A, %dma_start3A_52, %dma_start3A_53] : memref<4x512x1024xf32, #tpu.memory_space<vmem>> -> memref<1x256x1024xf32, #tpu.memory_space<vmem>>
      %dma_start3A_55 = tpu.memref_squeeze %dma_start3A_54 : memref<1x256x1024xf32, #tpu.memory_space<vmem>> -> memref<256x1024xf32, #tpu.memory_space<vmem>>
      %dma_start3A_56 = arith.constant 1024 : i32
      %dma_start3A_57 = arith.constant 0 : i32
      %dma_start3A_58 = tpu.memref_slice %arg2[%dma_start3A_56, %dma_start3A_57] : memref<32768x1024xf32, #tpu.memory_space<any>> -> memref<256x1024xf32, #tpu.memory_space<any>>
      tpu.enqueue_dma source(%dma_start3A_58 : memref<256x1024xf32, #tpu.memory_space<any>>) target(%dma_start3A_55 : memref<256x1024xf32, #tpu.memory_space<vmem>>) target_semaphore(%dma_start3A_51 : memref<!tpu.dma_semaphore, #tpu.memory_space<semaphore_mem>>)
      %dma_start3A_59 = arith.constant 2 : i32
      %dma_start3A_60 = arith.constant 2 : i32
      %dma_start3A_61 = arith.constant 1 : i32
      %dma_start3A_62 = tpu.memref_slice %arg5[%dma_start3A_60, %dma_start3A_61] : memref<4x2x!tpu.dma_semaphore, #tpu.memory_space<semaphore_mem>> -> memref<1x1x!tpu.dma_semaphore, #tpu.memory_space<semaphore_mem>>
      %dma_start3A_63 = tpu.memref_squeeze %dma_start3A_62 : memref<1x1x!tpu.dma_semaphore, #tpu.memory_space<semaphore_mem>> -> memref<!tpu.dma_semaphore, #tpu.memory_space<semaphore_mem>>
      %dma_start3A_64 = arith.constant 256 : i32
      %dma_start3A_65 = arith.constant 0 : i32
      %dma_start3A_66 = tpu.memref_slice %arg4[%dma_start3A_59, %dma_start3A_64, %dma_start3A_65] : memref<4x512x1024xf32, #tpu.memory_space<vmem>> -> memref<1x256x1024xf32, #tpu.memory_space<vmem>>
      %dma_start3A_67 = tpu.memref_squeeze %dma_start3A_66 : memref<1x256x1024xf32, #tpu.memory_space<vmem>> -> memref<256x1024xf32, #tpu.memory_space<vmem>>
      %dma_start3A_68 = arith.constant 1280 : i32
      %dma_start3A_69 = arith.constant 0 : i32
      %dma_start3A_70 = tpu.memref_slice %arg2[%dma_start3A_68, %dma_start3A_69] : memref<32768x1024xf32, #tpu.memory_space<any>> -> memref<256x1024xf32, #tpu.memory_space<any>>
      tpu.enqueue_dma source(%dma_start3A_70 : memref<256x1024xf32, #tpu.memory_space<any>>) target(%dma_start3A_67 : memref<256x1024xf32, #tpu.memory_space<vmem>>) target_semaphore(%dma_start3A_63 : memref<!tpu.dma_semaphore, #tpu.memory_space<semaphore_mem>>)
    } else {
    }
    %ge3A_17 = arith.constant 3 : i32
    %ge3A_18 = arith.cmpi sge, %get3A_1, %ge3A_17 : i32
    %convert_element_type3A_19 = arith.extui %ge3A_18 : i1 to i32
    %cond3A_20 = arith.constant 0 : i32
    %cond3A_21 = arith.cmpi ne, %convert_element_type3A_19, %cond3A_20 : i32
    scf.if %cond3A_21 {
      %dma_start3A = arith.constant 3 : i32
      %dma_start3A_48 = arith.constant 3 : i32
      %dma_start3A_49 = arith.constant 0 : i32
      %dma_start3A_50 = tpu.memref_slice %arg5[%dma_start3A_48, %dma_start3A_49] : memref<4x2x!tpu.dma_semaphore, #tpu.memory_space<semaphore_mem>> -> memref<1x1x!tpu.dma_semaphore, #tpu.memory_space<semaphore_mem>>
      %dma_start3A_51 = tpu.memref_squeeze %dma_start3A_50 : memref<1x1x!tpu.dma_semaphore, #tpu.memory_space<semaphore_mem>> -> memref<!tpu.dma_semaphore, #tpu.memory_space<semaphore_mem>>
      %dma_start3A_52 = arith.constant 0 : i32
      %dma_start3A_53 = arith.constant 0 : i32
      %dma_start3A_54 = tpu.memref_slice %arg4[%dma_start3A, %dma_start3A_52, %dma_start3A_53] : memref<4x512x1024xf32, #tpu.memory_space<vmem>> -> memref<1x256x1024xf32, #tpu.memory_space<vmem>>
      %dma_start3A_55 = tpu.memref_squeeze %dma_start3A_54 : memref<1x256x1024xf32, #tpu.memory_space<vmem>> -> memref<256x1024xf32, #tpu.memory_space<vmem>>
      %dma_start3A_56 = arith.constant 1536 : i32
      %dma_start3A_57 = arith.constant 0 : i32
      %dma_start3A_58 = tpu.memref_slice %arg2[%dma_start3A_56, %dma_start3A_57] : memref<32768x1024xf32, #tpu.memory_space<any>> -> memref<256x1024xf32, #tpu.memory_space<any>>
      tpu.enqueue_dma source(%dma_start3A_58 : memref<256x1024xf32, #tpu.memory_space<any>>) target(%dma_start3A_55 : memref<256x1024xf32, #tpu.memory_space<vmem>>) target_semaphore(%dma_start3A_51 : memref<!tpu.dma_semaphore, #tpu.memory_space<semaphore_mem>>)
      %dma_start3A_59 = arith.constant 3 : i32
      %dma_start3A_60 = arith.constant 3 : i32
      %dma_start3A_61 = arith.constant 1 : i32
      %dma_start3A_62 = tpu.memref_slice %arg5[%dma_start3A_60, %dma_start3A_61] : memref<4x2x!tpu.dma_semaphore, #tpu.memory_space<semaphore_mem>> -> memref<1x1x!tpu.dma_semaphore, #tpu.memory_space<semaphore_mem>>
      %dma_start3A_63 = tpu.memref_squeeze %dma_start3A_62 : memref<1x1x!tpu.dma_semaphore, #tpu.memory_space<semaphore_mem>> -> memref<!tpu.dma_semaphore, #tpu.memory_space<semaphore_mem>>
      %dma_start3A_64 = arith.constant 256 : i32
      %dma_start3A_65 = arith.constant 0 : i32
      %dma_start3A_66 = tpu.memref_slice %arg4[%dma_start3A_59, %dma_start3A_64, %dma_start3A_65] : memref<4x512x1024xf32, #tpu.memory_space<vmem>> -> memref<1x256x1024xf32, #tpu.memory_space<vmem>>
      %dma_start3A_67 = tpu.memref_squeeze %dma_start3A_66 : memref<1x256x1024xf32, #tpu.memory_space<vmem>> -> memref<256x1024xf32, #tpu.memory_space<vmem>>
      %dma_start3A_68 = arith.constant 1792 : i32
      %dma_start3A_69 = arith.constant 0 : i32
      %dma_start3A_70 = tpu.memref_slice %arg2[%dma_start3A_68, %dma_start3A_69] : memref<32768x1024xf32, #tpu.memory_space<any>> -> memref<256x1024xf32, #tpu.memory_space<any>>
      tpu.enqueue_dma source(%dma_start3A_70 : memref<256x1024xf32, #tpu.memory_space<any>>) target(%dma_start3A_67 : memref<256x1024xf32, #tpu.memory_space<vmem>>) target_semaphore(%dma_start3A_63 : memref<!tpu.dma_semaphore, #tpu.memory_space<semaphore_mem>>)
    } else {
    }
    %add3A = arith.constant 4 : i32
    %add3A_22 = arith.addi %get3A_1, %add3A : i32
    %jit3A = arith.constant 4 : i32
    %div3A = arith.divsi %add3A_22, %jit3A : i32
    %sign3A = arith.constant 0 : i32
    %sign3A_23 = arith.cmpi sgt, %add3A_22, %sign3A : i32
    %sign3A_24 = arith.extui %sign3A_23 : i1 to i32
    %sign3A_25 = arith.constant 0 : i32
    %sign3A_26 = arith.cmpi slt, %add3A_22, %sign3A_25 : i32
    %sign3A_27 = arith.extui %sign3A_26 : i1 to i32
    %sign3A_28 = arith.subi %sign3A_24, %sign3A_27 : i32
    %sign3A_29 = arith.constant 0 : i32
    %sign3A_30 = arith.cmpi sgt, %jit3A, %sign3A_29 : i32
    %sign3A_31 = arith.extui %sign3A_30 : i1 to i32
    %sign3A_32 = arith.constant 0 : i32
    %sign3A_33 = arith.cmpi slt, %jit3A, %sign3A_32 : i32
    %sign3A_34 = arith.extui %sign3A_33 : i1 to i32
    %sign3A_35 = arith.subi %sign3A_31, %sign3A_34 : i32
    %ne3A = arith.cmpi ne, %sign3A_28, %sign3A_35 : i32
    %rem3A = arith.remsi %add3A_22, %jit3A : i32
    %ne3A_36 = arith.constant 0 : i32
    %ne3A_37 = arith.cmpi ne, %rem3A, %ne3A_36 : i32
    %and3A = arith.andi %ne3A, %ne3A_37 : i1
    %sub3A = arith.constant 1 : i32
    %sub3A_38 = arith.subi %div3A, %sub3A : i32
    %select_n3A = arith.select %and3A, %sub3A_38, %div3A : i32
    %while3A = arith.constant 0 : i32
    %while3A_39 = arith.constant 0 : i32
    %while3A_40 = arith.subi %select_n3A, %while3A_39 : i32
    %while3A_41 = arith.addi %while3A_39, %while3A_40 : i32
    %while3A_42 = arith.constant 1 : i32
    %while3A_43 = arith.divsi %while3A_40, %while3A_42 : i32
    %while3A_44 = arith.muli %while3A_43, %while3A_42 : i32
    %while3A_45 = arith.addi %while3A_39, %while3A_44 : i32
    %while3A_46 = arith.constant 1 : i32
    scf.for %while3A_48 = %while3A_39 to %while3A_45 step %while3A_46  : i32 {
      %mul3A = arith.constant 4 : i32
      %mul3A_49 = arith.muli %while3A_48, %mul3A : i32
      %add3A_50 = arith.constant 0 : i32
      %add3A_51 = arith.addi %mul3A_49, %add3A_50 : i32
      %le3A = arith.cmpi sle, %add3A_51, %get3A_1 : i32
      %convert_element_type3A_52 = arith.extui %le3A : i1 to i32
      %cond3A_53 = arith.constant 0 : i32
      %cond3A_54 = arith.cmpi ne, %convert_element_type3A_52, %cond3A_53 : i32
      scf.if %cond3A_54 {
        %mul3A_79 = arith.constant 512 : i32
        %mul3A_80 = arith.muli %add3A_51, %mul3A_79 : i32
        %add3A_81 = arith.constant 0 : i32
        %add3A_82 = arith.addi %mul3A_80, %add3A_81 : i32
        %dma_wait3A = arith.constant 0 : i32
        %dma_wait3A_83 = arith.constant 0 : i32
        %dma_wait3A_84 = arith.constant 0 : i32
        %dma_wait3A_85 = tpu.memref_slice %arg5[%dma_wait3A_83, %dma_wait3A_84] : memref<4x2x!tpu.dma_semaphore, #tpu.memory_space<semaphore_mem>> -> memref<1x1x!tpu.dma_semaphore, #tpu.memory_space<semaphore_mem>>
        %dma_wait3A_86 = tpu.memref_squeeze %dma_wait3A_85 : memref<1x1x!tpu.dma_semaphore, #tpu.memory_space<semaphore_mem>> -> memref<!tpu.dma_semaphore, #tpu.memory_space<semaphore_mem>>
        %dma_wait3A_87 = arith.constant 0 : i32
        %dma_wait3A_88 = arith.constant 0 : i32
        %dma_wait3A_89 = tpu.memref_slice %arg4[%dma_wait3A, %dma_wait3A_87, %dma_wait3A_88] : memref<4x512x1024xf32, #tpu.memory_space<vmem>> -> memref<1x256x1024xf32, #tpu.memory_space<vmem>>
        %dma_wait3A_90 = tpu.memref_squeeze %dma_wait3A_89 : memref<1x256x1024xf32, #tpu.memory_space<vmem>> -> memref<256x1024xf32, #tpu.memory_space<vmem>>
        %dma_wait3A_91 = arith.constant 0 : i32
        %dma_wait3A_92 = tpu.memref_slice %arg2[%add3A_82, %dma_wait3A_91] : memref<32768x1024xf32, #tpu.memory_space<any>> -> memref<256x1024xf32, #tpu.memory_space<any>>
        tpu.wait_dma2 semaphore(%dma_wait3A_86 : memref<!tpu.dma_semaphore, #tpu.memory_space<semaphore_mem>>) src(%dma_wait3A_92 : memref<256x1024xf32, #tpu.memory_space<any>>) dst(%dma_wait3A_90 : memref<256x1024xf32, #tpu.memory_space<vmem>>)
        %mul3A_93 = arith.constant 512 : i32
        %mul3A_94 = arith.muli %add3A_51, %mul3A_93 : i32
        %add3A_95 = arith.constant 256 : i32
        %add3A_96 = arith.addi %mul3A_94, %add3A_95 : i32
        %dma_wait3A_97 = arith.constant 0 : i32
        %dma_wait3A_98 = arith.constant 0 : i32
        %dma_wait3A_99 = arith.constant 1 : i32
        %dma_wait3A_100 = tpu.memref_slice %arg5[%dma_wait3A_98, %dma_wait3A_99] : memref<4x2x!tpu.dma_semaphore, #tpu.memory_space<semaphore_mem>> -> memref<1x1x!tpu.dma_semaphore, #tpu.memory_space<semaphore_mem>>
        %dma_wait3A_101 = tpu.memref_squeeze %dma_wait3A_100 : memref<1x1x!tpu.dma_semaphore, #tpu.memory_space<semaphore_mem>> -> memref<!tpu.dma_semaphore, #tpu.memory_space<semaphore_mem>>
        %dma_wait3A_102 = arith.constant 256 : i32
        %dma_wait3A_103 = arith.constant 0 : i32
        %dma_wait3A_104 = tpu.memref_slice %arg4[%dma_wait3A_97, %dma_wait3A_102, %dma_wait3A_103] : memref<4x512x1024xf32, #tpu.memory_space<vmem>> -> memref<1x256x1024xf32, #tpu.memory_space<vmem>>
        %dma_wait3A_105 = tpu.memref_squeeze %dma_wait3A_104 : memref<1x256x1024xf32, #tpu.memory_space<vmem>> -> memref<256x1024xf32, #tpu.memory_space<vmem>>
        %dma_wait3A_106 = arith.constant 0 : i32
        %dma_wait3A_107 = tpu.memref_slice %arg2[%add3A_96, %dma_wait3A_106] : memref<32768x1024xf32, #tpu.memory_space<any>> -> memref<256x1024xf32, #tpu.memory_space<any>>
        tpu.wait_dma2 semaphore(%dma_wait3A_101 : memref<!tpu.dma_semaphore, #tpu.memory_space<semaphore_mem>>) src(%dma_wait3A_107 : memref<256x1024xf32, #tpu.memory_space<any>>) dst(%dma_wait3A_105 : memref<256x1024xf32, #tpu.memory_space<vmem>>)
        %get3A_108 = arith.constant 0 : index
        %get3A_109 = arith.constant 0 : index
        %get3A_110 = arith.constant 0 : index
        %get3A_111 = vector.load %arg4[%get3A_108, %get3A_109, %get3A_110] : memref<4x512x1024xf32, #tpu.memory_space<vmem>>, vector<1x512x1024xf32>
        %get3A_112 = vector.shape_cast %get3A_111 : vector<1x512x1024xf32> to vector<512x1024xf32>
        %reshape3A = vector.shape_cast %get3A_112 : vector<512x1024xf32> to vector<8x64x1024xf32>
        %reduce_sum3A = arith.constant dense<0.000000e+00> : vector<8x1024xf32>
        %reduce_sum3A_113 = vector.multi_reduction <add>, %reshape3A, %reduce_sum3A [1] : vector<8x64x1024xf32> to vector<8x1024xf32>
        %broadcast_in_dim3A_114 = arith.constant 0.000000e+00 : f32
        %broadcast_in_dim3A_115 = vector.broadcast %broadcast_in_dim3A_114 : f32 to vector<16x1024xf32>
        %mul3A_116 = arith.constant 8 : i32
        %mul3A_117 = arith.muli %add3A_51, %mul3A_116 : i32
        %add3A_118 = arith.constant 0 : i32
        %add3A_119 = arith.addi %mul3A_117, %add3A_118 : i32
        %get3A_120 = arith.constant 0 : index
        %get3A_121 = arith.index_cast %add3A_119 : i32 to index
        %get3A_122 = memref.load %arg0[%get3A_120, %get3A_121] : memref<1x512xi32, #tpu.memory_space<smem>>
        %eq3A = vector.broadcast %get3A_122 : i32 to vector<16x1xi32>
        %eq3A_123 = arith.cmpi eq, %iota3A, %eq3A : vector<16x1xi32>
        %slice3A = vector.extract_strided_slice %reduce_sum3A_113 {offsets = [0, 0], sizes = [1, 1024], strides = [1, 1]} : vector<8x1024xf32> to vector<1x1024xf32>
        %jit3A_124 = arith.constant 0.000000e+00 : f32
        %broadcast_in_dim3A_125 = vector.shape_cast %eq3A_123 : vector<16x1xi1> to vector<16x1xi1>
        %broadcast_in_dim3A_126 = vector.broadcast %broadcast_in_dim3A_125 : vector<16x1xi1> to vector<16x1024xi1>
        %broadcast_in_dim3A_127 = vector.shape_cast %slice3A : vector<1x1024xf32> to vector<1x1024xf32>
        %broadcast_in_dim3A_128 = vector.broadcast %broadcast_in_dim3A_127 : vector<1x1024xf32> to vector<16x1024xf32>
        %broadcast_in_dim3A_129 = vector.broadcast %jit3A_124 : f32 to vector<16x1024xf32>
        %select_n3A_130 = arith.select %broadcast_in_dim3A_126, %broadcast_in_dim3A_128, %broadcast_in_dim3A_129 : vector<16x1024xi1>, vector<16x1024xf32>
        %add3A_131 = arith.addf %broadcast_in_dim3A_115, %select_n3A_130 : vector<16x1024xf32>
        %mul3A_132 = arith.constant 8 : i32
        %mul3A_133 = arith.muli %add3A_51, %mul3A_132 : i32
        %add3A_134 = arith.constant 1 : i32
        %add3A_135 = arith.addi %mul3A_133, %add3A_134 : i32
        %get3A_136 = arith.constant 0 : index
        %get3A_137 = arith.index_cast %add3A_135 : i32 to index
        %get3A_138 = memref.load %arg0[%get3A_136, %get3A_137] : memref<1x512xi32, #tpu.memory_space<smem>>
        %eq3A_139 = vector.broadcast %get3A_138 : i32 to vector<16x1xi32>
        %eq3A_140 = arith.cmpi eq, %iota3A, %eq3A_139 : vector<16x1xi32>
        %slice3A_141 = vector.extract_strided_slice %reduce_sum3A_113 {offsets = [1, 0], sizes = [1, 1024], strides = [1, 1]} : vector<8x1024xf32> to vector<1x1024xf32>
        %jit3A_142 = arith.constant 0.000000e+00 : f32
        %broadcast_in_dim3A_143 = vector.shape_cast %eq3A_140 : vector<16x1xi1> to vector<16x1xi1>
        %broadcast_in_dim3A_144 = vector.broadcast %broadcast_in_dim3A_143 : vector<16x1xi1> to vector<16x1024xi1>
        %broadcast_in_dim3A_145 = vector.shape_cast %slice3A_141 : vector<1x1024xf32> to vector<1x1024xf32>
        %broadcast_in_dim3A_146 = vector.broadcast %broadcast_in_dim3A_145 : vector<1x1024xf32> to vector<16x1024xf32>
        %broadcast_in_dim3A_147 = vector.broadcast %jit3A_142 : f32 to vector<16x1024xf32>
        %select_n3A_148 = arith.select %broadcast_in_dim3A_144, %broadcast_in_dim3A_146, %broadcast_in_dim3A_147 : vector<16x1024xi1>, vector<16x1024xf32>
        %add3A_149 = arith.addf %add3A_131, %select_n3A_148 : vector<16x1024xf32>
        %mul3A_150 = arith.constant 8 : i32
        %mul3A_151 = arith.muli %add3A_51, %mul3A_150 : i32
        %add3A_152 = arith.constant 2 : i32
        %add3A_153 = arith.addi %mul3A_151, %add3A_152 : i32
        %get3A_154 = arith.constant 0 : index
        %get3A_155 = arith.index_cast %add3A_153 : i32 to index
        %get3A_156 = memref.load %arg0[%get3A_154, %get3A_155] : memref<1x512xi32, #tpu.memory_space<smem>>
        %eq3A_157 = vector.broadcast %get3A_156 : i32 to vector<16x1xi32>
        %eq3A_158 = arith.cmpi eq, %iota3A, %eq3A_157 : vector<16x1xi32>
        %slice3A_159 = vector.extract_strided_slice %reduce_sum3A_113 {offsets = [2, 0], sizes = [1, 1024], strides = [1, 1]} : vector<8x1024xf32> to vector<1x1024xf32>
        %jit3A_160 = arith.constant 0.000000e+00 : f32
        %broadcast_in_dim3A_161 = vector.shape_cast %eq3A_158 : vector<16x1xi1> to vector<16x1xi1>
        %broadcast_in_dim3A_162 = vector.broadcast %broadcast_in_dim3A_161 : vector<16x1xi1> to vector<16x1024xi1>
        %broadcast_in_dim3A_163 = vector.shape_cast %slice3A_159 : vector<1x1024xf32> to vector<1x1024xf32>
        %broadcast_in_dim3A_164 = vector.broadcast %broadcast_in_dim3A_163 : vector<1x1024xf32> to vector<16x1024xf32>
        %broadcast_in_dim3A_165 = vector.broadcast %jit3A_160 : f32 to vector<16x1024xf32>
        %select_n3A_166 = arith.select %broadcast_in_dim3A_162, %broadcast_in_dim3A_164, %broadcast_in_dim3A_165 : vector<16x1024xi1>, vector<16x1024xf32>
        %add3A_167 = arith.addf %add3A_149, %select_n3A_166 : vector<16x1024xf32>
        %mul3A_168 = arith.constant 8 : i32
        %mul3A_169 = arith.muli %add3A_51, %mul3A_168 : i32
        %add3A_170 = arith.constant 3 : i32
        %add3A_171 = arith.addi %mul3A_169, %add3A_170 : i32
        %get3A_172 = arith.constant 0 : index
        %get3A_173 = arith.index_cast %add3A_171 : i32 to index
        %get3A_174 = memref.load %arg0[%get3A_172, %get3A_173] : memref<1x512xi32, #tpu.memory_space<smem>>
        %eq3A_175 = vector.broadcast %get3A_174 : i32 to vector<16x1xi32>
        %eq3A_176 = arith.cmpi eq, %iota3A, %eq3A_175 : vector<16x1xi32>
        %slice3A_177 = vector.extract_strided_slice %reduce_sum3A_113 {offsets = [3, 0], sizes = [1, 1024], strides = [1, 1]} : vector<8x1024xf32> to vector<1x1024xf32>
        %jit3A_178 = arith.constant 0.000000e+00 : f32
        %broadcast_in_dim3A_179 = vector.shape_cast %eq3A_176 : vector<16x1xi1> to vector<16x1xi1>
        %broadcast_in_dim3A_180 = vector.broadcast %broadcast_in_dim3A_179 : vector<16x1xi1> to vector<16x1024xi1>
        %broadcast_in_dim3A_181 = vector.shape_cast %slice3A_177 : vector<1x1024xf32> to vector<1x1024xf32>
        %broadcast_in_dim3A_182 = vector.broadcast %broadcast_in_dim3A_181 : vector<1x1024xf32> to vector<16x1024xf32>
        %broadcast_in_dim3A_183 = vector.broadcast %jit3A_178 : f32 to vector<16x1024xf32>
        %select_n3A_184 = arith.select %broadcast_in_dim3A_180, %broadcast_in_dim3A_182, %broadcast_in_dim3A_183 : vector<16x1024xi1>, vector<16x1024xf32>
        %add3A_185 = arith.addf %add3A_167, %select_n3A_184 : vector<16x1024xf32>
        %mul3A_186 = arith.constant 8 : i32
        %mul3A_187 = arith.muli %add3A_51, %mul3A_186 : i32
        %add3A_188 = arith.constant 4 : i32
        %add3A_189 = arith.addi %mul3A_187, %add3A_188 : i32
        %get3A_190 = arith.constant 0 : index
        %get3A_191 = arith.index_cast %add3A_189 : i32 to index
        %get3A_192 = memref.load %arg0[%get3A_190, %get3A_191] : memref<1x512xi32, #tpu.memory_space<smem>>
        %eq3A_193 = vector.broadcast %get3A_192 : i32 to vector<16x1xi32>
        %eq3A_194 = arith.cmpi eq, %iota3A, %eq3A_193 : vector<16x1xi32>
        %slice3A_195 = vector.extract_strided_slice %reduce_sum3A_113 {offsets = [4, 0], sizes = [1, 1024], strides = [1, 1]} : vector<8x1024xf32> to vector<1x1024xf32>
        %jit3A_196 = arith.constant 0.000000e+00 : f32
        %broadcast_in_dim3A_197 = vector.shape_cast %eq3A_194 : vector<16x1xi1> to vector<16x1xi1>
        %broadcast_in_dim3A_198 = vector.broadcast %broadcast_in_dim3A_197 : vector<16x1xi1> to vector<16x1024xi1>
        %broadcast_in_dim3A_199 = vector.shape_cast %slice3A_195 : vector<1x1024xf32> to vector<1x1024xf32>
        %broadcast_in_dim3A_200 = vector.broadcast %broadcast_in_dim3A_199 : vector<1x1024xf32> to vector<16x1024xf32>
        %broadcast_in_dim3A_201 = vector.broadcast %jit3A_196 : f32 to vector<16x1024xf32>
        %select_n3A_202 = arith.select %broadcast_in_dim3A_198, %broadcast_in_dim3A_200, %broadcast_in_dim3A_201 : vector<16x1024xi1>, vector<16x1024xf32>
        %add3A_203 = arith.addf %add3A_185, %select_n3A_202 : vector<16x1024xf32>
        %mul3A_204 = arith.constant 8 : i32
        %mul3A_205 = arith.muli %add3A_51, %mul3A_204 : i32
        %add3A_206 = arith.constant 5 : i32
        %add3A_207 = arith.addi %mul3A_205, %add3A_206 : i32
        %get3A_208 = arith.constant 0 : index
        %get3A_209 = arith.index_cast %add3A_207 : i32 to index
        %get3A_210 = memref.load %arg0[%get3A_208, %get3A_209] : memref<1x512xi32, #tpu.memory_space<smem>>
        %eq3A_211 = vector.broadcast %get3A_210 : i32 to vector<16x1xi32>
        %eq3A_212 = arith.cmpi eq, %iota3A, %eq3A_211 : vector<16x1xi32>
        %slice3A_213 = vector.extract_strided_slice %reduce_sum3A_113 {offsets = [5, 0], sizes = [1, 1024], strides = [1, 1]} : vector<8x1024xf32> to vector<1x1024xf32>
        %jit3A_214 = arith.constant 0.000000e+00 : f32
        %broadcast_in_dim3A_215 = vector.shape_cast %eq3A_212 : vector<16x1xi1> to vector<16x1xi1>
        %broadcast_in_dim3A_216 = vector.broadcast %broadcast_in_dim3A_215 : vector<16x1xi1> to vector<16x1024xi1>
        %broadcast_in_dim3A_217 = vector.shape_cast %slice3A_213 : vector<1x1024xf32> to vector<1x1024xf32>
        %broadcast_in_dim3A_218 = vector.broadcast %broadcast_in_dim3A_217 : vector<1x1024xf32> to vector<16x1024xf32>
        %broadcast_in_dim3A_219 = vector.broadcast %jit3A_214 : f32 to vector<16x1024xf32>
        %select_n3A_220 = arith.select %broadcast_in_dim3A_216, %broadcast_in_dim3A_218, %broadcast_in_dim3A_219 : vector<16x1024xi1>, vector<16x1024xf32>
        %add3A_221 = arith.addf %add3A_203, %select_n3A_220 : vector<16x1024xf32>
        %mul3A_222 = arith.constant 8 : i32
        %mul3A_223 = arith.muli %add3A_51, %mul3A_222 : i32
        %add3A_224 = arith.constant 6 : i32
        %add3A_225 = arith.addi %mul3A_223, %add3A_224 : i32
        %get3A_226 = arith.constant 0 : index
        %get3A_227 = arith.index_cast %add3A_225 : i32 to index
        %get3A_228 = memref.load %arg0[%get3A_226, %get3A_227] : memref<1x512xi32, #tpu.memory_space<smem>>
        %eq3A_229 = vector.broadcast %get3A_228 : i32 to vector<16x1xi32>
        %eq3A_230 = arith.cmpi eq, %iota3A, %eq3A_229 : vector<16x1xi32>
        %slice3A_231 = vector.extract_strided_slice %reduce_sum3A_113 {offsets = [6, 0], sizes = [1, 1024], strides = [1, 1]} : vector<8x1024xf32> to vector<1x1024xf32>
        %jit3A_232 = arith.constant 0.000000e+00 : f32
        %broadcast_in_dim3A_233 = vector.shape_cast %eq3A_230 : vector<16x1xi1> to vector<16x1xi1>
        %broadcast_in_dim3A_234 = vector.broadcast %broadcast_in_dim3A_233 : vector<16x1xi1> to vector<16x1024xi1>
        %broadcast_in_dim3A_235 = vector.shape_cast %slice3A_231 : vector<1x1024xf32> to vector<1x1024xf32>
        %broadcast_in_dim3A_236 = vector.broadcast %broadcast_in_dim3A_235 : vector<1x1024xf32> to vector<16x1024xf32>
        %broadcast_in_dim3A_237 = vector.broadcast %jit3A_232 : f32 to vector<16x1024xf32>
        %select_n3A_238 = arith.select %broadcast_in_dim3A_234, %broadcast_in_dim3A_236, %broadcast_in_dim3A_237 : vector<16x1024xi1>, vector<16x1024xf32>
        %add3A_239 = arith.addf %add3A_221, %select_n3A_238 : vector<16x1024xf32>
        %mul3A_240 = arith.constant 8 : i32
        %mul3A_241 = arith.muli %add3A_51, %mul3A_240 : i32
        %add3A_242 = arith.constant 7 : i32
        %add3A_243 = arith.addi %mul3A_241, %add3A_242 : i32
        %get3A_244 = arith.constant 0 : index
        %get3A_245 = arith.index_cast %add3A_243 : i32 to index
        %get3A_246 = memref.load %arg0[%get3A_244, %get3A_245] : memref<1x512xi32, #tpu.memory_space<smem>>
        %eq3A_247 = vector.broadcast %get3A_246 : i32 to vector<16x1xi32>
        %eq3A_248 = arith.cmpi eq, %iota3A, %eq3A_247 : vector<16x1xi32>
        %slice3A_249 = vector.extract_strided_slice %reduce_sum3A_113 {offsets = [7, 0], sizes = [1, 1024], strides = [1, 1]} : vector<8x1024xf32> to vector<1x1024xf32>
        %jit3A_250 = arith.constant 0.000000e+00 : f32
        %broadcast_in_dim3A_251 = vector.shape_cast %eq3A_248 : vector<16x1xi1> to vector<16x1xi1>
        %broadcast_in_dim3A_252 = vector.broadcast %broadcast_in_dim3A_251 : vector<16x1xi1> to vector<16x1024xi1>
        %broadcast_in_dim3A_253 = vector.shape_cast %slice3A_249 : vector<1x1024xf32> to vector<1x1024xf32>
        %broadcast_in_dim3A_254 = vector.broadcast %broadcast_in_dim3A_253 : vector<1x1024xf32> to vector<16x1024xf32>
        %broadcast_in_dim3A_255 = vector.broadcast %jit3A_250 : f32 to vector<16x1024xf32>
        %select_n3A_256 = arith.select %broadcast_in_dim3A_252, %broadcast_in_dim3A_254, %broadcast_in_dim3A_255 : vector<16x1024xi1>, vector<16x1024xf32>
        %add3A_257 = arith.addf %add3A_239, %select_n3A_256 : vector<16x1024xf32>
        %get3A_258 = arith.constant 0 : index
        %get3A_259 = arith.constant 0 : index
        %get3A_260 = vector.load %arg3[%get3A_258, %get3A_259] : memref<16x1024xf32, #tpu.memory_space<vmem>>, vector<16x1024xf32>
        %add3A_261 = arith.addf %get3A_260, %add3A_257 : vector<16x1024xf32>
        %swap3A_262 = arith.constant 0 : index
        %swap3A_263 = arith.constant 0 : index
        %swap3A_264 = vector.load %arg3[%swap3A_262, %swap3A_263] : memref<16x1024xf32, #tpu.memory_space<vmem>>, vector<16x1024xf32>
        tpu.vector_store %arg3[%swap3A_262, %swap3A_263], %add3A_261 {strides = array<i32>} : memref<16x1024xf32, #tpu.memory_space<vmem>>, vector<16x1024xf32>,
        %add3A_265 = arith.constant 4 : i32
        %add3A_266 = arith.addi %add3A_51, %add3A_265 : i32
        %le3A_267 = arith.cmpi sle, %add3A_266, %get3A_1 : i32
        %convert_element_type3A_268 = arith.extui %le3A_267 : i1 to i32
        %cond3A_269 = arith.constant 0 : i32
        %cond3A_270 = arith.cmpi ne, %convert_element_type3A_268, %cond3A_269 : i32
        scf.if %cond3A_270 {
          %add3A_271 = arith.constant 4 : i32
          %add3A_272 = arith.addi %add3A_51, %add3A_271 : i32
          %mul3A_273 = arith.constant 512 : i32
          %mul3A_274 = arith.muli %add3A_272, %mul3A_273 : i32
          %add3A_275 = arith.constant 0 : i32
          %add3A_276 = arith.addi %mul3A_274, %add3A_275 : i32
          %dma_start3A = arith.constant 0 : i32
          %dma_start3A_277 = arith.constant 0 : i32
          %dma_start3A_278 = arith.constant 0 : i32
          %dma_start3A_279 = tpu.memref_slice %arg5[%dma_start3A_277, %dma_start3A_278] : memref<4x2x!tpu.dma_semaphore, #tpu.memory_space<semaphore_mem>> -> memref<1x1x!tpu.dma_semaphore, #tpu.memory_space<semaphore_mem>>
          %dma_start3A_280 = tpu.memref_squeeze %dma_start3A_279 : memref<1x1x!tpu.dma_semaphore, #tpu.memory_space<semaphore_mem>> -> memref<!tpu.dma_semaphore, #tpu.memory_space<semaphore_mem>>
          %dma_start3A_281 = arith.constant 0 : i32
          %dma_start3A_282 = arith.constant 0 : i32
          %dma_start3A_283 = tpu.memref_slice %arg4[%dma_start3A, %dma_start3A_281, %dma_start3A_282] : memref<4x512x1024xf32, #tpu.memory_space<vmem>> -> memref<1x256x1024xf32, #tpu.memory_space<vmem>>
          %dma_start3A_284 = tpu.memref_squeeze %dma_start3A_283 : memref<1x256x1024xf32, #tpu.memory_space<vmem>> -> memref<256x1024xf32, #tpu.memory_space<vmem>>
          %dma_start3A_285 = arith.constant 0 : i32
          %dma_start3A_286 = tpu.memref_slice %arg2[%add3A_276, %dma_start3A_285] : memref<32768x1024xf32, #tpu.memory_space<any>> -> memref<256x1024xf32, #tpu.memory_space<any>>
          tpu.enqueue_dma source(%dma_start3A_286 : memref<256x1024xf32, #tpu.memory_space<any>>) target(%dma_start3A_284 : memref<256x1024xf32, #tpu.memory_space<vmem>>) target_semaphore(%dma_start3A_280 : memref<!tpu.dma_semaphore, #tpu.memory_space<semaphore_mem>>)
          %add3A_287 = arith.constant 4 : i32
          %add3A_288 = arith.addi %add3A_51, %add3A_287 : i32
          %mul3A_289 = arith.constant 512 : i32
          %mul3A_290 = arith.muli %add3A_288, %mul3A_289 : i32
          %add3A_291 = arith.constant 256 : i32
          %add3A_292 = arith.addi %mul3A_290, %add3A_291 : i32
          %dma_start3A_293 = arith.constant 0 : i32
          %dma_start3A_294 = arith.constant 0 : i32
          %dma_start3A_295 = arith.constant 1 : i32
          %dma_start3A_296 = tpu.memref_slice %arg5[%dma_start3A_294, %dma_start3A_295] : memref<4x2x!tpu.dma_semaphore, #tpu.memory_space<semaphore_mem>> -> memref<1x1x!tpu.dma_semaphore, #tpu.memory_space<semaphore_mem>>
          %dma_start3A_297 = tpu.memref_squeeze %dma_start3A_296 : memref<1x1x!tpu.dma_semaphore, #tpu.memory_space<semaphore_mem>> -> memref<!tpu.dma_semaphore, #tpu.memory_space<semaphore_mem>>
          %dma_start3A_298 = arith.constant 256 : i32
          %dma_start3A_299 = arith.constant 0 : i32
          %dma_start3A_300 = tpu.memref_slice %arg4[%dma_start3A_293, %dma_start3A_298, %dma_start3A_299] : memref<4x512x1024xf32, #tpu.memory_space<vmem>> -> memref<1x256x1024xf32, #tpu.memory_space<vmem>>
          %dma_start3A_301 = tpu.memref_squeeze %dma_start3A_300 : memref<1x256x1024xf32, #tpu.memory_space<vmem>> -> memref<256x1024xf32, #tpu.memory_space<vmem>>
          %dma_start3A_302 = arith.constant 0 : i32
          %dma_start3A_303 = tpu.memref_slice %arg2[%add3A_292, %dma_start3A_302] : memref<32768x1024xf32, #tpu.memory_space<any>> -> memref<256x1024xf32, #tpu.memory_space<any>>
          tpu.enqueue_dma source(%dma_start3A_303 : memref<256x1024xf32, #tpu.memory_space<any>>) target(%dma_start3A_301 : memref<256x1024xf32, #tpu.memory_space<vmem>>) target_semaphore(%dma_start3A_297 : memref<!tpu.dma_semaphore, #tpu.memory_space<semaphore_mem>>)
        } else {
        }
      } else {
      }
      %mul3A_55 = arith.constant 4 : i32
      %mul3A_56 = arith.muli %while3A_48, %mul3A_55 : i32
      %add3A_57 = arith.constant 1 : i32
      %add3A_58 = arith.addi %mul3A_56, %add3A_57 : i32
      %le3A_59 = arith.cmpi sle, %add3A_58, %get3A_1 : i32
      %convert_element_type3A_60 = arith.extui %le3A_59 : i1 to i32
      %cond3A_61 = arith.constant 0 : i32
      %cond3A_62 = arith.cmpi ne, %convert_element_type3A_60, %cond3A_61 : i32
      scf.if %cond3A_62 {
        %mul3A_79 = arith.constant 512 : i32
        %mul3A_80 = arith.muli %add3A_58, %mul3A_79 : i32
        %add3A_81 = arith.constant 0 : i32
        %add3A_82 = arith.addi %mul3A_80, %add3A_81 : i32
        %dma_wait3A = arith.constant 1 : i32
        %dma_wait3A_83 = arith.constant 1 : i32
        %dma_wait3A_84 = arith.constant 0 : i32
        %dma_wait3A_85 = tpu.memref_slice %arg5[%dma_wait3A_83, %dma_wait3A_84] : memref<4x2x!tpu.dma_semaphore, #tpu.memory_space<semaphore_mem>> -> memref<1x1x!tpu.dma_semaphore, #tpu.memory_space<semaphore_mem>>
        %dma_wait3A_86 = tpu.memref_squeeze %dma_wait3A_85 : memref<1x1x!tpu.dma_semaphore, #tpu.memory_space<semaphore_mem>> -> memref<!tpu.dma_semaphore, #tpu.memory_space<semaphore_mem>>
        %dma_wait3A_87 = arith.constant 0 : i32
        %dma_wait3A_88 = arith.constant 0 : i32
        %dma_wait3A_89 = tpu.memref_slice %arg4[%dma_wait3A, %dma_wait3A_87, %dma_wait3A_88] : memref<4x512x1024xf32, #tpu.memory_space<vmem>> -> memref<1x256x1024xf32, #tpu.memory_space<vmem>>
        %dma_wait3A_90 = tpu.memref_squeeze %dma_wait3A_89 : memref<1x256x1024xf32, #tpu.memory_space<vmem>> -> memref<256x1024xf32, #tpu.memory_space<vmem>>
        %dma_wait3A_91 = arith.constant 0 : i32
        %dma_wait3A_92 = tpu.memref_slice %arg2[%add3A_82, %dma_wait3A_91] : memref<32768x1024xf32, #tpu.memory_space<any>> -> memref<256x1024xf32, #tpu.memory_space<any>>
        tpu.wait_dma2 semaphore(%dma_wait3A_86 : memref<!tpu.dma_semaphore, #tpu.memory_space<semaphore_mem>>) src(%dma_wait3A_92 : memref<256x1024xf32, #tpu.memory_space<any>>) dst(%dma_wait3A_90 : memref<256x1024xf32, #tpu.memory_space<vmem>>)
        %mul3A_93 = arith.constant 512 : i32
        %mul3A_94 = arith.muli %add3A_58, %mul3A_93 : i32
        %add3A_95 = arith.constant 256 : i32
        %add3A_96 = arith.addi %mul3A_94, %add3A_95 : i32
        %dma_wait3A_97 = arith.constant 1 : i32
        %dma_wait3A_98 = arith.constant 1 : i32
        %dma_wait3A_99 = arith.constant 1 : i32
        %dma_wait3A_100 = tpu.memref_slice %arg5[%dma_wait3A_98, %dma_wait3A_99] : memref<4x2x!tpu.dma_semaphore, #tpu.memory_space<semaphore_mem>> -> memref<1x1x!tpu.dma_semaphore, #tpu.memory_space<semaphore_mem>>
        %dma_wait3A_101 = tpu.memref_squeeze %dma_wait3A_100 : memref<1x1x!tpu.dma_semaphore, #tpu.memory_space<semaphore_mem>> -> memref<!tpu.dma_semaphore, #tpu.memory_space<semaphore_mem>>
        %dma_wait3A_102 = arith.constant 256 : i32
        %dma_wait3A_103 = arith.constant 0 : i32
        %dma_wait3A_104 = tpu.memref_slice %arg4[%dma_wait3A_97, %dma_wait3A_102, %dma_wait3A_103] : memref<4x512x1024xf32, #tpu.memory_space<vmem>> -> memref<1x256x1024xf32, #tpu.memory_space<vmem>>
        %dma_wait3A_105 = tpu.memref_squeeze %dma_wait3A_104 : memref<1x256x1024xf32, #tpu.memory_space<vmem>> -> memref<256x1024xf32, #tpu.memory_space<vmem>>
        %dma_wait3A_106 = arith.constant 0 : i32
        %dma_wait3A_107 = tpu.memref_slice %arg2[%add3A_96, %dma_wait3A_106] : memref<32768x1024xf32, #tpu.memory_space<any>> -> memref<256x1024xf32, #tpu.memory_space<any>>
        tpu.wait_dma2 semaphore(%dma_wait3A_101 : memref<!tpu.dma_semaphore, #tpu.memory_space<semaphore_mem>>) src(%dma_wait3A_107 : memref<256x1024xf32, #tpu.memory_space<any>>) dst(%dma_wait3A_105 : memref<256x1024xf32, #tpu.memory_space<vmem>>)
        %get3A_108 = arith.constant 1 : index
        %get3A_109 = arith.constant 0 : index
        %get3A_110 = arith.constant 0 : index
        %get3A_111 = vector.load %arg4[%get3A_108, %get3A_109, %get3A_110] : memref<4x512x1024xf32, #tpu.memory_space<vmem>>, vector<1x512x1024xf32>
        %get3A_112 = vector.shape_cast %get3A_111 : vector<1x512x1024xf32> to vector<512x1024xf32>
        %reshape3A = vector.shape_cast %get3A_112 : vector<512x1024xf32> to vector<8x64x1024xf32>
        %reduce_sum3A = arith.constant dense<0.000000e+00> : vector<8x1024xf32>
        %reduce_sum3A_113 = vector.multi_reduction <add>, %reshape3A, %reduce_sum3A [1] : vector<8x64x1024xf32> to vector<8x1024xf32>
        %broadcast_in_dim3A_114 = arith.constant 0.000000e+00 : f32
        %broadcast_in_dim3A_115 = vector.broadcast %broadcast_in_dim3A_114 : f32 to vector<16x1024xf32>
        %mul3A_116 = arith.constant 8 : i32
        %mul3A_117 = arith.muli %add3A_58, %mul3A_116 : i32
        %add3A_118 = arith.constant 0 : i32
        %add3A_119 = arith.addi %mul3A_117, %add3A_118 : i32
        %get3A_120 = arith.constant 0 : index
        %get3A_121 = arith.index_cast %add3A_119 : i32 to index
        %get3A_122 = memref.load %arg0[%get3A_120, %get3A_121] : memref<1x512xi32, #tpu.memory_space<smem>>
        %eq3A = vector.broadcast %get3A_122 : i32 to vector<16x1xi32>
        %eq3A_123 = arith.cmpi eq, %iota3A, %eq3A : vector<16x1xi32>
        %slice3A = vector.extract_strided_slice %reduce_sum3A_113 {offsets = [0, 0], sizes = [1, 1024], strides = [1, 1]} : vector<8x1024xf32> to vector<1x1024xf32>
        %jit3A_124 = arith.constant 0.000000e+00 : f32
        %broadcast_in_dim3A_125 = vector.shape_cast %eq3A_123 : vector<16x1xi1> to vector<16x1xi1>
        %broadcast_in_dim3A_126 = vector.broadcast %broadcast_in_dim3A_125 : vector<16x1xi1> to vector<16x1024xi1>
        %broadcast_in_dim3A_127 = vector.shape_cast %slice3A : vector<1x1024xf32> to vector<1x1024xf32>
        %broadcast_in_dim3A_128 = vector.broadcast %broadcast_in_dim3A_127 : vector<1x1024xf32> to vector<16x1024xf32>
        %broadcast_in_dim3A_129 = vector.broadcast %jit3A_124 : f32 to vector<16x1024xf32>
        %select_n3A_130 = arith.select %broadcast_in_dim3A_126, %broadcast_in_dim3A_128, %broadcast_in_dim3A_129 : vector<16x1024xi1>, vector<16x1024xf32>
        %add3A_131 = arith.addf %broadcast_in_dim3A_115, %select_n3A_130 : vector<16x1024xf32>
        %mul3A_132 = arith.constant 8 : i32
        %mul3A_133 = arith.muli %add3A_58, %mul3A_132 : i32
        %add3A_134 = arith.constant 1 : i32
        %add3A_135 = arith.addi %mul3A_133, %add3A_134 : i32
        %get3A_136 = arith.constant 0 : index
        %get3A_137 = arith.index_cast %add3A_135 : i32 to index
        %get3A_138 = memref.load %arg0[%get3A_136, %get3A_137] : memref<1x512xi32, #tpu.memory_space<smem>>
        %eq3A_139 = vector.broadcast %get3A_138 : i32 to vector<16x1xi32>
        %eq3A_140 = arith.cmpi eq, %iota3A, %eq3A_139 : vector<16x1xi32>
        %slice3A_141 = vector.extract_strided_slice %reduce_sum3A_113 {offsets = [1, 0], sizes = [1, 1024], strides = [1, 1]} : vector<8x1024xf32> to vector<1x1024xf32>
        %jit3A_142 = arith.constant 0.000000e+00 : f32
        %broadcast_in_dim3A_143 = vector.shape_cast %eq3A_140 : vector<16x1xi1> to vector<16x1xi1>
        %broadcast_in_dim3A_144 = vector.broadcast %broadcast_in_dim3A_143 : vector<16x1xi1> to vector<16x1024xi1>
        %broadcast_in_dim3A_145 = vector.shape_cast %slice3A_141 : vector<1x1024xf32> to vector<1x1024xf32>
        %broadcast_in_dim3A_146 = vector.broadcast %broadcast_in_dim3A_145 : vector<1x1024xf32> to vector<16x1024xf32>
        %broadcast_in_dim3A_147 = vector.broadcast %jit3A_142 : f32 to vector<16x1024xf32>
        %select_n3A_148 = arith.select %broadcast_in_dim3A_144, %broadcast_in_dim3A_146, %broadcast_in_dim3A_147 : vector<16x1024xi1>, vector<16x1024xf32>
        %add3A_149 = arith.addf %add3A_131, %select_n3A_148 : vector<16x1024xf32>
        %mul3A_150 = arith.constant 8 : i32
        %mul3A_151 = arith.muli %add3A_58, %mul3A_150 : i32
        %add3A_152 = arith.constant 2 : i32
        %add3A_153 = arith.addi %mul3A_151, %add3A_152 : i32
        %get3A_154 = arith.constant 0 : index
        %get3A_155 = arith.index_cast %add3A_153 : i32 to index
        %get3A_156 = memref.load %arg0[%get3A_154, %get3A_155] : memref<1x512xi32, #tpu.memory_space<smem>>
        %eq3A_157 = vector.broadcast %get3A_156 : i32 to vector<16x1xi32>
        %eq3A_158 = arith.cmpi eq, %iota3A, %eq3A_157 : vector<16x1xi32>
        %slice3A_159 = vector.extract_strided_slice %reduce_sum3A_113 {offsets = [2, 0], sizes = [1, 1024], strides = [1, 1]} : vector<8x1024xf32> to vector<1x1024xf32>
        %jit3A_160 = arith.constant 0.000000e+00 : f32
        %broadcast_in_dim3A_161 = vector.shape_cast %eq3A_158 : vector<16x1xi1> to vector<16x1xi1>
        %broadcast_in_dim3A_162 = vector.broadcast %broadcast_in_dim3A_161 : vector<16x1xi1> to vector<16x1024xi1>
        %broadcast_in_dim3A_163 = vector.shape_cast %slice3A_159 : vector<1x1024xf32> to vector<1x1024xf32>
        %broadcast_in_dim3A_164 = vector.broadcast %broadcast_in_dim3A_163 : vector<1x1024xf32> to vector<16x1024xf32>
        %broadcast_in_dim3A_165 = vector.broadcast %jit3A_160 : f32 to vector<16x1024xf32>
        %select_n3A_166 = arith.select %broadcast_in_dim3A_162, %broadcast_in_dim3A_164, %broadcast_in_dim3A_165 : vector<16x1024xi1>, vector<16x1024xf32>
        %add3A_167 = arith.addf %add3A_149, %select_n3A_166 : vector<16x1024xf32>
        %mul3A_168 = arith.constant 8 : i32
        %mul3A_169 = arith.muli %add3A_58, %mul3A_168 : i32
        %add3A_170 = arith.constant 3 : i32
        %add3A_171 = arith.addi %mul3A_169, %add3A_170 : i32
        %get3A_172 = arith.constant 0 : index
        %get3A_173 = arith.index_cast %add3A_171 : i32 to index
        %get3A_174 = memref.load %arg0[%get3A_172, %get3A_173] : memref<1x512xi32, #tpu.memory_space<smem>>
        %eq3A_175 = vector.broadcast %get3A_174 : i32 to vector<16x1xi32>
        %eq3A_176 = arith.cmpi eq, %iota3A, %eq3A_175 : vector<16x1xi32>
        %slice3A_177 = vector.extract_strided_slice %reduce_sum3A_113 {offsets = [3, 0], sizes = [1, 1024], strides = [1, 1]} : vector<8x1024xf32> to vector<1x1024xf32>
        %jit3A_178 = arith.constant 0.000000e+00 : f32
        %broadcast_in_dim3A_179 = vector.shape_cast %eq3A_176 : vector<16x1xi1> to vector<16x1xi1>
        %broadcast_in_dim3A_180 = vector.broadcast %broadcast_in_dim3A_179 : vector<16x1xi1> to vector<16x1024xi1>
        %broadcast_in_dim3A_181 = vector.shape_cast %slice3A_177 : vector<1x1024xf32> to vector<1x1024xf32>
        %broadcast_in_dim3A_182 = vector.broadcast %broadcast_in_dim3A_181 : vector<1x1024xf32> to vector<16x1024xf32>
        %broadcast_in_dim3A_183 = vector.broadcast %jit3A_178 : f32 to vector<16x1024xf32>
        %select_n3A_184 = arith.select %broadcast_in_dim3A_180, %broadcast_in_dim3A_182, %broadcast_in_dim3A_183 : vector<16x1024xi1>, vector<16x1024xf32>
        %add3A_185 = arith.addf %add3A_167, %select_n3A_184 : vector<16x1024xf32>
        %mul3A_186 = arith.constant 8 : i32
        %mul3A_187 = arith.muli %add3A_58, %mul3A_186 : i32
        %add3A_188 = arith.constant 4 : i32
        %add3A_189 = arith.addi %mul3A_187, %add3A_188 : i32
        %get3A_190 = arith.constant 0 : index
        %get3A_191 = arith.index_cast %add3A_189 : i32 to index
        %get3A_192 = memref.load %arg0[%get3A_190, %get3A_191] : memref<1x512xi32, #tpu.memory_space<smem>>
        %eq3A_193 = vector.broadcast %get3A_192 : i32 to vector<16x1xi32>
        %eq3A_194 = arith.cmpi eq, %iota3A, %eq3A_193 : vector<16x1xi32>
        %slice3A_195 = vector.extract_strided_slice %reduce_sum3A_113 {offsets = [4, 0], sizes = [1, 1024], strides = [1, 1]} : vector<8x1024xf32> to vector<1x1024xf32>
        %jit3A_196 = arith.constant 0.000000e+00 : f32
        %broadcast_in_dim3A_197 = vector.shape_cast %eq3A_194 : vector<16x1xi1> to vector<16x1xi1>
        %broadcast_in_dim3A_198 = vector.broadcast %broadcast_in_dim3A_197 : vector<16x1xi1> to vector<16x1024xi1>
        %broadcast_in_dim3A_199 = vector.shape_cast %slice3A_195 : vector<1x1024xf32> to vector<1x1024xf32>
        %broadcast_in_dim3A_200 = vector.broadcast %broadcast_in_dim3A_199 : vector<1x1024xf32> to vector<16x1024xf32>
        %broadcast_in_dim3A_201 = vector.broadcast %jit3A_196 : f32 to vector<16x1024xf32>
        %select_n3A_202 = arith.select %broadcast_in_dim3A_198, %broadcast_in_dim3A_200, %broadcast_in_dim3A_201 : vector<16x1024xi1>, vector<16x1024xf32>
        %add3A_203 = arith.addf %add3A_185, %select_n3A_202 : vector<16x1024xf32>
        %mul3A_204 = arith.constant 8 : i32
        %mul3A_205 = arith.muli %add3A_58, %mul3A_204 : i32
        %add3A_206 = arith.constant 5 : i32
        %add3A_207 = arith.addi %mul3A_205, %add3A_206 : i32
        %get3A_208 = arith.constant 0 : index
        %get3A_209 = arith.index_cast %add3A_207 : i32 to index
        %get3A_210 = memref.load %arg0[%get3A_208, %get3A_209] : memref<1x512xi32, #tpu.memory_space<smem>>
        %eq3A_211 = vector.broadcast %get3A_210 : i32 to vector<16x1xi32>
        %eq3A_212 = arith.cmpi eq, %iota3A, %eq3A_211 : vector<16x1xi32>
        %slice3A_213 = vector.extract_strided_slice %reduce_sum3A_113 {offsets = [5, 0], sizes = [1, 1024], strides = [1, 1]} : vector<8x1024xf32> to vector<1x1024xf32>
        %jit3A_214 = arith.constant 0.000000e+00 : f32
        %broadcast_in_dim3A_215 = vector.shape_cast %eq3A_212 : vector<16x1xi1> to vector<16x1xi1>
        %broadcast_in_dim3A_216 = vector.broadcast %broadcast_in_dim3A_215 : vector<16x1xi1> to vector<16x1024xi1>
        %broadcast_in_dim3A_217 = vector.shape_cast %slice3A_213 : vector<1x1024xf32> to vector<1x1024xf32>
        %broadcast_in_dim3A_218 = vector.broadcast %broadcast_in_dim3A_217 : vector<1x1024xf32> to vector<16x1024xf32>
        %broadcast_in_dim3A_219 = vector.broadcast %jit3A_214 : f32 to vector<16x1024xf32>
        %select_n3A_220 = arith.select %broadcast_in_dim3A_216, %broadcast_in_dim3A_218, %broadcast_in_dim3A_219 : vector<16x1024xi1>, vector<16x1024xf32>
        %add3A_221 = arith.addf %add3A_203, %select_n3A_220 : vector<16x1024xf32>
        %mul3A_222 = arith.constant 8 : i32
        %mul3A_223 = arith.muli %add3A_58, %mul3A_222 : i32
        %add3A_224 = arith.constant 6 : i32
        %add3A_225 = arith.addi %mul3A_223, %add3A_224 : i32
        %get3A_226 = arith.constant 0 : index
        %get3A_227 = arith.index_cast %add3A_225 : i32 to index
        %get3A_228 = memref.load %arg0[%get3A_226, %get3A_227] : memref<1x512xi32, #tpu.memory_space<smem>>
        %eq3A_229 = vector.broadcast %get3A_228 : i32 to vector<16x1xi32>
        %eq3A_230 = arith.cmpi eq, %iota3A, %eq3A_229 : vector<16x1xi32>
        %slice3A_231 = vector.extract_strided_slice %reduce_sum3A_113 {offsets = [6, 0], sizes = [1, 1024], strides = [1, 1]} : vector<8x1024xf32> to vector<1x1024xf32>
        %jit3A_232 = arith.constant 0.000000e+00 : f32
        %broadcast_in_dim3A_233 = vector.shape_cast %eq3A_230 : vector<16x1xi1> to vector<16x1xi1>
        %broadcast_in_dim3A_234 = vector.broadcast %broadcast_in_dim3A_233 : vector<16x1xi1> to vector<16x1024xi1>
        %broadcast_in_dim3A_235 = vector.shape_cast %slice3A_231 : vector<1x1024xf32> to vector<1x1024xf32>
        %broadcast_in_dim3A_236 = vector.broadcast %broadcast_in_dim3A_235 : vector<1x1024xf32> to vector<16x1024xf32>
        %broadcast_in_dim3A_237 = vector.broadcast %jit3A_232 : f32 to vector<16x1024xf32>
        %select_n3A_238 = arith.select %broadcast_in_dim3A_234, %broadcast_in_dim3A_236, %broadcast_in_dim3A_237 : vector<16x1024xi1>, vector<16x1024xf32>
        %add3A_239 = arith.addf %add3A_221, %select_n3A_238 : vector<16x1024xf32>
        %mul3A_240 = arith.constant 8 : i32
        %mul3A_241 = arith.muli %add3A_58, %mul3A_240 : i32
        %add3A_242 = arith.constant 7 : i32
        %add3A_243 = arith.addi %mul3A_241, %add3A_242 : i32
        %get3A_244 = arith.constant 0 : index
        %get3A_245 = arith.index_cast %add3A_243 : i32 to index
        %get3A_246 = memref.load %arg0[%get3A_244, %get3A_245] : memref<1x512xi32, #tpu.memory_space<smem>>
        %eq3A_247 = vector.broadcast %get3A_246 : i32 to vector<16x1xi32>
        %eq3A_248 = arith.cmpi eq, %iota3A, %eq3A_247 : vector<16x1xi32>
        %slice3A_249 = vector.extract_strided_slice %reduce_sum3A_113 {offsets = [7, 0], sizes = [1, 1024], strides = [1, 1]} : vector<8x1024xf32> to vector<1x1024xf32>
        %jit3A_250 = arith.constant 0.000000e+00 : f32
        %broadcast_in_dim3A_251 = vector.shape_cast %eq3A_248 : vector<16x1xi1> to vector<16x1xi1>
        %broadcast_in_dim3A_252 = vector.broadcast %broadcast_in_dim3A_251 : vector<16x1xi1> to vector<16x1024xi1>
        %broadcast_in_dim3A_253 = vector.shape_cast %slice3A_249 : vector<1x1024xf32> to vector<1x1024xf32>
        %broadcast_in_dim3A_254 = vector.broadcast %broadcast_in_dim3A_253 : vector<1x1024xf32> to vector<16x1024xf32>
        %broadcast_in_dim3A_255 = vector.broadcast %jit3A_250 : f32 to vector<16x1024xf32>
        %select_n3A_256 = arith.select %broadcast_in_dim3A_252, %broadcast_in_dim3A_254, %broadcast_in_dim3A_255 : vector<16x1024xi1>, vector<16x1024xf32>
        %add3A_257 = arith.addf %add3A_239, %select_n3A_256 : vector<16x1024xf32>
        %get3A_258 = arith.constant 0 : index
        %get3A_259 = arith.constant 0 : index
        %get3A_260 = vector.load %arg3[%get3A_258, %get3A_259] : memref<16x1024xf32, #tpu.memory_space<vmem>>, vector<16x1024xf32>
        %add3A_261 = arith.addf %get3A_260, %add3A_257 : vector<16x1024xf32>
        %swap3A_262 = arith.constant 0 : index
        %swap3A_263 = arith.constant 0 : index
        %swap3A_264 = vector.load %arg3[%swap3A_262, %swap3A_263] : memref<16x1024xf32, #tpu.memory_space<vmem>>, vector<16x1024xf32>
        tpu.vector_store %arg3[%swap3A_262, %swap3A_263], %add3A_261 {strides = array<i32>} : memref<16x1024xf32, #tpu.memory_space<vmem>>, vector<16x1024xf32>,
        %add3A_265 = arith.constant 4 : i32
        %add3A_266 = arith.addi %add3A_58, %add3A_265 : i32
        %le3A_267 = arith.cmpi sle, %add3A_266, %get3A_1 : i32
        %convert_element_type3A_268 = arith.extui %le3A_267 : i1 to i32
        %cond3A_269 = arith.constant 0 : i32
        %cond3A_270 = arith.cmpi ne, %convert_element_type3A_268, %cond3A_269 : i32
        scf.if %cond3A_270 {
          %add3A_271 = arith.constant 4 : i32
          %add3A_272 = arith.addi %add3A_58, %add3A_271 : i32
          %mul3A_273 = arith.constant 512 : i32
          %mul3A_274 = arith.muli %add3A_272, %mul3A_273 : i32
          %add3A_275 = arith.constant 0 : i32
          %add3A_276 = arith.addi %mul3A_274, %add3A_275 : i32
          %dma_start3A = arith.constant 1 : i32
          %dma_start3A_277 = arith.constant 1 : i32
          %dma_start3A_278 = arith.constant 0 : i32
          %dma_start3A_279 = tpu.memref_slice %arg5[%dma_start3A_277, %dma_start3A_278] : memref<4x2x!tpu.dma_semaphore, #tpu.memory_space<semaphore_mem>> -> memref<1x1x!tpu.dma_semaphore, #tpu.memory_space<semaphore_mem>>
          %dma_start3A_280 = tpu.memref_squeeze %dma_start3A_279 : memref<1x1x!tpu.dma_semaphore, #tpu.memory_space<semaphore_mem>> -> memref<!tpu.dma_semaphore, #tpu.memory_space<semaphore_mem>>
          %dma_start3A_281 = arith.constant 0 : i32
          %dma_start3A_282 = arith.constant 0 : i32
          %dma_start3A_283 = tpu.memref_slice %arg4[%dma_start3A, %dma_start3A_281, %dma_start3A_282] : memref<4x512x1024xf32, #tpu.memory_space<vmem>> -> memref<1x256x1024xf32, #tpu.memory_space<vmem>>
          %dma_start3A_284 = tpu.memref_squeeze %dma_start3A_283 : memref<1x256x1024xf32, #tpu.memory_space<vmem>> -> memref<256x1024xf32, #tpu.memory_space<vmem>>
          %dma_start3A_285 = arith.constant 0 : i32
          %dma_start3A_286 = tpu.memref_slice %arg2[%add3A_276, %dma_start3A_285] : memref<32768x1024xf32, #tpu.memory_space<any>> -> memref<256x1024xf32, #tpu.memory_space<any>>
          tpu.enqueue_dma source(%dma_start3A_286 : memref<256x1024xf32, #tpu.memory_space<any>>) target(%dma_start3A_284 : memref<256x1024xf32, #tpu.memory_space<vmem>>) target_semaphore(%dma_start3A_280 : memref<!tpu.dma_semaphore, #tpu.memory_space<semaphore_mem>>)
          %add3A_287 = arith.constant 4 : i32
          %add3A_288 = arith.addi %add3A_58, %add3A_287 : i32
          %mul3A_289 = arith.constant 512 : i32
          %mul3A_290 = arith.muli %add3A_288, %mul3A_289 : i32
          %add3A_291 = arith.constant 256 : i32
          %add3A_292 = arith.addi %mul3A_290, %add3A_291 : i32
          %dma_start3A_293 = arith.constant 1 : i32
          %dma_start3A_294 = arith.constant 1 : i32
          %dma_start3A_295 = arith.constant 1 : i32
          %dma_start3A_296 = tpu.memref_slice %arg5[%dma_start3A_294, %dma_start3A_295] : memref<4x2x!tpu.dma_semaphore, #tpu.memory_space<semaphore_mem>> -> memref<1x1x!tpu.dma_semaphore, #tpu.memory_space<semaphore_mem>>
          %dma_start3A_297 = tpu.memref_squeeze %dma_start3A_296 : memref<1x1x!tpu.dma_semaphore, #tpu.memory_space<semaphore_mem>> -> memref<!tpu.dma_semaphore, #tpu.memory_space<semaphore_mem>>
          %dma_start3A_298 = arith.constant 256 : i32
          %dma_start3A_299 = arith.constant 0 : i32
          %dma_start3A_300 = tpu.memref_slice %arg4[%dma_start3A_293, %dma_start3A_298, %dma_start3A_299] : memref<4x512x1024xf32, #tpu.memory_space<vmem>> -> memref<1x256x1024xf32, #tpu.memory_space<vmem>>
          %dma_start3A_301 = tpu.memref_squeeze %dma_start3A_300 : memref<1x256x1024xf32, #tpu.memory_space<vmem>> -> memref<256x1024xf32, #tpu.memory_space<vmem>>
          %dma_start3A_302 = arith.constant 0 : i32
          %dma_start3A_303 = tpu.memref_slice %arg2[%add3A_292, %dma_start3A_302] : memref<32768x1024xf32, #tpu.memory_space<any>> -> memref<256x1024xf32, #tpu.memory_space<any>>
          tpu.enqueue_dma source(%dma_start3A_303 : memref<256x1024xf32, #tpu.memory_space<any>>) target(%dma_start3A_301 : memref<256x1024xf32, #tpu.memory_space<vmem>>) target_semaphore(%dma_start3A_297 : memref<!tpu.dma_semaphore, #tpu.memory_space<semaphore_mem>>)
        } else {
        }
      } else {
      }
      %mul3A_63 = arith.constant 4 : i32
      %mul3A_64 = arith.muli %while3A_48, %mul3A_63 : i32
      %add3A_65 = arith.constant 2 : i32
      %add3A_66 = arith.addi %mul3A_64, %add3A_65 : i32
      %le3A_67 = arith.cmpi sle, %add3A_66, %get3A_1 : i32
      %convert_element_type3A_68 = arith.extui %le3A_67 : i1 to i32
      %cond3A_69 = arith.constant 0 : i32
      %cond3A_70 = arith.cmpi ne, %convert_element_type3A_68, %cond3A_69 : i32
      scf.if %cond3A_70 {
        %mul3A_79 = arith.constant 512 : i32
        %mul3A_80 = arith.muli %add3A_66, %mul3A_79 : i32
        %add3A_81 = arith.constant 0 : i32
        %add3A_82 = arith.addi %mul3A_80, %add3A_81 : i32
        %dma_wait3A = arith.constant 2 : i32
        %dma_wait3A_83 = arith.constant 2 : i32
        %dma_wait3A_84 = arith.constant 0 : i32
        %dma_wait3A_85 = tpu.memref_slice %arg5[%dma_wait3A_83, %dma_wait3A_84] : memref<4x2x!tpu.dma_semaphore, #tpu.memory_space<semaphore_mem>> -> memref<1x1x!tpu.dma_semaphore, #tpu.memory_space<semaphore_mem>>
        %dma_wait3A_86 = tpu.memref_squeeze %dma_wait3A_85 : memref<1x1x!tpu.dma_semaphore, #tpu.memory_space<semaphore_mem>> -> memref<!tpu.dma_semaphore, #tpu.memory_space<semaphore_mem>>
        %dma_wait3A_87 = arith.constant 0 : i32
        %dma_wait3A_88 = arith.constant 0 : i32
        %dma_wait3A_89 = tpu.memref_slice %arg4[%dma_wait3A, %dma_wait3A_87, %dma_wait3A_88] : memref<4x512x1024xf32, #tpu.memory_space<vmem>> -> memref<1x256x1024xf32, #tpu.memory_space<vmem>>
        %dma_wait3A_90 = tpu.memref_squeeze %dma_wait3A_89 : memref<1x256x1024xf32, #tpu.memory_space<vmem>> -> memref<256x1024xf32, #tpu.memory_space<vmem>>
        %dma_wait3A_91 = arith.constant 0 : i32
        %dma_wait3A_92 = tpu.memref_slice %arg2[%add3A_82, %dma_wait3A_91] : memref<32768x1024xf32, #tpu.memory_space<any>> -> memref<256x1024xf32, #tpu.memory_space<any>>
        tpu.wait_dma2 semaphore(%dma_wait3A_86 : memref<!tpu.dma_semaphore, #tpu.memory_space<semaphore_mem>>) src(%dma_wait3A_92 : memref<256x1024xf32, #tpu.memory_space<any>>) dst(%dma_wait3A_90 : memref<256x1024xf32, #tpu.memory_space<vmem>>)
        %mul3A_93 = arith.constant 512 : i32
        %mul3A_94 = arith.muli %add3A_66, %mul3A_93 : i32
        %add3A_95 = arith.constant 256 : i32
        %add3A_96 = arith.addi %mul3A_94, %add3A_95 : i32
        %dma_wait3A_97 = arith.constant 2 : i32
        %dma_wait3A_98 = arith.constant 2 : i32
        %dma_wait3A_99 = arith.constant 1 : i32
        %dma_wait3A_100 = tpu.memref_slice %arg5[%dma_wait3A_98, %dma_wait3A_99] : memref<4x2x!tpu.dma_semaphore, #tpu.memory_space<semaphore_mem>> -> memref<1x1x!tpu.dma_semaphore, #tpu.memory_space<semaphore_mem>>
        %dma_wait3A_101 = tpu.memref_squeeze %dma_wait3A_100 : memref<1x1x!tpu.dma_semaphore, #tpu.memory_space<semaphore_mem>> -> memref<!tpu.dma_semaphore, #tpu.memory_space<semaphore_mem>>
        %dma_wait3A_102 = arith.constant 256 : i32
        %dma_wait3A_103 = arith.constant 0 : i32
        %dma_wait3A_104 = tpu.memref_slice %arg4[%dma_wait3A_97, %dma_wait3A_102, %dma_wait3A_103] : memref<4x512x1024xf32, #tpu.memory_space<vmem>> -> memref<1x256x1024xf32, #tpu.memory_space<vmem>>
        %dma_wait3A_105 = tpu.memref_squeeze %dma_wait3A_104 : memref<1x256x1024xf32, #tpu.memory_space<vmem>> -> memref<256x1024xf32, #tpu.memory_space<vmem>>
        %dma_wait3A_106 = arith.constant 0 : i32
        %dma_wait3A_107 = tpu.memref_slice %arg2[%add3A_96, %dma_wait3A_106] : memref<32768x1024xf32, #tpu.memory_space<any>> -> memref<256x1024xf32, #tpu.memory_space<any>>
        tpu.wait_dma2 semaphore(%dma_wait3A_101 : memref<!tpu.dma_semaphore, #tpu.memory_space<semaphore_mem>>) src(%dma_wait3A_107 : memref<256x1024xf32, #tpu.memory_space<any>>) dst(%dma_wait3A_105 : memref<256x1024xf32, #tpu.memory_space<vmem>>)
        %get3A_108 = arith.constant 2 : index
        %get3A_109 = arith.constant 0 : index
        %get3A_110 = arith.constant 0 : index
        %get3A_111 = vector.load %arg4[%get3A_108, %get3A_109, %get3A_110] : memref<4x512x1024xf32, #tpu.memory_space<vmem>>, vector<1x512x1024xf32>
        %get3A_112 = vector.shape_cast %get3A_111 : vector<1x512x1024xf32> to vector<512x1024xf32>
        %reshape3A = vector.shape_cast %get3A_112 : vector<512x1024xf32> to vector<8x64x1024xf32>
        %reduce_sum3A = arith.constant dense<0.000000e+00> : vector<8x1024xf32>
        %reduce_sum3A_113 = vector.multi_reduction <add>, %reshape3A, %reduce_sum3A [1] : vector<8x64x1024xf32> to vector<8x1024xf32>
        %broadcast_in_dim3A_114 = arith.constant 0.000000e+00 : f32
        %broadcast_in_dim3A_115 = vector.broadcast %broadcast_in_dim3A_114 : f32 to vector<16x1024xf32>
        %mul3A_116 = arith.constant 8 : i32
        %mul3A_117 = arith.muli %add3A_66, %mul3A_116 : i32
        %add3A_118 = arith.constant 0 : i32
        %add3A_119 = arith.addi %mul3A_117, %add3A_118 : i32
        %get3A_120 = arith.constant 0 : index
        %get3A_121 = arith.index_cast %add3A_119 : i32 to index
        %get3A_122 = memref.load %arg0[%get3A_120, %get3A_121] : memref<1x512xi32, #tpu.memory_space<smem>>
        %eq3A = vector.broadcast %get3A_122 : i32 to vector<16x1xi32>
        %eq3A_123 = arith.cmpi eq, %iota3A, %eq3A : vector<16x1xi32>
        %slice3A = vector.extract_strided_slice %reduce_sum3A_113 {offsets = [0, 0], sizes = [1, 1024], strides = [1, 1]} : vector<8x1024xf32> to vector<1x1024xf32>
        %jit3A_124 = arith.constant 0.000000e+00 : f32
        %broadcast_in_dim3A_125 = vector.shape_cast %eq3A_123 : vector<16x1xi1> to vector<16x1xi1>
        %broadcast_in_dim3A_126 = vector.broadcast %broadcast_in_dim3A_125 : vector<16x1xi1> to vector<16x1024xi1>
        %broadcast_in_dim3A_127 = vector.shape_cast %slice3A : vector<1x1024xf32> to vector<1x1024xf32>
        %broadcast_in_dim3A_128 = vector.broadcast %broadcast_in_dim3A_127 : vector<1x1024xf32> to vector<16x1024xf32>
        %broadcast_in_dim3A_129 = vector.broadcast %jit3A_124 : f32 to vector<16x1024xf32>
        %select_n3A_130 = arith.select %broadcast_in_dim3A_126, %broadcast_in_dim3A_128, %broadcast_in_dim3A_129 : vector<16x1024xi1>, vector<16x1024xf32>
        %add3A_131 = arith.addf %broadcast_in_dim3A_115, %select_n3A_130 : vector<16x1024xf32>
        %mul3A_132 = arith.constant 8 : i32
        %mul3A_133 = arith.muli %add3A_66, %mul3A_132 : i32
        %add3A_134 = arith.constant 1 : i32
        %add3A_135 = arith.addi %mul3A_133, %add3A_134 : i32
        %get3A_136 = arith.constant 0 : index
        %get3A_137 = arith.index_cast %add3A_135 : i32 to index
        %get3A_138 = memref.load %arg0[%get3A_136, %get3A_137] : memref<1x512xi32, #tpu.memory_space<smem>>
        %eq3A_139 = vector.broadcast %get3A_138 : i32 to vector<16x1xi32>
        %eq3A_140 = arith.cmpi eq, %iota3A, %eq3A_139 : vector<16x1xi32>
        %slice3A_141 = vector.extract_strided_slice %reduce_sum3A_113 {offsets = [1, 0], sizes = [1, 1024], strides = [1, 1]} : vector<8x1024xf32> to vector<1x1024xf32>
        %jit3A_142 = arith.constant 0.000000e+00 : f32
        %broadcast_in_dim3A_143 = vector.shape_cast %eq3A_140 : vector<16x1xi1> to vector<16x1xi1>
        %broadcast_in_dim3A_144 = vector.broadcast %broadcast_in_dim3A_143 : vector<16x1xi1> to vector<16x1024xi1>
        %broadcast_in_dim3A_145 = vector.shape_cast %slice3A_141 : vector<1x1024xf32> to vector<1x1024xf32>
        %broadcast_in_dim3A_146 = vector.broadcast %broadcast_in_dim3A_145 : vector<1x1024xf32> to vector<16x1024xf32>
        %broadcast_in_dim3A_147 = vector.broadcast %jit3A_142 : f32 to vector<16x1024xf32>
        %select_n3A_148 = arith.select %broadcast_in_dim3A_144, %broadcast_in_dim3A_146, %broadcast_in_dim3A_147 : vector<16x1024xi1>, vector<16x1024xf32>
        %add3A_149 = arith.addf %add3A_131, %select_n3A_148 : vector<16x1024xf32>
        %mul3A_150 = arith.constant 8 : i32
        %mul3A_151 = arith.muli %add3A_66, %mul3A_150 : i32
        %add3A_152 = arith.constant 2 : i32
        %add3A_153 = arith.addi %mul3A_151, %add3A_152 : i32
        %get3A_154 = arith.constant 0 : index
        %get3A_155 = arith.index_cast %add3A_153 : i32 to index
        %get3A_156 = memref.load %arg0[%get3A_154, %get3A_155] : memref<1x512xi32, #tpu.memory_space<smem>>
        %eq3A_157 = vector.broadcast %get3A_156 : i32 to vector<16x1xi32>
        %eq3A_158 = arith.cmpi eq, %iota3A, %eq3A_157 : vector<16x1xi32>
        %slice3A_159 = vector.extract_strided_slice %reduce_sum3A_113 {offsets = [2, 0], sizes = [1, 1024], strides = [1, 1]} : vector<8x1024xf32> to vector<1x1024xf32>
        %jit3A_160 = arith.constant 0.000000e+00 : f32
        %broadcast_in_dim3A_161 = vector.shape_cast %eq3A_158 : vector<16x1xi1> to vector<16x1xi1>
        %broadcast_in_dim3A_162 = vector.broadcast %broadcast_in_dim3A_161 : vector<16x1xi1> to vector<16x1024xi1>
        %broadcast_in_dim3A_163 = vector.shape_cast %slice3A_159 : vector<1x1024xf32> to vector<1x1024xf32>
        %broadcast_in_dim3A_164 = vector.broadcast %broadcast_in_dim3A_163 : vector<1x1024xf32> to vector<16x1024xf32>
        %broadcast_in_dim3A_165 = vector.broadcast %jit3A_160 : f32 to vector<16x1024xf32>
        %select_n3A_166 = arith.select %broadcast_in_dim3A_162, %broadcast_in_dim3A_164, %broadcast_in_dim3A_165 : vector<16x1024xi1>, vector<16x1024xf32>
        %add3A_167 = arith.addf %add3A_149, %select_n3A_166 : vector<16x1024xf32>
        %mul3A_168 = arith.constant 8 : i32
        %mul3A_169 = arith.muli %add3A_66, %mul3A_168 : i32
        %add3A_170 = arith.constant 3 : i32
        %add3A_171 = arith.addi %mul3A_169, %add3A_170 : i32
        %get3A_172 = arith.constant 0 : index
        %get3A_173 = arith.index_cast %add3A_171 : i32 to index
        %get3A_174 = memref.load %arg0[%get3A_172, %get3A_173] : memref<1x512xi32, #tpu.memory_space<smem>>
        %eq3A_175 = vector.broadcast %get3A_174 : i32 to vector<16x1xi32>
        %eq3A_176 = arith.cmpi eq, %iota3A, %eq3A_175 : vector<16x1xi32>
        %slice3A_177 = vector.extract_strided_slice %reduce_sum3A_113 {offsets = [3, 0], sizes = [1, 1024], strides = [1, 1]} : vector<8x1024xf32> to vector<1x1024xf32>
        %jit3A_178 = arith.constant 0.000000e+00 : f32
        %broadcast_in_dim3A_179 = vector.shape_cast %eq3A_176 : vector<16x1xi1> to vector<16x1xi1>
        %broadcast_in_dim3A_180 = vector.broadcast %broadcast_in_dim3A_179 : vector<16x1xi1> to vector<16x1024xi1>
        %broadcast_in_dim3A_181 = vector.shape_cast %slice3A_177 : vector<1x1024xf32> to vector<1x1024xf32>
        %broadcast_in_dim3A_182 = vector.broadcast %broadcast_in_dim3A_181 : vector<1x1024xf32> to vector<16x1024xf32>
        %broadcast_in_dim3A_183 = vector.broadcast %jit3A_178 : f32 to vector<16x1024xf32>
        %select_n3A_184 = arith.select %broadcast_in_dim3A_180, %broadcast_in_dim3A_182, %broadcast_in_dim3A_183 : vector<16x1024xi1>, vector<16x1024xf32>
        %add3A_185 = arith.addf %add3A_167, %select_n3A_184 : vector<16x1024xf32>
        %mul3A_186 = arith.constant 8 : i32
        %mul3A_187 = arith.muli %add3A_66, %mul3A_186 : i32
        %add3A_188 = arith.constant 4 : i32
        %add3A_189 = arith.addi %mul3A_187, %add3A_188 : i32
        %get3A_190 = arith.constant 0 : index
        %get3A_191 = arith.index_cast %add3A_189 : i32 to index
        %get3A_192 = memref.load %arg0[%get3A_190, %get3A_191] : memref<1x512xi32, #tpu.memory_space<smem>>
        %eq3A_193 = vector.broadcast %get3A_192 : i32 to vector<16x1xi32>
        %eq3A_194 = arith.cmpi eq, %iota3A, %eq3A_193 : vector<16x1xi32>
        %slice3A_195 = vector.extract_strided_slice %reduce_sum3A_113 {offsets = [4, 0], sizes = [1, 1024], strides = [1, 1]} : vector<8x1024xf32> to vector<1x1024xf32>
        %jit3A_196 = arith.constant 0.000000e+00 : f32
        %broadcast_in_dim3A_197 = vector.shape_cast %eq3A_194 : vector<16x1xi1> to vector<16x1xi1>
        %broadcast_in_dim3A_198 = vector.broadcast %broadcast_in_dim3A_197 : vector<16x1xi1> to vector<16x1024xi1>
        %broadcast_in_dim3A_199 = vector.shape_cast %slice3A_195 : vector<1x1024xf32> to vector<1x1024xf32>
        %broadcast_in_dim3A_200 = vector.broadcast %broadcast_in_dim3A_199 : vector<1x1024xf32> to vector<16x1024xf32>
        %broadcast_in_dim3A_201 = vector.broadcast %jit3A_196 : f32 to vector<16x1024xf32>
        %select_n3A_202 = arith.select %broadcast_in_dim3A_198, %broadcast_in_dim3A_200, %broadcast_in_dim3A_201 : vector<16x1024xi1>, vector<16x1024xf32>
        %add3A_203 = arith.addf %add3A_185, %select_n3A_202 : vector<16x1024xf32>
        %mul3A_204 = arith.constant 8 : i32
        %mul3A_205 = arith.muli %add3A_66, %mul3A_204 : i32
        %add3A_206 = arith.constant 5 : i32
        %add3A_207 = arith.addi %mul3A_205, %add3A_206 : i32
        %get3A_208 = arith.constant 0 : index
        %get3A_209 = arith.index_cast %add3A_207 : i32 to index
        %get3A_210 = memref.load %arg0[%get3A_208, %get3A_209] : memref<1x512xi32, #tpu.memory_space<smem>>
        %eq3A_211 = vector.broadcast %get3A_210 : i32 to vector<16x1xi32>
        %eq3A_212 = arith.cmpi eq, %iota3A, %eq3A_211 : vector<16x1xi32>
        %slice3A_213 = vector.extract_strided_slice %reduce_sum3A_113 {offsets = [5, 0], sizes = [1, 1024], strides = [1, 1]} : vector<8x1024xf32> to vector<1x1024xf32>
        %jit3A_214 = arith.constant 0.000000e+00 : f32
        %broadcast_in_dim3A_215 = vector.shape_cast %eq3A_212 : vector<16x1xi1> to vector<16x1xi1>
        %broadcast_in_dim3A_216 = vector.broadcast %broadcast_in_dim3A_215 : vector<16x1xi1> to vector<16x1024xi1>
        %broadcast_in_dim3A_217 = vector.shape_cast %slice3A_213 : vector<1x1024xf32> to vector<1x1024xf32>
        %broadcast_in_dim3A_218 = vector.broadcast %broadcast_in_dim3A_217 : vector<1x1024xf32> to vector<16x1024xf32>
        %broadcast_in_dim3A_219 = vector.broadcast %jit3A_214 : f32 to vector<16x1024xf32>
        %select_n3A_220 = arith.select %broadcast_in_dim3A_216, %broadcast_in_dim3A_218, %broadcast_in_dim3A_219 : vector<16x1024xi1>, vector<16x1024xf32>
        %add3A_221 = arith.addf %add3A_203, %select_n3A_220 : vector<16x1024xf32>
        %mul3A_222 = arith.constant 8 : i32
        %mul3A_223 = arith.muli %add3A_66, %mul3A_222 : i32
        %add3A_224 = arith.constant 6 : i32
        %add3A_225 = arith.addi %mul3A_223, %add3A_224 : i32
        %get3A_226 = arith.constant 0 : index
        %get3A_227 = arith.index_cast %add3A_225 : i32 to index
        %get3A_228 = memref.load %arg0[%get3A_226, %get3A_227] : memref<1x512xi32, #tpu.memory_space<smem>>
        %eq3A_229 = vector.broadcast %get3A_228 : i32 to vector<16x1xi32>
        %eq3A_230 = arith.cmpi eq, %iota3A, %eq3A_229 : vector<16x1xi32>
        %slice3A_231 = vector.extract_strided_slice %reduce_sum3A_113 {offsets = [6, 0], sizes = [1, 1024], strides = [1, 1]} : vector<8x1024xf32> to vector<1x1024xf32>
        %jit3A_232 = arith.constant 0.000000e+00 : f32
        %broadcast_in_dim3A_233 = vector.shape_cast %eq3A_230 : vector<16x1xi1> to vector<16x1xi1>
        %broadcast_in_dim3A_234 = vector.broadcast %broadcast_in_dim3A_233 : vector<16x1xi1> to vector<16x1024xi1>
        %broadcast_in_dim3A_235 = vector.shape_cast %slice3A_231 : vector<1x1024xf32> to vector<1x1024xf32>
        %broadcast_in_dim3A_236 = vector.broadcast %broadcast_in_dim3A_235 : vector<1x1024xf32> to vector<16x1024xf32>
        %broadcast_in_dim3A_237 = vector.broadcast %jit3A_232 : f32 to vector<16x1024xf32>
        %select_n3A_238 = arith.select %broadcast_in_dim3A_234, %broadcast_in_dim3A_236, %broadcast_in_dim3A_237 : vector<16x1024xi1>, vector<16x1024xf32>
        %add3A_239 = arith.addf %add3A_221, %select_n3A_238 : vector<16x1024xf32>
        %mul3A_240 = arith.constant 8 : i32
        %mul3A_241 = arith.muli %add3A_66, %mul3A_240 : i32
        %add3A_242 = arith.constant 7 : i32
        %add3A_243 = arith.addi %mul3A_241, %add3A_242 : i32
        %get3A_244 = arith.constant 0 : index
        %get3A_245 = arith.index_cast %add3A_243 : i32 to index
        %get3A_246 = memref.load %arg0[%get3A_244, %get3A_245] : memref<1x512xi32, #tpu.memory_space<smem>>
        %eq3A_247 = vector.broadcast %get3A_246 : i32 to vector<16x1xi32>
        %eq3A_248 = arith.cmpi eq, %iota3A, %eq3A_247 : vector<16x1xi32>
        %slice3A_249 = vector.extract_strided_slice %reduce_sum3A_113 {offsets = [7, 0], sizes = [1, 1024], strides = [1, 1]} : vector<8x1024xf32> to vector<1x1024xf32>
        %jit3A_250 = arith.constant 0.000000e+00 : f32
        %broadcast_in_dim3A_251 = vector.shape_cast %eq3A_248 : vector<16x1xi1> to vector<16x1xi1>
        %broadcast_in_dim3A_252 = vector.broadcast %broadcast_in_dim3A_251 : vector<16x1xi1> to vector<16x1024xi1>
        %broadcast_in_dim3A_253 = vector.shape_cast %slice3A_249 : vector<1x1024xf32> to vector<1x1024xf32>
        %broadcast_in_dim3A_254 = vector.broadcast %broadcast_in_dim3A_253 : vector<1x1024xf32> to vector<16x1024xf32>
        %broadcast_in_dim3A_255 = vector.broadcast %jit3A_250 : f32 to vector<16x1024xf32>
        %select_n3A_256 = arith.select %broadcast_in_dim3A_252, %broadcast_in_dim3A_254, %broadcast_in_dim3A_255 : vector<16x1024xi1>, vector<16x1024xf32>
        %add3A_257 = arith.addf %add3A_239, %select_n3A_256 : vector<16x1024xf32>
        %get3A_258 = arith.constant 0 : index
        %get3A_259 = arith.constant 0 : index
        %get3A_260 = vector.load %arg3[%get3A_258, %get3A_259] : memref<16x1024xf32, #tpu.memory_space<vmem>>, vector<16x1024xf32>
        %add3A_261 = arith.addf %get3A_260, %add3A_257 : vector<16x1024xf32>
        %swap3A_262 = arith.constant 0 : index
        %swap3A_263 = arith.constant 0 : index
        %swap3A_264 = vector.load %arg3[%swap3A_262, %swap3A_263] : memref<16x1024xf32, #tpu.memory_space<vmem>>, vector<16x1024xf32>
        tpu.vector_store %arg3[%swap3A_262, %swap3A_263], %add3A_261 {strides = array<i32>} : memref<16x1024xf32, #tpu.memory_space<vmem>>, vector<16x1024xf32>,
        %add3A_265 = arith.constant 4 : i32
        %add3A_266 = arith.addi %add3A_66, %add3A_265 : i32
        %le3A_267 = arith.cmpi sle, %add3A_266, %get3A_1 : i32
        %convert_element_type3A_268 = arith.extui %le3A_267 : i1 to i32
        %cond3A_269 = arith.constant 0 : i32
        %cond3A_270 = arith.cmpi ne, %convert_element_type3A_268, %cond3A_269 : i32
        scf.if %cond3A_270 {
          %add3A_271 = arith.constant 4 : i32
          %add3A_272 = arith.addi %add3A_66, %add3A_271 : i32
          %mul3A_273 = arith.constant 512 : i32
          %mul3A_274 = arith.muli %add3A_272, %mul3A_273 : i32
          %add3A_275 = arith.constant 0 : i32
          %add3A_276 = arith.addi %mul3A_274, %add3A_275 : i32
          %dma_start3A = arith.constant 2 : i32
          %dma_start3A_277 = arith.constant 2 : i32
          %dma_start3A_278 = arith.constant 0 : i32
          %dma_start3A_279 = tpu.memref_slice %arg5[%dma_start3A_277, %dma_start3A_278] : memref<4x2x!tpu.dma_semaphore, #tpu.memory_space<semaphore_mem>> -> memref<1x1x!tpu.dma_semaphore, #tpu.memory_space<semaphore_mem>>
          %dma_start3A_280 = tpu.memref_squeeze %dma_start3A_279 : memref<1x1x!tpu.dma_semaphore, #tpu.memory_space<semaphore_mem>> -> memref<!tpu.dma_semaphore, #tpu.memory_space<semaphore_mem>>
          %dma_start3A_281 = arith.constant 0 : i32
          %dma_start3A_282 = arith.constant 0 : i32
          %dma_start3A_283 = tpu.memref_slice %arg4[%dma_start3A, %dma_start3A_281, %dma_start3A_282] : memref<4x512x1024xf32, #tpu.memory_space<vmem>> -> memref<1x256x1024xf32, #tpu.memory_space<vmem>>
          %dma_start3A_284 = tpu.memref_squeeze %dma_start3A_283 : memref<1x256x1024xf32, #tpu.memory_space<vmem>> -> memref<256x1024xf32, #tpu.memory_space<vmem>>
          %dma_start3A_285 = arith.constant 0 : i32
          %dma_start3A_286 = tpu.memref_slice %arg2[%add3A_276, %dma_start3A_285] : memref<32768x1024xf32, #tpu.memory_space<any>> -> memref<256x1024xf32, #tpu.memory_space<any>>
          tpu.enqueue_dma source(%dma_start3A_286 : memref<256x1024xf32, #tpu.memory_space<any>>) target(%dma_start3A_284 : memref<256x1024xf32, #tpu.memory_space<vmem>>) target_semaphore(%dma_start3A_280 : memref<!tpu.dma_semaphore, #tpu.memory_space<semaphore_mem>>)
          %add3A_287 = arith.constant 4 : i32
          %add3A_288 = arith.addi %add3A_66, %add3A_287 : i32
          %mul3A_289 = arith.constant 512 : i32
          %mul3A_290 = arith.muli %add3A_288, %mul3A_289 : i32
          %add3A_291 = arith.constant 256 : i32
          %add3A_292 = arith.addi %mul3A_290, %add3A_291 : i32
          %dma_start3A_293 = arith.constant 2 : i32
          %dma_start3A_294 = arith.constant 2 : i32
          %dma_start3A_295 = arith.constant 1 : i32
          %dma_start3A_296 = tpu.memref_slice %arg5[%dma_start3A_294, %dma_start3A_295] : memref<4x2x!tpu.dma_semaphore, #tpu.memory_space<semaphore_mem>> -> memref<1x1x!tpu.dma_semaphore, #tpu.memory_space<semaphore_mem>>
          %dma_start3A_297 = tpu.memref_squeeze %dma_start3A_296 : memref<1x1x!tpu.dma_semaphore, #tpu.memory_space<semaphore_mem>> -> memref<!tpu.dma_semaphore, #tpu.memory_space<semaphore_mem>>
          %dma_start3A_298 = arith.constant 256 : i32
          %dma_start3A_299 = arith.constant 0 : i32
          %dma_start3A_300 = tpu.memref_slice %arg4[%dma_start3A_293, %dma_start3A_298, %dma_start3A_299] : memref<4x512x1024xf32, #tpu.memory_space<vmem>> -> memref<1x256x1024xf32, #tpu.memory_space<vmem>>
          %dma_start3A_301 = tpu.memref_squeeze %dma_start3A_300 : memref<1x256x1024xf32, #tpu.memory_space<vmem>> -> memref<256x1024xf32, #tpu.memory_space<vmem>>
          %dma_start3A_302 = arith.constant 0 : i32
          %dma_start3A_303 = tpu.memref_slice %arg2[%add3A_292, %dma_start3A_302] : memref<32768x1024xf32, #tpu.memory_space<any>> -> memref<256x1024xf32, #tpu.memory_space<any>>
          tpu.enqueue_dma source(%dma_start3A_303 : memref<256x1024xf32, #tpu.memory_space<any>>) target(%dma_start3A_301 : memref<256x1024xf32, #tpu.memory_space<vmem>>) target_semaphore(%dma_start3A_297 : memref<!tpu.dma_semaphore, #tpu.memory_space<semaphore_mem>>)
        } else {
        }
      } else {
      }
      %mul3A_71 = arith.constant 4 : i32
      %mul3A_72 = arith.muli %while3A_48, %mul3A_71 : i32
      %add3A_73 = arith.constant 3 : i32
      %add3A_74 = arith.addi %mul3A_72, %add3A_73 : i32
      %le3A_75 = arith.cmpi sle, %add3A_74, %get3A_1 : i32
      %convert_element_type3A_76 = arith.extui %le3A_75 : i1 to i32
      %cond3A_77 = arith.constant 0 : i32
      %cond3A_78 = arith.cmpi ne, %convert_element_type3A_76, %cond3A_77 : i32
      scf.if %cond3A_78 {
        %mul3A_79 = arith.constant 512 : i32
        %mul3A_80 = arith.muli %add3A_74, %mul3A_79 : i32
        %add3A_81 = arith.constant 0 : i32
        %add3A_82 = arith.addi %mul3A_80, %add3A_81 : i32
        %dma_wait3A = arith.constant 3 : i32
        %dma_wait3A_83 = arith.constant 3 : i32
        %dma_wait3A_84 = arith.constant 0 : i32
        %dma_wait3A_85 = tpu.memref_slice %arg5[%dma_wait3A_83, %dma_wait3A_84] : memref<4x2x!tpu.dma_semaphore, #tpu.memory_space<semaphore_mem>> -> memref<1x1x!tpu.dma_semaphore, #tpu.memory_space<semaphore_mem>>
        %dma_wait3A_86 = tpu.memref_squeeze %dma_wait3A_85 : memref<1x1x!tpu.dma_semaphore, #tpu.memory_space<semaphore_mem>> -> memref<!tpu.dma_semaphore, #tpu.memory_space<semaphore_mem>>
        %dma_wait3A_87 = arith.constant 0 : i32
        %dma_wait3A_88 = arith.constant 0 : i32
        %dma_wait3A_89 = tpu.memref_slice %arg4[%dma_wait3A, %dma_wait3A_87, %dma_wait3A_88] : memref<4x512x1024xf32, #tpu.memory_space<vmem>> -> memref<1x256x1024xf32, #tpu.memory_space<vmem>>
        %dma_wait3A_90 = tpu.memref_squeeze %dma_wait3A_89 : memref<1x256x1024xf32, #tpu.memory_space<vmem>> -> memref<256x1024xf32, #tpu.memory_space<vmem>>
        %dma_wait3A_91 = arith.constant 0 : i32
        %dma_wait3A_92 = tpu.memref_slice %arg2[%add3A_82, %dma_wait3A_91] : memref<32768x1024xf32, #tpu.memory_space<any>> -> memref<256x1024xf32, #tpu.memory_space<any>>
        tpu.wait_dma2 semaphore(%dma_wait3A_86 : memref<!tpu.dma_semaphore, #tpu.memory_space<semaphore_mem>>) src(%dma_wait3A_92 : memref<256x1024xf32, #tpu.memory_space<any>>) dst(%dma_wait3A_90 : memref<256x1024xf32, #tpu.memory_space<vmem>>)
        %mul3A_93 = arith.constant 512 : i32
        %mul3A_94 = arith.muli %add3A_74, %mul3A_93 : i32
        %add3A_95 = arith.constant 256 : i32
        %add3A_96 = arith.addi %mul3A_94, %add3A_95 : i32
        %dma_wait3A_97 = arith.constant 3 : i32
        %dma_wait3A_98 = arith.constant 3 : i32
        %dma_wait3A_99 = arith.constant 1 : i32
        %dma_wait3A_100 = tpu.memref_slice %arg5[%dma_wait3A_98, %dma_wait3A_99] : memref<4x2x!tpu.dma_semaphore, #tpu.memory_space<semaphore_mem>> -> memref<1x1x!tpu.dma_semaphore, #tpu.memory_space<semaphore_mem>>
        %dma_wait3A_101 = tpu.memref_squeeze %dma_wait3A_100 : memref<1x1x!tpu.dma_semaphore, #tpu.memory_space<semaphore_mem>> -> memref<!tpu.dma_semaphore, #tpu.memory_space<semaphore_mem>>
        %dma_wait3A_102 = arith.constant 256 : i32
        %dma_wait3A_103 = arith.constant 0 : i32
        %dma_wait3A_104 = tpu.memref_slice %arg4[%dma_wait3A_97, %dma_wait3A_102, %dma_wait3A_103] : memref<4x512x1024xf32, #tpu.memory_space<vmem>> -> memref<1x256x1024xf32, #tpu.memory_space<vmem>>
        %dma_wait3A_105 = tpu.memref_squeeze %dma_wait3A_104 : memref<1x256x1024xf32, #tpu.memory_space<vmem>> -> memref<256x1024xf32, #tpu.memory_space<vmem>>
        %dma_wait3A_106 = arith.constant 0 : i32
        %dma_wait3A_107 = tpu.memref_slice %arg2[%add3A_96, %dma_wait3A_106] : memref<32768x1024xf32, #tpu.memory_space<any>> -> memref<256x1024xf32, #tpu.memory_space<any>>
        tpu.wait_dma2 semaphore(%dma_wait3A_101 : memref<!tpu.dma_semaphore, #tpu.memory_space<semaphore_mem>>) src(%dma_wait3A_107 : memref<256x1024xf32, #tpu.memory_space<any>>) dst(%dma_wait3A_105 : memref<256x1024xf32, #tpu.memory_space<vmem>>)
        %get3A_108 = arith.constant 3 : index
        %get3A_109 = arith.constant 0 : index
        %get3A_110 = arith.constant 0 : index
        %get3A_111 = vector.load %arg4[%get3A_108, %get3A_109, %get3A_110] : memref<4x512x1024xf32, #tpu.memory_space<vmem>>, vector<1x512x1024xf32>
        %get3A_112 = vector.shape_cast %get3A_111 : vector<1x512x1024xf32> to vector<512x1024xf32>
        %reshape3A = vector.shape_cast %get3A_112 : vector<512x1024xf32> to vector<8x64x1024xf32>
        %reduce_sum3A = arith.constant dense<0.000000e+00> : vector<8x1024xf32>
        %reduce_sum3A_113 = vector.multi_reduction <add>, %reshape3A, %reduce_sum3A [1] : vector<8x64x1024xf32> to vector<8x1024xf32>
        %broadcast_in_dim3A_114 = arith.constant 0.000000e+00 : f32
        %broadcast_in_dim3A_115 = vector.broadcast %broadcast_in_dim3A_114 : f32 to vector<16x1024xf32>
        %mul3A_116 = arith.constant 8 : i32
        %mul3A_117 = arith.muli %add3A_74, %mul3A_116 : i32
        %add3A_118 = arith.constant 0 : i32
        %add3A_119 = arith.addi %mul3A_117, %add3A_118 : i32
        %get3A_120 = arith.constant 0 : index
        %get3A_121 = arith.index_cast %add3A_119 : i32 to index
        %get3A_122 = memref.load %arg0[%get3A_120, %get3A_121] : memref<1x512xi32, #tpu.memory_space<smem>>
        %eq3A = vector.broadcast %get3A_122 : i32 to vector<16x1xi32>
        %eq3A_123 = arith.cmpi eq, %iota3A, %eq3A : vector<16x1xi32>
        %slice3A = vector.extract_strided_slice %reduce_sum3A_113 {offsets = [0, 0], sizes = [1, 1024], strides = [1, 1]} : vector<8x1024xf32> to vector<1x1024xf32>
        %jit3A_124 = arith.constant 0.000000e+00 : f32
        %broadcast_in_dim3A_125 = vector.shape_cast %eq3A_123 : vector<16x1xi1> to vector<16x1xi1>
        %broadcast_in_dim3A_126 = vector.broadcast %broadcast_in_dim3A_125 : vector<16x1xi1> to vector<16x1024xi1>
        %broadcast_in_dim3A_127 = vector.shape_cast %slice3A : vector<1x1024xf32> to vector<1x1024xf32>
        %broadcast_in_dim3A_128 = vector.broadcast %broadcast_in_dim3A_127 : vector<1x1024xf32> to vector<16x1024xf32>
        %broadcast_in_dim3A_129 = vector.broadcast %jit3A_124 : f32 to vector<16x1024xf32>
        %select_n3A_130 = arith.select %broadcast_in_dim3A_126, %broadcast_in_dim3A_128, %broadcast_in_dim3A_129 : vector<16x1024xi1>, vector<16x1024xf32>
        %add3A_131 = arith.addf %broadcast_in_dim3A_115, %select_n3A_130 : vector<16x1024xf32>
        %mul3A_132 = arith.constant 8 : i32
        %mul3A_133 = arith.muli %add3A_74, %mul3A_132 : i32
        %add3A_134 = arith.constant 1 : i32
        %add3A_135 = arith.addi %mul3A_133, %add3A_134 : i32
        %get3A_136 = arith.constant 0 : index
        %get3A_137 = arith.index_cast %add3A_135 : i32 to index
        %get3A_138 = memref.load %arg0[%get3A_136, %get3A_137] : memref<1x512xi32, #tpu.memory_space<smem>>
        %eq3A_139 = vector.broadcast %get3A_138 : i32 to vector<16x1xi32>
        %eq3A_140 = arith.cmpi eq, %iota3A, %eq3A_139 : vector<16x1xi32>
        %slice3A_141 = vector.extract_strided_slice %reduce_sum3A_113 {offsets = [1, 0], sizes = [1, 1024], strides = [1, 1]} : vector<8x1024xf32> to vector<1x1024xf32>
        %jit3A_142 = arith.constant 0.000000e+00 : f32
        %broadcast_in_dim3A_143 = vector.shape_cast %eq3A_140 : vector<16x1xi1> to vector<16x1xi1>
        %broadcast_in_dim3A_144 = vector.broadcast %broadcast_in_dim3A_143 : vector<16x1xi1> to vector<16x1024xi1>
        %broadcast_in_dim3A_145 = vector.shape_cast %slice3A_141 : vector<1x1024xf32> to vector<1x1024xf32>
        %broadcast_in_dim3A_146 = vector.broadcast %broadcast_in_dim3A_145 : vector<1x1024xf32> to vector<16x1024xf32>
        %broadcast_in_dim3A_147 = vector.broadcast %jit3A_142 : f32 to vector<16x1024xf32>
        %select_n3A_148 = arith.select %broadcast_in_dim3A_144, %broadcast_in_dim3A_146, %broadcast_in_dim3A_147 : vector<16x1024xi1>, vector<16x1024xf32>
        %add3A_149 = arith.addf %add3A_131, %select_n3A_148 : vector<16x1024xf32>
        %mul3A_150 = arith.constant 8 : i32
        %mul3A_151 = arith.muli %add3A_74, %mul3A_150 : i32
        %add3A_152 = arith.constant 2 : i32
        %add3A_153 = arith.addi %mul3A_151, %add3A_152 : i32
        %get3A_154 = arith.constant 0 : index
        %get3A_155 = arith.index_cast %add3A_153 : i32 to index
        %get3A_156 = memref.load %arg0[%get3A_154, %get3A_155] : memref<1x512xi32, #tpu.memory_space<smem>>
        %eq3A_157 = vector.broadcast %get3A_156 : i32 to vector<16x1xi32>
        %eq3A_158 = arith.cmpi eq, %iota3A, %eq3A_157 : vector<16x1xi32>
        %slice3A_159 = vector.extract_strided_slice %reduce_sum3A_113 {offsets = [2, 0], sizes = [1, 1024], strides = [1, 1]} : vector<8x1024xf32> to vector<1x1024xf32>
        %jit3A_160 = arith.constant 0.000000e+00 : f32
        %broadcast_in_dim3A_161 = vector.shape_cast %eq3A_158 : vector<16x1xi1> to vector<16x1xi1>
        %broadcast_in_dim3A_162 = vector.broadcast %broadcast_in_dim3A_161 : vector<16x1xi1> to vector<16x1024xi1>
        %broadcast_in_dim3A_163 = vector.shape_cast %slice3A_159 : vector<1x1024xf32> to vector<1x1024xf32>
        %broadcast_in_dim3A_164 = vector.broadcast %broadcast_in_dim3A_163 : vector<1x1024xf32> to vector<16x1024xf32>
        %broadcast_in_dim3A_165 = vector.broadcast %jit3A_160 : f32 to vector<16x1024xf32>
        %select_n3A_166 = arith.select %broadcast_in_dim3A_162, %broadcast_in_dim3A_164, %broadcast_in_dim3A_165 : vector<16x1024xi1>, vector<16x1024xf32>
        %add3A_167 = arith.addf %add3A_149, %select_n3A_166 : vector<16x1024xf32>
        %mul3A_168 = arith.constant 8 : i32
        %mul3A_169 = arith.muli %add3A_74, %mul3A_168 : i32
        %add3A_170 = arith.constant 3 : i32
        %add3A_171 = arith.addi %mul3A_169, %add3A_170 : i32
        %get3A_172 = arith.constant 0 : index
        %get3A_173 = arith.index_cast %add3A_171 : i32 to index
        %get3A_174 = memref.load %arg0[%get3A_172, %get3A_173] : memref<1x512xi32, #tpu.memory_space<smem>>
        %eq3A_175 = vector.broadcast %get3A_174 : i32 to vector<16x1xi32>
        %eq3A_176 = arith.cmpi eq, %iota3A, %eq3A_175 : vector<16x1xi32>
        %slice3A_177 = vector.extract_strided_slice %reduce_sum3A_113 {offsets = [3, 0], sizes = [1, 1024], strides = [1, 1]} : vector<8x1024xf32> to vector<1x1024xf32>
        %jit3A_178 = arith.constant 0.000000e+00 : f32
        %broadcast_in_dim3A_179 = vector.shape_cast %eq3A_176 : vector<16x1xi1> to vector<16x1xi1>
        %broadcast_in_dim3A_180 = vector.broadcast %broadcast_in_dim3A_179 : vector<16x1xi1> to vector<16x1024xi1>
        %broadcast_in_dim3A_181 = vector.shape_cast %slice3A_177 : vector<1x1024xf32> to vector<1x1024xf32>
        %broadcast_in_dim3A_182 = vector.broadcast %broadcast_in_dim3A_181 : vector<1x1024xf32> to vector<16x1024xf32>
        %broadcast_in_dim3A_183 = vector.broadcast %jit3A_178 : f32 to vector<16x1024xf32>
        %select_n3A_184 = arith.select %broadcast_in_dim3A_180, %broadcast_in_dim3A_182, %broadcast_in_dim3A_183 : vector<16x1024xi1>, vector<16x1024xf32>
        %add3A_185 = arith.addf %add3A_167, %select_n3A_184 : vector<16x1024xf32>
        %mul3A_186 = arith.constant 8 : i32
        %mul3A_187 = arith.muli %add3A_74, %mul3A_186 : i32
        %add3A_188 = arith.constant 4 : i32
        %add3A_189 = arith.addi %mul3A_187, %add3A_188 : i32
        %get3A_190 = arith.constant 0 : index
        %get3A_191 = arith.index_cast %add3A_189 : i32 to index
        %get3A_192 = memref.load %arg0[%get3A_190, %get3A_191] : memref<1x512xi32, #tpu.memory_space<smem>>
        %eq3A_193 = vector.broadcast %get3A_192 : i32 to vector<16x1xi32>
        %eq3A_194 = arith.cmpi eq, %iota3A, %eq3A_193 : vector<16x1xi32>
        %slice3A_195 = vector.extract_strided_slice %reduce_sum3A_113 {offsets = [4, 0], sizes = [1, 1024], strides = [1, 1]} : vector<8x1024xf32> to vector<1x1024xf32>
        %jit3A_196 = arith.constant 0.000000e+00 : f32
        %broadcast_in_dim3A_197 = vector.shape_cast %eq3A_194 : vector<16x1xi1> to vector<16x1xi1>
        %broadcast_in_dim3A_198 = vector.broadcast %broadcast_in_dim3A_197 : vector<16x1xi1> to vector<16x1024xi1>
        %broadcast_in_dim3A_199 = vector.shape_cast %slice3A_195 : vector<1x1024xf32> to vector<1x1024xf32>
        %broadcast_in_dim3A_200 = vector.broadcast %broadcast_in_dim3A_199 : vector<1x1024xf32> to vector<16x1024xf32>
        %broadcast_in_dim3A_201 = vector.broadcast %jit3A_196 : f32 to vector<16x1024xf32>
        %select_n3A_202 = arith.select %broadcast_in_dim3A_198, %broadcast_in_dim3A_200, %broadcast_in_dim3A_201 : vector<16x1024xi1>, vector<16x1024xf32>
        %add3A_203 = arith.addf %add3A_185, %select_n3A_202 : vector<16x1024xf32>
        %mul3A_204 = arith.constant 8 : i32
        %mul3A_205 = arith.muli %add3A_74, %mul3A_204 : i32
        %add3A_206 = arith.constant 5 : i32
        %add3A_207 = arith.addi %mul3A_205, %add3A_206 : i32
        %get3A_208 = arith.constant 0 : index
        %get3A_209 = arith.index_cast %add3A_207 : i32 to index
        %get3A_210 = memref.load %arg0[%get3A_208, %get3A_209] : memref<1x512xi32, #tpu.memory_space<smem>>
        %eq3A_211 = vector.broadcast %get3A_210 : i32 to vector<16x1xi32>
        %eq3A_212 = arith.cmpi eq, %iota3A, %eq3A_211 : vector<16x1xi32>
        %slice3A_213 = vector.extract_strided_slice %reduce_sum3A_113 {offsets = [5, 0], sizes = [1, 1024], strides = [1, 1]} : vector<8x1024xf32> to vector<1x1024xf32>
        %jit3A_214 = arith.constant 0.000000e+00 : f32
        %broadcast_in_dim3A_215 = vector.shape_cast %eq3A_212 : vector<16x1xi1> to vector<16x1xi1>
        %broadcast_in_dim3A_216 = vector.broadcast %broadcast_in_dim3A_215 : vector<16x1xi1> to vector<16x1024xi1>
        %broadcast_in_dim3A_217 = vector.shape_cast %slice3A_213 : vector<1x1024xf32> to vector<1x1024xf32>
        %broadcast_in_dim3A_218 = vector.broadcast %broadcast_in_dim3A_217 : vector<1x1024xf32> to vector<16x1024xf32>
        %broadcast_in_dim3A_219 = vector.broadcast %jit3A_214 : f32 to vector<16x1024xf32>
        %select_n3A_220 = arith.select %broadcast_in_dim3A_216, %broadcast_in_dim3A_218, %broadcast_in_dim3A_219 : vector<16x1024xi1>, vector<16x1024xf32>
        %add3A_221 = arith.addf %add3A_203, %select_n3A_220 : vector<16x1024xf32>
        %mul3A_222 = arith.constant 8 : i32
        %mul3A_223 = arith.muli %add3A_74, %mul3A_222 : i32
        %add3A_224 = arith.constant 6 : i32
        %add3A_225 = arith.addi %mul3A_223, %add3A_224 : i32
        %get3A_226 = arith.constant 0 : index
        %get3A_227 = arith.index_cast %add3A_225 : i32 to index
        %get3A_228 = memref.load %arg0[%get3A_226, %get3A_227] : memref<1x512xi32, #tpu.memory_space<smem>>
        %eq3A_229 = vector.broadcast %get3A_228 : i32 to vector<16x1xi32>
        %eq3A_230 = arith.cmpi eq, %iota3A, %eq3A_229 : vector<16x1xi32>
        %slice3A_231 = vector.extract_strided_slice %reduce_sum3A_113 {offsets = [6, 0], sizes = [1, 1024], strides = [1, 1]} : vector<8x1024xf32> to vector<1x1024xf32>
        %jit3A_232 = arith.constant 0.000000e+00 : f32
        %broadcast_in_dim3A_233 = vector.shape_cast %eq3A_230 : vector<16x1xi1> to vector<16x1xi1>
        %broadcast_in_dim3A_234 = vector.broadcast %broadcast_in_dim3A_233 : vector<16x1xi1> to vector<16x1024xi1>
        %broadcast_in_dim3A_235 = vector.shape_cast %slice3A_231 : vector<1x1024xf32> to vector<1x1024xf32>
        %broadcast_in_dim3A_236 = vector.broadcast %broadcast_in_dim3A_235 : vector<1x1024xf32> to vector<16x1024xf32>
        %broadcast_in_dim3A_237 = vector.broadcast %jit3A_232 : f32 to vector<16x1024xf32>
        %select_n3A_238 = arith.select %broadcast_in_dim3A_234, %broadcast_in_dim3A_236, %broadcast_in_dim3A_237 : vector<16x1024xi1>, vector<16x1024xf32>
        %add3A_239 = arith.addf %add3A_221, %select_n3A_238 : vector<16x1024xf32>
        %mul3A_240 = arith.constant 8 : i32
        %mul3A_241 = arith.muli %add3A_74, %mul3A_240 : i32
        %add3A_242 = arith.constant 7 : i32
        %add3A_243 = arith.addi %mul3A_241, %add3A_242 : i32
        %get3A_244 = arith.constant 0 : index
        %get3A_245 = arith.index_cast %add3A_243 : i32 to index
        %get3A_246 = memref.load %arg0[%get3A_244, %get3A_245] : memref<1x512xi32, #tpu.memory_space<smem>>
        %eq3A_247 = vector.broadcast %get3A_246 : i32 to vector<16x1xi32>
        %eq3A_248 = arith.cmpi eq, %iota3A, %eq3A_247 : vector<16x1xi32>
        %slice3A_249 = vector.extract_strided_slice %reduce_sum3A_113 {offsets = [7, 0], sizes = [1, 1024], strides = [1, 1]} : vector<8x1024xf32> to vector<1x1024xf32>
        %jit3A_250 = arith.constant 0.000000e+00 : f32
        %broadcast_in_dim3A_251 = vector.shape_cast %eq3A_248 : vector<16x1xi1> to vector<16x1xi1>
        %broadcast_in_dim3A_252 = vector.broadcast %broadcast_in_dim3A_251 : vector<16x1xi1> to vector<16x1024xi1>
        %broadcast_in_dim3A_253 = vector.shape_cast %slice3A_249 : vector<1x1024xf32> to vector<1x1024xf32>
        %broadcast_in_dim3A_254 = vector.broadcast %broadcast_in_dim3A_253 : vector<1x1024xf32> to vector<16x1024xf32>
        %broadcast_in_dim3A_255 = vector.broadcast %jit3A_250 : f32 to vector<16x1024xf32>
        %select_n3A_256 = arith.select %broadcast_in_dim3A_252, %broadcast_in_dim3A_254, %broadcast_in_dim3A_255 : vector<16x1024xi1>, vector<16x1024xf32>
        %add3A_257 = arith.addf %add3A_239, %select_n3A_256 : vector<16x1024xf32>
        %get3A_258 = arith.constant 0 : index
        %get3A_259 = arith.constant 0 : index
        %get3A_260 = vector.load %arg3[%get3A_258, %get3A_259] : memref<16x1024xf32, #tpu.memory_space<vmem>>, vector<16x1024xf32>
        %add3A_261 = arith.addf %get3A_260, %add3A_257 : vector<16x1024xf32>
        %swap3A_262 = arith.constant 0 : index
        %swap3A_263 = arith.constant 0 : index
        %swap3A_264 = vector.load %arg3[%swap3A_262, %swap3A_263] : memref<16x1024xf32, #tpu.memory_space<vmem>>, vector<16x1024xf32>
        tpu.vector_store %arg3[%swap3A_262, %swap3A_263], %add3A_261 {strides = array<i32>} : memref<16x1024xf32, #tpu.memory_space<vmem>>, vector<16x1024xf32>,
        %add3A_265 = arith.constant 4 : i32
        %add3A_266 = arith.addi %add3A_74, %add3A_265 : i32
        %le3A_267 = arith.cmpi sle, %add3A_266, %get3A_1 : i32
        %convert_element_type3A_268 = arith.extui %le3A_267 : i1 to i32
        %cond3A_269 = arith.constant 0 : i32
        %cond3A_270 = arith.cmpi ne, %convert_element_type3A_268, %cond3A_269 : i32
        scf.if %cond3A_270 {
          %add3A_271 = arith.constant 4 : i32
          %add3A_272 = arith.addi %add3A_74, %add3A_271 : i32
          %mul3A_273 = arith.constant 512 : i32
          %mul3A_274 = arith.muli %add3A_272, %mul3A_273 : i32
          %add3A_275 = arith.constant 0 : i32
          %add3A_276 = arith.addi %mul3A_274, %add3A_275 : i32
          %dma_start3A = arith.constant 3 : i32
          %dma_start3A_277 = arith.constant 3 : i32
          %dma_start3A_278 = arith.constant 0 : i32
          %dma_start3A_279 = tpu.memref_slice %arg5[%dma_start3A_277, %dma_start3A_278] : memref<4x2x!tpu.dma_semaphore, #tpu.memory_space<semaphore_mem>> -> memref<1x1x!tpu.dma_semaphore, #tpu.memory_space<semaphore_mem>>
          %dma_start3A_280 = tpu.memref_squeeze %dma_start3A_279 : memref<1x1x!tpu.dma_semaphore, #tpu.memory_space<semaphore_mem>> -> memref<!tpu.dma_semaphore, #tpu.memory_space<semaphore_mem>>
          %dma_start3A_281 = arith.constant 0 : i32
          %dma_start3A_282 = arith.constant 0 : i32
          %dma_start3A_283 = tpu.memref_slice %arg4[%dma_start3A, %dma_start3A_281, %dma_start3A_282] : memref<4x512x1024xf32, #tpu.memory_space<vmem>> -> memref<1x256x1024xf32, #tpu.memory_space<vmem>>
          %dma_start3A_284 = tpu.memref_squeeze %dma_start3A_283 : memref<1x256x1024xf32, #tpu.memory_space<vmem>> -> memref<256x1024xf32, #tpu.memory_space<vmem>>
          %dma_start3A_285 = arith.constant 0 : i32
          %dma_start3A_286 = tpu.memref_slice %arg2[%add3A_276, %dma_start3A_285] : memref<32768x1024xf32, #tpu.memory_space<any>> -> memref<256x1024xf32, #tpu.memory_space<any>>
          tpu.enqueue_dma source(%dma_start3A_286 : memref<256x1024xf32, #tpu.memory_space<any>>) target(%dma_start3A_284 : memref<256x1024xf32, #tpu.memory_space<vmem>>) target_semaphore(%dma_start3A_280 : memref<!tpu.dma_semaphore, #tpu.memory_space<semaphore_mem>>)
          %add3A_287 = arith.constant 4 : i32
          %add3A_288 = arith.addi %add3A_74, %add3A_287 : i32
          %mul3A_289 = arith.constant 512 : i32
          %mul3A_290 = arith.muli %add3A_288, %mul3A_289 : i32
          %add3A_291 = arith.constant 256 : i32
          %add3A_292 = arith.addi %mul3A_290, %add3A_291 : i32
          %dma_start3A_293 = arith.constant 3 : i32
          %dma_start3A_294 = arith.constant 3 : i32
          %dma_start3A_295 = arith.constant 1 : i32
          %dma_start3A_296 = tpu.memref_slice %arg5[%dma_start3A_294, %dma_start3A_295] : memref<4x2x!tpu.dma_semaphore, #tpu.memory_space<semaphore_mem>> -> memref<1x1x!tpu.dma_semaphore, #tpu.memory_space<semaphore_mem>>
          %dma_start3A_297 = tpu.memref_squeeze %dma_start3A_296 : memref<1x1x!tpu.dma_semaphore, #tpu.memory_space<semaphore_mem>> -> memref<!tpu.dma_semaphore, #tpu.memory_space<semaphore_mem>>
          %dma_start3A_298 = arith.constant 256 : i32
          %dma_start3A_299 = arith.constant 0 : i32
          %dma_start3A_300 = tpu.memref_slice %arg4[%dma_start3A_293, %dma_start3A_298, %dma_start3A_299] : memref<4x512x1024xf32, #tpu.memory_space<vmem>> -> memref<1x256x1024xf32, #tpu.memory_space<vmem>>
          %dma_start3A_301 = tpu.memref_squeeze %dma_start3A_300 : memref<1x256x1024xf32, #tpu.memory_space<vmem>> -> memref<256x1024xf32, #tpu.memory_space<vmem>>
          %dma_start3A_302 = arith.constant 0 : i32
          %dma_start3A_303 = tpu.memref_slice %arg2[%add3A_292, %dma_start3A_302] : memref<32768x1024xf32, #tpu.memory_space<any>> -> memref<256x1024xf32, #tpu.memory_space<any>>
          tpu.enqueue_dma source(%dma_start3A_303 : memref<256x1024xf32, #tpu.memory_space<any>>) target(%dma_start3A_301 : memref<256x1024xf32, #tpu.memory_space<vmem>>) target_semaphore(%dma_start3A_297 : memref<!tpu.dma_semaphore, #tpu.memory_space<semaphore_mem>>)
        } else {
        }
      } else {
      }
    }
    %while3A_47 = arith.constant 1 : i32
    scf.for %while3A_48 = %while3A_45 to %while3A_41 step %while3A_47  : i32 {
      %mul3A = arith.constant 4 : i32
      %mul3A_49 = arith.muli %while3A_48, %mul3A : i32
      %add3A_50 = arith.constant 0 : i32
      %add3A_51 = arith.addi %mul3A_49, %add3A_50 : i32
      %le3A = arith.cmpi sle, %add3A_51, %get3A_1 : i32
      %convert_element_type3A_52 = arith.extui %le3A : i1 to i32
      %cond3A_53 = arith.constant 0 : i32
      %cond3A_54 = arith.cmpi ne, %convert_element_type3A_52, %cond3A_53 : i32
      scf.if %cond3A_54 {
        %mul3A_79 = arith.constant 512 : i32
        %mul3A_80 = arith.muli %add3A_51, %mul3A_79 : i32
        %add3A_81 = arith.constant 0 : i32
        %add3A_82 = arith.addi %mul3A_80, %add3A_81 : i32
        %dma_wait3A = arith.constant 0 : i32
        %dma_wait3A_83 = arith.constant 0 : i32
        %dma_wait3A_84 = arith.constant 0 : i32
        %dma_wait3A_85 = tpu.memref_slice %arg5[%dma_wait3A_83, %dma_wait3A_84] : memref<4x2x!tpu.dma_semaphore, #tpu.memory_space<semaphore_mem>> -> memref<1x1x!tpu.dma_semaphore, #tpu.memory_space<semaphore_mem>>
        %dma_wait3A_86 = tpu.memref_squeeze %dma_wait3A_85 : memref<1x1x!tpu.dma_semaphore, #tpu.memory_space<semaphore_mem>> -> memref<!tpu.dma_semaphore, #tpu.memory_space<semaphore_mem>>
        %dma_wait3A_87 = arith.constant 0 : i32
        %dma_wait3A_88 = arith.constant 0 : i32
        %dma_wait3A_89 = tpu.memref_slice %arg4[%dma_wait3A, %dma_wait3A_87, %dma_wait3A_88] : memref<4x512x1024xf32, #tpu.memory_space<vmem>> -> memref<1x256x1024xf32, #tpu.memory_space<vmem>>
        %dma_wait3A_90 = tpu.memref_squeeze %dma_wait3A_89 : memref<1x256x1024xf32, #tpu.memory_space<vmem>> -> memref<256x1024xf32, #tpu.memory_space<vmem>>
        %dma_wait3A_91 = arith.constant 0 : i32
        %dma_wait3A_92 = tpu.memref_slice %arg2[%add3A_82, %dma_wait3A_91] : memref<32768x1024xf32, #tpu.memory_space<any>> -> memref<256x1024xf32, #tpu.memory_space<any>>
        tpu.wait_dma2 semaphore(%dma_wait3A_86 : memref<!tpu.dma_semaphore, #tpu.memory_space<semaphore_mem>>) src(%dma_wait3A_92 : memref<256x1024xf32, #tpu.memory_space<any>>) dst(%dma_wait3A_90 : memref<256x1024xf32, #tpu.memory_space<vmem>>)
        %mul3A_93 = arith.constant 512 : i32
        %mul3A_94 = arith.muli %add3A_51, %mul3A_93 : i32
        %add3A_95 = arith.constant 256 : i32
        %add3A_96 = arith.addi %mul3A_94, %add3A_95 : i32
        %dma_wait3A_97 = arith.constant 0 : i32
        %dma_wait3A_98 = arith.constant 0 : i32
        %dma_wait3A_99 = arith.constant 1 : i32
        %dma_wait3A_100 = tpu.memref_slice %arg5[%dma_wait3A_98, %dma_wait3A_99] : memref<4x2x!tpu.dma_semaphore, #tpu.memory_space<semaphore_mem>> -> memref<1x1x!tpu.dma_semaphore, #tpu.memory_space<semaphore_mem>>
        %dma_wait3A_101 = tpu.memref_squeeze %dma_wait3A_100 : memref<1x1x!tpu.dma_semaphore, #tpu.memory_space<semaphore_mem>> -> memref<!tpu.dma_semaphore, #tpu.memory_space<semaphore_mem>>
        %dma_wait3A_102 = arith.constant 256 : i32
        %dma_wait3A_103 = arith.constant 0 : i32
        %dma_wait3A_104 = tpu.memref_slice %arg4[%dma_wait3A_97, %dma_wait3A_102, %dma_wait3A_103] : memref<4x512x1024xf32, #tpu.memory_space<vmem>> -> memref<1x256x1024xf32, #tpu.memory_space<vmem>>
        %dma_wait3A_105 = tpu.memref_squeeze %dma_wait3A_104 : memref<1x256x1024xf32, #tpu.memory_space<vmem>> -> memref<256x1024xf32, #tpu.memory_space<vmem>>
        %dma_wait3A_106 = arith.constant 0 : i32
        %dma_wait3A_107 = tpu.memref_slice %arg2[%add3A_96, %dma_wait3A_106] : memref<32768x1024xf32, #tpu.memory_space<any>> -> memref<256x1024xf32, #tpu.memory_space<any>>
        tpu.wait_dma2 semaphore(%dma_wait3A_101 : memref<!tpu.dma_semaphore, #tpu.memory_space<semaphore_mem>>) src(%dma_wait3A_107 : memref<256x1024xf32, #tpu.memory_space<any>>) dst(%dma_wait3A_105 : memref<256x1024xf32, #tpu.memory_space<vmem>>)
        %get3A_108 = arith.constant 0 : index
        %get3A_109 = arith.constant 0 : index
        %get3A_110 = arith.constant 0 : index
        %get3A_111 = vector.load %arg4[%get3A_108, %get3A_109, %get3A_110] : memref<4x512x1024xf32, #tpu.memory_space<vmem>>, vector<1x512x1024xf32>
        %get3A_112 = vector.shape_cast %get3A_111 : vector<1x512x1024xf32> to vector<512x1024xf32>
        %reshape3A = vector.shape_cast %get3A_112 : vector<512x1024xf32> to vector<8x64x1024xf32>
        %reduce_sum3A = arith.constant dense<0.000000e+00> : vector<8x1024xf32>
        %reduce_sum3A_113 = vector.multi_reduction <add>, %reshape3A, %reduce_sum3A [1] : vector<8x64x1024xf32> to vector<8x1024xf32>
        %broadcast_in_dim3A_114 = arith.constant 0.000000e+00 : f32
        %broadcast_in_dim3A_115 = vector.broadcast %broadcast_in_dim3A_114 : f32 to vector<16x1024xf32>
        %mul3A_116 = arith.constant 8 : i32
        %mul3A_117 = arith.muli %add3A_51, %mul3A_116 : i32
        %add3A_118 = arith.constant 0 : i32
        %add3A_119 = arith.addi %mul3A_117, %add3A_118 : i32
        %get3A_120 = arith.constant 0 : index
        %get3A_121 = arith.index_cast %add3A_119 : i32 to index
        %get3A_122 = memref.load %arg0[%get3A_120, %get3A_121] : memref<1x512xi32, #tpu.memory_space<smem>>
        %eq3A = vector.broadcast %get3A_122 : i32 to vector<16x1xi32>
        %eq3A_123 = arith.cmpi eq, %iota3A, %eq3A : vector<16x1xi32>
        %slice3A = vector.extract_strided_slice %reduce_sum3A_113 {offsets = [0, 0], sizes = [1, 1024], strides = [1, 1]} : vector<8x1024xf32> to vector<1x1024xf32>
        %jit3A_124 = arith.constant 0.000000e+00 : f32
        %broadcast_in_dim3A_125 = vector.shape_cast %eq3A_123 : vector<16x1xi1> to vector<16x1xi1>
        %broadcast_in_dim3A_126 = vector.broadcast %broadcast_in_dim3A_125 : vector<16x1xi1> to vector<16x1024xi1>
        %broadcast_in_dim3A_127 = vector.shape_cast %slice3A : vector<1x1024xf32> to vector<1x1024xf32>
        %broadcast_in_dim3A_128 = vector.broadcast %broadcast_in_dim3A_127 : vector<1x1024xf32> to vector<16x1024xf32>
        %broadcast_in_dim3A_129 = vector.broadcast %jit3A_124 : f32 to vector<16x1024xf32>
        %select_n3A_130 = arith.select %broadcast_in_dim3A_126, %broadcast_in_dim3A_128, %broadcast_in_dim3A_129 : vector<16x1024xi1>, vector<16x1024xf32>
        %add3A_131 = arith.addf %broadcast_in_dim3A_115, %select_n3A_130 : vector<16x1024xf32>
        %mul3A_132 = arith.constant 8 : i32
        %mul3A_133 = arith.muli %add3A_51, %mul3A_132 : i32
        %add3A_134 = arith.constant 1 : i32
        %add3A_135 = arith.addi %mul3A_133, %add3A_134 : i32
        %get3A_136 = arith.constant 0 : index
        %get3A_137 = arith.index_cast %add3A_135 : i32 to index
        %get3A_138 = memref.load %arg0[%get3A_136, %get3A_137] : memref<1x512xi32, #tpu.memory_space<smem>>
        %eq3A_139 = vector.broadcast %get3A_138 : i32 to vector<16x1xi32>
        %eq3A_140 = arith.cmpi eq, %iota3A, %eq3A_139 : vector<16x1xi32>
        %slice3A_141 = vector.extract_strided_slice %reduce_sum3A_113 {offsets = [1, 0], sizes = [1, 1024], strides = [1, 1]} : vector<8x1024xf32> to vector<1x1024xf32>
        %jit3A_142 = arith.constant 0.000000e+00 : f32
        %broadcast_in_dim3A_143 = vector.shape_cast %eq3A_140 : vector<16x1xi1> to vector<16x1xi1>
        %broadcast_in_dim3A_144 = vector.broadcast %broadcast_in_dim3A_143 : vector<16x1xi1> to vector<16x1024xi1>
        %broadcast_in_dim3A_145 = vector.shape_cast %slice3A_141 : vector<1x1024xf32> to vector<1x1024xf32>
        %broadcast_in_dim3A_146 = vector.broadcast %broadcast_in_dim3A_145 : vector<1x1024xf32> to vector<16x1024xf32>
        %broadcast_in_dim3A_147 = vector.broadcast %jit3A_142 : f32 to vector<16x1024xf32>
        %select_n3A_148 = arith.select %broadcast_in_dim3A_144, %broadcast_in_dim3A_146, %broadcast_in_dim3A_147 : vector<16x1024xi1>, vector<16x1024xf32>
        %add3A_149 = arith.addf %add3A_131, %select_n3A_148 : vector<16x1024xf32>
        %mul3A_150 = arith.constant 8 : i32
        %mul3A_151 = arith.muli %add3A_51, %mul3A_150 : i32
        %add3A_152 = arith.constant 2 : i32
        %add3A_153 = arith.addi %mul3A_151, %add3A_152 : i32
        %get3A_154 = arith.constant 0 : index
        %get3A_155 = arith.index_cast %add3A_153 : i32 to index
        %get3A_156 = memref.load %arg0[%get3A_154, %get3A_155] : memref<1x512xi32, #tpu.memory_space<smem>>
        %eq3A_157 = vector.broadcast %get3A_156 : i32 to vector<16x1xi32>
        %eq3A_158 = arith.cmpi eq, %iota3A, %eq3A_157 : vector<16x1xi32>
        %slice3A_159 = vector.extract_strided_slice %reduce_sum3A_113 {offsets = [2, 0], sizes = [1, 1024], strides = [1, 1]} : vector<8x1024xf32> to vector<1x1024xf32>
        %jit3A_160 = arith.constant 0.000000e+00 : f32
        %broadcast_in_dim3A_161 = vector.shape_cast %eq3A_158 : vector<16x1xi1> to vector<16x1xi1>
        %broadcast_in_dim3A_162 = vector.broadcast %broadcast_in_dim3A_161 : vector<16x1xi1> to vector<16x1024xi1>
        %broadcast_in_dim3A_163 = vector.shape_cast %slice3A_159 : vector<1x1024xf32> to vector<1x1024xf32>
        %broadcast_in_dim3A_164 = vector.broadcast %broadcast_in_dim3A_163 : vector<1x1024xf32> to vector<16x1024xf32>
        %broadcast_in_dim3A_165 = vector.broadcast %jit3A_160 : f32 to vector<16x1024xf32>
        %select_n3A_166 = arith.select %broadcast_in_dim3A_162, %broadcast_in_dim3A_164, %broadcast_in_dim3A_165 : vector<16x1024xi1>, vector<16x1024xf32>
        %add3A_167 = arith.addf %add3A_149, %select_n3A_166 : vector<16x1024xf32>
        %mul3A_168 = arith.constant 8 : i32
        %mul3A_169 = arith.muli %add3A_51, %mul3A_168 : i32
        %add3A_170 = arith.constant 3 : i32
        %add3A_171 = arith.addi %mul3A_169, %add3A_170 : i32
        %get3A_172 = arith.constant 0 : index
        %get3A_173 = arith.index_cast %add3A_171 : i32 to index
        %get3A_174 = memref.load %arg0[%get3A_172, %get3A_173] : memref<1x512xi32, #tpu.memory_space<smem>>
        %eq3A_175 = vector.broadcast %get3A_174 : i32 to vector<16x1xi32>
        %eq3A_176 = arith.cmpi eq, %iota3A, %eq3A_175 : vector<16x1xi32>
        %slice3A_177 = vector.extract_strided_slice %reduce_sum3A_113 {offsets = [3, 0], sizes = [1, 1024], strides = [1, 1]} : vector<8x1024xf32> to vector<1x1024xf32>
        %jit3A_178 = arith.constant 0.000000e+00 : f32
        %broadcast_in_dim3A_179 = vector.shape_cast %eq3A_176 : vector<16x1xi1> to vector<16x1xi1>
        %broadcast_in_dim3A_180 = vector.broadcast %broadcast_in_dim3A_179 : vector<16x1xi1> to vector<16x1024xi1>
        %broadcast_in_dim3A_181 = vector.shape_cast %slice3A_177 : vector<1x1024xf32> to vector<1x1024xf32>
        %broadcast_in_dim3A_182 = vector.broadcast %broadcast_in_dim3A_181 : vector<1x1024xf32> to vector<16x1024xf32>
        %broadcast_in_dim3A_183 = vector.broadcast %jit3A_178 : f32 to vector<16x1024xf32>
        %select_n3A_184 = arith.select %broadcast_in_dim3A_180, %broadcast_in_dim3A_182, %broadcast_in_dim3A_183 : vector<16x1024xi1>, vector<16x1024xf32>
        %add3A_185 = arith.addf %add3A_167, %select_n3A_184 : vector<16x1024xf32>
        %mul3A_186 = arith.constant 8 : i32
        %mul3A_187 = arith.muli %add3A_51, %mul3A_186 : i32
        %add3A_188 = arith.constant 4 : i32
        %add3A_189 = arith.addi %mul3A_187, %add3A_188 : i32
        %get3A_190 = arith.constant 0 : index
        %get3A_191 = arith.index_cast %add3A_189 : i32 to index
        %get3A_192 = memref.load %arg0[%get3A_190, %get3A_191] : memref<1x512xi32, #tpu.memory_space<smem>>
        %eq3A_193 = vector.broadcast %get3A_192 : i32 to vector<16x1xi32>
        %eq3A_194 = arith.cmpi eq, %iota3A, %eq3A_193 : vector<16x1xi32>
        %slice3A_195 = vector.extract_strided_slice %reduce_sum3A_113 {offsets = [4, 0], sizes = [1, 1024], strides = [1, 1]} : vector<8x1024xf32> to vector<1x1024xf32>
        %jit3A_196 = arith.constant 0.000000e+00 : f32
        %broadcast_in_dim3A_197 = vector.shape_cast %eq3A_194 : vector<16x1xi1> to vector<16x1xi1>
        %broadcast_in_dim3A_198 = vector.broadcast %broadcast_in_dim3A_197 : vector<16x1xi1> to vector<16x1024xi1>
        %broadcast_in_dim3A_199 = vector.shape_cast %slice3A_195 : vector<1x1024xf32> to vector<1x1024xf32>
        %broadcast_in_dim3A_200 = vector.broadcast %broadcast_in_dim3A_199 : vector<1x1024xf32> to vector<16x1024xf32>
        %broadcast_in_dim3A_201 = vector.broadcast %jit3A_196 : f32 to vector<16x1024xf32>
        %select_n3A_202 = arith.select %broadcast_in_dim3A_198, %broadcast_in_dim3A_200, %broadcast_in_dim3A_201 : vector<16x1024xi1>, vector<16x1024xf32>
        %add3A_203 = arith.addf %add3A_185, %select_n3A_202 : vector<16x1024xf32>
        %mul3A_204 = arith.constant 8 : i32
        %mul3A_205 = arith.muli %add3A_51, %mul3A_204 : i32
        %add3A_206 = arith.constant 5 : i32
        %add3A_207 = arith.addi %mul3A_205, %add3A_206 : i32
        %get3A_208 = arith.constant 0 : index
        %get3A_209 = arith.index_cast %add3A_207 : i32 to index
        %get3A_210 = memref.load %arg0[%get3A_208, %get3A_209] : memref<1x512xi32, #tpu.memory_space<smem>>
        %eq3A_211 = vector.broadcast %get3A_210 : i32 to vector<16x1xi32>
        %eq3A_212 = arith.cmpi eq, %iota3A, %eq3A_211 : vector<16x1xi32>
        %slice3A_213 = vector.extract_strided_slice %reduce_sum3A_113 {offsets = [5, 0], sizes = [1, 1024], strides = [1, 1]} : vector<8x1024xf32> to vector<1x1024xf32>
        %jit3A_214 = arith.constant 0.000000e+00 : f32
        %broadcast_in_dim3A_215 = vector.shape_cast %eq3A_212 : vector<16x1xi1> to vector<16x1xi1>
        %broadcast_in_dim3A_216 = vector.broadcast %broadcast_in_dim3A_215 : vector<16x1xi1> to vector<16x1024xi1>
        %broadcast_in_dim3A_217 = vector.shape_cast %slice3A_213 : vector<1x1024xf32> to vector<1x1024xf32>
        %broadcast_in_dim3A_218 = vector.broadcast %broadcast_in_dim3A_217 : vector<1x1024xf32> to vector<16x1024xf32>
        %broadcast_in_dim3A_219 = vector.broadcast %jit3A_214 : f32 to vector<16x1024xf32>
        %select_n3A_220 = arith.select %broadcast_in_dim3A_216, %broadcast_in_dim3A_218, %broadcast_in_dim3A_219 : vector<16x1024xi1>, vector<16x1024xf32>
        %add3A_221 = arith.addf %add3A_203, %select_n3A_220 : vector<16x1024xf32>
        %mul3A_222 = arith.constant 8 : i32
        %mul3A_223 = arith.muli %add3A_51, %mul3A_222 : i32
        %add3A_224 = arith.constant 6 : i32
        %add3A_225 = arith.addi %mul3A_223, %add3A_224 : i32
        %get3A_226 = arith.constant 0 : index
        %get3A_227 = arith.index_cast %add3A_225 : i32 to index
        %get3A_228 = memref.load %arg0[%get3A_226, %get3A_227] : memref<1x512xi32, #tpu.memory_space<smem>>
        %eq3A_229 = vector.broadcast %get3A_228 : i32 to vector<16x1xi32>
        %eq3A_230 = arith.cmpi eq, %iota3A, %eq3A_229 : vector<16x1xi32>
        %slice3A_231 = vector.extract_strided_slice %reduce_sum3A_113 {offsets = [6, 0], sizes = [1, 1024], strides = [1, 1]} : vector<8x1024xf32> to vector<1x1024xf32>
        %jit3A_232 = arith.constant 0.000000e+00 : f32
        %broadcast_in_dim3A_233 = vector.shape_cast %eq3A_230 : vector<16x1xi1> to vector<16x1xi1>
        %broadcast_in_dim3A_234 = vector.broadcast %broadcast_in_dim3A_233 : vector<16x1xi1> to vector<16x1024xi1>
        %broadcast_in_dim3A_235 = vector.shape_cast %slice3A_231 : vector<1x1024xf32> to vector<1x1024xf32>
        %broadcast_in_dim3A_236 = vector.broadcast %broadcast_in_dim3A_235 : vector<1x1024xf32> to vector<16x1024xf32>
        %broadcast_in_dim3A_237 = vector.broadcast %jit3A_232 : f32 to vector<16x1024xf32>
        %select_n3A_238 = arith.select %broadcast_in_dim3A_234, %broadcast_in_dim3A_236, %broadcast_in_dim3A_237 : vector<16x1024xi1>, vector<16x1024xf32>
        %add3A_239 = arith.addf %add3A_221, %select_n3A_238 : vector<16x1024xf32>
        %mul3A_240 = arith.constant 8 : i32
        %mul3A_241 = arith.muli %add3A_51, %mul3A_240 : i32
        %add3A_242 = arith.constant 7 : i32
        %add3A_243 = arith.addi %mul3A_241, %add3A_242 : i32
        %get3A_244 = arith.constant 0 : index
        %get3A_245 = arith.index_cast %add3A_243 : i32 to index
        %get3A_246 = memref.load %arg0[%get3A_244, %get3A_245] : memref<1x512xi32, #tpu.memory_space<smem>>
        %eq3A_247 = vector.broadcast %get3A_246 : i32 to vector<16x1xi32>
        %eq3A_248 = arith.cmpi eq, %iota3A, %eq3A_247 : vector<16x1xi32>
        %slice3A_249 = vector.extract_strided_slice %reduce_sum3A_113 {offsets = [7, 0], sizes = [1, 1024], strides = [1, 1]} : vector<8x1024xf32> to vector<1x1024xf32>
        %jit3A_250 = arith.constant 0.000000e+00 : f32
        %broadcast_in_dim3A_251 = vector.shape_cast %eq3A_248 : vector<16x1xi1> to vector<16x1xi1>
        %broadcast_in_dim3A_252 = vector.broadcast %broadcast_in_dim3A_251 : vector<16x1xi1> to vector<16x1024xi1>
        %broadcast_in_dim3A_253 = vector.shape_cast %slice3A_249 : vector<1x1024xf32> to vector<1x1024xf32>
        %broadcast_in_dim3A_254 = vector.broadcast %broadcast_in_dim3A_253 : vector<1x1024xf32> to vector<16x1024xf32>
        %broadcast_in_dim3A_255 = vector.broadcast %jit3A_250 : f32 to vector<16x1024xf32>
        %select_n3A_256 = arith.select %broadcast_in_dim3A_252, %broadcast_in_dim3A_254, %broadcast_in_dim3A_255 : vector<16x1024xi1>, vector<16x1024xf32>
        %add3A_257 = arith.addf %add3A_239, %select_n3A_256 : vector<16x1024xf32>
        %get3A_258 = arith.constant 0 : index
        %get3A_259 = arith.constant 0 : index
        %get3A_260 = vector.load %arg3[%get3A_258, %get3A_259] : memref<16x1024xf32, #tpu.memory_space<vmem>>, vector<16x1024xf32>
        %add3A_261 = arith.addf %get3A_260, %add3A_257 : vector<16x1024xf32>
        %swap3A_262 = arith.constant 0 : index
        %swap3A_263 = arith.constant 0 : index
        %swap3A_264 = vector.load %arg3[%swap3A_262, %swap3A_263] : memref<16x1024xf32, #tpu.memory_space<vmem>>, vector<16x1024xf32>
        tpu.vector_store %arg3[%swap3A_262, %swap3A_263], %add3A_261 {strides = array<i32>} : memref<16x1024xf32, #tpu.memory_space<vmem>>, vector<16x1024xf32>,
        %add3A_265 = arith.constant 4 : i32
        %add3A_266 = arith.addi %add3A_51, %add3A_265 : i32
        %le3A_267 = arith.cmpi sle, %add3A_266, %get3A_1 : i32
        %convert_element_type3A_268 = arith.extui %le3A_267 : i1 to i32
        %cond3A_269 = arith.constant 0 : i32
        %cond3A_270 = arith.cmpi ne, %convert_element_type3A_268, %cond3A_269 : i32
        scf.if %cond3A_270 {
          %add3A_271 = arith.constant 4 : i32
          %add3A_272 = arith.addi %add3A_51, %add3A_271 : i32
          %mul3A_273 = arith.constant 512 : i32
          %mul3A_274 = arith.muli %add3A_272, %mul3A_273 : i32
          %add3A_275 = arith.constant 0 : i32
          %add3A_276 = arith.addi %mul3A_274, %add3A_275 : i32
          %dma_start3A = arith.constant 0 : i32
          %dma_start3A_277 = arith.constant 0 : i32
          %dma_start3A_278 = arith.constant 0 : i32
          %dma_start3A_279 = tpu.memref_slice %arg5[%dma_start3A_277, %dma_start3A_278] : memref<4x2x!tpu.dma_semaphore, #tpu.memory_space<semaphore_mem>> -> memref<1x1x!tpu.dma_semaphore, #tpu.memory_space<semaphore_mem>>
          %dma_start3A_280 = tpu.memref_squeeze %dma_start3A_279 : memref<1x1x!tpu.dma_semaphore, #tpu.memory_space<semaphore_mem>> -> memref<!tpu.dma_semaphore, #tpu.memory_space<semaphore_mem>>
          %dma_start3A_281 = arith.constant 0 : i32
          %dma_start3A_282 = arith.constant 0 : i32
          %dma_start3A_283 = tpu.memref_slice %arg4[%dma_start3A, %dma_start3A_281, %dma_start3A_282] : memref<4x512x1024xf32, #tpu.memory_space<vmem>> -> memref<1x256x1024xf32, #tpu.memory_space<vmem>>
          %dma_start3A_284 = tpu.memref_squeeze %dma_start3A_283 : memref<1x256x1024xf32, #tpu.memory_space<vmem>> -> memref<256x1024xf32, #tpu.memory_space<vmem>>
          %dma_start3A_285 = arith.constant 0 : i32
          %dma_start3A_286 = tpu.memref_slice %arg2[%add3A_276, %dma_start3A_285] : memref<32768x1024xf32, #tpu.memory_space<any>> -> memref<256x1024xf32, #tpu.memory_space<any>>
          tpu.enqueue_dma source(%dma_start3A_286 : memref<256x1024xf32, #tpu.memory_space<any>>) target(%dma_start3A_284 : memref<256x1024xf32, #tpu.memory_space<vmem>>) target_semaphore(%dma_start3A_280 : memref<!tpu.dma_semaphore, #tpu.memory_space<semaphore_mem>>)
          %add3A_287 = arith.constant 4 : i32
          %add3A_288 = arith.addi %add3A_51, %add3A_287 : i32
          %mul3A_289 = arith.constant 512 : i32
          %mul3A_290 = arith.muli %add3A_288, %mul3A_289 : i32
          %add3A_291 = arith.constant 256 : i32
          %add3A_292 = arith.addi %mul3A_290, %add3A_291 : i32
          %dma_start3A_293 = arith.constant 0 : i32
          %dma_start3A_294 = arith.constant 0 : i32
          %dma_start3A_295 = arith.constant 1 : i32
          %dma_start3A_296 = tpu.memref_slice %arg5[%dma_start3A_294, %dma_start3A_295] : memref<4x2x!tpu.dma_semaphore, #tpu.memory_space<semaphore_mem>> -> memref<1x1x!tpu.dma_semaphore, #tpu.memory_space<semaphore_mem>>
          %dma_start3A_297 = tpu.memref_squeeze %dma_start3A_296 : memref<1x1x!tpu.dma_semaphore, #tpu.memory_space<semaphore_mem>> -> memref<!tpu.dma_semaphore, #tpu.memory_space<semaphore_mem>>
          %dma_start3A_298 = arith.constant 256 : i32
          %dma_start3A_299 = arith.constant 0 : i32
          %dma_start3A_300 = tpu.memref_slice %arg4[%dma_start3A_293, %dma_start3A_298, %dma_start3A_299] : memref<4x512x1024xf32, #tpu.memory_space<vmem>> -> memref<1x256x1024xf32, #tpu.memory_space<vmem>>
          %dma_start3A_301 = tpu.memref_squeeze %dma_start3A_300 : memref<1x256x1024xf32, #tpu.memory_space<vmem>> -> memref<256x1024xf32, #tpu.memory_space<vmem>>
          %dma_start3A_302 = arith.constant 0 : i32
          %dma_start3A_303 = tpu.memref_slice %arg2[%add3A_292, %dma_start3A_302] : memref<32768x1024xf32, #tpu.memory_space<any>> -> memref<256x1024xf32, #tpu.memory_space<any>>
          tpu.enqueue_dma source(%dma_start3A_303 : memref<256x1024xf32, #tpu.memory_space<any>>) target(%dma_start3A_301 : memref<256x1024xf32, #tpu.memory_space<vmem>>) target_semaphore(%dma_start3A_297 : memref<!tpu.dma_semaphore, #tpu.memory_space<semaphore_mem>>)
        } else {
        }
      } else {
      }
      %mul3A_55 = arith.constant 4 : i32
      %mul3A_56 = arith.muli %while3A_48, %mul3A_55 : i32
      %add3A_57 = arith.constant 1 : i32
      %add3A_58 = arith.addi %mul3A_56, %add3A_57 : i32
      %le3A_59 = arith.cmpi sle, %add3A_58, %get3A_1 : i32
      %convert_element_type3A_60 = arith.extui %le3A_59 : i1 to i32
      %cond3A_61 = arith.constant 0 : i32
      %cond3A_62 = arith.cmpi ne, %convert_element_type3A_60, %cond3A_61 : i32
      scf.if %cond3A_62 {
        %mul3A_79 = arith.constant 512 : i32
        %mul3A_80 = arith.muli %add3A_58, %mul3A_79 : i32
        %add3A_81 = arith.constant 0 : i32
        %add3A_82 = arith.addi %mul3A_80, %add3A_81 : i32
        %dma_wait3A = arith.constant 1 : i32
        %dma_wait3A_83 = arith.constant 1 : i32
        %dma_wait3A_84 = arith.constant 0 : i32
        %dma_wait3A_85 = tpu.memref_slice %arg5[%dma_wait3A_83, %dma_wait3A_84] : memref<4x2x!tpu.dma_semaphore, #tpu.memory_space<semaphore_mem>> -> memref<1x1x!tpu.dma_semaphore, #tpu.memory_space<semaphore_mem>>
        %dma_wait3A_86 = tpu.memref_squeeze %dma_wait3A_85 : memref<1x1x!tpu.dma_semaphore, #tpu.memory_space<semaphore_mem>> -> memref<!tpu.dma_semaphore, #tpu.memory_space<semaphore_mem>>
        %dma_wait3A_87 = arith.constant 0 : i32
        %dma_wait3A_88 = arith.constant 0 : i32
        %dma_wait3A_89 = tpu.memref_slice %arg4[%dma_wait3A, %dma_wait3A_87, %dma_wait3A_88] : memref<4x512x1024xf32, #tpu.memory_space<vmem>> -> memref<1x256x1024xf32, #tpu.memory_space<vmem>>
        %dma_wait3A_90 = tpu.memref_squeeze %dma_wait3A_89 : memref<1x256x1024xf32, #tpu.memory_space<vmem>> -> memref<256x1024xf32, #tpu.memory_space<vmem>>
        %dma_wait3A_91 = arith.constant 0 : i32
        %dma_wait3A_92 = tpu.memref_slice %arg2[%add3A_82, %dma_wait3A_91] : memref<32768x1024xf32, #tpu.memory_space<any>> -> memref<256x1024xf32, #tpu.memory_space<any>>
        tpu.wait_dma2 semaphore(%dma_wait3A_86 : memref<!tpu.dma_semaphore, #tpu.memory_space<semaphore_mem>>) src(%dma_wait3A_92 : memref<256x1024xf32, #tpu.memory_space<any>>) dst(%dma_wait3A_90 : memref<256x1024xf32, #tpu.memory_space<vmem>>)
        %mul3A_93 = arith.constant 512 : i32
        %mul3A_94 = arith.muli %add3A_58, %mul3A_93 : i32
        %add3A_95 = arith.constant 256 : i32
        %add3A_96 = arith.addi %mul3A_94, %add3A_95 : i32
        %dma_wait3A_97 = arith.constant 1 : i32
        %dma_wait3A_98 = arith.constant 1 : i32
        %dma_wait3A_99 = arith.constant 1 : i32
        %dma_wait3A_100 = tpu.memref_slice %arg5[%dma_wait3A_98, %dma_wait3A_99] : memref<4x2x!tpu.dma_semaphore, #tpu.memory_space<semaphore_mem>> -> memref<1x1x!tpu.dma_semaphore, #tpu.memory_space<semaphore_mem>>
        %dma_wait3A_101 = tpu.memref_squeeze %dma_wait3A_100 : memref<1x1x!tpu.dma_semaphore, #tpu.memory_space<semaphore_mem>> -> memref<!tpu.dma_semaphore, #tpu.memory_space<semaphore_mem>>
        %dma_wait3A_102 = arith.constant 256 : i32
        %dma_wait3A_103 = arith.constant 0 : i32
        %dma_wait3A_104 = tpu.memref_slice %arg4[%dma_wait3A_97, %dma_wait3A_102, %dma_wait3A_103] : memref<4x512x1024xf32, #tpu.memory_space<vmem>> -> memref<1x256x1024xf32, #tpu.memory_space<vmem>>
        %dma_wait3A_105 = tpu.memref_squeeze %dma_wait3A_104 : memref<1x256x1024xf32, #tpu.memory_space<vmem>> -> memref<256x1024xf32, #tpu.memory_space<vmem>>
        %dma_wait3A_106 = arith.constant 0 : i32
        %dma_wait3A_107 = tpu.memref_slice %arg2[%add3A_96, %dma_wait3A_106] : memref<32768x1024xf32, #tpu.memory_space<any>> -> memref<256x1024xf32, #tpu.memory_space<any>>
        tpu.wait_dma2 semaphore(%dma_wait3A_101 : memref<!tpu.dma_semaphore, #tpu.memory_space<semaphore_mem>>) src(%dma_wait3A_107 : memref<256x1024xf32, #tpu.memory_space<any>>) dst(%dma_wait3A_105 : memref<256x1024xf32, #tpu.memory_space<vmem>>)
        %get3A_108 = arith.constant 1 : index
        %get3A_109 = arith.constant 0 : index
        %get3A_110 = arith.constant 0 : index
        %get3A_111 = vector.load %arg4[%get3A_108, %get3A_109, %get3A_110] : memref<4x512x1024xf32, #tpu.memory_space<vmem>>, vector<1x512x1024xf32>
        %get3A_112 = vector.shape_cast %get3A_111 : vector<1x512x1024xf32> to vector<512x1024xf32>
        %reshape3A = vector.shape_cast %get3A_112 : vector<512x1024xf32> to vector<8x64x1024xf32>
        %reduce_sum3A = arith.constant dense<0.000000e+00> : vector<8x1024xf32>
        %reduce_sum3A_113 = vector.multi_reduction <add>, %reshape3A, %reduce_sum3A [1] : vector<8x64x1024xf32> to vector<8x1024xf32>
        %broadcast_in_dim3A_114 = arith.constant 0.000000e+00 : f32
        %broadcast_in_dim3A_115 = vector.broadcast %broadcast_in_dim3A_114 : f32 to vector<16x1024xf32>
        %mul3A_116 = arith.constant 8 : i32
        %mul3A_117 = arith.muli %add3A_58, %mul3A_116 : i32
        %add3A_118 = arith.constant 0 : i32
        %add3A_119 = arith.addi %mul3A_117, %add3A_118 : i32
        %get3A_120 = arith.constant 0 : index
        %get3A_121 = arith.index_cast %add3A_119 : i32 to index
        %get3A_122 = memref.load %arg0[%get3A_120, %get3A_121] : memref<1x512xi32, #tpu.memory_space<smem>>
        %eq3A = vector.broadcast %get3A_122 : i32 to vector<16x1xi32>
        %eq3A_123 = arith.cmpi eq, %iota3A, %eq3A : vector<16x1xi32>
        %slice3A = vector.extract_strided_slice %reduce_sum3A_113 {offsets = [0, 0], sizes = [1, 1024], strides = [1, 1]} : vector<8x1024xf32> to vector<1x1024xf32>
        %jit3A_124 = arith.constant 0.000000e+00 : f32
        %broadcast_in_dim3A_125 = vector.shape_cast %eq3A_123 : vector<16x1xi1> to vector<16x1xi1>
        %broadcast_in_dim3A_126 = vector.broadcast %broadcast_in_dim3A_125 : vector<16x1xi1> to vector<16x1024xi1>
        %broadcast_in_dim3A_127 = vector.shape_cast %slice3A : vector<1x1024xf32> to vector<1x1024xf32>
        %broadcast_in_dim3A_128 = vector.broadcast %broadcast_in_dim3A_127 : vector<1x1024xf32> to vector<16x1024xf32>
        %broadcast_in_dim3A_129 = vector.broadcast %jit3A_124 : f32 to vector<16x1024xf32>
        %select_n3A_130 = arith.select %broadcast_in_dim3A_126, %broadcast_in_dim3A_128, %broadcast_in_dim3A_129 : vector<16x1024xi1>, vector<16x1024xf32>
        %add3A_131 = arith.addf %broadcast_in_dim3A_115, %select_n3A_130 : vector<16x1024xf32>
        %mul3A_132 = arith.constant 8 : i32
        %mul3A_133 = arith.muli %add3A_58, %mul3A_132 : i32
        %add3A_134 = arith.constant 1 : i32
        %add3A_135 = arith.addi %mul3A_133, %add3A_134 : i32
        %get3A_136 = arith.constant 0 : index
        %get3A_137 = arith.index_cast %add3A_135 : i32 to index
        %get3A_138 = memref.load %arg0[%get3A_136, %get3A_137] : memref<1x512xi32, #tpu.memory_space<smem>>
        %eq3A_139 = vector.broadcast %get3A_138 : i32 to vector<16x1xi32>
        %eq3A_140 = arith.cmpi eq, %iota3A, %eq3A_139 : vector<16x1xi32>
        %slice3A_141 = vector.extract_strided_slice %reduce_sum3A_113 {offsets = [1, 0], sizes = [1, 1024], strides = [1, 1]} : vector<8x1024xf32> to vector<1x1024xf32>
        %jit3A_142 = arith.constant 0.000000e+00 : f32
        %broadcast_in_dim3A_143 = vector.shape_cast %eq3A_140 : vector<16x1xi1> to vector<16x1xi1>
        %broadcast_in_dim3A_144 = vector.broadcast %broadcast_in_dim3A_143 : vector<16x1xi1> to vector<16x1024xi1>
        %broadcast_in_dim3A_145 = vector.shape_cast %slice3A_141 : vector<1x1024xf32> to vector<1x1024xf32>
        %broadcast_in_dim3A_146 = vector.broadcast %broadcast_in_dim3A_145 : vector<1x1024xf32> to vector<16x1024xf32>
        %broadcast_in_dim3A_147 = vector.broadcast %jit3A_142 : f32 to vector<16x1024xf32>
        %select_n3A_148 = arith.select %broadcast_in_dim3A_144, %broadcast_in_dim3A_146, %broadcast_in_dim3A_147 : vector<16x1024xi1>, vector<16x1024xf32>
        %add3A_149 = arith.addf %add3A_131, %select_n3A_148 : vector<16x1024xf32>
        %mul3A_150 = arith.constant 8 : i32
        %mul3A_151 = arith.muli %add3A_58, %mul3A_150 : i32
        %add3A_152 = arith.constant 2 : i32
        %add3A_153 = arith.addi %mul3A_151, %add3A_152 : i32
        %get3A_154 = arith.constant 0 : index
        %get3A_155 = arith.index_cast %add3A_153 : i32 to index
        %get3A_156 = memref.load %arg0[%get3A_154, %get3A_155] : memref<1x512xi32, #tpu.memory_space<smem>>
        %eq3A_157 = vector.broadcast %get3A_156 : i32 to vector<16x1xi32>
        %eq3A_158 = arith.cmpi eq, %iota3A, %eq3A_157 : vector<16x1xi32>
        %slice3A_159 = vector.extract_strided_slice %reduce_sum3A_113 {offsets = [2, 0], sizes = [1, 1024], strides = [1, 1]} : vector<8x1024xf32> to vector<1x1024xf32>
        %jit3A_160 = arith.constant 0.000000e+00 : f32
        %broadcast_in_dim3A_161 = vector.shape_cast %eq3A_158 : vector<16x1xi1> to vector<16x1xi1>
        %broadcast_in_dim3A_162 = vector.broadcast %broadcast_in_dim3A_161 : vector<16x1xi1> to vector<16x1024xi1>
        %broadcast_in_dim3A_163 = vector.shape_cast %slice3A_159 : vector<1x1024xf32> to vector<1x1024xf32>
        %broadcast_in_dim3A_164 = vector.broadcast %broadcast_in_dim3A_163 : vector<1x1024xf32> to vector<16x1024xf32>
        %broadcast_in_dim3A_165 = vector.broadcast %jit3A_160 : f32 to vector<16x1024xf32>
        %select_n3A_166 = arith.select %broadcast_in_dim3A_162, %broadcast_in_dim3A_164, %broadcast_in_dim3A_165 : vector<16x1024xi1>, vector<16x1024xf32>
        %add3A_167 = arith.addf %add3A_149, %select_n3A_166 : vector<16x1024xf32>
        %mul3A_168 = arith.constant 8 : i32
        %mul3A_169 = arith.muli %add3A_58, %mul3A_168 : i32
        %add3A_170 = arith.constant 3 : i32
        %add3A_171 = arith.addi %mul3A_169, %add3A_170 : i32
        %get3A_172 = arith.constant 0 : index
        %get3A_173 = arith.index_cast %add3A_171 : i32 to index
        %get3A_174 = memref.load %arg0[%get3A_172, %get3A_173] : memref<1x512xi32, #tpu.memory_space<smem>>
        %eq3A_175 = vector.broadcast %get3A_174 : i32 to vector<16x1xi32>
        %eq3A_176 = arith.cmpi eq, %iota3A, %eq3A_175 : vector<16x1xi32>
        %slice3A_177 = vector.extract_strided_slice %reduce_sum3A_113 {offsets = [3, 0], sizes = [1, 1024], strides = [1, 1]} : vector<8x1024xf32> to vector<1x1024xf32>
        %jit3A_178 = arith.constant 0.000000e+00 : f32
        %broadcast_in_dim3A_179 = vector.shape_cast %eq3A_176 : vector<16x1xi1> to vector<16x1xi1>
        %broadcast_in_dim3A_180 = vector.broadcast %broadcast_in_dim3A_179 : vector<16x1xi1> to vector<16x1024xi1>
        %broadcast_in_dim3A_181 = vector.shape_cast %slice3A_177 : vector<1x1024xf32> to vector<1x1024xf32>
        %broadcast_in_dim3A_182 = vector.broadcast %broadcast_in_dim3A_181 : vector<1x1024xf32> to vector<16x1024xf32>
        %broadcast_in_dim3A_183 = vector.broadcast %jit3A_178 : f32 to vector<16x1024xf32>
        %select_n3A_184 = arith.select %broadcast_in_dim3A_180, %broadcast_in_dim3A_182, %broadcast_in_dim3A_183 : vector<16x1024xi1>, vector<16x1024xf32>
        %add3A_185 = arith.addf %add3A_167, %select_n3A_184 : vector<16x1024xf32>
        %mul3A_186 = arith.constant 8 : i32
        %mul3A_187 = arith.muli %add3A_58, %mul3A_186 : i32
        %add3A_188 = arith.constant 4 : i32
        %add3A_189 = arith.addi %mul3A_187, %add3A_188 : i32
        %get3A_190 = arith.constant 0 : index
        %get3A_191 = arith.index_cast %add3A_189 : i32 to index
        %get3A_192 = memref.load %arg0[%get3A_190, %get3A_191] : memref<1x512xi32, #tpu.memory_space<smem>>
        %eq3A_193 = vector.broadcast %get3A_192 : i32 to vector<16x1xi32>
        %eq3A_194 = arith.cmpi eq, %iota3A, %eq3A_193 : vector<16x1xi32>
        %slice3A_195 = vector.extract_strided_slice %reduce_sum3A_113 {offsets = [4, 0], sizes = [1, 1024], strides = [1, 1]} : vector<8x1024xf32> to vector<1x1024xf32>
        %jit3A_196 = arith.constant 0.000000e+00 : f32
        %broadcast_in_dim3A_197 = vector.shape_cast %eq3A_194 : vector<16x1xi1> to vector<16x1xi1>
        %broadcast_in_dim3A_198 = vector.broadcast %broadcast_in_dim3A_197 : vector<16x1xi1> to vector<16x1024xi1>
        %broadcast_in_dim3A_199 = vector.shape_cast %slice3A_195 : vector<1x1024xf32> to vector<1x1024xf32>
        %broadcast_in_dim3A_200 = vector.broadcast %broadcast_in_dim3A_199 : vector<1x1024xf32> to vector<16x1024xf32>
        %broadcast_in_dim3A_201 = vector.broadcast %jit3A_196 : f32 to vector<16x1024xf32>
        %select_n3A_202 = arith.select %broadcast_in_dim3A_198, %broadcast_in_dim3A_200, %broadcast_in_dim3A_201 : vector<16x1024xi1>, vector<16x1024xf32>
        %add3A_203 = arith.addf %add3A_185, %select_n3A_202 : vector<16x1024xf32>
        %mul3A_204 = arith.constant 8 : i32
        %mul3A_205 = arith.muli %add3A_58, %mul3A_204 : i32
        %add3A_206 = arith.constant 5 : i32
        %add3A_207 = arith.addi %mul3A_205, %add3A_206 : i32
        %get3A_208 = arith.constant 0 : index
        %get3A_209 = arith.index_cast %add3A_207 : i32 to index
        %get3A_210 = memref.load %arg0[%get3A_208, %get3A_209] : memref<1x512xi32, #tpu.memory_space<smem>>
        %eq3A_211 = vector.broadcast %get3A_210 : i32 to vector<16x1xi32>
        %eq3A_212 = arith.cmpi eq, %iota3A, %eq3A_211 : vector<16x1xi32>
        %slice3A_213 = vector.extract_strided_slice %reduce_sum3A_113 {offsets = [5, 0], sizes = [1, 1024], strides = [1, 1]} : vector<8x1024xf32> to vector<1x1024xf32>
        %jit3A_214 = arith.constant 0.000000e+00 : f32
        %broadcast_in_dim3A_215 = vector.shape_cast %eq3A_212 : vector<16x1xi1> to vector<16x1xi1>
        %broadcast_in_dim3A_216 = vector.broadcast %broadcast_in_dim3A_215 : vector<16x1xi1> to vector<16x1024xi1>
        %broadcast_in_dim3A_217 = vector.shape_cast %slice3A_213 : vector<1x1024xf32> to vector<1x1024xf32>
        %broadcast_in_dim3A_218 = vector.broadcast %broadcast_in_dim3A_217 : vector<1x1024xf32> to vector<16x1024xf32>
        %broadcast_in_dim3A_219 = vector.broadcast %jit3A_214 : f32 to vector<16x1024xf32>
        %select_n3A_220 = arith.select %broadcast_in_dim3A_216, %broadcast_in_dim3A_218, %broadcast_in_dim3A_219 : vector<16x1024xi1>, vector<16x1024xf32>
        %add3A_221 = arith.addf %add3A_203, %select_n3A_220 : vector<16x1024xf32>
        %mul3A_222 = arith.constant 8 : i32
        %mul3A_223 = arith.muli %add3A_58, %mul3A_222 : i32
        %add3A_224 = arith.constant 6 : i32
        %add3A_225 = arith.addi %mul3A_223, %add3A_224 : i32
        %get3A_226 = arith.constant 0 : index
        %get3A_227 = arith.index_cast %add3A_225 : i32 to index
        %get3A_228 = memref.load %arg0[%get3A_226, %get3A_227] : memref<1x512xi32, #tpu.memory_space<smem>>
        %eq3A_229 = vector.broadcast %get3A_228 : i32 to vector<16x1xi32>
        %eq3A_230 = arith.cmpi eq, %iota3A, %eq3A_229 : vector<16x1xi32>
        %slice3A_231 = vector.extract_strided_slice %reduce_sum3A_113 {offsets = [6, 0], sizes = [1, 1024], strides = [1, 1]} : vector<8x1024xf32> to vector<1x1024xf32>
        %jit3A_232 = arith.constant 0.000000e+00 : f32
        %broadcast_in_dim3A_233 = vector.shape_cast %eq3A_230 : vector<16x1xi1> to vector<16x1xi1>
        %broadcast_in_dim3A_234 = vector.broadcast %broadcast_in_dim3A_233 : vector<16x1xi1> to vector<16x1024xi1>
        %broadcast_in_dim3A_235 = vector.shape_cast %slice3A_231 : vector<1x1024xf32> to vector<1x1024xf32>
        %broadcast_in_dim3A_236 = vector.broadcast %broadcast_in_dim3A_235 : vector<1x1024xf32> to vector<16x1024xf32>
        %broadcast_in_dim3A_237 = vector.broadcast %jit3A_232 : f32 to vector<16x1024xf32>
        %select_n3A_238 = arith.select %broadcast_in_dim3A_234, %broadcast_in_dim3A_236, %broadcast_in_dim3A_237 : vector<16x1024xi1>, vector<16x1024xf32>
        %add3A_239 = arith.addf %add3A_221, %select_n3A_238 : vector<16x1024xf32>
        %mul3A_240 = arith.constant 8 : i32
        %mul3A_241 = arith.muli %add3A_58, %mul3A_240 : i32
        %add3A_242 = arith.constant 7 : i32
        %add3A_243 = arith.addi %mul3A_241, %add3A_242 : i32
        %get3A_244 = arith.constant 0 : index
        %get3A_245 = arith.index_cast %add3A_243 : i32 to index
        %get3A_246 = memref.load %arg0[%get3A_244, %get3A_245] : memref<1x512xi32, #tpu.memory_space<smem>>
        %eq3A_247 = vector.broadcast %get3A_246 : i32 to vector<16x1xi32>
        %eq3A_248 = arith.cmpi eq, %iota3A, %eq3A_247 : vector<16x1xi32>
        %slice3A_249 = vector.extract_strided_slice %reduce_sum3A_113 {offsets = [7, 0], sizes = [1, 1024], strides = [1, 1]} : vector<8x1024xf32> to vector<1x1024xf32>
        %jit3A_250 = arith.constant 0.000000e+00 : f32
        %broadcast_in_dim3A_251 = vector.shape_cast %eq3A_248 : vector<16x1xi1> to vector<16x1xi1>
        %broadcast_in_dim3A_252 = vector.broadcast %broadcast_in_dim3A_251 : vector<16x1xi1> to vector<16x1024xi1>
        %broadcast_in_dim3A_253 = vector.shape_cast %slice3A_249 : vector<1x1024xf32> to vector<1x1024xf32>
        %broadcast_in_dim3A_254 = vector.broadcast %broadcast_in_dim3A_253 : vector<1x1024xf32> to vector<16x1024xf32>
        %broadcast_in_dim3A_255 = vector.broadcast %jit3A_250 : f32 to vector<16x1024xf32>
        %select_n3A_256 = arith.select %broadcast_in_dim3A_252, %broadcast_in_dim3A_254, %broadcast_in_dim3A_255 : vector<16x1024xi1>, vector<16x1024xf32>
        %add3A_257 = arith.addf %add3A_239, %select_n3A_256 : vector<16x1024xf32>
        %get3A_258 = arith.constant 0 : index
        %get3A_259 = arith.constant 0 : index
        %get3A_260 = vector.load %arg3[%get3A_258, %get3A_259] : memref<16x1024xf32, #tpu.memory_space<vmem>>, vector<16x1024xf32>
        %add3A_261 = arith.addf %get3A_260, %add3A_257 : vector<16x1024xf32>
        %swap3A_262 = arith.constant 0 : index
        %swap3A_263 = arith.constant 0 : index
        %swap3A_264 = vector.load %arg3[%swap3A_262, %swap3A_263] : memref<16x1024xf32, #tpu.memory_space<vmem>>, vector<16x1024xf32>
        tpu.vector_store %arg3[%swap3A_262, %swap3A_263], %add3A_261 {strides = array<i32>} : memref<16x1024xf32, #tpu.memory_space<vmem>>, vector<16x1024xf32>,
        %add3A_265 = arith.constant 4 : i32
        %add3A_266 = arith.addi %add3A_58, %add3A_265 : i32
        %le3A_267 = arith.cmpi sle, %add3A_266, %get3A_1 : i32
        %convert_element_type3A_268 = arith.extui %le3A_267 : i1 to i32
        %cond3A_269 = arith.constant 0 : i32
        %cond3A_270 = arith.cmpi ne, %convert_element_type3A_268, %cond3A_269 : i32
        scf.if %cond3A_270 {
          %add3A_271 = arith.constant 4 : i32
          %add3A_272 = arith.addi %add3A_58, %add3A_271 : i32
          %mul3A_273 = arith.constant 512 : i32
          %mul3A_274 = arith.muli %add3A_272, %mul3A_273 : i32
          %add3A_275 = arith.constant 0 : i32
          %add3A_276 = arith.addi %mul3A_274, %add3A_275 : i32
          %dma_start3A = arith.constant 1 : i32
          %dma_start3A_277 = arith.constant 1 : i32
          %dma_start3A_278 = arith.constant 0 : i32
          %dma_start3A_279 = tpu.memref_slice %arg5[%dma_start3A_277, %dma_start3A_278] : memref<4x2x!tpu.dma_semaphore, #tpu.memory_space<semaphore_mem>> -> memref<1x1x!tpu.dma_semaphore, #tpu.memory_space<semaphore_mem>>
          %dma_start3A_280 = tpu.memref_squeeze %dma_start3A_279 : memref<1x1x!tpu.dma_semaphore, #tpu.memory_space<semaphore_mem>> -> memref<!tpu.dma_semaphore, #tpu.memory_space<semaphore_mem>>
          %dma_start3A_281 = arith.constant 0 : i32
          %dma_start3A_282 = arith.constant 0 : i32
          %dma_start3A_283 = tpu.memref_slice %arg4[%dma_start3A, %dma_start3A_281, %dma_start3A_282] : memref<4x512x1024xf32, #tpu.memory_space<vmem>> -> memref<1x256x1024xf32, #tpu.memory_space<vmem>>
          %dma_start3A_284 = tpu.memref_squeeze %dma_start3A_283 : memref<1x256x1024xf32, #tpu.memory_space<vmem>> -> memref<256x1024xf32, #tpu.memory_space<vmem>>
          %dma_start3A_285 = arith.constant 0 : i32
          %dma_start3A_286 = tpu.memref_slice %arg2[%add3A_276, %dma_start3A_285] : memref<32768x1024xf32, #tpu.memory_space<any>> -> memref<256x1024xf32, #tpu.memory_space<any>>
          tpu.enqueue_dma source(%dma_start3A_286 : memref<256x1024xf32, #tpu.memory_space<any>>) target(%dma_start3A_284 : memref<256x1024xf32, #tpu.memory_space<vmem>>) target_semaphore(%dma_start3A_280 : memref<!tpu.dma_semaphore, #tpu.memory_space<semaphore_mem>>)
          %add3A_287 = arith.constant 4 : i32
          %add3A_288 = arith.addi %add3A_58, %add3A_287 : i32
          %mul3A_289 = arith.constant 512 : i32
          %mul3A_290 = arith.muli %add3A_288, %mul3A_289 : i32
          %add3A_291 = arith.constant 256 : i32
          %add3A_292 = arith.addi %mul3A_290, %add3A_291 : i32
          %dma_start3A_293 = arith.constant 1 : i32
          %dma_start3A_294 = arith.constant 1 : i32
          %dma_start3A_295 = arith.constant 1 : i32
          %dma_start3A_296 = tpu.memref_slice %arg5[%dma_start3A_294, %dma_start3A_295] : memref<4x2x!tpu.dma_semaphore, #tpu.memory_space<semaphore_mem>> -> memref<1x1x!tpu.dma_semaphore, #tpu.memory_space<semaphore_mem>>
          %dma_start3A_297 = tpu.memref_squeeze %dma_start3A_296 : memref<1x1x!tpu.dma_semaphore, #tpu.memory_space<semaphore_mem>> -> memref<!tpu.dma_semaphore, #tpu.memory_space<semaphore_mem>>
          %dma_start3A_298 = arith.constant 256 : i32
          %dma_start3A_299 = arith.constant 0 : i32
          %dma_start3A_300 = tpu.memref_slice %arg4[%dma_start3A_293, %dma_start3A_298, %dma_start3A_299] : memref<4x512x1024xf32, #tpu.memory_space<vmem>> -> memref<1x256x1024xf32, #tpu.memory_space<vmem>>
          %dma_start3A_301 = tpu.memref_squeeze %dma_start3A_300 : memref<1x256x1024xf32, #tpu.memory_space<vmem>> -> memref<256x1024xf32, #tpu.memory_space<vmem>>
          %dma_start3A_302 = arith.constant 0 : i32
          %dma_start3A_303 = tpu.memref_slice %arg2[%add3A_292, %dma_start3A_302] : memref<32768x1024xf32, #tpu.memory_space<any>> -> memref<256x1024xf32, #tpu.memory_space<any>>
          tpu.enqueue_dma source(%dma_start3A_303 : memref<256x1024xf32, #tpu.memory_space<any>>) target(%dma_start3A_301 : memref<256x1024xf32, #tpu.memory_space<vmem>>) target_semaphore(%dma_start3A_297 : memref<!tpu.dma_semaphore, #tpu.memory_space<semaphore_mem>>)
        } else {
        }
      } else {
      }
      %mul3A_63 = arith.constant 4 : i32
      %mul3A_64 = arith.muli %while3A_48, %mul3A_63 : i32
      %add3A_65 = arith.constant 2 : i32
      %add3A_66 = arith.addi %mul3A_64, %add3A_65 : i32
      %le3A_67 = arith.cmpi sle, %add3A_66, %get3A_1 : i32
      %convert_element_type3A_68 = arith.extui %le3A_67 : i1 to i32
      %cond3A_69 = arith.constant 0 : i32
      %cond3A_70 = arith.cmpi ne, %convert_element_type3A_68, %cond3A_69 : i32
      scf.if %cond3A_70 {
        %mul3A_79 = arith.constant 512 : i32
        %mul3A_80 = arith.muli %add3A_66, %mul3A_79 : i32
        %add3A_81 = arith.constant 0 : i32
        %add3A_82 = arith.addi %mul3A_80, %add3A_81 : i32
        %dma_wait3A = arith.constant 2 : i32
        %dma_wait3A_83 = arith.constant 2 : i32
        %dma_wait3A_84 = arith.constant 0 : i32
        %dma_wait3A_85 = tpu.memref_slice %arg5[%dma_wait3A_83, %dma_wait3A_84] : memref<4x2x!tpu.dma_semaphore, #tpu.memory_space<semaphore_mem>> -> memref<1x1x!tpu.dma_semaphore, #tpu.memory_space<semaphore_mem>>
        %dma_wait3A_86 = tpu.memref_squeeze %dma_wait3A_85 : memref<1x1x!tpu.dma_semaphore, #tpu.memory_space<semaphore_mem>> -> memref<!tpu.dma_semaphore, #tpu.memory_space<semaphore_mem>>
        %dma_wait3A_87 = arith.constant 0 : i32
        %dma_wait3A_88 = arith.constant 0 : i32
        %dma_wait3A_89 = tpu.memref_slice %arg4[%dma_wait3A, %dma_wait3A_87, %dma_wait3A_88] : memref<4x512x1024xf32, #tpu.memory_space<vmem>> -> memref<1x256x1024xf32, #tpu.memory_space<vmem>>
        %dma_wait3A_90 = tpu.memref_squeeze %dma_wait3A_89 : memref<1x256x1024xf32, #tpu.memory_space<vmem>> -> memref<256x1024xf32, #tpu.memory_space<vmem>>
        %dma_wait3A_91 = arith.constant 0 : i32
        %dma_wait3A_92 = tpu.memref_slice %arg2[%add3A_82, %dma_wait3A_91] : memref<32768x1024xf32, #tpu.memory_space<any>> -> memref<256x1024xf32, #tpu.memory_space<any>>
        tpu.wait_dma2 semaphore(%dma_wait3A_86 : memref<!tpu.dma_semaphore, #tpu.memory_space<semaphore_mem>>) src(%dma_wait3A_92 : memref<256x1024xf32, #tpu.memory_space<any>>) dst(%dma_wait3A_90 : memref<256x1024xf32, #tpu.memory_space<vmem>>)
        %mul3A_93 = arith.constant 512 : i32
        %mul3A_94 = arith.muli %add3A_66, %mul3A_93 : i32
        %add3A_95 = arith.constant 256 : i32
        %add3A_96 = arith.addi %mul3A_94, %add3A_95 : i32
        %dma_wait3A_97 = arith.constant 2 : i32
        %dma_wait3A_98 = arith.constant 2 : i32
        %dma_wait3A_99 = arith.constant 1 : i32
        %dma_wait3A_100 = tpu.memref_slice %arg5[%dma_wait3A_98, %dma_wait3A_99] : memref<4x2x!tpu.dma_semaphore, #tpu.memory_space<semaphore_mem>> -> memref<1x1x!tpu.dma_semaphore, #tpu.memory_space<semaphore_mem>>
        %dma_wait3A_101 = tpu.memref_squeeze %dma_wait3A_100 : memref<1x1x!tpu.dma_semaphore, #tpu.memory_space<semaphore_mem>> -> memref<!tpu.dma_semaphore, #tpu.memory_space<semaphore_mem>>
        %dma_wait3A_102 = arith.constant 256 : i32
        %dma_wait3A_103 = arith.constant 0 : i32
        %dma_wait3A_104 = tpu.memref_slice %arg4[%dma_wait3A_97, %dma_wait3A_102, %dma_wait3A_103] : memref<4x512x1024xf32, #tpu.memory_space<vmem>> -> memref<1x256x1024xf32, #tpu.memory_space<vmem>>
        %dma_wait3A_105 = tpu.memref_squeeze %dma_wait3A_104 : memref<1x256x1024xf32, #tpu.memory_space<vmem>> -> memref<256x1024xf32, #tpu.memory_space<vmem>>
        %dma_wait3A_106 = arith.constant 0 : i32
        %dma_wait3A_107 = tpu.memref_slice %arg2[%add3A_96, %dma_wait3A_106] : memref<32768x1024xf32, #tpu.memory_space<any>> -> memref<256x1024xf32, #tpu.memory_space<any>>
        tpu.wait_dma2 semaphore(%dma_wait3A_101 : memref<!tpu.dma_semaphore, #tpu.memory_space<semaphore_mem>>) src(%dma_wait3A_107 : memref<256x1024xf32, #tpu.memory_space<any>>) dst(%dma_wait3A_105 : memref<256x1024xf32, #tpu.memory_space<vmem>>)
        %get3A_108 = arith.constant 2 : index
        %get3A_109 = arith.constant 0 : index
        %get3A_110 = arith.constant 0 : index
        %get3A_111 = vector.load %arg4[%get3A_108, %get3A_109, %get3A_110] : memref<4x512x1024xf32, #tpu.memory_space<vmem>>, vector<1x512x1024xf32>
        %get3A_112 = vector.shape_cast %get3A_111 : vector<1x512x1024xf32> to vector<512x1024xf32>
        %reshape3A = vector.shape_cast %get3A_112 : vector<512x1024xf32> to vector<8x64x1024xf32>
        %reduce_sum3A = arith.constant dense<0.000000e+00> : vector<8x1024xf32>
        %reduce_sum3A_113 = vector.multi_reduction <add>, %reshape3A, %reduce_sum3A [1] : vector<8x64x1024xf32> to vector<8x1024xf32>
        %broadcast_in_dim3A_114 = arith.constant 0.000000e+00 : f32
        %broadcast_in_dim3A_115 = vector.broadcast %broadcast_in_dim3A_114 : f32 to vector<16x1024xf32>
        %mul3A_116 = arith.constant 8 : i32
        %mul3A_117 = arith.muli %add3A_66, %mul3A_116 : i32
        %add3A_118 = arith.constant 0 : i32
        %add3A_119 = arith.addi %mul3A_117, %add3A_118 : i32
        %get3A_120 = arith.constant 0 : index
        %get3A_121 = arith.index_cast %add3A_119 : i32 to index
        %get3A_122 = memref.load %arg0[%get3A_120, %get3A_121] : memref<1x512xi32, #tpu.memory_space<smem>>
        %eq3A = vector.broadcast %get3A_122 : i32 to vector<16x1xi32>
        %eq3A_123 = arith.cmpi eq, %iota3A, %eq3A : vector<16x1xi32>
        %slice3A = vector.extract_strided_slice %reduce_sum3A_113 {offsets = [0, 0], sizes = [1, 1024], strides = [1, 1]} : vector<8x1024xf32> to vector<1x1024xf32>
        %jit3A_124 = arith.constant 0.000000e+00 : f32
        %broadcast_in_dim3A_125 = vector.shape_cast %eq3A_123 : vector<16x1xi1> to vector<16x1xi1>
        %broadcast_in_dim3A_126 = vector.broadcast %broadcast_in_dim3A_125 : vector<16x1xi1> to vector<16x1024xi1>
        %broadcast_in_dim3A_127 = vector.shape_cast %slice3A : vector<1x1024xf32> to vector<1x1024xf32>
        %broadcast_in_dim3A_128 = vector.broadcast %broadcast_in_dim3A_127 : vector<1x1024xf32> to vector<16x1024xf32>
        %broadcast_in_dim3A_129 = vector.broadcast %jit3A_124 : f32 to vector<16x1024xf32>
        %select_n3A_130 = arith.select %broadcast_in_dim3A_126, %broadcast_in_dim3A_128, %broadcast_in_dim3A_129 : vector<16x1024xi1>, vector<16x1024xf32>
        %add3A_131 = arith.addf %broadcast_in_dim3A_115, %select_n3A_130 : vector<16x1024xf32>
        %mul3A_132 = arith.constant 8 : i32
        %mul3A_133 = arith.muli %add3A_66, %mul3A_132 : i32
        %add3A_134 = arith.constant 1 : i32
        %add3A_135 = arith.addi %mul3A_133, %add3A_134 : i32
        %get3A_136 = arith.constant 0 : index
        %get3A_137 = arith.index_cast %add3A_135 : i32 to index
        %get3A_138 = memref.load %arg0[%get3A_136, %get3A_137] : memref<1x512xi32, #tpu.memory_space<smem>>
        %eq3A_139 = vector.broadcast %get3A_138 : i32 to vector<16x1xi32>
        %eq3A_140 = arith.cmpi eq, %iota3A, %eq3A_139 : vector<16x1xi32>
        %slice3A_141 = vector.extract_strided_slice %reduce_sum3A_113 {offsets = [1, 0], sizes = [1, 1024], strides = [1, 1]} : vector<8x1024xf32> to vector<1x1024xf32>
        %jit3A_142 = arith.constant 0.000000e+00 : f32
        %broadcast_in_dim3A_143 = vector.shape_cast %eq3A_140 : vector<16x1xi1> to vector<16x1xi1>
        %broadcast_in_dim3A_144 = vector.broadcast %broadcast_in_dim3A_143 : vector<16x1xi1> to vector<16x1024xi1>
        %broadcast_in_dim3A_145 = vector.shape_cast %slice3A_141 : vector<1x1024xf32> to vector<1x1024xf32>
        %broadcast_in_dim3A_146 = vector.broadcast %broadcast_in_dim3A_145 : vector<1x1024xf32> to vector<16x1024xf32>
        %broadcast_in_dim3A_147 = vector.broadcast %jit3A_142 : f32 to vector<16x1024xf32>
        %select_n3A_148 = arith.select %broadcast_in_dim3A_144, %broadcast_in_dim3A_146, %broadcast_in_dim3A_147 : vector<16x1024xi1>, vector<16x1024xf32>
        %add3A_149 = arith.addf %add3A_131, %select_n3A_148 : vector<16x1024xf32>
        %mul3A_150 = arith.constant 8 : i32
        %mul3A_151 = arith.muli %add3A_66, %mul3A_150 : i32
        %add3A_152 = arith.constant 2 : i32
        %add3A_153 = arith.addi %mul3A_151, %add3A_152 : i32
        %get3A_154 = arith.constant 0 : index
        %get3A_155 = arith.index_cast %add3A_153 : i32 to index
        %get3A_156 = memref.load %arg0[%get3A_154, %get3A_155] : memref<1x512xi32, #tpu.memory_space<smem>>
        %eq3A_157 = vector.broadcast %get3A_156 : i32 to vector<16x1xi32>
        %eq3A_158 = arith.cmpi eq, %iota3A, %eq3A_157 : vector<16x1xi32>
        %slice3A_159 = vector.extract_strided_slice %reduce_sum3A_113 {offsets = [2, 0], sizes = [1, 1024], strides = [1, 1]} : vector<8x1024xf32> to vector<1x1024xf32>
        %jit3A_160 = arith.constant 0.000000e+00 : f32
        %broadcast_in_dim3A_161 = vector.shape_cast %eq3A_158 : vector<16x1xi1> to vector<16x1xi1>
        %broadcast_in_dim3A_162 = vector.broadcast %broadcast_in_dim3A_161 : vector<16x1xi1> to vector<16x1024xi1>
        %broadcast_in_dim3A_163 = vector.shape_cast %slice3A_159 : vector<1x1024xf32> to vector<1x1024xf32>
        %broadcast_in_dim3A_164 = vector.broadcast %broadcast_in_dim3A_163 : vector<1x1024xf32> to vector<16x1024xf32>
        %broadcast_in_dim3A_165 = vector.broadcast %jit3A_160 : f32 to vector<16x1024xf32>
        %select_n3A_166 = arith.select %broadcast_in_dim3A_162, %broadcast_in_dim3A_164, %broadcast_in_dim3A_165 : vector<16x1024xi1>, vector<16x1024xf32>
        %add3A_167 = arith.addf %add3A_149, %select_n3A_166 : vector<16x1024xf32>
        %mul3A_168 = arith.constant 8 : i32
        %mul3A_169 = arith.muli %add3A_66, %mul3A_168 : i32
        %add3A_170 = arith.constant 3 : i32
        %add3A_171 = arith.addi %mul3A_169, %add3A_170 : i32
        %get3A_172 = arith.constant 0 : index
        %get3A_173 = arith.index_cast %add3A_171 : i32 to index
        %get3A_174 = memref.load %arg0[%get3A_172, %get3A_173] : memref<1x512xi32, #tpu.memory_space<smem>>
        %eq3A_175 = vector.broadcast %get3A_174 : i32 to vector<16x1xi32>
        %eq3A_176 = arith.cmpi eq, %iota3A, %eq3A_175 : vector<16x1xi32>
        %slice3A_177 = vector.extract_strided_slice %reduce_sum3A_113 {offsets = [3, 0], sizes = [1, 1024], strides = [1, 1]} : vector<8x1024xf32> to vector<1x1024xf32>
        %jit3A_178 = arith.constant 0.000000e+00 : f32
        %broadcast_in_dim3A_179 = vector.shape_cast %eq3A_176 : vector<16x1xi1> to vector<16x1xi1>
        %broadcast_in_dim3A_180 = vector.broadcast %broadcast_in_dim3A_179 : vector<16x1xi1> to vector<16x1024xi1>
        %broadcast_in_dim3A_181 = vector.shape_cast %slice3A_177 : vector<1x1024xf32> to vector<1x1024xf32>
        %broadcast_in_dim3A_182 = vector.broadcast %broadcast_in_dim3A_181 : vector<1x1024xf32> to vector<16x1024xf32>
        %broadcast_in_dim3A_183 = vector.broadcast %jit3A_178 : f32 to vector<16x1024xf32>
        %select_n3A_184 = arith.select %broadcast_in_dim3A_180, %broadcast_in_dim3A_182, %broadcast_in_dim3A_183 : vector<16x1024xi1>, vector<16x1024xf32>
        %add3A_185 = arith.addf %add3A_167, %select_n3A_184 : vector<16x1024xf32>
        %mul3A_186 = arith.constant 8 : i32
        %mul3A_187 = arith.muli %add3A_66, %mul3A_186 : i32
        %add3A_188 = arith.constant 4 : i32
        %add3A_189 = arith.addi %mul3A_187, %add3A_188 : i32
        %get3A_190 = arith.constant 0 : index
        %get3A_191 = arith.index_cast %add3A_189 : i32 to index
        %get3A_192 = memref.load %arg0[%get3A_190, %get3A_191] : memref<1x512xi32, #tpu.memory_space<smem>>
        %eq3A_193 = vector.broadcast %get3A_192 : i32 to vector<16x1xi32>
        %eq3A_194 = arith.cmpi eq, %iota3A, %eq3A_193 : vector<16x1xi32>
        %slice3A_195 = vector.extract_strided_slice %reduce_sum3A_113 {offsets = [4, 0], sizes = [1, 1024], strides = [1, 1]} : vector<8x1024xf32> to vector<1x1024xf32>
        %jit3A_196 = arith.constant 0.000000e+00 : f32
        %broadcast_in_dim3A_197 = vector.shape_cast %eq3A_194 : vector<16x1xi1> to vector<16x1xi1>
        %broadcast_in_dim3A_198 = vector.broadcast %broadcast_in_dim3A_197 : vector<16x1xi1> to vector<16x1024xi1>
        %broadcast_in_dim3A_199 = vector.shape_cast %slice3A_195 : vector<1x1024xf32> to vector<1x1024xf32>
        %broadcast_in_dim3A_200 = vector.broadcast %broadcast_in_dim3A_199 : vector<1x1024xf32> to vector<16x1024xf32>
        %broadcast_in_dim3A_201 = vector.broadcast %jit3A_196 : f32 to vector<16x1024xf32>
        %select_n3A_202 = arith.select %broadcast_in_dim3A_198, %broadcast_in_dim3A_200, %broadcast_in_dim3A_201 : vector<16x1024xi1>, vector<16x1024xf32>
        %add3A_203 = arith.addf %add3A_185, %select_n3A_202 : vector<16x1024xf32>
        %mul3A_204 = arith.constant 8 : i32
        %mul3A_205 = arith.muli %add3A_66, %mul3A_204 : i32
        %add3A_206 = arith.constant 5 : i32
        %add3A_207 = arith.addi %mul3A_205, %add3A_206 : i32
        %get3A_208 = arith.constant 0 : index
        %get3A_209 = arith.index_cast %add3A_207 : i32 to index
        %get3A_210 = memref.load %arg0[%get3A_208, %get3A_209] : memref<1x512xi32, #tpu.memory_space<smem>>
        %eq3A_211 = vector.broadcast %get3A_210 : i32 to vector<16x1xi32>
        %eq3A_212 = arith.cmpi eq, %iota3A, %eq3A_211 : vector<16x1xi32>
        %slice3A_213 = vector.extract_strided_slice %reduce_sum3A_113 {offsets = [5, 0], sizes = [1, 1024], strides = [1, 1]} : vector<8x1024xf32> to vector<1x1024xf32>
        %jit3A_214 = arith.constant 0.000000e+00 : f32
        %broadcast_in_dim3A_215 = vector.shape_cast %eq3A_212 : vector<16x1xi1> to vector<16x1xi1>
        %broadcast_in_dim3A_216 = vector.broadcast %broadcast_in_dim3A_215 : vector<16x1xi1> to vector<16x1024xi1>
        %broadcast_in_dim3A_217 = vector.shape_cast %slice3A_213 : vector<1x1024xf32> to vector<1x1024xf32>
        %broadcast_in_dim3A_218 = vector.broadcast %broadcast_in_dim3A_217 : vector<1x1024xf32> to vector<16x1024xf32>
        %broadcast_in_dim3A_219 = vector.broadcast %jit3A_214 : f32 to vector<16x1024xf32>
        %select_n3A_220 = arith.select %broadcast_in_dim3A_216, %broadcast_in_dim3A_218, %broadcast_in_dim3A_219 : vector<16x1024xi1>, vector<16x1024xf32>
        %add3A_221 = arith.addf %add3A_203, %select_n3A_220 : vector<16x1024xf32>
        %mul3A_222 = arith.constant 8 : i32
        %mul3A_223 = arith.muli %add3A_66, %mul3A_222 : i32
        %add3A_224 = arith.constant 6 : i32
        %add3A_225 = arith.addi %mul3A_223, %add3A_224 : i32
        %get3A_226 = arith.constant 0 : index
        %get3A_227 = arith.index_cast %add3A_225 : i32 to index
        %get3A_228 = memref.load %arg0[%get3A_226, %get3A_227] : memref<1x512xi32, #tpu.memory_space<smem>>
        %eq3A_229 = vector.broadcast %get3A_228 : i32 to vector<16x1xi32>
        %eq3A_230 = arith.cmpi eq, %iota3A, %eq3A_229 : vector<16x1xi32>
        %slice3A_231 = vector.extract_strided_slice %reduce_sum3A_113 {offsets = [6, 0], sizes = [1, 1024], strides = [1, 1]} : vector<8x1024xf32> to vector<1x1024xf32>
        %jit3A_232 = arith.constant 0.000000e+00 : f32
        %broadcast_in_dim3A_233 = vector.shape_cast %eq3A_230 : vector<16x1xi1> to vector<16x1xi1>
        %broadcast_in_dim3A_234 = vector.broadcast %broadcast_in_dim3A_233 : vector<16x1xi1> to vector<16x1024xi1>
        %broadcast_in_dim3A_235 = vector.shape_cast %slice3A_231 : vector<1x1024xf32> to vector<1x1024xf32>
        %broadcast_in_dim3A_236 = vector.broadcast %broadcast_in_dim3A_235 : vector<1x1024xf32> to vector<16x1024xf32>
        %broadcast_in_dim3A_237 = vector.broadcast %jit3A_232 : f32 to vector<16x1024xf32>
        %select_n3A_238 = arith.select %broadcast_in_dim3A_234, %broadcast_in_dim3A_236, %broadcast_in_dim3A_237 : vector<16x1024xi1>, vector<16x1024xf32>
        %add3A_239 = arith.addf %add3A_221, %select_n3A_238 : vector<16x1024xf32>
        %mul3A_240 = arith.constant 8 : i32
        %mul3A_241 = arith.muli %add3A_66, %mul3A_240 : i32
        %add3A_242 = arith.constant 7 : i32
        %add3A_243 = arith.addi %mul3A_241, %add3A_242 : i32
        %get3A_244 = arith.constant 0 : index
        %get3A_245 = arith.index_cast %add3A_243 : i32 to index
        %get3A_246 = memref.load %arg0[%get3A_244, %get3A_245] : memref<1x512xi32, #tpu.memory_space<smem>>
        %eq3A_247 = vector.broadcast %get3A_246 : i32 to vector<16x1xi32>
        %eq3A_248 = arith.cmpi eq, %iota3A, %eq3A_247 : vector<16x1xi32>
        %slice3A_249 = vector.extract_strided_slice %reduce_sum3A_113 {offsets = [7, 0], sizes = [1, 1024], strides = [1, 1]} : vector<8x1024xf32> to vector<1x1024xf32>
        %jit3A_250 = arith.constant 0.000000e+00 : f32
        %broadcast_in_dim3A_251 = vector.shape_cast %eq3A_248 : vector<16x1xi1> to vector<16x1xi1>
        %broadcast_in_dim3A_252 = vector.broadcast %broadcast_in_dim3A_251 : vector<16x1xi1> to vector<16x1024xi1>
        %broadcast_in_dim3A_253 = vector.shape_cast %slice3A_249 : vector<1x1024xf32> to vector<1x1024xf32>
        %broadcast_in_dim3A_254 = vector.broadcast %broadcast_in_dim3A_253 : vector<1x1024xf32> to vector<16x1024xf32>
        %broadcast_in_dim3A_255 = vector.broadcast %jit3A_250 : f32 to vector<16x1024xf32>
        %select_n3A_256 = arith.select %broadcast_in_dim3A_252, %broadcast_in_dim3A_254, %broadcast_in_dim3A_255 : vector<16x1024xi1>, vector<16x1024xf32>
        %add3A_257 = arith.addf %add3A_239, %select_n3A_256 : vector<16x1024xf32>
        %get3A_258 = arith.constant 0 : index
        %get3A_259 = arith.constant 0 : index
        %get3A_260 = vector.load %arg3[%get3A_258, %get3A_259] : memref<16x1024xf32, #tpu.memory_space<vmem>>, vector<16x1024xf32>
        %add3A_261 = arith.addf %get3A_260, %add3A_257 : vector<16x1024xf32>
        %swap3A_262 = arith.constant 0 : index
        %swap3A_263 = arith.constant 0 : index
        %swap3A_264 = vector.load %arg3[%swap3A_262, %swap3A_263] : memref<16x1024xf32, #tpu.memory_space<vmem>>, vector<16x1024xf32>
        tpu.vector_store %arg3[%swap3A_262, %swap3A_263], %add3A_261 {strides = array<i32>} : memref<16x1024xf32, #tpu.memory_space<vmem>>, vector<16x1024xf32>,
        %add3A_265 = arith.constant 4 : i32
        %add3A_266 = arith.addi %add3A_66, %add3A_265 : i32
        %le3A_267 = arith.cmpi sle, %add3A_266, %get3A_1 : i32
        %convert_element_type3A_268 = arith.extui %le3A_267 : i1 to i32
        %cond3A_269 = arith.constant 0 : i32
        %cond3A_270 = arith.cmpi ne, %convert_element_type3A_268, %cond3A_269 : i32
        scf.if %cond3A_270 {
          %add3A_271 = arith.constant 4 : i32
          %add3A_272 = arith.addi %add3A_66, %add3A_271 : i32
          %mul3A_273 = arith.constant 512 : i32
          %mul3A_274 = arith.muli %add3A_272, %mul3A_273 : i32
          %add3A_275 = arith.constant 0 : i32
          %add3A_276 = arith.addi %mul3A_274, %add3A_275 : i32
          %dma_start3A = arith.constant 2 : i32
          %dma_start3A_277 = arith.constant 2 : i32
          %dma_start3A_278 = arith.constant 0 : i32
          %dma_start3A_279 = tpu.memref_slice %arg5[%dma_start3A_277, %dma_start3A_278] : memref<4x2x!tpu.dma_semaphore, #tpu.memory_space<semaphore_mem>> -> memref<1x1x!tpu.dma_semaphore, #tpu.memory_space<semaphore_mem>>
          %dma_start3A_280 = tpu.memref_squeeze %dma_start3A_279 : memref<1x1x!tpu.dma_semaphore, #tpu.memory_space<semaphore_mem>> -> memref<!tpu.dma_semaphore, #tpu.memory_space<semaphore_mem>>
          %dma_start3A_281 = arith.constant 0 : i32
          %dma_start3A_282 = arith.constant 0 : i32
          %dma_start3A_283 = tpu.memref_slice %arg4[%dma_start3A, %dma_start3A_281, %dma_start3A_282] : memref<4x512x1024xf32, #tpu.memory_space<vmem>> -> memref<1x256x1024xf32, #tpu.memory_space<vmem>>
          %dma_start3A_284 = tpu.memref_squeeze %dma_start3A_283 : memref<1x256x1024xf32, #tpu.memory_space<vmem>> -> memref<256x1024xf32, #tpu.memory_space<vmem>>
          %dma_start3A_285 = arith.constant 0 : i32
          %dma_start3A_286 = tpu.memref_slice %arg2[%add3A_276, %dma_start3A_285] : memref<32768x1024xf32, #tpu.memory_space<any>> -> memref<256x1024xf32, #tpu.memory_space<any>>
          tpu.enqueue_dma source(%dma_start3A_286 : memref<256x1024xf32, #tpu.memory_space<any>>) target(%dma_start3A_284 : memref<256x1024xf32, #tpu.memory_space<vmem>>) target_semaphore(%dma_start3A_280 : memref<!tpu.dma_semaphore, #tpu.memory_space<semaphore_mem>>)
          %add3A_287 = arith.constant 4 : i32
          %add3A_288 = arith.addi %add3A_66, %add3A_287 : i32
          %mul3A_289 = arith.constant 512 : i32
          %mul3A_290 = arith.muli %add3A_288, %mul3A_289 : i32
          %add3A_291 = arith.constant 256 : i32
          %add3A_292 = arith.addi %mul3A_290, %add3A_291 : i32
          %dma_start3A_293 = arith.constant 2 : i32
          %dma_start3A_294 = arith.constant 2 : i32
          %dma_start3A_295 = arith.constant 1 : i32
          %dma_start3A_296 = tpu.memref_slice %arg5[%dma_start3A_294, %dma_start3A_295] : memref<4x2x!tpu.dma_semaphore, #tpu.memory_space<semaphore_mem>> -> memref<1x1x!tpu.dma_semaphore, #tpu.memory_space<semaphore_mem>>
          %dma_start3A_297 = tpu.memref_squeeze %dma_start3A_296 : memref<1x1x!tpu.dma_semaphore, #tpu.memory_space<semaphore_mem>> -> memref<!tpu.dma_semaphore, #tpu.memory_space<semaphore_mem>>
          %dma_start3A_298 = arith.constant 256 : i32
          %dma_start3A_299 = arith.constant 0 : i32
          %dma_start3A_300 = tpu.memref_slice %arg4[%dma_start3A_293, %dma_start3A_298, %dma_start3A_299] : memref<4x512x1024xf32, #tpu.memory_space<vmem>> -> memref<1x256x1024xf32, #tpu.memory_space<vmem>>
          %dma_start3A_301 = tpu.memref_squeeze %dma_start3A_300 : memref<1x256x1024xf32, #tpu.memory_space<vmem>> -> memref<256x1024xf32, #tpu.memory_space<vmem>>
          %dma_start3A_302 = arith.constant 0 : i32
          %dma_start3A_303 = tpu.memref_slice %arg2[%add3A_292, %dma_start3A_302] : memref<32768x1024xf32, #tpu.memory_space<any>> -> memref<256x1024xf32, #tpu.memory_space<any>>
          tpu.enqueue_dma source(%dma_start3A_303 : memref<256x1024xf32, #tpu.memory_space<any>>) target(%dma_start3A_301 : memref<256x1024xf32, #tpu.memory_space<vmem>>) target_semaphore(%dma_start3A_297 : memref<!tpu.dma_semaphore, #tpu.memory_space<semaphore_mem>>)
        } else {
        }
      } else {
      }
      %mul3A_71 = arith.constant 4 : i32
      %mul3A_72 = arith.muli %while3A_48, %mul3A_71 : i32
      %add3A_73 = arith.constant 3 : i32
      %add3A_74 = arith.addi %mul3A_72, %add3A_73 : i32
      %le3A_75 = arith.cmpi sle, %add3A_74, %get3A_1 : i32
      %convert_element_type3A_76 = arith.extui %le3A_75 : i1 to i32
      %cond3A_77 = arith.constant 0 : i32
      %cond3A_78 = arith.cmpi ne, %convert_element_type3A_76, %cond3A_77 : i32
      scf.if %cond3A_78 {
        %mul3A_79 = arith.constant 512 : i32
        %mul3A_80 = arith.muli %add3A_74, %mul3A_79 : i32
        %add3A_81 = arith.constant 0 : i32
        %add3A_82 = arith.addi %mul3A_80, %add3A_81 : i32
        %dma_wait3A = arith.constant 3 : i32
        %dma_wait3A_83 = arith.constant 3 : i32
        %dma_wait3A_84 = arith.constant 0 : i32
        %dma_wait3A_85 = tpu.memref_slice %arg5[%dma_wait3A_83, %dma_wait3A_84] : memref<4x2x!tpu.dma_semaphore, #tpu.memory_space<semaphore_mem>> -> memref<1x1x!tpu.dma_semaphore, #tpu.memory_space<semaphore_mem>>
        %dma_wait3A_86 = tpu.memref_squeeze %dma_wait3A_85 : memref<1x1x!tpu.dma_semaphore, #tpu.memory_space<semaphore_mem>> -> memref<!tpu.dma_semaphore, #tpu.memory_space<semaphore_mem>>
        %dma_wait3A_87 = arith.constant 0 : i32
        %dma_wait3A_88 = arith.constant 0 : i32
        %dma_wait3A_89 = tpu.memref_slice %arg4[%dma_wait3A, %dma_wait3A_87, %dma_wait3A_88] : memref<4x512x1024xf32, #tpu.memory_space<vmem>> -> memref<1x256x1024xf32, #tpu.memory_space<vmem>>
        %dma_wait3A_90 = tpu.memref_squeeze %dma_wait3A_89 : memref<1x256x1024xf32, #tpu.memory_space<vmem>> -> memref<256x1024xf32, #tpu.memory_space<vmem>>
        %dma_wait3A_91 = arith.constant 0 : i32
        %dma_wait3A_92 = tpu.memref_slice %arg2[%add3A_82, %dma_wait3A_91] : memref<32768x1024xf32, #tpu.memory_space<any>> -> memref<256x1024xf32, #tpu.memory_space<any>>
        tpu.wait_dma2 semaphore(%dma_wait3A_86 : memref<!tpu.dma_semaphore, #tpu.memory_space<semaphore_mem>>) src(%dma_wait3A_92 : memref<256x1024xf32, #tpu.memory_space<any>>) dst(%dma_wait3A_90 : memref<256x1024xf32, #tpu.memory_space<vmem>>)
        %mul3A_93 = arith.constant 512 : i32
        %mul3A_94 = arith.muli %add3A_74, %mul3A_93 : i32
        %add3A_95 = arith.constant 256 : i32
        %add3A_96 = arith.addi %mul3A_94, %add3A_95 : i32
        %dma_wait3A_97 = arith.constant 3 : i32
        %dma_wait3A_98 = arith.constant 3 : i32
        %dma_wait3A_99 = arith.constant 1 : i32
        %dma_wait3A_100 = tpu.memref_slice %arg5[%dma_wait3A_98, %dma_wait3A_99] : memref<4x2x!tpu.dma_semaphore, #tpu.memory_space<semaphore_mem>> -> memref<1x1x!tpu.dma_semaphore, #tpu.memory_space<semaphore_mem>>
        %dma_wait3A_101 = tpu.memref_squeeze %dma_wait3A_100 : memref<1x1x!tpu.dma_semaphore, #tpu.memory_space<semaphore_mem>> -> memref<!tpu.dma_semaphore, #tpu.memory_space<semaphore_mem>>
        %dma_wait3A_102 = arith.constant 256 : i32
        %dma_wait3A_103 = arith.constant 0 : i32
        %dma_wait3A_104 = tpu.memref_slice %arg4[%dma_wait3A_97, %dma_wait3A_102, %dma_wait3A_103] : memref<4x512x1024xf32, #tpu.memory_space<vmem>> -> memref<1x256x1024xf32, #tpu.memory_space<vmem>>
        %dma_wait3A_105 = tpu.memref_squeeze %dma_wait3A_104 : memref<1x256x1024xf32, #tpu.memory_space<vmem>> -> memref<256x1024xf32, #tpu.memory_space<vmem>>
        %dma_wait3A_106 = arith.constant 0 : i32
        %dma_wait3A_107 = tpu.memref_slice %arg2[%add3A_96, %dma_wait3A_106] : memref<32768x1024xf32, #tpu.memory_space<any>> -> memref<256x1024xf32, #tpu.memory_space<any>>
        tpu.wait_dma2 semaphore(%dma_wait3A_101 : memref<!tpu.dma_semaphore, #tpu.memory_space<semaphore_mem>>) src(%dma_wait3A_107 : memref<256x1024xf32, #tpu.memory_space<any>>) dst(%dma_wait3A_105 : memref<256x1024xf32, #tpu.memory_space<vmem>>)
        %get3A_108 = arith.constant 3 : index
        %get3A_109 = arith.constant 0 : index
        %get3A_110 = arith.constant 0 : index
        %get3A_111 = vector.load %arg4[%get3A_108, %get3A_109, %get3A_110] : memref<4x512x1024xf32, #tpu.memory_space<vmem>>, vector<1x512x1024xf32>
        %get3A_112 = vector.shape_cast %get3A_111 : vector<1x512x1024xf32> to vector<512x1024xf32>
        %reshape3A = vector.shape_cast %get3A_112 : vector<512x1024xf32> to vector<8x64x1024xf32>
        %reduce_sum3A = arith.constant dense<0.000000e+00> : vector<8x1024xf32>
        %reduce_sum3A_113 = vector.multi_reduction <add>, %reshape3A, %reduce_sum3A [1] : vector<8x64x1024xf32> to vector<8x1024xf32>
        %broadcast_in_dim3A_114 = arith.constant 0.000000e+00 : f32
        %broadcast_in_dim3A_115 = vector.broadcast %broadcast_in_dim3A_114 : f32 to vector<16x1024xf32>
        %mul3A_116 = arith.constant 8 : i32
        %mul3A_117 = arith.muli %add3A_74, %mul3A_116 : i32
        %add3A_118 = arith.constant 0 : i32
        %add3A_119 = arith.addi %mul3A_117, %add3A_118 : i32
        %get3A_120 = arith.constant 0 : index
        %get3A_121 = arith.index_cast %add3A_119 : i32 to index
        %get3A_122 = memref.load %arg0[%get3A_120, %get3A_121] : memref<1x512xi32, #tpu.memory_space<smem>>
        %eq3A = vector.broadcast %get3A_122 : i32 to vector<16x1xi32>
        %eq3A_123 = arith.cmpi eq, %iota3A, %eq3A : vector<16x1xi32>
        %slice3A = vector.extract_strided_slice %reduce_sum3A_113 {offsets = [0, 0], sizes = [1, 1024], strides = [1, 1]} : vector<8x1024xf32> to vector<1x1024xf32>
        %jit3A_124 = arith.constant 0.000000e+00 : f32
        %broadcast_in_dim3A_125 = vector.shape_cast %eq3A_123 : vector<16x1xi1> to vector<16x1xi1>
        %broadcast_in_dim3A_126 = vector.broadcast %broadcast_in_dim3A_125 : vector<16x1xi1> to vector<16x1024xi1>
        %broadcast_in_dim3A_127 = vector.shape_cast %slice3A : vector<1x1024xf32> to vector<1x1024xf32>
        %broadcast_in_dim3A_128 = vector.broadcast %broadcast_in_dim3A_127 : vector<1x1024xf32> to vector<16x1024xf32>
        %broadcast_in_dim3A_129 = vector.broadcast %jit3A_124 : f32 to vector<16x1024xf32>
        %select_n3A_130 = arith.select %broadcast_in_dim3A_126, %broadcast_in_dim3A_128, %broadcast_in_dim3A_129 : vector<16x1024xi1>, vector<16x1024xf32>
        %add3A_131 = arith.addf %broadcast_in_dim3A_115, %select_n3A_130 : vector<16x1024xf32>
        %mul3A_132 = arith.constant 8 : i32
        %mul3A_133 = arith.muli %add3A_74, %mul3A_132 : i32
        %add3A_134 = arith.constant 1 : i32
        %add3A_135 = arith.addi %mul3A_133, %add3A_134 : i32
        %get3A_136 = arith.constant 0 : index
        %get3A_137 = arith.index_cast %add3A_135 : i32 to index
        %get3A_138 = memref.load %arg0[%get3A_136, %get3A_137] : memref<1x512xi32, #tpu.memory_space<smem>>
        %eq3A_139 = vector.broadcast %get3A_138 : i32 to vector<16x1xi32>
        %eq3A_140 = arith.cmpi eq, %iota3A, %eq3A_139 : vector<16x1xi32>
        %slice3A_141 = vector.extract_strided_slice %reduce_sum3A_113 {offsets = [1, 0], sizes = [1, 1024], strides = [1, 1]} : vector<8x1024xf32> to vector<1x1024xf32>
        %jit3A_142 = arith.constant 0.000000e+00 : f32
        %broadcast_in_dim3A_143 = vector.shape_cast %eq3A_140 : vector<16x1xi1> to vector<16x1xi1>
        %broadcast_in_dim3A_144 = vector.broadcast %broadcast_in_dim3A_143 : vector<16x1xi1> to vector<16x1024xi1>
        %broadcast_in_dim3A_145 = vector.shape_cast %slice3A_141 : vector<1x1024xf32> to vector<1x1024xf32>
        %broadcast_in_dim3A_146 = vector.broadcast %broadcast_in_dim3A_145 : vector<1x1024xf32> to vector<16x1024xf32>
        %broadcast_in_dim3A_147 = vector.broadcast %jit3A_142 : f32 to vector<16x1024xf32>
        %select_n3A_148 = arith.select %broadcast_in_dim3A_144, %broadcast_in_dim3A_146, %broadcast_in_dim3A_147 : vector<16x1024xi1>, vector<16x1024xf32>
        %add3A_149 = arith.addf %add3A_131, %select_n3A_148 : vector<16x1024xf32>
        %mul3A_150 = arith.constant 8 : i32
        %mul3A_151 = arith.muli %add3A_74, %mul3A_150 : i32
        %add3A_152 = arith.constant 2 : i32
        %add3A_153 = arith.addi %mul3A_151, %add3A_152 : i32
        %get3A_154 = arith.constant 0 : index
        %get3A_155 = arith.index_cast %add3A_153 : i32 to index
        %get3A_156 = memref.load %arg0[%get3A_154, %get3A_155] : memref<1x512xi32, #tpu.memory_space<smem>>
        %eq3A_157 = vector.broadcast %get3A_156 : i32 to vector<16x1xi32>
        %eq3A_158 = arith.cmpi eq, %iota3A, %eq3A_157 : vector<16x1xi32>
        %slice3A_159 = vector.extract_strided_slice %reduce_sum3A_113 {offsets = [2, 0], sizes = [1, 1024], strides = [1, 1]} : vector<8x1024xf32> to vector<1x1024xf32>
        %jit3A_160 = arith.constant 0.000000e+00 : f32
        %broadcast_in_dim3A_161 = vector.shape_cast %eq3A_158 : vector<16x1xi1> to vector<16x1xi1>
        %broadcast_in_dim3A_162 = vector.broadcast %broadcast_in_dim3A_161 : vector<16x1xi1> to vector<16x1024xi1>
        %broadcast_in_dim3A_163 = vector.shape_cast %slice3A_159 : vector<1x1024xf32> to vector<1x1024xf32>
        %broadcast_in_dim3A_164 = vector.broadcast %broadcast_in_dim3A_163 : vector<1x1024xf32> to vector<16x1024xf32>
        %broadcast_in_dim3A_165 = vector.broadcast %jit3A_160 : f32 to vector<16x1024xf32>
        %select_n3A_166 = arith.select %broadcast_in_dim3A_162, %broadcast_in_dim3A_164, %broadcast_in_dim3A_165 : vector<16x1024xi1>, vector<16x1024xf32>
        %add3A_167 = arith.addf %add3A_149, %select_n3A_166 : vector<16x1024xf32>
        %mul3A_168 = arith.constant 8 : i32
        %mul3A_169 = arith.muli %add3A_74, %mul3A_168 : i32
        %add3A_170 = arith.constant 3 : i32
        %add3A_171 = arith.addi %mul3A_169, %add3A_170 : i32
        %get3A_172 = arith.constant 0 : index
        %get3A_173 = arith.index_cast %add3A_171 : i32 to index
        %get3A_174 = memref.load %arg0[%get3A_172, %get3A_173] : memref<1x512xi32, #tpu.memory_space<smem>>
        %eq3A_175 = vector.broadcast %get3A_174 : i32 to vector<16x1xi32>
        %eq3A_176 = arith.cmpi eq, %iota3A, %eq3A_175 : vector<16x1xi32>
        %slice3A_177 = vector.extract_strided_slice %reduce_sum3A_113 {offsets = [3, 0], sizes = [1, 1024], strides = [1, 1]} : vector<8x1024xf32> to vector<1x1024xf32>
        %jit3A_178 = arith.constant 0.000000e+00 : f32
        %broadcast_in_dim3A_179 = vector.shape_cast %eq3A_176 : vector<16x1xi1> to vector<16x1xi1>
        %broadcast_in_dim3A_180 = vector.broadcast %broadcast_in_dim3A_179 : vector<16x1xi1> to vector<16x1024xi1>
        %broadcast_in_dim3A_181 = vector.shape_cast %slice3A_177 : vector<1x1024xf32> to vector<1x1024xf32>
        %broadcast_in_dim3A_182 = vector.broadcast %broadcast_in_dim3A_181 : vector<1x1024xf32> to vector<16x1024xf32>
        %broadcast_in_dim3A_183 = vector.broadcast %jit3A_178 : f32 to vector<16x1024xf32>
        %select_n3A_184 = arith.select %broadcast_in_dim3A_180, %broadcast_in_dim3A_182, %broadcast_in_dim3A_183 : vector<16x1024xi1>, vector<16x1024xf32>
        %add3A_185 = arith.addf %add3A_167, %select_n3A_184 : vector<16x1024xf32>
        %mul3A_186 = arith.constant 8 : i32
        %mul3A_187 = arith.muli %add3A_74, %mul3A_186 : i32
        %add3A_188 = arith.constant 4 : i32
        %add3A_189 = arith.addi %mul3A_187, %add3A_188 : i32
        %get3A_190 = arith.constant 0 : index
        %get3A_191 = arith.index_cast %add3A_189 : i32 to index
        %get3A_192 = memref.load %arg0[%get3A_190, %get3A_191] : memref<1x512xi32, #tpu.memory_space<smem>>
        %eq3A_193 = vector.broadcast %get3A_192 : i32 to vector<16x1xi32>
        %eq3A_194 = arith.cmpi eq, %iota3A, %eq3A_193 : vector<16x1xi32>
        %slice3A_195 = vector.extract_strided_slice %reduce_sum3A_113 {offsets = [4, 0], sizes = [1, 1024], strides = [1, 1]} : vector<8x1024xf32> to vector<1x1024xf32>
        %jit3A_196 = arith.constant 0.000000e+00 : f32
        %broadcast_in_dim3A_197 = vector.shape_cast %eq3A_194 : vector<16x1xi1> to vector<16x1xi1>
        %broadcast_in_dim3A_198 = vector.broadcast %broadcast_in_dim3A_197 : vector<16x1xi1> to vector<16x1024xi1>
        %broadcast_in_dim3A_199 = vector.shape_cast %slice3A_195 : vector<1x1024xf32> to vector<1x1024xf32>
        %broadcast_in_dim3A_200 = vector.broadcast %broadcast_in_dim3A_199 : vector<1x1024xf32> to vector<16x1024xf32>
        %broadcast_in_dim3A_201 = vector.broadcast %jit3A_196 : f32 to vector<16x1024xf32>
        %select_n3A_202 = arith.select %broadcast_in_dim3A_198, %broadcast_in_dim3A_200, %broadcast_in_dim3A_201 : vector<16x1024xi1>, vector<16x1024xf32>
        %add3A_203 = arith.addf %add3A_185, %select_n3A_202 : vector<16x1024xf32>
        %mul3A_204 = arith.constant 8 : i32
        %mul3A_205 = arith.muli %add3A_74, %mul3A_204 : i32
        %add3A_206 = arith.constant 5 : i32
        %add3A_207 = arith.addi %mul3A_205, %add3A_206 : i32
        %get3A_208 = arith.constant 0 : index
        %get3A_209 = arith.index_cast %add3A_207 : i32 to index
        %get3A_210 = memref.load %arg0[%get3A_208, %get3A_209] : memref<1x512xi32, #tpu.memory_space<smem>>
        %eq3A_211 = vector.broadcast %get3A_210 : i32 to vector<16x1xi32>
        %eq3A_212 = arith.cmpi eq, %iota3A, %eq3A_211 : vector<16x1xi32>
        %slice3A_213 = vector.extract_strided_slice %reduce_sum3A_113 {offsets = [5, 0], sizes = [1, 1024], strides = [1, 1]} : vector<8x1024xf32> to vector<1x1024xf32>
        %jit3A_214 = arith.constant 0.000000e+00 : f32
        %broadcast_in_dim3A_215 = vector.shape_cast %eq3A_212 : vector<16x1xi1> to vector<16x1xi1>
        %broadcast_in_dim3A_216 = vector.broadcast %broadcast_in_dim3A_215 : vector<16x1xi1> to vector<16x1024xi1>
        %broadcast_in_dim3A_217 = vector.shape_cast %slice3A_213 : vector<1x1024xf32> to vector<1x1024xf32>
        %broadcast_in_dim3A_218 = vector.broadcast %broadcast_in_dim3A_217 : vector<1x1024xf32> to vector<16x1024xf32>
        %broadcast_in_dim3A_219 = vector.broadcast %jit3A_214 : f32 to vector<16x1024xf32>
        %select_n3A_220 = arith.select %broadcast_in_dim3A_216, %broadcast_in_dim3A_218, %broadcast_in_dim3A_219 : vector<16x1024xi1>, vector<16x1024xf32>
        %add3A_221 = arith.addf %add3A_203, %select_n3A_220 : vector<16x1024xf32>
        %mul3A_222 = arith.constant 8 : i32
        %mul3A_223 = arith.muli %add3A_74, %mul3A_222 : i32
        %add3A_224 = arith.constant 6 : i32
        %add3A_225 = arith.addi %mul3A_223, %add3A_224 : i32
        %get3A_226 = arith.constant 0 : index
        %get3A_227 = arith.index_cast %add3A_225 : i32 to index
        %get3A_228 = memref.load %arg0[%get3A_226, %get3A_227] : memref<1x512xi32, #tpu.memory_space<smem>>
        %eq3A_229 = vector.broadcast %get3A_228 : i32 to vector<16x1xi32>
        %eq3A_230 = arith.cmpi eq, %iota3A, %eq3A_229 : vector<16x1xi32>
        %slice3A_231 = vector.extract_strided_slice %reduce_sum3A_113 {offsets = [6, 0], sizes = [1, 1024], strides = [1, 1]} : vector<8x1024xf32> to vector<1x1024xf32>
        %jit3A_232 = arith.constant 0.000000e+00 : f32
        %broadcast_in_dim3A_233 = vector.shape_cast %eq3A_230 : vector<16x1xi1> to vector<16x1xi1>
        %broadcast_in_dim3A_234 = vector.broadcast %broadcast_in_dim3A_233 : vector<16x1xi1> to vector<16x1024xi1>
        %broadcast_in_dim3A_235 = vector.shape_cast %slice3A_231 : vector<1x1024xf32> to vector<1x1024xf32>
        %broadcast_in_dim3A_236 = vector.broadcast %broadcast_in_dim3A_235 : vector<1x1024xf32> to vector<16x1024xf32>
        %broadcast_in_dim3A_237 = vector.broadcast %jit3A_232 : f32 to vector<16x1024xf32>
        %select_n3A_238 = arith.select %broadcast_in_dim3A_234, %broadcast_in_dim3A_236, %broadcast_in_dim3A_237 : vector<16x1024xi1>, vector<16x1024xf32>
        %add3A_239 = arith.addf %add3A_221, %select_n3A_238 : vector<16x1024xf32>
        %mul3A_240 = arith.constant 8 : i32
        %mul3A_241 = arith.muli %add3A_74, %mul3A_240 : i32
        %add3A_242 = arith.constant 7 : i32
        %add3A_243 = arith.addi %mul3A_241, %add3A_242 : i32
        %get3A_244 = arith.constant 0 : index
        %get3A_245 = arith.index_cast %add3A_243 : i32 to index
        %get3A_246 = memref.load %arg0[%get3A_244, %get3A_245] : memref<1x512xi32, #tpu.memory_space<smem>>
        %eq3A_247 = vector.broadcast %get3A_246 : i32 to vector<16x1xi32>
        %eq3A_248 = arith.cmpi eq, %iota3A, %eq3A_247 : vector<16x1xi32>
        %slice3A_249 = vector.extract_strided_slice %reduce_sum3A_113 {offsets = [7, 0], sizes = [1, 1024], strides = [1, 1]} : vector<8x1024xf32> to vector<1x1024xf32>
        %jit3A_250 = arith.constant 0.000000e+00 : f32
        %broadcast_in_dim3A_251 = vector.shape_cast %eq3A_248 : vector<16x1xi1> to vector<16x1xi1>
        %broadcast_in_dim3A_252 = vector.broadcast %broadcast_in_dim3A_251 : vector<16x1xi1> to vector<16x1024xi1>
        %broadcast_in_dim3A_253 = vector.shape_cast %slice3A_249 : vector<1x1024xf32> to vector<1x1024xf32>
        %broadcast_in_dim3A_254 = vector.broadcast %broadcast_in_dim3A_253 : vector<1x1024xf32> to vector<16x1024xf32>
        %broadcast_in_dim3A_255 = vector.broadcast %jit3A_250 : f32 to vector<16x1024xf32>
        %select_n3A_256 = arith.select %broadcast_in_dim3A_252, %broadcast_in_dim3A_254, %broadcast_in_dim3A_255 : vector<16x1024xi1>, vector<16x1024xf32>
        %add3A_257 = arith.addf %add3A_239, %select_n3A_256 : vector<16x1024xf32>
        %get3A_258 = arith.constant 0 : index
        %get3A_259 = arith.constant 0 : index
        %get3A_260 = vector.load %arg3[%get3A_258, %get3A_259] : memref<16x1024xf32, #tpu.memory_space<vmem>>, vector<16x1024xf32>
        %add3A_261 = arith.addf %get3A_260, %add3A_257 : vector<16x1024xf32>
        %swap3A_262 = arith.constant 0 : index
        %swap3A_263 = arith.constant 0 : index
        %swap3A_264 = vector.load %arg3[%swap3A_262, %swap3A_263] : memref<16x1024xf32, #tpu.memory_space<vmem>>, vector<16x1024xf32>
        tpu.vector_store %arg3[%swap3A_262, %swap3A_263], %add3A_261 {strides = array<i32>} : memref<16x1024xf32, #tpu.memory_space<vmem>>, vector<16x1024xf32>,
        %add3A_265 = arith.constant 4 : i32
        %add3A_266 = arith.addi %add3A_74, %add3A_265 : i32
        %le3A_267 = arith.cmpi sle, %add3A_266, %get3A_1 : i32
        %convert_element_type3A_268 = arith.extui %le3A_267 : i1 to i32
        %cond3A_269 = arith.constant 0 : i32
        %cond3A_270 = arith.cmpi ne, %convert_element_type3A_268, %cond3A_269 : i32
        scf.if %cond3A_270 {
          %add3A_271 = arith.constant 4 : i32
          %add3A_272 = arith.addi %add3A_74, %add3A_271 : i32
          %mul3A_273 = arith.constant 512 : i32
          %mul3A_274 = arith.muli %add3A_272, %mul3A_273 : i32
          %add3A_275 = arith.constant 0 : i32
          %add3A_276 = arith.addi %mul3A_274, %add3A_275 : i32
          %dma_start3A = arith.constant 3 : i32
          %dma_start3A_277 = arith.constant 3 : i32
          %dma_start3A_278 = arith.constant 0 : i32
          %dma_start3A_279 = tpu.memref_slice %arg5[%dma_start3A_277, %dma_start3A_278] : memref<4x2x!tpu.dma_semaphore, #tpu.memory_space<semaphore_mem>> -> memref<1x1x!tpu.dma_semaphore, #tpu.memory_space<semaphore_mem>>
          %dma_start3A_280 = tpu.memref_squeeze %dma_start3A_279 : memref<1x1x!tpu.dma_semaphore, #tpu.memory_space<semaphore_mem>> -> memref<!tpu.dma_semaphore, #tpu.memory_space<semaphore_mem>>
          %dma_start3A_281 = arith.constant 0 : i32
          %dma_start3A_282 = arith.constant 0 : i32
          %dma_start3A_283 = tpu.memref_slice %arg4[%dma_start3A, %dma_start3A_281, %dma_start3A_282] : memref<4x512x1024xf32, #tpu.memory_space<vmem>> -> memref<1x256x1024xf32, #tpu.memory_space<vmem>>
          %dma_start3A_284 = tpu.memref_squeeze %dma_start3A_283 : memref<1x256x1024xf32, #tpu.memory_space<vmem>> -> memref<256x1024xf32, #tpu.memory_space<vmem>>
          %dma_start3A_285 = arith.constant 0 : i32
          %dma_start3A_286 = tpu.memref_slice %arg2[%add3A_276, %dma_start3A_285] : memref<32768x1024xf32, #tpu.memory_space<any>> -> memref<256x1024xf32, #tpu.memory_space<any>>
          tpu.enqueue_dma source(%dma_start3A_286 : memref<256x1024xf32, #tpu.memory_space<any>>) target(%dma_start3A_284 : memref<256x1024xf32, #tpu.memory_space<vmem>>) target_semaphore(%dma_start3A_280 : memref<!tpu.dma_semaphore, #tpu.memory_space<semaphore_mem>>)
          %add3A_287 = arith.constant 4 : i32
          %add3A_288 = arith.addi %add3A_74, %add3A_287 : i32
          %mul3A_289 = arith.constant 512 : i32
          %mul3A_290 = arith.muli %add3A_288, %mul3A_289 : i32
          %add3A_291 = arith.constant 256 : i32
          %add3A_292 = arith.addi %mul3A_290, %add3A_291 : i32
          %dma_start3A_293 = arith.constant 3 : i32
          %dma_start3A_294 = arith.constant 3 : i32
          %dma_start3A_295 = arith.constant 1 : i32
          %dma_start3A_296 = tpu.memref_slice %arg5[%dma_start3A_294, %dma_start3A_295] : memref<4x2x!tpu.dma_semaphore, #tpu.memory_space<semaphore_mem>> -> memref<1x1x!tpu.dma_semaphore, #tpu.memory_space<semaphore_mem>>
          %dma_start3A_297 = tpu.memref_squeeze %dma_start3A_296 : memref<1x1x!tpu.dma_semaphore, #tpu.memory_space<semaphore_mem>> -> memref<!tpu.dma_semaphore, #tpu.memory_space<semaphore_mem>>
          %dma_start3A_298 = arith.constant 256 : i32
          %dma_start3A_299 = arith.constant 0 : i32
          %dma_start3A_300 = tpu.memref_slice %arg4[%dma_start3A_293, %dma_start3A_298, %dma_start3A_299] : memref<4x512x1024xf32, #tpu.memory_space<vmem>> -> memref<1x256x1024xf32, #tpu.memory_space<vmem>>
          %dma_start3A_301 = tpu.memref_squeeze %dma_start3A_300 : memref<1x256x1024xf32, #tpu.memory_space<vmem>> -> memref<256x1024xf32, #tpu.memory_space<vmem>>
          %dma_start3A_302 = arith.constant 0 : i32
          %dma_start3A_303 = tpu.memref_slice %arg2[%add3A_292, %dma_start3A_302] : memref<32768x1024xf32, #tpu.memory_space<any>> -> memref<256x1024xf32, #tpu.memory_space<any>>
          tpu.enqueue_dma source(%dma_start3A_303 : memref<256x1024xf32, #tpu.memory_space<any>>) target(%dma_start3A_301 : memref<256x1024xf32, #tpu.memory_space<vmem>>) target_semaphore(%dma_start3A_297 : memref<!tpu.dma_semaphore, #tpu.memory_space<semaphore_mem>>)
        } else {
        }
      } else {
      }
    }
    return
  }
}

</mosaic_0001>

<sc_bundles>
// kernel: kernel.6.cloned.1.call-start
scs
__scs_entry_jumppad:
0x0: {  	(pc) =	sbr.rel $0x88, $3  }
0x1: {  	(tag) =	ssettag $0x0;
	lr =	simm.s32 $0x1  }
0x2: {  	[smem:$0x3F9F] =	sst lr;
	_ =	strace $0xD0000000  }
0x3: {  	_ = 	snop  }
0x4: {  	_ = 	snop  }
0x5: {  	_ = 	snop  }
0x6: {  	_ = 	snop  }
0x7: {  	_ = 	snop  }
__scs_overlays_trampoline_lowered:
0x8: {  	[smem:$0x3FAE] =	sst s0  }
0x9: {  	[smem:$0x3FAF] =	sst s1  }
0xa: {  	[smem:$0x3FB0] =	sst s2  }
0xb: {  	[smem:$0x3FB1] =	sst s3  }
0xc: {  	[smem:$0x3FB2] =	sst s4  }
0xd: {  	[smem:$0x3FB3] =	sst s5  }
0xe: {  	[smem:$0x3FB4] =	sst s6  }
0xf: {  	[smem:$0x3FB5] =	sst s7  }
0x10: {  	[smem:$0x3FB6] =	sst s8  }
0x11: {  	[smem:$0x3FB7] =	sst s9;
	s0 =	simm.s32 @!p0 $0x0  }
0x12: {  	s1 =	sld [smem:$0x3F9D];
	s0 =	simm.s32 @p0 $0x1  }
0x13: {  	[smem:$0x3FB8] =	sst s0;
	s0 =	simm.s32 @!p1 $0x0  }
0x14: {  	s2 =	sld [smem:$0x3F9C];
	s0 =	simm.s32 @p1 $0x1  }
0x15: {  	[smem:$0x3FB9] =	sst s0;
	s0 =	simm.s32 @!p2 $0x0  }
0x16: {  	s3 =	sld [smem:$0x3FDB];
	s0 =	simm.s32 @p2 $0x1  }
0x17: {  	s4 =	simm.s32 $0x1BF5;
	[smem:$0x3FBB] =	sst s0  }
0x18: {  	s0 =	sld [smem:$0x3F9E];
	_ =	swait.ge [sflag:s4], $0x0  }
0x19: {  	s7 =	sld [smem:$0x3F9F]  }
0x1a: {  	s8 =	sadd.s32 $0xFFFFE003, lr  }
0x1b: {  	s9 =	sadd.s32 $0xFFFFFEF7, lr;
	s5 =	simm.s32 $0xFFFFFFFF;
	p2 =	slt.u32 s8, $0xFFFFF086  }
0x1c: {  	p1 =	slt.u32 s9, $0xF7A;
	s5 =	simm.s32 @!p2 $0x0  }
0x1d: {  	s5 =	simm.s32 @p1 $0x1;
	p0 =	seq.s32 s7, s2  }
0x1e: {  	s7 =	smul.u32 @!p0 $0xF7A, s2;
	p2 =	seq.s32 @!p0 s5, $0x0  }
0x1f: {  	s9 =	smul.u32 $0xF7A, s1;
	s8 =	simm.s32 @!p0 $0x1BF5;
	p2 =	por !p2, p0  }
0x20: {  	[sflag:s8] =	ssyncset.s32 @!p0 $0xFFFFF086;
	s6 =	sadd.s32 @!p0 s3, s7;
	s7 =	simm.s32 @!p0 $0x108  }
0x21: {  	s3 =	sadd.s32 s3, s9;
	s6 =	sadd.s32 @!p0 $0x88, s6;
	s7 =	simm.s32 @p2 $0x1082  }
0x22: {  	[simem:s7], [sflag:s8] =	dma.local @!p0 [hbm:s6], $0xF7A  }
0x23: {  	s9 =	sor.u32 $0xD0000000, s2;
	s6 =	simm.s32 $0x108;
	_ =	swait.ge @!p0 [sflag:s8], $0x0  }
0x24: {  	s3 =	sadd.s32 $0x88, s3;
	s6 =	simm.s32 @!p1 $0x1082;
	[sflag:s4] =	ssyncset.s32 $0xFFFFF086  }
0x25: {  	[simem:s6], [sflag:s4] =	dma.local [hbm:s3], $0xF7A  }
0x26: {  	[smem:$0x3F9F] =	sst s1;
	(tag) =	ssettag s2;
	_ =	strace s9  }
0x27: {  	s1 =	sld [smem:$0x3FAF]  }
0x28: {  	s2 =	sld [smem:$0x3FB0]  }
0x29: {  	s4 =	sld [smem:$0x3FB2]  }
0x2a: {  	p0 =	seq.s32 s5, $0x0;
	s5 =	sld [smem:$0x3FB3]  }
0x2b: {  	s6 =	sld [smem:$0x3FB4]  }
0x2c: {  	s7 =	sld [smem:$0x3FB5]  }
0x2d: {  	s3 =	simm.s32 $0x108;
	s8 =	sld [smem:$0x3FB6]  }
0x2e: {  	s3 =	simm.s32 @!p0 $0x1082;
	s9 =	sld [smem:$0x3FB7]  }
0x2f: {  	lr =	sadd.s32 s0, s3;
	s0 =	sld [smem:$0x3FAE]  }
0x30: {  	s3 =	sld [smem:$0x3FB1]  }
0x31: {  	[smem:$0x3FBA] =	sst s10  }
0x32: {  	s10 =	sld [smem:$0x3FB8];
	_ =	sdelay $0x3  }
0x33: {  	p0 =	seq.s32 s10, $0x1;
	s10 =	sld [smem:$0x3FBA];
	_ =	sdelay $0x3  }
0x34: {  	[smem:$0x3FBA] =	sst s10  }
0x35: {  	s10 =	sld [smem:$0x3FB9];
	_ =	sdelay $0x3  }
0x36: {  	p1 =	seq.s32 s10, $0x1;
	s10 =	sld [smem:$0x3FBA];
	_ =	sdelay $0x3  }
0x37: {  	[smem:$0x3FBA] =	sst s10  }
0x38: {  	s10 =	sld [smem:$0x3FBB]  }
0x39: {  	_ = 	snop;
	(pc) =	sbr.ind lr, $3  }
0x3a: {  	_ = 	snop  }
0x3b: {  	_ = 	snop  }
0x3c: {  	p2 =	seq.s32 s10, $0x1;
	s10 =	sld [smem:$0x3FBA]  }
0x3d: {  	_ =	shalt  }
0x3e: {  	_ =	shalt  }
0x3f: {  	_ =	shalt  }
0x40: {  	_ =	shalt  }
0x41: {  	_ =	shalt  }
0x42: {  	_ =	shalt  }
0x43: {  	_ =	shalt  }
0x44: {  	_ =	shalt  }
0x45: {  	_ =	shalt  }
0x46: {  	_ =	shalt  }
0x47: {  	_ =	shalt  }
0x48: {  	_ =	shalt  }
0x49: {  	_ =	shalt  }
0x4a: {  	_ =	shalt  }
0x4b: {  	_ =	shalt  }
0x4c: {  	_ =	shalt  }
0x4d: {  	_ =	shalt  }
0x4e: {  	_ =	shalt  }
0x4f: {  	_ =	shalt  }
0x50: {  	_ =	shalt  }
0x51: {  	_ =	shalt  }
0x52: {  	_ =	shalt  }
0x53: {  	_ =	shalt  }
0x54: {  	_ =	shalt  }
0x55: {  	_ =	shalt  }
0x56: {  	_ =	shalt  }
0x57: {  	_ =	shalt  }
0x58: {  	_ =	shalt  }
0x59: {  	_ =	shalt  }
0x5a: {  	_ =	shalt  }
0x5b: {  	_ =	shalt  }
0x5c: {  	_ =	shalt  }
0x5d: {  	_ =	shalt  }
0x5e: {  	_ =	shalt  }
0x5f: {  	_ =	shalt  }
0x60: {  	_ =	shalt  }
0x61: {  	_ =	shalt  }
0x62: {  	_ =	shalt  }
0x63: {  	_ =	shalt  }
0x64: {  	_ =	shalt  }
0x65: {  	_ =	shalt  }
0x66: {  	_ =	shalt  }
0x67: {  	_ =	shalt  }
0x68: {  	_ =	shalt  }
0x69: {  	_ =	shalt  }
0x6a: {  	_ =	shalt  }
0x6b: {  	_ =	shalt  }
0x6c: {  	_ =	shalt  }
0x6d: {  	_ =	shalt  }
0x6e: {  	_ =	shalt  }
0x6f: {  	_ =	shalt  }
0x70: {  	_ =	shalt  }
0x71: {  	_ =	shalt  }
0x72: {  	_ =	shalt  }
0x73: {  	_ =	shalt  }
0x74: {  	_ =	shalt  }
0x75: {  	_ =	shalt  }
0x76: {  	_ =	shalt  }
0x77: {  	_ =	shalt  }
0x78: {  	_ =	shalt  }
0x79: {  	_ =	shalt  }
0x7a: {  	_ =	shalt  }
0x7b: {  	_ =	shalt  }
0x7c: {  	_ =	shalt  }
0x7d: {  	_ =	shalt  }
0x7e: {  	_ =	shalt  }
0x7f: {  	_ =	shalt  }
0x80: {  	_ =	shalt  }
0x81: {  	_ =	shalt  }
0x82: {  	_ =	shalt  }
0x83: {  	_ =	shalt  }
0x84: {  	_ =	shalt  }
0x85: {  	_ =	shalt  }
0x86: {  	_ =	shalt  }
0x87: {  	_ =	shalt  }
.Lfunc_end0:
.L_simem_size_0:
called_computation_lowered:
.L_overlay_start_0:
0x88: {  	s2 =	sld [smem:$0x3FD9]  }
0x89: {  	s3 =	sld [smem:$0x3FFE];
	_ =	sdelay $0x1  }
0x8a: {  	s1 =	srdreg.scid  }
0x8b: {  	s0 =	sand.u32 $0x1, s1  }
0x8c: {  	s17 =	sshll.u32 s0, $0xA;
	s2 =	sadd.s32 s3, s2  }
0x8d: {  	s2 =	sadd.s32 s2, s17  }
0x8e: {  	[smem:$0x3FC6] =	sst s2  }
0x8f: {  	_ = 	snop  }
0x90: {  	s2 =	sld [smem:$0x3FC9]  }
0x91: {  	s18 =	sld [smem:$0x3FD0];
	(tm) =	ssettm $0x1  }
0x92: {  	s4 =	sld [smem:$0x3FFB];
	_ =	sdelay $0x3  }
0x93: {  	_ =	strace s4  }
0x94: {  	s4 =	sld [smem:$0x3FFC];
	_ =	sdelay $0x3  }
0x95: {  	_ =	strace s4  }
0x96: {  	s4 =	sld [smem:$0x3FFD];
	_ =	sdelay $0x3  }
0x97: {  	_ =	strace s4  }
0x98: {  	_ =	strace $0x8FFFFFFF  }
0x99: {  	s19 =	sld [smem:$0x3FDB];
	_ =	sdelay $0x1  }
0x9a: {  	s5 =	simm.s32 $_scs_section_size  }
0x9b: {  	s6 =	simm.s32 $_size__tile_overlayer_lowered;
	s7 =	simm.s32 $_tile_overlayer_lowered  }
0x9c: {  	s22 =	simm.s32 $0x1BFF;
	s21 =	sshll.u32 s7, $0x1;
	s4 =	sadd.s32 s5, s19  }
0x9d: {  	s8 =	simm.s32 $0x0;
	s20 =	sshll.u32 s6, $0x1;
	s6 =	sadd.s32 s21, s4  }
0x9e: {  	[timem:s8], [sflag:s22] =	dma.local [hbm:s6], s20  }
0x9f: {  	_ =	swait.ge [sflag:s22], s20  }
0xa0: {  	s5 =	ssub.s32 $0x0, s20;
	[sflag:s22] =	ssyncset.done $0x0  }
0xa1: {  	[sflag:s22] =	ssyncadd.s32 s5;
	_ =	sdelay $0x1  }
0xa2: {  	s23 =	simm.s32 $0x1B8B  }
0xa3: {  	_ =	swait.ge [sflag:s23], $0x1  }
0xa4: {  	[sflag:s23] =	ssyncset.done $0x0  }
0xa5: {  	s25 =	simm.s32 $0x1B8E;
	s24 =	sld [smem:$0x3FFE];
	[sflag:s23] =	ssyncadd.s32 $0xFFFFFFFF  }
0xa6: {  	s26 =	simm.s32 $execute0_lowered;
	[smem:$0x3FD2] =	sst s25  }
0xa7: {  	s6 =	sshll.u32 s26, $0x1;
	_ =	strace $0x80000046;
	[dreg:$0x1] =	wrdreg $0xFFFFFFFF  }
0xa8: {  	s28 =	simm.s32 $_size_execute0_lowered;
	s4 =	sadd.s32 s4, s6;
	[dreg:$0x0] =	wrdreg $0x0  }
0xa9: {  	s6 =	sshll.u32 s28, $0x1;
	[dreg:$0x2] =	wrdreg s4  }
0xaa: {  	[dreg:$0x3] =	wrdreg s6  }
0xab: {  	[dreg:$0x4] =	wrdreg $0xC0  }
0xac: {  	_ =	task [dreg:s8], $0x5FFFF  }
0xad: {  	[dreg:$0x1] =	wrdreg $0xFFFFFFFF  }
0xae: {  	[dreg:$0x0] =	wrdreg $0x60  }
0xaf: {  	[dreg:$0x2] =	wrdreg s2  }
0xb0: {  	[dreg:$0x3] =	wrdreg s18  }
0xb1: {  	[dreg:$0x4] =	wrdreg s24  }
0xb2: {  	[dreg:$0x5] =	wrdreg $0x9  }
0xb3: {  	_ =	task.clear_ibuf [dreg:s8], $0x6FFFF;
	_ =	strace $0x90000046  }
0xb4: {  	s29 =	simm.s32 $0x9;
	_ =	strace $0x80000048  }
0xb5: {  	_ =	swait.ge [sflag:s29], $0x1  }
0xb6: {  	[sflag:s29] =	ssyncadd.s32 $0xFFFFFFFF  }
0xb7: {  	_ =	strace $0x90000048  }
0xb8: {  	_ =	sfence  }
0xb9: {  	s30 =	sld [smem:$0x0];
	_ =	sdelay $0x2  }
0xba: {  	s31 =	sshll.u32 s1, $0xD;
	s1 =	sshrl.u32 s1, $0x2  }
0xbb: {  	s3 =	sand.u32 $0x4000, s31;
	s1 =	sadd.s32 s1, s30  }
0xbc: {  	s0 =	sor.u32 s3, s0;
	s1 =	sshll.u32 s1, $0x11  }
0xbd: {  	s0 =	sor.u32 s1, s0  }
0xbe: {  	s0 =	sadd.s32 $0x8F2B, s0  }
0xbf: {  	[sflag:s0] =	ssyncadd.remote.s32 $0x1  }
0xc0: {  	_ =	sfence.sel $0xFFFF  }
0xc1: {  	[dreg:$0x0] =	wrdreg $0xFFFFFFFF;
	(pc) =	sbr.abs _section_cstart, $3  }
0xc2: {  	[dreg:$0x1] =	wrdreg $0xFFFFFFFF  }
0xc3: {  	_ =	task.clear_ibuf [dreg:s8], $0x2FFFF;
	_ =	strace $0x9FFFFFFF  }
0xc4: {  	(tm) =	ssettm $0x7FFFFFFF  }
0xc5: {  	_ =	shalt  }
tec
execute0_lowered:
.L_overlay_start_1:
0x0: {  	(tag) =	ssettag $0x1  }
0x1: {  	s0 =	rddreg [dreg:$0x0]  }
0x2: {  	s1 =	srdreg.scid;
	s4 =	rddreg [dreg:$0x1]  }
0x3: {  	s6 =	rddreg [dreg:$0x2];
	s2 =	stileid.u32  }
0x4: {  	s3 =	simm.s32 $0x0;
	s5 =	sand.u32 $0x1, s1;
	s1 =	rddreg [dreg:$0x3]  }
0x5: {  	s11 =	simm.s32 $0x10080;
	s12 =	simm.s32 $0x0;
	[smem:$0x7FF] =	sst s3  }
0x6: {  	s8 =	sshll.u32 s2, $0x7;
	s7 =	sshll.u32 s5, $0x4;
	s5 =	ssub.s32 $0x2, s5  }
0x7: {  	_ =	strace $0x80000047;
	s7 =	sor.u32 s2, s7;
	s10 =	sshrl.u32 s5, $0x1  }
0x8: {  	s8 =	sand.u32 $0x380, s8;
	s7 =	sshrl.u32 s7, $0x3;
	s30 =	ssub.s32 s5, s10  }
.Ltmp0:
0x9: {  	s9 =	sshll.u32 s7, $0xD;
	s7 =	sshll.u32 s7, $0xA;
	(pc) =	sbr.rel .LBB2_1-.Ltmp0, $4  }
0xa: {  	s10 =	simm.s32 $0x400;
	s9 =	sor.u32 s8, s9;
	s7 =	sor.u32 s8, s7  }
0xb: {  	s8 =	simm.s32 $0x1;
	s9 =	sshrl.u32 s9, $0x3;
	s31 =	sshrl.u32 s7, $0x3  }
0xc: {  	v0 =	vimm.f32 $0.0e+00;
	s7 =	simm.s32 $0x2;
	s6 =	sadd.s32 s9, s6;
	s4 =	sadd.s32 s4, s31  }
0xd: {  	vm0 =	vmmov $0x1;
	vm1 =	vcmask $0x308;
	vm2 =	vcmask $0x70C;
	s9 =	simm.s32 $0x80;
	s5 =	sadd.s32 $0x1400, s6;
	s6 =	smax.u32 s30, $0x1  }
.LBB2_143:
0xe: {  	v1 =	vimm.f32 $0.0e+00  }
0xf: {  	[tilespmem:$0x10080] =	vst v1  }
0x10: {  	[tilespmem:$0x10090] =	vst v1  }
0x11: {  	[tilespmem:$0x100A0] =	vst v1  }
0x12: {  	[tilespmem:$0x100B0] =	vst v1  }
0x13: {  	[tilespmem:$0x100C0] =	vst v1  }
0x14: {  	[tilespmem:$0x100D0] =	vst v1  }
0x15: {  	[tilespmem:$0x100E0] =	vst v1  }
0x16: {  	[tilespmem:$0x100F0] =	vst v1  }
0x17: {  	[tilespmem:$0x10100] =	vst v1  }
0x18: {  	[tilespmem:$0x10110] =	vst v1  }
0x19: {  	[tilespmem:$0x10120] =	vst v1  }
0x1a: {  	[tilespmem:$0x10130] =	vst v1  }
0x1b: {  	[tilespmem:$0x10140] =	vst v1  }
0x1c: {  	[tilespmem:$0x10150] =	vst v1  }
0x1d: {  	[tilespmem:$0x10160] =	vst v1  }
0x1e: {  	[tilespmem:$0x10170] =	vst v1  }
0x1f: {  	[tilespmem:$0x10180] =	vst v1  }
0x20: {  	[tilespmem:$0x10190] =	vst v1  }
0x21: {  	[tilespmem:$0x101A0] =	vst v1  }
0x22: {  	[tilespmem:$0x101B0] =	vst v1  }
0x23: {  	[tilespmem:$0x101C0] =	vst v1  }
0x24: {  	[tilespmem:$0x101D0] =	vst v1  }
0x25: {  	[tilespmem:$0x101E0] =	vst v1  }
0x26: {  	[tilespmem:$0x101F0] =	vst v1  }
0x27: {  	[tilespmem:$0x10200] =	vst v1  }
0x28: {  	[tilespmem:$0x10210] =	vst v1  }
0x29: {  	[tilespmem:$0x10220] =	vst v1  }
0x2a: {  	[tilespmem:$0x10230] =	vst v1  }
0x2b: {  	[tilespmem:$0x10240] =	vst v1  }
0x2c: {  	[tilespmem:$0x10250] =	vst v1  }
0x2d: {  	[tilespmem:$0x10260] =	vst v1  }
0x2e: {  	[tilespmem:$0x10270] =	vst v1  }
0x2f: {  	[tilespmem:$0x10280] =	vst v1  }
0x30: {  	[tilespmem:$0x10290] =	vst v1  }
0x31: {  	[tilespmem:$0x102A0] =	vst v1  }
0x32: {  	[tilespmem:$0x102B0] =	vst v1  }
0x33: {  	[tilespmem:$0x102C0] =	vst v1  }
0x34: {  	[tilespmem:$0x102D0] =	vst v1  }
0x35: {  	[tilespmem:$0x102E0] =	vst v1  }
0x36: {  	[tilespmem:$0x102F0] =	vst v1  }
0x37: {  	[tilespmem:$0x10300] =	vst v1  }
0x38: {  	[tilespmem:$0x10310] =	vst v1  }
0x39: {  	[tilespmem:$0x10320] =	vst v1  }
0x3a: {  	[tilespmem:$0x10330] =	vst v1  }
0x3b: {  	[tilespmem:$0x10340] =	vst v1  }
0x3c: {  	[tilespmem:$0x10350] =	vst v1  }
0x3d: {  	[tilespmem:$0x10360] =	vst v1  }
0x3e: {  	[tilespmem:$0x10370] =	vst v1  }
0x3f: {  	[tilespmem:$0x10380] =	vst v1  }
0x40: {  	[tilespmem:$0x10390] =	vst v1  }
0x41: {  	[tilespmem:$0x103A0] =	vst v1  }
0x42: {  	[tilespmem:$0x103B0] =	vst v1  }
0x43: {  	[tilespmem:$0x103C0] =	vst v1  }
0x44: {  	[tilespmem:$0x103D0] =	vst v1  }
0x45: {  	[tilespmem:$0x103E0] =	vst v1  }
0x46: {  	[tilespmem:$0x103F0] =	vst v1  }
0x47: {  	[tilespmem:$0x10400] =	vst v1  }
0x48: {  	[tilespmem:$0x10410] =	vst v1  }
0x49: {  	[tilespmem:$0x10420] =	vst v1  }
0x4a: {  	[tilespmem:$0x10430] =	vst v1  }
0x4b: {  	[tilespmem:$0x10440] =	vst v1  }
0x4c: {  	[tilespmem:$0x10450] =	vst v1  }
0x4d: {  	[tilespmem:$0x10460] =	vst v1  }
.LBB2_140:
0x4e: {  	[tilespmem:$0x10470] =	vst v1  }
.LBB2_141:
0x4f: {  	s12 =	sadd.s32 $0x1, s12  }
0x50: {  	p0 =	sne.s32 s12, s6  }
.Ltmp1:
0x51: {  	_ = 	snop;
	(pc) =	sbr.rel @!p0 .LBB2_142-.Ltmp1, $4  }
0x52: {  	[hbm4b:s5+s9] =	stream.strided.scatter [tilespmem:s11], [sflag:$0x2], $0x400, s10, s9, $0x38;
	[tilespmem:$0x10480] =	vst v63  }
0x53: {  	_ =	swait.ge [sflag:s7], $0x400  }
0x54: {  	[sflag:s7] =	ssyncset.done $0x0  }
0x55: {  	[sflag:s7] =	ssyncadd.s32 $0xFFFFFC00  }
.LBB2_1:
0x56: {  	[tilespmem:s3], [sflag:$0x2] =	stream.linear.gather [hbm4b:s4+s3], $0x80, $0x38;
	[tilespmem:$0x10480] =	vst v63  }
0x57: {  	_ =	swait.ge [sflag:s7], $0x80  }
0x58: {  	[sflag:s7] =	ssyncset.done $0x0  }
0x59: {  	[sflag:s7] =	ssyncadd.s32 $0xFFFFFF80  }
0x5a: {  	s13 =	simm.s32 $0x40;
	s15 =	simm.s32 $0x0;
	v1 =	vld [tilespmem:$0x0]  }
.LBB2_2:
0x5b: {  	p0 =	sne.s32 s13, $0xFC0;
	[tilespmem:s15+$0x10080] =	vst v0;
	s14 =	smov.u32 s13;
	s13 =	sadd.s32 $0x40, s13  }
.Ltmp2:
0x5c: {  	(pc) =	sbr.rel @p0 .LBB2_2-.Ltmp2, $2  }
0x5d: {  	_ =	sdelay $0x2  }
0x5e: {  	s15 =	sshra.s32 s14, $0x2  }
0x5f: {  	v2 =	vnsel vm0, $0x0, v1  }
0x60: {  	(xrf0) =	vadd.scan.msk.s32 $0xffff, v2;
	v2 =	vsel vm1, $0x0, v1  }
0x61: {  	v1 =	vsel vm2, $0x0, v1;
	(xrf0) =	vadd.scan.msk.s32 $0xffff, v2  }
0x62: {  	(xrf0) =	vadd.scan.msk.s32 $0xffff, v1;
	_ =	sdelay $0x3  }
0x63: {  	v1, _, _ =	vpop (xrf0)  }
0x64: {  	v2, _, _ =	vpop (xrf0);
	(v2sf) =	vpush v1, $0xF  }
0x65: {  	(v2sf) =	vpush v2, $0xF;
	v1, _, _ =	vpop (xrf0)  }
0x66: {  	(v2sf) =	vpush v1, $0xF;
	_ =	sdelay $0xc  }
0x67: {  	s17 =	spop (v2sf)  }
0x68: {  	s14 =	spop (v2sf)  }
0x69: {  	s13 =	spop (v2sf)  }
0x6a: {  	p0 =	slt.s32 s13, $0x1  }
.Ltmp3:
0x6b: {  	_ = 	snop;
	(pc) =	sbr.rel @p0 .LBB2_141-.Ltmp3, $2  }
0x6c: {  	_ =	sdelay $0x2  }
0x6d: {  	[tilespmem:s15+$0x10080] =	vst v0  }
0x6e: {  	s15 =	sshra.s32 s14, $0x1F;
	s16 =	sand.u32 $0x7, s14;
	p0 =	slt.s32 s14, $0x1  }
0x6f: {  	s30 =	sadd.s32 s14, s13;
	s19 =	simm.s32 $0x1;
	s15 =	sshrl.u32 s15, $0x1D  }
0x70: {  	p1 =	sne.s32 s16, $0x0;
	s16 =	sadd.s32 $0x7, s30;
	s15 =	sadd.s32 s15, s14  }
0x71: {  	p0 =	por !p0, !p1;
	s18 =	sand.u32 $0x7, s16;
	s31 =	sshra.s32 s16, $0x1F  }
0x72: {  	p6 =	slt.s32 s16, $0x1;
	s15 =	sshra.s32 s15, $0x3;
	p0 =	por !p0, !p0  }
0x73: {  	p5 =	sne.s32 s18, $0x0;
	s18 =	sshrl.u32 s31, $0x1D;
	s19 =	simm.s32 @!p0 $0x0  }
0x74: {  	s16 =	sadd.s32 s18, s16;
	p0 =	por !p6, !p5;
	s18 =	simm.s32 $0x1  }
0x75: {  	s15 =	ssub.s32 s15, s19;
	s16 =	sshra.s32 s16, $0x3;
	p0 =	por !p0, !p0  }
0x76: {  	s16 =	ssub.s32 s16, s15;
	s18 =	simm.s32 @!p0 $0x0  }
0x77: {  	s18 =	ssub.s32 s16, s18  }
0x78: {  	p0 =	slt.s32 s18, $0x1  }
.Ltmp4:
0x79: {  	_ = 	snop;
	(pc) =	sbr.rel @p0 .LBB2_10-.Ltmp4, $2  }
0x7a: {  	_ =	sdelay $0x2  }
0x7b: {  	s16 =	sshll.u32 s15, $0xD  }
0x7c: {  	s17 =	sshll.u32 s17, $0x10;
	p0 =	sne.s32 s18, $0x1  }
.Ltmp5:
0x7d: {  	s20 =	sadd.s32 s16, s17;
	(pc) =	sbr.rel @!p0 .LBB2_7-.Ltmp5, $4  }
0x7e: {  	s19 =	sshrl.u32 s20, $0x3  }
0x7f: {  	s17 =	simm.s32 $0x80;
	s19 =	sadd.s32 s0, s19  }
0x80: {  	[tilespmem:s17], [sflag:$0x1] =	stream.linear.gather [hbm4b:s19+s3], $0x2000, $0x38;
	[tilespmem:$0x10480] =	vst v63  }
0x81: {  	s20 =	sadd.s32 $0x2000, s20;
	s19 =	sadd.s32 $0xFFFFFFFF, s18  }
.LBB2_6:
0x82: {  	s21 =	sshrl.u32 s20, $0x3;
	p1 =	sne.s32 s19, $0x1;
	s19 =	sadd.s32 $0xFFFFFFFF, s19  }
.Ltmp6:
0x83: {  	s17 =	sadd.s32 $0x2000, s17;
	s21 =	sadd.s32 s0, s21;
	(pc) =	sbr.rel @p1 .LBB2_6-.Ltmp6, $3  }
0x84: {  	[tilespmem:s17], [sflag:$0x1] =	stream.linear.gather [hbm4b:s21+s3], $0x2000, $0x38;
	[tilespmem:$0x10480] =	vst v63  }
0x85: {  	_ =	sdelay $0x1  }
0x86: {  	s20 =	sadd.s32 $0x2000, s20  }
.LBB2_7:
.Ltmp7:
0x87: {  	(pc) =	sbr.rel @!p0 .LBB2_9-.Ltmp7, $3  }
0x88: {  	_ =	sdelay $0x1  }
0x89: {  	_ =	swait.ge [sflag:s8], $0x2000  }
0x8a: {  	s17 =	sadd.s32 $0xFFFFFFFF, s18;
	[sflag:s8] =	ssyncset.done $0x0  }
.LBB2_8:
0x8b: {  	p0 =	sne.s32 s17, $0x1;
	s17 =	sadd.s32 $0xFFFFFFFF, s17;
	[sflag:s8] =	ssyncadd.s32 $0xFFFFE000  }
.Ltmp8:
0x8c: {  	(pc) =	sbr.rel @p0 .LBB2_8-.Ltmp8, $3  }
0x8d: {  	_ =	sdelay $0x1  }
0x8e: {  	_ =	swait.ge [sflag:s8], $0x2000  }
0x8f: {  	[sflag:s8] =	ssyncset.done $0x0  }
.LBB2_9:
0x90: {  	[sflag:s8] =	ssyncadd.s32 $0xFFFFE000  }
.LBB2_10:
0x91: {  	s17 =	sshll.u32 s15, $0x3  }
0x92: {  	s17 =	ssub.s32 s14, s17  }
0x93: {  	s18 =	sadd.s32 s13, s17  }
0x94: {  	p0 =	sge.s32 s17, s18  }
.Ltmp9:
0x95: {  	_ = 	snop;
	(pc) =	sbr.rel @p0 .LBB2_143-.Ltmp9, $1  }
0x96: {  	_ =	sdelay $0x3  }
0x97: {  	s17 =	sshll.u32 s14, $0x7;
	s15 =	sshll.u32 s15, $0xA;
	s18 =	sshll.u32 s14, $0xA  }
0x98: {  	p0 =	sne.s32 s13, $0x1;
	s14 =	ssub.s32 s17, s15;
	s15 =	ssub.s32 s18, s16  }
.Ltmp10:
0x99: {  	s31 =	sand.u32 $0xFFFFE000, s15;
	s16 =	sand.u32 $0x380, s14;
	(pc) =	sbr.rel @!p0 .LBB2_13-.Ltmp10, $3  }
0x9a: {  	s17 =	sor.u32 s16, s31  }
0x9b: {  	v2 =	vld [tilespmem:s17+$0x80];
	_ =	sdelay $0x1  }
0x9c: {  	v1 =	vimm.f32 $0.0e+00;
	v3 =	vimm.f32 $0.0e+00;
	s18 =	sadd.s32 $0xFFFFFFFF, s13;
	s19 =	sadd.s32 $0x400, s15;
	s20 =	smov.u32 s14  }
.LBB2_12:
0x9d: {  	s21 =	sand.u32 $0xFFFFE000, s19;
	s20 =	sadd.s32 $0x80, s20;
	p1 =	sne.s32 s18, $0x1  }
.Ltmp11:
0x9e: {  	s18 =	sadd.s32 $0xFFFFFFFF, s18;
	s22 =	sand.u32 $0x380, s20;
	(pc) =	sbr.rel @p1 .LBB2_12-.Ltmp11, $3  }
0x9f: {  	s21 =	sor.u32 s22, s21;
	v3 =	vadd.f32 v2, v3  }
0xa0: {  	v2 =	vld [tilespmem:s21+$0x80];
	_ =	sdelay $0x1  }
0xa1: {  	s19 =	sadd.s32 $0x400, s19  }
.LBB2_13:
0xa2: {  	_ =	sdelay $0x1  }
0xa3: {  	v2 =	vadd.f32 v2, v3  }
.Ltmp12:
0xa4: {  	_ = 	snop;
	(pc) =	sbr.rel @!p0 .LBB2_15-.Ltmp12, $3  }
0xa5: {  	[tilespmem:$0x10080] =	vst v2  }
0xa6: {  	v2 =	vld [tilespmem:s17+$0x90];
	_ =	sdelay $0x1  }
0xa7: {  	s18 =	sadd.s32 $0xFFFFFFFF, s13;
	s19 =	sadd.s32 $0x400, s15;
	s20 =	smov.u32 s14  }
.LBB2_14:
0xa8: {  	s21 =	sand.u32 $0xFFFFE000, s19;
	s20 =	sadd.s32 $0x80, s20;
	p1 =	sne.s32 s18, $0x1  }
.Ltmp13:
0xa9: {  	s18 =	sadd.s32 $0xFFFFFFFF, s18;
	s22 =	sand.u32 $0x380, s20;
	(pc) =	sbr.rel @p1 .LBB2_14-.Ltmp13, $3  }
0xaa: {  	s21 =	sor.u32 s22, s21;
	v1 =	vadd.f32 v2, v1  }
0xab: {  	v2 =	vld [tilespmem:s21+$0x90];
	_ =	sdelay $0x1  }
0xac: {  	s19 =	sadd.s32 $0x400, s19  }
.LBB2_15:
0xad: {  	_ =	sdelay $0x1  }
0xae: {  	v1 =	vadd.f32 v2, v1  }
.Ltmp14:
0xaf: {  	_ = 	snop;
	(pc) =	sbr.rel @!p0 .LBB2_17-.Ltmp14, $3  }
0xb0: {  	[tilespmem:$0x10090] =	vst v1  }
0xb1: {  	v2 =	vld [tilespmem:s17+$0xA0];
	_ =	sdelay $0x1  }
0xb2: {  	s18 =	sadd.s32 $0xFFFFFFFF, s13;
	s19 =	sadd.s32 $0x400, s15;
	s20 =	smov.u32 s14;
	v3 =	vimm.f32 $0.0e+00;
	v1 =	vimm.f32 $0.0e+00  }
.LBB2_16:
0xb3: {  	s21 =	sand.u32 $0xFFFFE000, s19;
	s20 =	sadd.s32 $0x80, s20;
	p1 =	sne.s32 s18, $0x1  }
.Ltmp15:
0xb4: {  	s18 =	sadd.s32 $0xFFFFFFFF, s18;
	s22 =	sand.u32 $0x380, s20;
	(pc) =	sbr.rel @p1 .LBB2_16-.Ltmp15, $3  }
0xb5: {  	s21 =	sor.u32 s22, s21;
	v3 =	vadd.f32 v2, v3  }
0xb6: {  	v2 =	vld [tilespmem:s21+$0xA0];
	_ =	sdelay $0x1  }
0xb7: {  	s19 =	sadd.s32 $0x400, s19  }
.LBB2_17:
0xb8: {  	_ =	sdelay $0x1  }
0xb9: {  	v2 =	vadd.f32 v2, v3  }
.Ltmp16:
0xba: {  	_ = 	snop;
	(pc) =	sbr.rel @!p0 .LBB2_19-.Ltmp16, $3  }
0xbb: {  	[tilespmem:$0x100A0] =	vst v2  }
0xbc: {  	v2 =	vld [tilespmem:s17+$0xB0];
	_ =	sdelay $0x1  }
0xbd: {  	s18 =	sadd.s32 $0xFFFFFFFF, s13;
	s19 =	sadd.s32 $0x400, s15;
	s20 =	smov.u32 s14  }
.LBB2_18:
0xbe: {  	s21 =	sand.u32 $0xFFFFE000, s19;
	s20 =	sadd.s32 $0x80, s20;
	p1 =	sne.s32 s18, $0x1  }
.Ltmp17:
0xbf: {  	s18 =	sadd.s32 $0xFFFFFFFF, s18;
	s22 =	sand.u32 $0x380, s20;
	(pc) =	sbr.rel @p1 .LBB2_18-.Ltmp17, $3  }
0xc0: {  	s21 =	sor.u32 s22, s21;
	v1 =	vadd.f32 v2, v1  }
0xc1: {  	v2 =	vld [tilespmem:s21+$0xB0];
	_ =	sdelay $0x1  }
0xc2: {  	s19 =	sadd.s32 $0x400, s19  }
.LBB2_19:
0xc3: {  	_ =	sdelay $0x1  }
0xc4: {  	v1 =	vadd.f32 v2, v1  }
.Ltmp18:
0xc5: {  	_ = 	snop;
	(pc) =	sbr.rel @!p0 .LBB2_21-.Ltmp18, $3  }
0xc6: {  	[tilespmem:$0x100B0] =	vst v1  }
0xc7: {  	v2 =	vld [tilespmem:s17+$0xC0];
	_ =	sdelay $0x1  }
0xc8: {  	s18 =	sadd.s32 $0xFFFFFFFF, s13;
	s19 =	sadd.s32 $0x400, s15;
	s20 =	smov.u32 s14;
	v3 =	vimm.f32 $0.0e+00;
	v1 =	vimm.f32 $0.0e+00  }
.LBB2_20:
0xc9: {  	s21 =	sand.u32 $0xFFFFE000, s19;
	s20 =	sadd.s32 $0x80, s20;
	p1 =	sne.s32 s18, $0x1  }
.Ltmp19:
0xca: {  	s18 =	sadd.s32 $0xFFFFFFFF, s18;
	s22 =	sand.u32 $0x380, s20;
	(pc) =	sbr.rel @p1 .LBB2_20-.Ltmp19, $3  }
0xcb: {  	s21 =	sor.u32 s22, s21;
	v3 =	vadd.f32 v2, v3  }
0xcc: {  	v2 =	vld [tilespmem:s21+$0xC0];
	_ =	sdelay $0x1  }
0xcd: {  	s19 =	sadd.s32 $0x400, s19  }
.LBB2_21:
0xce: {  	_ =	sdelay $0x1  }
0xcf: {  	v2 =	vadd.f32 v2, v3  }
.Ltmp20:
0xd0: {  	_ = 	snop;
	(pc) =	sbr.rel @!p0 .LBB2_23-.Ltmp20, $3  }
0xd1: {  	[tilespmem:$0x100C0] =	vst v2  }
0xd2: {  	v2 =	vld [tilespmem:s17+$0xD0];
	_ =	sdelay $0x1  }
0xd3: {  	s18 =	sadd.s32 $0xFFFFFFFF, s13;
	s19 =	sadd.s32 $0x400, s15;
	s20 =	smov.u32 s14  }
.LBB2_22:
0xd4: {  	s21 =	sand.u32 $0xFFFFE000, s19;
	s20 =	sadd.s32 $0x80, s20;
	p1 =	sne.s32 s18, $0x1  }
.Ltmp21:
0xd5: {  	s18 =	sadd.s32 $0xFFFFFFFF, s18;
	s22 =	sand.u32 $0x380, s20;
	(pc) =	sbr.rel @p1 .LBB2_22-.Ltmp21, $3  }
0xd6: {  	s21 =	sor.u32 s22, s21;
	v1 =	vadd.f32 v2, v1  }
0xd7: {  	v2 =	vld [tilespmem:s21+$0xD0];
	_ =	sdelay $0x1  }
0xd8: {  	s19 =	sadd.s32 $0x400, s19  }
.LBB2_23:
0xd9: {  	_ =	sdelay $0x1  }
0xda: {  	v1 =	vadd.f32 v2, v1  }
.Ltmp22:
0xdb: {  	_ = 	snop;
	(pc) =	sbr.rel @!p0 .LBB2_25-.Ltmp22, $3  }
0xdc: {  	[tilespmem:$0x100D0] =	vst v1  }
0xdd: {  	v2 =	vld [tilespmem:s17+$0xE0];
	_ =	sdelay $0x1  }
0xde: {  	s18 =	sadd.s32 $0xFFFFFFFF, s13;
	s19 =	sadd.s32 $0x400, s15;
	s20 =	smov.u32 s14;
	v3 =	vimm.f32 $0.0e+00;
	v1 =	vimm.f32 $0.0e+00  }
.LBB2_24:
0xdf: {  	s21 =	sand.u32 $0xFFFFE000, s19;
	s20 =	sadd.s32 $0x80, s20;
	p1 =	sne.s32 s18, $0x1  }
.Ltmp23:
0xe0: {  	s18 =	sadd.s32 $0xFFFFFFFF, s18;
	s22 =	sand.u32 $0x380, s20;
	(pc) =	sbr.rel @p1 .LBB2_24-.Ltmp23, $3  }
0xe1: {  	s21 =	sor.u32 s22, s21;
	v3 =	vadd.f32 v2, v3  }
0xe2: {  	v2 =	vld [tilespmem:s21+$0xE0];
	_ =	sdelay $0x1  }
0xe3: {  	s19 =	sadd.s32 $0x400, s19  }
.LBB2_25:
0xe4: {  	_ =	sdelay $0x1  }
0xe5: {  	v2 =	vadd.f32 v2, v3  }
.Ltmp24:
0xe6: {  	_ = 	snop;
	(pc) =	sbr.rel @!p0 .LBB2_27-.Ltmp24, $3  }
0xe7: {  	[tilespmem:$0x100E0] =	vst v2  }
0xe8: {  	v2 =	vld [tilespmem:s17+$0xF0];
	_ =	sdelay $0x1  }
0xe9: {  	s18 =	sadd.s32 $0xFFFFFFFF, s13;
	s19 =	sadd.s32 $0x400, s15;
	s20 =	smov.u32 s14  }
.LBB2_26:
0xea: {  	s21 =	sand.u32 $0xFFFFE000, s19;
	s20 =	sadd.s32 $0x80, s20;
	p1 =	sne.s32 s18, $0x1  }
.Ltmp25:
0xeb: {  	s18 =	sadd.s32 $0xFFFFFFFF, s18;
	s22 =	sand.u32 $0x380, s20;
	(pc) =	sbr.rel @p1 .LBB2_26-.Ltmp25, $3  }
0xec: {  	s21 =	sor.u32 s22, s21;
	v1 =	vadd.f32 v2, v1  }
0xed: {  	v2 =	vld [tilespmem:s21+$0xF0];
	_ =	sdelay $0x1  }
0xee: {  	s19 =	sadd.s32 $0x400, s19  }
.LBB2_27:
0xef: {  	_ =	sdelay $0x1  }
0xf0: {  	v1 =	vadd.f32 v2, v1  }
.Ltmp26:
0xf1: {  	_ = 	snop;
	(pc) =	sbr.rel @!p0 .LBB2_29-.Ltmp26, $3  }
0xf2: {  	[tilespmem:$0x100F0] =	vst v1  }
0xf3: {  	v2 =	vld [tilespmem:s17+$0x480];
	_ =	sdelay $0x1  }
0xf4: {  	s18 =	sadd.s32 $0xFFFFFFFF, s13;
	s19 =	sadd.s32 $0x400, s15;
	s20 =	smov.u32 s14;
	v3 =	vimm.f32 $0.0e+00;
	v1 =	vimm.f32 $0.0e+00  }
.LBB2_28:
0xf5: {  	s21 =	sand.u32 $0xFFFFE000, s19;
	s20 =	sadd.s32 $0x80, s20;
	p1 =	sne.s32 s18, $0x1  }
.Ltmp27:
0xf6: {  	s18 =	sadd.s32 $0xFFFFFFFF, s18;
	s22 =	sand.u32 $0x380, s20;
	(pc) =	sbr.rel @p1 .LBB2_28-.Ltmp27, $3  }
0xf7: {  	s21 =	sor.u32 s22, s21;
	v3 =	vadd.f32 v2, v3  }
0xf8: {  	v2 =	vld [tilespmem:s21+$0x480];
	_ =	sdelay $0x1  }
0xf9: {  	s19 =	sadd.s32 $0x400, s19  }
.LBB2_29:
0xfa: {  	_ =	sdelay $0x1  }
0xfb: {  	v2 =	vadd.f32 v2, v3  }
.Ltmp28:
0xfc: {  	_ = 	snop;
	(pc) =	sbr.rel @!p0 .LBB2_31-.Ltmp28, $3  }
0xfd: {  	[tilespmem:$0x10100] =	vst v2  }
0xfe: {  	v2 =	vld [tilespmem:s17+$0x490];
	_ =	sdelay $0x1  }
0xff: {  	s18 =	sadd.s32 $0xFFFFFFFF, s13;
	s19 =	sadd.s32 $0x400, s15;
	s20 =	smov.u32 s14  }
.LBB2_30:
0x100: {  	s21 =	sand.u32 $0xFFFFE000, s19;
	s20 =	sadd.s32 $0x80, s20;
	p1 =	sne.s32 s18, $0x1  }
.Ltmp29:
0x101: {  	s18 =	sadd.s32 $0xFFFFFFFF, s18;
	s22 =	sand.u32 $0x380, s20;
	(pc) =	sbr.rel @p1 .LBB2_30-.Ltmp29, $3  }
0x102: {  	s21 =	sor.u32 s22, s21;
	v1 =	vadd.f32 v2, v1  }
0x103: {  	v2 =	vld [tilespmem:s21+$0x490];
	_ =	sdelay $0x1  }
0x104: {  	s19 =	sadd.s32 $0x400, s19  }
.LBB2_31:
0x105: {  	_ =	sdelay $0x1  }
0x106: {  	v1 =	vadd.f32 v2, v1  }
.Ltmp30:
0x107: {  	_ = 	snop;
	(pc) =	sbr.rel @!p0 .LBB2_33-.Ltmp30, $3  }
0x108: {  	[tilespmem:$0x10110] =	vst v1  }
0x109: {  	v2 =	vld [tilespmem:s17+$0x4A0];
	_ =	sdelay $0x1  }
0x10a: {  	s18 =	sadd.s32 $0xFFFFFFFF, s13;
	s19 =	sadd.s32 $0x400, s15;
	s20 =	smov.u32 s14;
	v3 =	vimm.f32 $0.0e+00;
	v1 =	vimm.f32 $0.0e+00  }
.LBB2_32:
0x10b: {  	s21 =	sand.u32 $0xFFFFE000, s19;
	s20 =	sadd.s32 $0x80, s20;
	p1 =	sne.s32 s18, $0x1  }
.Ltmp31:
0x10c: {  	s18 =	sadd.s32 $0xFFFFFFFF, s18;
	s22 =	sand.u32 $0x380, s20;
	(pc) =	sbr.rel @p1 .LBB2_32-.Ltmp31, $3  }
0x10d: {  	s21 =	sor.u32 s22, s21;
	v3 =	vadd.f32 v2, v3  }
0x10e: {  	v2 =	vld [tilespmem:s21+$0x4A0];
	_ =	sdelay $0x1  }
0x10f: {  	s19 =	sadd.s32 $0x400, s19  }
.LBB2_33:
0x110: {  	_ =	sdelay $0x1  }
0x111: {  	v2 =	vadd.f32 v2, v3  }
.Ltmp32:
0x112: {  	_ = 	snop;
	(pc) =	sbr.rel @!p0 .LBB2_35-.Ltmp32, $3  }
0x113: {  	[tilespmem:$0x10120] =	vst v2  }
0x114: {  	v2 =	vld [tilespmem:s17+$0x4B0];
	_ =	sdelay $0x1  }
0x115: {  	s18 =	sadd.s32 $0xFFFFFFFF, s13;
	s19 =	sadd.s32 $0x400, s15;
	s20 =	smov.u32 s14  }
.LBB2_34:
0x116: {  	s21 =	sand.u32 $0xFFFFE000, s19;
	s20 =	sadd.s32 $0x80, s20;
	p1 =	sne.s32 s18, $0x1  }
.Ltmp33:
0x117: {  	s18 =	sadd.s32 $0xFFFFFFFF, s18;
	s22 =	sand.u32 $0x380, s20;
	(pc) =	sbr.rel @p1 .LBB2_34-.Ltmp33, $3  }
0x118: {  	s21 =	sor.u32 s22, s21;
	v1 =	vadd.f32 v2, v1  }
0x119: {  	v2 =	vld [tilespmem:s21+$0x4B0];
	_ =	sdelay $0x1  }
0x11a: {  	s19 =	sadd.s32 $0x400, s19  }
.LBB2_35:
0x11b: {  	_ =	sdelay $0x1  }
0x11c: {  	v1 =	vadd.f32 v2, v1  }
.Ltmp34:
0x11d: {  	_ = 	snop;
	(pc) =	sbr.rel @!p0 .LBB2_37-.Ltmp34, $3  }
0x11e: {  	[tilespmem:$0x10130] =	vst v1  }
0x11f: {  	v2 =	vld [tilespmem:s17+$0x4C0];
	_ =	sdelay $0x1  }
0x120: {  	s18 =	sadd.s32 $0xFFFFFFFF, s13;
	s19 =	sadd.s32 $0x400, s15;
	s20 =	smov.u32 s14;
	v3 =	vimm.f32 $0.0e+00;
	v1 =	vimm.f32 $0.0e+00  }
.LBB2_36:
0x121: {  	s21 =	sand.u32 $0xFFFFE000, s19;
	s20 =	sadd.s32 $0x80, s20;
	p1 =	sne.s32 s18, $0x1  }
.Ltmp35:
0x122: {  	s18 =	sadd.s32 $0xFFFFFFFF, s18;
	s22 =	sand.u32 $0x380, s20;
	(pc) =	sbr.rel @p1 .LBB2_36-.Ltmp35, $3  }
0x123: {  	s21 =	sor.u32 s22, s21;
	v3 =	vadd.f32 v2, v3  }
0x124: {  	v2 =	vld [tilespmem:s21+$0x4C0];
	_ =	sdelay $0x1  }
0x125: {  	s19 =	sadd.s32 $0x400, s19  }
.LBB2_37:
0x126: {  	_ =	sdelay $0x1  }
0x127: {  	v2 =	vadd.f32 v2, v3  }
.Ltmp36:
0x128: {  	_ = 	snop;
	(pc) =	sbr.rel @!p0 .LBB2_39-.Ltmp36, $3  }
0x129: {  	[tilespmem:$0x10140] =	vst v2  }
0x12a: {  	v2 =	vld [tilespmem:s17+$0x4D0];
	_ =	sdelay $0x1  }
0x12b: {  	s18 =	sadd.s32 $0xFFFFFFFF, s13;
	s19 =	sadd.s32 $0x400, s15;
	s20 =	smov.u32 s14  }
.LBB2_38:
0x12c: {  	s21 =	sand.u32 $0xFFFFE000, s19;
	s20 =	sadd.s32 $0x80, s20;
	p1 =	sne.s32 s18, $0x1  }
.Ltmp37:
0x12d: {  	s18 =	sadd.s32 $0xFFFFFFFF, s18;
	s22 =	sand.u32 $0x380, s20;
	(pc) =	sbr.rel @p1 .LBB2_38-.Ltmp37, $3  }
0x12e: {  	s21 =	sor.u32 s22, s21;
	v1 =	vadd.f32 v2, v1  }
0x12f: {  	v2 =	vld [tilespmem:s21+$0x4D0];
	_ =	sdelay $0x1  }
0x130: {  	s19 =	sadd.s32 $0x400, s19  }
.LBB2_39:
0x131: {  	_ =	sdelay $0x1  }
0x132: {  	v1 =	vadd.f32 v2, v1  }
.Ltmp38:
0x133: {  	_ = 	snop;
	(pc) =	sbr.rel @!p0 .LBB2_41-.Ltmp38, $3  }
0x134: {  	[tilespmem:$0x10150] =	vst v1  }
0x135: {  	v2 =	vld [tilespmem:s17+$0x4E0];
	_ =	sdelay $0x1  }
0x136: {  	s18 =	sadd.s32 $0xFFFFFFFF, s13;
	s19 =	sadd.s32 $0x400, s15;
	s20 =	smov.u32 s14;
	v3 =	vimm.f32 $0.0e+00;
	v1 =	vimm.f32 $0.0e+00  }
.LBB2_40:
0x137: {  	s21 =	sand.u32 $0xFFFFE000, s19;
	s20 =	sadd.s32 $0x80, s20;
	p1 =	sne.s32 s18, $0x1  }
.Ltmp39:
0x138: {  	s18 =	sadd.s32 $0xFFFFFFFF, s18;
	s22 =	sand.u32 $0x380, s20;
	(pc) =	sbr.rel @p1 .LBB2_40-.Ltmp39, $3  }
0x139: {  	s21 =	sor.u32 s22, s21;
	v3 =	vadd.f32 v2, v3  }
0x13a: {  	v2 =	vld [tilespmem:s21+$0x4E0];
	_ =	sdelay $0x1  }
0x13b: {  	s19 =	sadd.s32 $0x400, s19  }
.LBB2_41:
0x13c: {  	_ =	sdelay $0x1  }
0x13d: {  	v2 =	vadd.f32 v2, v3  }
.Ltmp40:
0x13e: {  	_ = 	snop;
	(pc) =	sbr.rel @!p0 .LBB2_43-.Ltmp40, $3  }
0x13f: {  	[tilespmem:$0x10160] =	vst v2  }
0x140: {  	v2 =	vld [tilespmem:s17+$0x4F0];
	_ =	sdelay $0x1  }
0x141: {  	s18 =	sadd.s32 $0xFFFFFFFF, s13;
	s19 =	sadd.s32 $0x400, s15;
	s20 =	smov.u32 s14  }
.LBB2_42:
0x142: {  	s21 =	sand.u32 $0xFFFFE000, s19;
	s20 =	sadd.s32 $0x80, s20;
	p1 =	sne.s32 s18, $0x1  }
.Ltmp41:
0x143: {  	s18 =	sadd.s32 $0xFFFFFFFF, s18;
	s22 =	sand.u32 $0x380, s20;
	(pc) =	sbr.rel @p1 .LBB2_42-.Ltmp41, $3  }
0x144: {  	s21 =	sor.u32 s22, s21;
	v1 =	vadd.f32 v2, v1  }
0x145: {  	v2 =	vld [tilespmem:s21+$0x4F0];
	_ =	sdelay $0x1  }
0x146: {  	s19 =	sadd.s32 $0x400, s19  }
.LBB2_43:
0x147: {  	_ =	sdelay $0x1  }
0x148: {  	v1 =	vadd.f32 v2, v1  }
.Ltmp42:
0x149: {  	_ = 	snop;
	(pc) =	sbr.rel @!p0 .LBB2_45-.Ltmp42, $3  }
0x14a: {  	[tilespmem:$0x10170] =	vst v1  }
0x14b: {  	v2 =	vld [tilespmem:s17+$0x880];
	_ =	sdelay $0x1  }
0x14c: {  	s18 =	sadd.s32 $0xFFFFFFFF, s13;
	s19 =	sadd.s32 $0x400, s15;
	s20 =	smov.u32 s14;
	v3 =	vimm.f32 $0.0e+00;
	v1 =	vimm.f32 $0.0e+00  }
.LBB2_44:
0x14d: {  	s21 =	sand.u32 $0xFFFFE000, s19;
	s20 =	sadd.s32 $0x80, s20;
	p1 =	sne.s32 s18, $0x1  }
.Ltmp43:
0x14e: {  	s18 =	sadd.s32 $0xFFFFFFFF, s18;
	s22 =	sand.u32 $0x380, s20;
	(pc) =	sbr.rel @p1 .LBB2_44-.Ltmp43, $3  }
0x14f: {  	s21 =	sor.u32 s22, s21;
	v3 =	vadd.f32 v2, v3  }
0x150: {  	v2 =	vld [tilespmem:s21+$0x880];
	_ =	sdelay $0x1  }
0x151: {  	s19 =	sadd.s32 $0x400, s19  }
.LBB2_45:
0x152: {  	_ =	sdelay $0x1  }
0x153: {  	v2 =	vadd.f32 v2, v3  }
.Ltmp44:
0x154: {  	_ = 	snop;
	(pc) =	sbr.rel @!p0 .LBB2_47-.Ltmp44, $3  }
0x155: {  	[tilespmem:$0x10180] =	vst v2  }
0x156: {  	v2 =	vld [tilespmem:s17+$0x890];
	_ =	sdelay $0x1  }
0x157: {  	s18 =	sadd.s32 $0xFFFFFFFF, s13;
	s19 =	sadd.s32 $0x400, s15;
	s20 =	smov.u32 s14  }
.LBB2_46:
0x158: {  	s21 =	sand.u32 $0xFFFFE000, s19;
	s20 =	sadd.s32 $0x80, s20;
	p1 =	sne.s32 s18, $0x1  }
.Ltmp45:
0x159: {  	s18 =	sadd.s32 $0xFFFFFFFF, s18;
	s22 =	sand.u32 $0x380, s20;
	(pc) =	sbr.rel @p1 .LBB2_46-.Ltmp45, $3  }
0x15a: {  	s21 =	sor.u32 s22, s21;
	v1 =	vadd.f32 v2, v1  }
0x15b: {  	v2 =	vld [tilespmem:s21+$0x890];
	_ =	sdelay $0x1  }
0x15c: {  	s19 =	sadd.s32 $0x400, s19  }
.LBB2_47:
0x15d: {  	_ =	sdelay $0x1  }
0x15e: {  	v1 =	vadd.f32 v2, v1  }
.Ltmp46:
0x15f: {  	_ = 	snop;
	(pc) =	sbr.rel @!p0 .LBB2_49-.Ltmp46, $3  }
0x160: {  	[tilespmem:$0x10190] =	vst v1  }
0x161: {  	v2 =	vld [tilespmem:s17+$0x8A0];
	_ =	sdelay $0x1  }
0x162: {  	s18 =	sadd.s32 $0xFFFFFFFF, s13;
	s19 =	sadd.s32 $0x400, s15;
	s20 =	smov.u32 s14;
	v3 =	vimm.f32 $0.0e+00;
	v1 =	vimm.f32 $0.0e+00  }
.LBB2_48:
0x163: {  	s21 =	sand.u32 $0xFFFFE000, s19;
	s20 =	sadd.s32 $0x80, s20;
	p1 =	sne.s32 s18, $0x1  }
.Ltmp47:
0x164: {  	s18 =	sadd.s32 $0xFFFFFFFF, s18;
	s22 =	sand.u32 $0x380, s20;
	(pc) =	sbr.rel @p1 .LBB2_48-.Ltmp47, $3  }
0x165: {  	s21 =	sor.u32 s22, s21;
	v3 =	vadd.f32 v2, v3  }
0x166: {  	v2 =	vld [tilespmem:s21+$0x8A0];
	_ =	sdelay $0x1  }
0x167: {  	s19 =	sadd.s32 $0x400, s19  }
.LBB2_49:
0x168: {  	_ =	sdelay $0x1  }
0x169: {  	v2 =	vadd.f32 v2, v3  }
.Ltmp48:
0x16a: {  	_ = 	snop;
	(pc) =	sbr.rel @!p0 .LBB2_51-.Ltmp48, $3  }
0x16b: {  	[tilespmem:$0x101A0] =	vst v2  }
0x16c: {  	v2 =	vld [tilespmem:s17+$0x8B0];
	_ =	sdelay $0x1  }
0x16d: {  	s18 =	sadd.s32 $0xFFFFFFFF, s13;
	s19 =	sadd.s32 $0x400, s15;
	s20 =	smov.u32 s14  }
.LBB2_50:
0x16e: {  	s21 =	sand.u32 $0xFFFFE000, s19;
	s20 =	sadd.s32 $0x80, s20;
	p1 =	sne.s32 s18, $0x1  }
.Ltmp49:
0x16f: {  	s18 =	sadd.s32 $0xFFFFFFFF, s18;
	s22 =	sand.u32 $0x380, s20;
	(pc) =	sbr.rel @p1 .LBB2_50-.Ltmp49, $3  }
0x170: {  	s21 =	sor.u32 s22, s21;
	v1 =	vadd.f32 v2, v1  }
0x171: {  	v2 =	vld [tilespmem:s21+$0x8B0];
	_ =	sdelay $0x1  }
0x172: {  	s19 =	sadd.s32 $0x400, s19  }
.LBB2_51:
0x173: {  	_ =	sdelay $0x1  }
0x174: {  	v1 =	vadd.f32 v2, v1  }
.Ltmp50:
0x175: {  	_ = 	snop;
	(pc) =	sbr.rel @!p0 .LBB2_53-.Ltmp50, $3  }
0x176: {  	[tilespmem:$0x101B0] =	vst v1  }
0x177: {  	v2 =	vld [tilespmem:s17+$0x8C0];
	_ =	sdelay $0x1  }
0x178: {  	s18 =	sadd.s32 $0xFFFFFFFF, s13;
	s19 =	sadd.s32 $0x400, s15;
	s20 =	smov.u32 s14;
	v3 =	vimm.f32 $0.0e+00;
	v1 =	vimm.f32 $0.0e+00  }
.LBB2_52:
0x179: {  	s21 =	sand.u32 $0xFFFFE000, s19;
	s20 =	sadd.s32 $0x80, s20;
	p1 =	sne.s32 s18, $0x1  }
.Ltmp51:
0x17a: {  	s18 =	sadd.s32 $0xFFFFFFFF, s18;
	s22 =	sand.u32 $0x380, s20;
	(pc) =	sbr.rel @p1 .LBB2_52-.Ltmp51, $3  }
0x17b: {  	s21 =	sor.u32 s22, s21;
	v3 =	vadd.f32 v2, v3  }
0x17c: {  	v2 =	vld [tilespmem:s21+$0x8C0];
	_ =	sdelay $0x1  }
0x17d: {  	s19 =	sadd.s32 $0x400, s19  }
.LBB2_53:
0x17e: {  	_ =	sdelay $0x1  }
0x17f: {  	v2 =	vadd.f32 v2, v3  }
.Ltmp52:
0x180: {  	_ = 	snop;
	(pc) =	sbr.rel @!p0 .LBB2_55-.Ltmp52, $3  }
0x181: {  	[tilespmem:$0x101C0] =	vst v2  }
0x182: {  	v2 =	vld [tilespmem:s17+$0x8D0];
	_ =	sdelay $0x1  }
0x183: {  	s18 =	sadd.s32 $0xFFFFFFFF, s13;
	s19 =	sadd.s32 $0x400, s15;
	s20 =	smov.u32 s14  }
.LBB2_54:
0x184: {  	s21 =	sand.u32 $0xFFFFE000, s19;
	s20 =	sadd.s32 $0x80, s20;
	p1 =	sne.s32 s18, $0x1  }
.Ltmp53:
0x185: {  	s18 =	sadd.s32 $0xFFFFFFFF, s18;
	s22 =	sand.u32 $0x380, s20;
	(pc) =	sbr.rel @p1 .LBB2_54-.Ltmp53, $3  }
0x186: {  	s21 =	sor.u32 s22, s21;
	v1 =	vadd.f32 v2, v1  }
0x187: {  	v2 =	vld [tilespmem:s21+$0x8D0];
	_ =	sdelay $0x1  }
0x188: {  	s19 =	sadd.s32 $0x400, s19  }
.LBB2_55:
0x189: {  	_ =	sdelay $0x1  }
0x18a: {  	v1 =	vadd.f32 v2, v1  }
.Ltmp54:
0x18b: {  	_ = 	snop;
	(pc) =	sbr.rel @!p0 .LBB2_57-.Ltmp54, $3  }
0x18c: {  	[tilespmem:$0x101D0] =	vst v1  }
0x18d: {  	v2 =	vld [tilespmem:s17+$0x8E0];
	_ =	sdelay $0x1  }
0x18e: {  	s18 =	sadd.s32 $0xFFFFFFFF, s13;
	s19 =	sadd.s32 $0x400, s15;
	s20 =	smov.u32 s14;
	v3 =	vimm.f32 $0.0e+00;
	v1 =	vimm.f32 $0.0e+00  }
.LBB2_56:
0x18f: {  	s21 =	sand.u32 $0xFFFFE000, s19;
	s20 =	sadd.s32 $0x80, s20;
	p1 =	sne.s32 s18, $0x1  }
.Ltmp55:
0x190: {  	s18 =	sadd.s32 $0xFFFFFFFF, s18;
	s22 =	sand.u32 $0x380, s20;
	(pc) =	sbr.rel @p1 .LBB2_56-.Ltmp55, $3  }
0x191: {  	s21 =	sor.u32 s22, s21;
	v3 =	vadd.f32 v2, v3  }
0x192: {  	v2 =	vld [tilespmem:s21+$0x8E0];
	_ =	sdelay $0x1  }
0x193: {  	s19 =	sadd.s32 $0x400, s19  }
.LBB2_57:
0x194: {  	_ =	sdelay $0x1  }
0x195: {  	v2 =	vadd.f32 v2, v3  }
.Ltmp56:
0x196: {  	_ = 	snop;
	(pc) =	sbr.rel @!p0 .LBB2_59-.Ltmp56, $3  }
0x197: {  	[tilespmem:$0x101E0] =	vst v2  }
0x198: {  	v2 =	vld [tilespmem:s17+$0x8F0];
	_ =	sdelay $0x1  }
0x199: {  	s18 =	sadd.s32 $0xFFFFFFFF, s13;
	s19 =	sadd.s32 $0x400, s15;
	s20 =	smov.u32 s14  }
.LBB2_58:
0x19a: {  	s21 =	sand.u32 $0xFFFFE000, s19;
	s20 =	sadd.s32 $0x80, s20;
	p1 =	sne.s32 s18, $0x1  }
.Ltmp57:
0x19b: {  	s18 =	sadd.s32 $0xFFFFFFFF, s18;
	s22 =	sand.u32 $0x380, s20;
	(pc) =	sbr.rel @p1 .LBB2_58-.Ltmp57, $3  }
0x19c: {  	s21 =	sor.u32 s22, s21;
	v1 =	vadd.f32 v2, v1  }
0x19d: {  	v2 =	vld [tilespmem:s21+$0x8F0];
	_ =	sdelay $0x1  }
0x19e: {  	s19 =	sadd.s32 $0x400, s19  }
.LBB2_59:
0x19f: {  	_ =	sdelay $0x1  }
0x1a0: {  	v1 =	vadd.f32 v2, v1  }
.Ltmp58:
0x1a1: {  	_ = 	snop;
	(pc) =	sbr.rel @!p0 .LBB2_61-.Ltmp58, $3  }
0x1a2: {  	[tilespmem:$0x101F0] =	vst v1  }
0x1a3: {  	v2 =	vld [tilespmem:s17+$0xC80];
	_ =	sdelay $0x1  }
0x1a4: {  	s18 =	sadd.s32 $0xFFFFFFFF, s13;
	s19 =	sadd.s32 $0x400, s15;
	s20 =	smov.u32 s14;
	v3 =	vimm.f32 $0.0e+00;
	v1 =	vimm.f32 $0.0e+00  }
.LBB2_60:
0x1a5: {  	s21 =	sand.u32 $0xFFFFE000, s19;
	s20 =	sadd.s32 $0x80, s20;
	p1 =	sne.s32 s18, $0x1  }
.Ltmp59:
0x1a6: {  	s18 =	sadd.s32 $0xFFFFFFFF, s18;
	s22 =	sand.u32 $0x380, s20;
	(pc) =	sbr.rel @p1 .LBB2_60-.Ltmp59, $3  }
0x1a7: {  	s21 =	sor.u32 s22, s21;
	v3 =	vadd.f32 v2, v3  }
0x1a8: {  	v2 =	vld [tilespmem:s21+$0xC80];
	_ =	sdelay $0x1  }
0x1a9: {  	s19 =	sadd.s32 $0x400, s19  }
.LBB2_61:
0x1aa: {  	_ =	sdelay $0x1  }
0x1ab: {  	v2 =	vadd.f32 v2, v3  }
.Ltmp60:
0x1ac: {  	_ = 	snop;
	(pc) =	sbr.rel @!p0 .LBB2_63-.Ltmp60, $3  }
0x1ad: {  	[tilespmem:$0x10200] =	vst v2  }
0x1ae: {  	v2 =	vld [tilespmem:s17+$0xC90];
	_ =	sdelay $0x1  }
0x1af: {  	s18 =	sadd.s32 $0xFFFFFFFF, s13;
	s19 =	sadd.s32 $0x400, s15;
	s20 =	smov.u32 s14  }
.LBB2_62:
0x1b0: {  	s21 =	sand.u32 $0xFFFFE000, s19;
	s20 =	sadd.s32 $0x80, s20;
	p1 =	sne.s32 s18, $0x1  }
.Ltmp61:
0x1b1: {  	s18 =	sadd.s32 $0xFFFFFFFF, s18;
	s22 =	sand.u32 $0x380, s20;
	(pc) =	sbr.rel @p1 .LBB2_62-.Ltmp61, $3  }
0x1b2: {  	s21 =	sor.u32 s22, s21;
	v1 =	vadd.f32 v2, v1  }
0x1b3: {  	v2 =	vld [tilespmem:s21+$0xC90];
	_ =	sdelay $0x1  }
0x1b4: {  	s19 =	sadd.s32 $0x400, s19  }
.LBB2_63:
0x1b5: {  	_ =	sdelay $0x1  }
0x1b6: {  	v1 =	vadd.f32 v2, v1  }
.Ltmp62:
0x1b7: {  	_ = 	snop;
	(pc) =	sbr.rel @!p0 .LBB2_65-.Ltmp62, $3  }
0x1b8: {  	[tilespmem:$0x10210] =	vst v1  }
0x1b9: {  	v2 =	vld [tilespmem:s17+$0xCA0];
	_ =	sdelay $0x1  }
0x1ba: {  	s18 =	sadd.s32 $0xFFFFFFFF, s13;
	s19 =	sadd.s32 $0x400, s15;
	s20 =	smov.u32 s14;
	v3 =	vimm.f32 $0.0e+00;
	v1 =	vimm.f32 $0.0e+00  }
.LBB2_64:
0x1bb: {  	s21 =	sand.u32 $0xFFFFE000, s19;
	s20 =	sadd.s32 $0x80, s20;
	p1 =	sne.s32 s18, $0x1  }
.Ltmp63:
0x1bc: {  	s18 =	sadd.s32 $0xFFFFFFFF, s18;
	s22 =	sand.u32 $0x380, s20;
	(pc) =	sbr.rel @p1 .LBB2_64-.Ltmp63, $3  }
0x1bd: {  	s21 =	sor.u32 s22, s21;
	v3 =	vadd.f32 v2, v3  }
0x1be: {  	v2 =	vld [tilespmem:s21+$0xCA0];
	_ =	sdelay $0x1  }
0x1bf: {  	s19 =	sadd.s32 $0x400, s19  }
.LBB2_65:
0x1c0: {  	_ =	sdelay $0x1  }
0x1c1: {  	v2 =	vadd.f32 v2, v3  }
.Ltmp64:
0x1c2: {  	_ = 	snop;
	(pc) =	sbr.rel @!p0 .LBB2_67-.Ltmp64, $3  }
0x1c3: {  	[tilespmem:$0x10220] =	vst v2  }
0x1c4: {  	v2 =	vld [tilespmem:s17+$0xCB0];
	_ =	sdelay $0x1  }
0x1c5: {  	s18 =	sadd.s32 $0xFFFFFFFF, s13;
	s19 =	sadd.s32 $0x400, s15;
	s20 =	smov.u32 s14  }
.LBB2_66:
0x1c6: {  	s21 =	sand.u32 $0xFFFFE000, s19;
	s20 =	sadd.s32 $0x80, s20;
	p1 =	sne.s32 s18, $0x1  }
.Ltmp65:
0x1c7: {  	s18 =	sadd.s32 $0xFFFFFFFF, s18;
	s22 =	sand.u32 $0x380, s20;
	(pc) =	sbr.rel @p1 .LBB2_66-.Ltmp65, $3  }
0x1c8: {  	s21 =	sor.u32 s22, s21;
	v1 =	vadd.f32 v2, v1  }
0x1c9: {  	v2 =	vld [tilespmem:s21+$0xCB0];
	_ =	sdelay $0x1  }
0x1ca: {  	s19 =	sadd.s32 $0x400, s19  }
.LBB2_67:
0x1cb: {  	_ =	sdelay $0x1  }
0x1cc: {  	v1 =	vadd.f32 v2, v1  }
.Ltmp66:
0x1cd: {  	_ = 	snop;
	(pc) =	sbr.rel @!p0 .LBB2_69-.Ltmp66, $3  }
0x1ce: {  	[tilespmem:$0x10230] =	vst v1  }
0x1cf: {  	v2 =	vld [tilespmem:s17+$0xCC0];
	_ =	sdelay $0x1  }
0x1d0: {  	s18 =	sadd.s32 $0xFFFFFFFF, s13;
	s19 =	sadd.s32 $0x400, s15;
	s20 =	smov.u32 s14;
	v3 =	vimm.f32 $0.0e+00;
	v1 =	vimm.f32 $0.0e+00  }
.LBB2_68:
0x1d1: {  	s21 =	sand.u32 $0xFFFFE000, s19;
	s20 =	sadd.s32 $0x80, s20;
	p1 =	sne.s32 s18, $0x1  }
.Ltmp67:
0x1d2: {  	s18 =	sadd.s32 $0xFFFFFFFF, s18;
	s22 =	sand.u32 $0x380, s20;
	(pc) =	sbr.rel @p1 .LBB2_68-.Ltmp67, $3  }
0x1d3: {  	s21 =	sor.u32 s22, s21;
	v3 =	vadd.f32 v2, v3  }
0x1d4: {  	v2 =	vld [tilespmem:s21+$0xCC0];
	_ =	sdelay $0x1  }
0x1d5: {  	s19 =	sadd.s32 $0x400, s19  }
.LBB2_69:
0x1d6: {  	_ =	sdelay $0x1  }
0x1d7: {  	v2 =	vadd.f32 v2, v3  }
.Ltmp68:
0x1d8: {  	_ = 	snop;
	(pc) =	sbr.rel @!p0 .LBB2_71-.Ltmp68, $3  }
0x1d9: {  	[tilespmem:$0x10240] =	vst v2  }
0x1da: {  	v2 =	vld [tilespmem:s17+$0xCD0];
	_ =	sdelay $0x1  }
0x1db: {  	s18 =	sadd.s32 $0xFFFFFFFF, s13;
	s19 =	sadd.s32 $0x400, s15;
	s20 =	smov.u32 s14  }
.LBB2_70:
0x1dc: {  	s21 =	sand.u32 $0xFFFFE000, s19;
	s20 =	sadd.s32 $0x80, s20;
	p1 =	sne.s32 s18, $0x1  }
.Ltmp69:
0x1dd: {  	s18 =	sadd.s32 $0xFFFFFFFF, s18;
	s22 =	sand.u32 $0x380, s20;
	(pc) =	sbr.rel @p1 .LBB2_70-.Ltmp69, $3  }
0x1de: {  	s21 =	sor.u32 s22, s21;
	v1 =	vadd.f32 v2, v1  }
0x1df: {  	v2 =	vld [tilespmem:s21+$0xCD0];
	_ =	sdelay $0x1  }
0x1e0: {  	s19 =	sadd.s32 $0x400, s19  }
.LBB2_71:
0x1e1: {  	_ =	sdelay $0x1  }
0x1e2: {  	v1 =	vadd.f32 v2, v1  }
.Ltmp70:
0x1e3: {  	_ = 	snop;
	(pc) =	sbr.rel @!p0 .LBB2_73-.Ltmp70, $3  }
0x1e4: {  	[tilespmem:$0x10250] =	vst v1  }
0x1e5: {  	v2 =	vld [tilespmem:s17+$0xCE0];
	_ =	sdelay $0x1  }
0x1e6: {  	s18 =	sadd.s32 $0xFFFFFFFF, s13;
	s19 =	sadd.s32 $0x400, s15;
	s20 =	smov.u32 s14;
	v3 =	vimm.f32 $0.0e+00;
	v1 =	vimm.f32 $0.0e+00  }
.LBB2_72:
0x1e7: {  	s21 =	sand.u32 $0xFFFFE000, s19;
	s20 =	sadd.s32 $0x80, s20;
	p1 =	sne.s32 s18, $0x1  }
.Ltmp71:
0x1e8: {  	s18 =	sadd.s32 $0xFFFFFFFF, s18;
	s22 =	sand.u32 $0x380, s20;
	(pc) =	sbr.rel @p1 .LBB2_72-.Ltmp71, $3  }
0x1e9: {  	s21 =	sor.u32 s22, s21;
	v3 =	vadd.f32 v2, v3  }
0x1ea: {  	v2 =	vld [tilespmem:s21+$0xCE0];
	_ =	sdelay $0x1  }
0x1eb: {  	s19 =	sadd.s32 $0x400, s19  }
.LBB2_73:
0x1ec: {  	_ =	sdelay $0x1  }
0x1ed: {  	v2 =	vadd.f32 v2, v3  }
.Ltmp72:
0x1ee: {  	_ = 	snop;
	(pc) =	sbr.rel @!p0 .LBB2_75-.Ltmp72, $3  }
0x1ef: {  	[tilespmem:$0x10260] =	vst v2  }
0x1f0: {  	v2 =	vld [tilespmem:s17+$0xCF0];
	_ =	sdelay $0x1  }
0x1f1: {  	s18 =	sadd.s32 $0xFFFFFFFF, s13;
	s19 =	sadd.s32 $0x400, s15;
	s20 =	smov.u32 s14  }
.LBB2_74:
0x1f2: {  	s21 =	sand.u32 $0xFFFFE000, s19;
	s20 =	sadd.s32 $0x80, s20;
	p1 =	sne.s32 s18, $0x1  }
.Ltmp73:
0x1f3: {  	s18 =	sadd.s32 $0xFFFFFFFF, s18;
	s22 =	sand.u32 $0x380, s20;
	(pc) =	sbr.rel @p1 .LBB2_74-.Ltmp73, $3  }
0x1f4: {  	s21 =	sor.u32 s22, s21;
	v1 =	vadd.f32 v2, v1  }
0x1f5: {  	v2 =	vld [tilespmem:s21+$0xCF0];
	_ =	sdelay $0x1  }
0x1f6: {  	s19 =	sadd.s32 $0x400, s19  }
.LBB2_75:
0x1f7: {  	_ =	sdelay $0x1  }
0x1f8: {  	v1 =	vadd.f32 v2, v1  }
.Ltmp74:
0x1f9: {  	_ = 	snop;
	(pc) =	sbr.rel @!p0 .LBB2_77-.Ltmp74, $3  }
0x1fa: {  	[tilespmem:$0x10270] =	vst v1  }
0x1fb: {  	v2 =	vld [tilespmem:s17+$0x1080];
	_ =	sdelay $0x1  }
0x1fc: {  	s18 =	sadd.s32 $0xFFFFFFFF, s13;
	s19 =	sadd.s32 $0x400, s15;
	s20 =	smov.u32 s14;
	v3 =	vimm.f32 $0.0e+00;
	v1 =	vimm.f32 $0.0e+00  }
.LBB2_76:
0x1fd: {  	s21 =	sand.u32 $0xFFFFE000, s19;
	s20 =	sadd.s32 $0x80, s20;
	p1 =	sne.s32 s18, $0x1  }
.Ltmp75:
0x1fe: {  	s18 =	sadd.s32 $0xFFFFFFFF, s18;
	s22 =	sand.u32 $0x380, s20;
	(pc) =	sbr.rel @p1 .LBB2_76-.Ltmp75, $3  }
0x1ff: {  	s21 =	sor.u32 s22, s21;
	v3 =	vadd.f32 v2, v3  }
0x200: {  	v2 =	vld [tilespmem:s21+$0x1080];
	_ =	sdelay $0x1  }
0x201: {  	s19 =	sadd.s32 $0x400, s19  }
.LBB2_77:
0x202: {  	_ =	sdelay $0x1  }
0x203: {  	v2 =	vadd.f32 v2, v3  }
.Ltmp76:
0x204: {  	_ = 	snop;
	(pc) =	sbr.rel @!p0 .LBB2_79-.Ltmp76, $3  }
0x205: {  	[tilespmem:$0x10280] =	vst v2  }
0x206: {  	v2 =	vld [tilespmem:s17+$0x1090];
	_ =	sdelay $0x1  }
0x207: {  	s18 =	sadd.s32 $0xFFFFFFFF, s13;
	s19 =	sadd.s32 $0x400, s15;
	s20 =	smov.u32 s14  }
.LBB2_78:
0x208: {  	s21 =	sand.u32 $0xFFFFE000, s19;
	s20 =	sadd.s32 $0x80, s20;
	p1 =	sne.s32 s18, $0x1  }
.Ltmp77:
0x209: {  	s18 =	sadd.s32 $0xFFFFFFFF, s18;
	s22 =	sand.u32 $0x380, s20;
	(pc) =	sbr.rel @p1 .LBB2_78-.Ltmp77, $3  }
0x20a: {  	s21 =	sor.u32 s22, s21;
	v1 =	vadd.f32 v2, v1  }
0x20b: {  	v2 =	vld [tilespmem:s21+$0x1090];
	_ =	sdelay $0x1  }
0x20c: {  	s19 =	sadd.s32 $0x400, s19  }
.LBB2_79:
0x20d: {  	_ =	sdelay $0x1  }
0x20e: {  	v1 =	vadd.f32 v2, v1  }
.Ltmp78:
0x20f: {  	_ = 	snop;
	(pc) =	sbr.rel @!p0 .LBB2_81-.Ltmp78, $3  }
0x210: {  	[tilespmem:$0x10290] =	vst v1  }
0x211: {  	v2 =	vld [tilespmem:s17+$0x10A0];
	_ =	sdelay $0x1  }
0x212: {  	s18 =	sadd.s32 $0xFFFFFFFF, s13;
	s19 =	sadd.s32 $0x400, s15;
	s20 =	smov.u32 s14;
	v3 =	vimm.f32 $0.0e+00;
	v1 =	vimm.f32 $0.0e+00  }
.LBB2_80:
0x213: {  	s21 =	sand.u32 $0xFFFFE000, s19;
	s20 =	sadd.s32 $0x80, s20;
	p1 =	sne.s32 s18, $0x1  }
.Ltmp79:
0x214: {  	s18 =	sadd.s32 $0xFFFFFFFF, s18;
	s22 =	sand.u32 $0x380, s20;
	(pc) =	sbr.rel @p1 .LBB2_80-.Ltmp79, $3  }
0x215: {  	s21 =	sor.u32 s22, s21;
	v3 =	vadd.f32 v2, v3  }
0x216: {  	v2 =	vld [tilespmem:s21+$0x10A0];
	_ =	sdelay $0x1  }
0x217: {  	s19 =	sadd.s32 $0x400, s19  }
.LBB2_81:
0x218: {  	_ =	sdelay $0x1  }
0x219: {  	v2 =	vadd.f32 v2, v3  }
.Ltmp80:
0x21a: {  	_ = 	snop;
	(pc) =	sbr.rel @!p0 .LBB2_83-.Ltmp80, $3  }
0x21b: {  	[tilespmem:$0x102A0] =	vst v2  }
0x21c: {  	v2 =	vld [tilespmem:s17+$0x10B0];
	_ =	sdelay $0x1  }
0x21d: {  	s18 =	sadd.s32 $0xFFFFFFFF, s13;
	s19 =	sadd.s32 $0x400, s15;
	s20 =	smov.u32 s14  }
.LBB2_82:
0x21e: {  	s21 =	sand.u32 $0xFFFFE000, s19;
	s20 =	sadd.s32 $0x80, s20;
	p1 =	sne.s32 s18, $0x1  }
.Ltmp81:
0x21f: {  	s18 =	sadd.s32 $0xFFFFFFFF, s18;
	s22 =	sand.u32 $0x380, s20;
	(pc) =	sbr.rel @p1 .LBB2_82-.Ltmp81, $3  }
0x220: {  	s21 =	sor.u32 s22, s21;
	v1 =	vadd.f32 v2, v1  }
0x221: {  	v2 =	vld [tilespmem:s21+$0x10B0];
	_ =	sdelay $0x1  }
0x222: {  	s19 =	sadd.s32 $0x400, s19  }
.LBB2_83:
0x223: {  	_ =	sdelay $0x1  }
0x224: {  	v1 =	vadd.f32 v2, v1  }
.Ltmp82:
0x225: {  	_ = 	snop;
	(pc) =	sbr.rel @!p0 .LBB2_85-.Ltmp82, $3  }
0x226: {  	[tilespmem:$0x102B0] =	vst v1  }
0x227: {  	v2 =	vld [tilespmem:s17+$0x10C0];
	_ =	sdelay $0x1  }
0x228: {  	s18 =	sadd.s32 $0xFFFFFFFF, s13;
	s19 =	sadd.s32 $0x400, s15;
	s20 =	smov.u32 s14;
	v3 =	vimm.f32 $0.0e+00;
	v1 =	vimm.f32 $0.0e+00  }
.LBB2_84:
0x229: {  	s21 =	sand.u32 $0xFFFFE000, s19;
	s20 =	sadd.s32 $0x80, s20;
	p1 =	sne.s32 s18, $0x1  }
.Ltmp83:
0x22a: {  	s18 =	sadd.s32 $0xFFFFFFFF, s18;
	s22 =	sand.u32 $0x380, s20;
	(pc) =	sbr.rel @p1 .LBB2_84-.Ltmp83, $3  }
0x22b: {  	s21 =	sor.u32 s22, s21;
	v3 =	vadd.f32 v2, v3  }
0x22c: {  	v2 =	vld [tilespmem:s21+$0x10C0];
	_ =	sdelay $0x1  }
0x22d: {  	s19 =	sadd.s32 $0x400, s19  }
.LBB2_85:
0x22e: {  	_ =	sdelay $0x1  }
0x22f: {  	v2 =	vadd.f32 v2, v3  }
.Ltmp84:
0x230: {  	_ = 	snop;
	(pc) =	sbr.rel @!p0 .LBB2_87-.Ltmp84, $3  }
0x231: {  	[tilespmem:$0x102C0] =	vst v2  }
0x232: {  	v2 =	vld [tilespmem:s17+$0x10D0];
	_ =	sdelay $0x1  }
0x233: {  	s18 =	sadd.s32 $0xFFFFFFFF, s13;
	s19 =	sadd.s32 $0x400, s15;
	s20 =	smov.u32 s14  }
.LBB2_86:
0x234: {  	s21 =	sand.u32 $0xFFFFE000, s19;
	s20 =	sadd.s32 $0x80, s20;
	p1 =	sne.s32 s18, $0x1  }
.Ltmp85:
0x235: {  	s18 =	sadd.s32 $0xFFFFFFFF, s18;
	s22 =	sand.u32 $0x380, s20;
	(pc) =	sbr.rel @p1 .LBB2_86-.Ltmp85, $3  }
0x236: {  	s21 =	sor.u32 s22, s21;
	v1 =	vadd.f32 v2, v1  }
0x237: {  	v2 =	vld [tilespmem:s21+$0x10D0];
	_ =	sdelay $0x1  }
0x238: {  	s19 =	sadd.s32 $0x400, s19  }
.LBB2_87:
0x239: {  	_ =	sdelay $0x1  }
0x23a: {  	v1 =	vadd.f32 v2, v1  }
.Ltmp86:
0x23b: {  	_ = 	snop;
	(pc) =	sbr.rel @!p0 .LBB2_89-.Ltmp86, $3  }
0x23c: {  	[tilespmem:$0x102D0] =	vst v1  }
0x23d: {  	v2 =	vld [tilespmem:s17+$0x10E0];
	_ =	sdelay $0x1  }
0x23e: {  	s18 =	sadd.s32 $0xFFFFFFFF, s13;
	s19 =	sadd.s32 $0x400, s15;
	s20 =	smov.u32 s14;
	v3 =	vimm.f32 $0.0e+00;
	v1 =	vimm.f32 $0.0e+00  }
.LBB2_88:
0x23f: {  	s21 =	sand.u32 $0xFFFFE000, s19;
	s20 =	sadd.s32 $0x80, s20;
	p1 =	sne.s32 s18, $0x1  }
.Ltmp87:
0x240: {  	s18 =	sadd.s32 $0xFFFFFFFF, s18;
	s22 =	sand.u32 $0x380, s20;
	(pc) =	sbr.rel @p1 .LBB2_88-.Ltmp87, $3  }
0x241: {  	s21 =	sor.u32 s22, s21;
	v3 =	vadd.f32 v2, v3  }
0x242: {  	v2 =	vld [tilespmem:s21+$0x10E0];
	_ =	sdelay $0x1  }
0x243: {  	s19 =	sadd.s32 $0x400, s19  }
.LBB2_89:
0x244: {  	_ =	sdelay $0x1  }
0x245: {  	v2 =	vadd.f32 v2, v3  }
.Ltmp88:
0x246: {  	_ = 	snop;
	(pc) =	sbr.rel @!p0 .LBB2_91-.Ltmp88, $3  }
0x247: {  	[tilespmem:$0x102E0] =	vst v2  }
0x248: {  	v2 =	vld [tilespmem:s17+$0x10F0];
	_ =	sdelay $0x1  }
0x249: {  	s18 =	sadd.s32 $0xFFFFFFFF, s13;
	s19 =	sadd.s32 $0x400, s15;
	s20 =	smov.u32 s14  }
.LBB2_90:
0x24a: {  	s21 =	sand.u32 $0xFFFFE000, s19;
	s20 =	sadd.s32 $0x80, s20;
	p1 =	sne.s32 s18, $0x1  }
.Ltmp89:
0x24b: {  	s18 =	sadd.s32 $0xFFFFFFFF, s18;
	s22 =	sand.u32 $0x380, s20;
	(pc) =	sbr.rel @p1 .LBB2_90-.Ltmp89, $3  }
0x24c: {  	s21 =	sor.u32 s22, s21;
	v1 =	vadd.f32 v2, v1  }
0x24d: {  	v2 =	vld [tilespmem:s21+$0x10F0];
	_ =	sdelay $0x1  }
0x24e: {  	s19 =	sadd.s32 $0x400, s19  }
.LBB2_91:
0x24f: {  	_ =	sdelay $0x1  }
0x250: {  	v1 =	vadd.f32 v2, v1  }
.Ltmp90:
0x251: {  	_ = 	snop;
	(pc) =	sbr.rel @!p0 .LBB2_93-.Ltmp90, $3  }
0x252: {  	[tilespmem:$0x102F0] =	vst v1  }
0x253: {  	v2 =	vld [tilespmem:s17+$0x1480];
	_ =	sdelay $0x1  }
0x254: {  	s18 =	sadd.s32 $0xFFFFFFFF, s13;
	s19 =	sadd.s32 $0x400, s15;
	s20 =	smov.u32 s14;
	v3 =	vimm.f32 $0.0e+00;
	v1 =	vimm.f32 $0.0e+00  }
.LBB2_92:
0x255: {  	s21 =	sand.u32 $0xFFFFE000, s19;
	s20 =	sadd.s32 $0x80, s20;
	p1 =	sne.s32 s18, $0x1  }
.Ltmp91:
0x256: {  	s18 =	sadd.s32 $0xFFFFFFFF, s18;
	s22 =	sand.u32 $0x380, s20;
	(pc) =	sbr.rel @p1 .LBB2_92-.Ltmp91, $3  }
0x257: {  	s21 =	sor.u32 s22, s21;
	v3 =	vadd.f32 v2, v3  }
0x258: {  	v2 =	vld [tilespmem:s21+$0x1480];
	_ =	sdelay $0x1  }
0x259: {  	s19 =	sadd.s32 $0x400, s19  }
.LBB2_93:
0x25a: {  	_ =	sdelay $0x1  }
0x25b: {  	v2 =	vadd.f32 v2, v3  }
.Ltmp92:
0x25c: {  	_ = 	snop;
	(pc) =	sbr.rel @!p0 .LBB2_95-.Ltmp92, $3  }
0x25d: {  	[tilespmem:$0x10300] =	vst v2  }
0x25e: {  	v2 =	vld [tilespmem:s17+$0x1490];
	_ =	sdelay $0x1  }
0x25f: {  	s18 =	sadd.s32 $0xFFFFFFFF, s13;
	s19 =	sadd.s32 $0x400, s15;
	s20 =	smov.u32 s14  }
.LBB2_94:
0x260: {  	s21 =	sand.u32 $0xFFFFE000, s19;
	s20 =	sadd.s32 $0x80, s20;
	p1 =	sne.s32 s18, $0x1  }
.Ltmp93:
0x261: {  	s18 =	sadd.s32 $0xFFFFFFFF, s18;
	s22 =	sand.u32 $0x380, s20;
	(pc) =	sbr.rel @p1 .LBB2_94-.Ltmp93, $3  }
0x262: {  	s21 =	sor.u32 s22, s21;
	v1 =	vadd.f32 v2, v1  }
0x263: {  	v2 =	vld [tilespmem:s21+$0x1490];
	_ =	sdelay $0x1  }
0x264: {  	s19 =	sadd.s32 $0x400, s19  }
.LBB2_95:
0x265: {  	_ =	sdelay $0x1  }
0x266: {  	v1 =	vadd.f32 v2, v1  }
.Ltmp94:
0x267: {  	_ = 	snop;
	(pc) =	sbr.rel @!p0 .LBB2_97-.Ltmp94, $3  }
0x268: {  	[tilespmem:$0x10310] =	vst v1  }
0x269: {  	v2 =	vld [tilespmem:s17+$0x14A0];
	_ =	sdelay $0x1  }
0x26a: {  	s18 =	sadd.s32 $0xFFFFFFFF, s13;
	s19 =	sadd.s32 $0x400, s15;
	s20 =	smov.u32 s14;
	v3 =	vimm.f32 $0.0e+00;
	v1 =	vimm.f32 $0.0e+00  }
.LBB2_96:
0x26b: {  	s21 =	sand.u32 $0xFFFFE000, s19;
	s20 =	sadd.s32 $0x80, s20;
	p1 =	sne.s32 s18, $0x1  }
.Ltmp95:
0x26c: {  	s18 =	sadd.s32 $0xFFFFFFFF, s18;
	s22 =	sand.u32 $0x380, s20;
	(pc) =	sbr.rel @p1 .LBB2_96-.Ltmp95, $3  }
0x26d: {  	s21 =	sor.u32 s22, s21;
	v3 =	vadd.f32 v2, v3  }
0x26e: {  	v2 =	vld [tilespmem:s21+$0x14A0];
	_ =	sdelay $0x1  }
0x26f: {  	s19 =	sadd.s32 $0x400, s19  }
.LBB2_97:
0x270: {  	_ =	sdelay $0x1  }
0x271: {  	v2 =	vadd.f32 v2, v3  }
.Ltmp96:
0x272: {  	_ = 	snop;
	(pc) =	sbr.rel @!p0 .LBB2_99-.Ltmp96, $3  }
0x273: {  	[tilespmem:$0x10320] =	vst v2  }
0x274: {  	v2 =	vld [tilespmem:s17+$0x14B0];
	_ =	sdelay $0x1  }
0x275: {  	s18 =	sadd.s32 $0xFFFFFFFF, s13;
	s19 =	sadd.s32 $0x400, s15;
	s20 =	smov.u32 s14  }
.LBB2_98:
0x276: {  	s21 =	sand.u32 $0xFFFFE000, s19;
	s20 =	sadd.s32 $0x80, s20;
	p1 =	sne.s32 s18, $0x1  }
.Ltmp97:
0x277: {  	s18 =	sadd.s32 $0xFFFFFFFF, s18;
	s22 =	sand.u32 $0x380, s20;
	(pc) =	sbr.rel @p1 .LBB2_98-.Ltmp97, $3  }
0x278: {  	s21 =	sor.u32 s22, s21;
	v1 =	vadd.f32 v2, v1  }
0x279: {  	v2 =	vld [tilespmem:s21+$0x14B0];
	_ =	sdelay $0x1  }
0x27a: {  	s19 =	sadd.s32 $0x400, s19  }
.LBB2_99:
0x27b: {  	_ =	sdelay $0x1  }
0x27c: {  	v1 =	vadd.f32 v2, v1  }
.Ltmp98:
0x27d: {  	_ = 	snop;
	(pc) =	sbr.rel @!p0 .LBB2_101-.Ltmp98, $3  }
0x27e: {  	[tilespmem:$0x10330] =	vst v1  }
0x27f: {  	v2 =	vld [tilespmem:s17+$0x14C0];
	_ =	sdelay $0x1  }
0x280: {  	s18 =	sadd.s32 $0xFFFFFFFF, s13;
	s19 =	sadd.s32 $0x400, s15;
	s20 =	smov.u32 s14;
	v3 =	vimm.f32 $0.0e+00;
	v1 =	vimm.f32 $0.0e+00  }
.LBB2_100:
0x281: {  	s21 =	sand.u32 $0xFFFFE000, s19;
	s20 =	sadd.s32 $0x80, s20;
	p1 =	sne.s32 s18, $0x1  }
.Ltmp99:
0x282: {  	s18 =	sadd.s32 $0xFFFFFFFF, s18;
	s22 =	sand.u32 $0x380, s20;
	(pc) =	sbr.rel @p1 .LBB2_100-.Ltmp99, $3  }
0x283: {  	s21 =	sor.u32 s22, s21;
	v3 =	vadd.f32 v2, v3  }
0x284: {  	v2 =	vld [tilespmem:s21+$0x14C0];
	_ =	sdelay $0x1  }
0x285: {  	s19 =	sadd.s32 $0x400, s19  }
.LBB2_101:
0x286: {  	_ =	sdelay $0x1  }
0x287: {  	v2 =	vadd.f32 v2, v3  }
.Ltmp100:
0x288: {  	_ = 	snop;
	(pc) =	sbr.rel @!p0 .LBB2_103-.Ltmp100, $3  }
0x289: {  	[tilespmem:$0x10340] =	vst v2  }
0x28a: {  	v2 =	vld [tilespmem:s17+$0x14D0];
	_ =	sdelay $0x1  }
0x28b: {  	s18 =	sadd.s32 $0xFFFFFFFF, s13;
	s19 =	sadd.s32 $0x400, s15;
	s20 =	smov.u32 s14  }
.LBB2_102:
0x28c: {  	s21 =	sand.u32 $0xFFFFE000, s19;
	s20 =	sadd.s32 $0x80, s20;
	p1 =	sne.s32 s18, $0x1  }
.Ltmp101:
0x28d: {  	s18 =	sadd.s32 $0xFFFFFFFF, s18;
	s22 =	sand.u32 $0x380, s20;
	(pc) =	sbr.rel @p1 .LBB2_102-.Ltmp101, $3  }
0x28e: {  	s21 =	sor.u32 s22, s21;
	v1 =	vadd.f32 v2, v1  }
0x28f: {  	v2 =	vld [tilespmem:s21+$0x14D0];
	_ =	sdelay $0x1  }
0x290: {  	s19 =	sadd.s32 $0x400, s19  }
.LBB2_103:
0x291: {  	_ =	sdelay $0x1  }
0x292: {  	v1 =	vadd.f32 v2, v1  }
.Ltmp102:
0x293: {  	_ = 	snop;
	(pc) =	sbr.rel @!p0 .LBB2_105-.Ltmp102, $3  }
0x294: {  	[tilespmem:$0x10350] =	vst v1  }
0x295: {  	v2 =	vld [tilespmem:s17+$0x14E0];
	_ =	sdelay $0x1  }
0x296: {  	s18 =	sadd.s32 $0xFFFFFFFF, s13;
	s19 =	sadd.s32 $0x400, s15;
	s20 =	smov.u32 s14;
	v3 =	vimm.f32 $0.0e+00;
	v1 =	vimm.f32 $0.0e+00  }
.LBB2_104:
0x297: {  	s21 =	sand.u32 $0xFFFFE000, s19;
	s20 =	sadd.s32 $0x80, s20;
	p1 =	sne.s32 s18, $0x1  }
.Ltmp103:
0x298: {  	s18 =	sadd.s32 $0xFFFFFFFF, s18;
	s22 =	sand.u32 $0x380, s20;
	(pc) =	sbr.rel @p1 .LBB2_104-.Ltmp103, $3  }
0x299: {  	s21 =	sor.u32 s22, s21;
	v3 =	vadd.f32 v2, v3  }
0x29a: {  	v2 =	vld [tilespmem:s21+$0x14E0];
	_ =	sdelay $0x1  }
0x29b: {  	s19 =	sadd.s32 $0x400, s19  }
.LBB2_105:
0x29c: {  	_ =	sdelay $0x1  }
0x29d: {  	v2 =	vadd.f32 v2, v3  }
.Ltmp104:
0x29e: {  	_ = 	snop;
	(pc) =	sbr.rel @!p0 .LBB2_107-.Ltmp104, $3  }
0x29f: {  	[tilespmem:$0x10360] =	vst v2  }
0x2a0: {  	v2 =	vld [tilespmem:s17+$0x14F0];
	_ =	sdelay $0x1  }
0x2a1: {  	s18 =	sadd.s32 $0xFFFFFFFF, s13;
	s19 =	sadd.s32 $0x400, s15;
	s20 =	smov.u32 s14  }
.LBB2_106:
0x2a2: {  	s21 =	sand.u32 $0xFFFFE000, s19;
	s20 =	sadd.s32 $0x80, s20;
	p1 =	sne.s32 s18, $0x1  }
.Ltmp105:
0x2a3: {  	s18 =	sadd.s32 $0xFFFFFFFF, s18;
	s22 =	sand.u32 $0x380, s20;
	(pc) =	sbr.rel @p1 .LBB2_106-.Ltmp105, $3  }
0x2a4: {  	s21 =	sor.u32 s22, s21;
	v1 =	vadd.f32 v2, v1  }
0x2a5: {  	v2 =	vld [tilespmem:s21+$0x14F0];
	_ =	sdelay $0x1  }
0x2a6: {  	s19 =	sadd.s32 $0x400, s19  }
.LBB2_107:
0x2a7: {  	_ =	sdelay $0x1  }
0x2a8: {  	v1 =	vadd.f32 v2, v1  }
.Ltmp106:
0x2a9: {  	_ = 	snop;
	(pc) =	sbr.rel @!p0 .LBB2_109-.Ltmp106, $3  }
0x2aa: {  	[tilespmem:$0x10370] =	vst v1  }
0x2ab: {  	v2 =	vld [tilespmem:s17+$0x1880];
	_ =	sdelay $0x1  }
0x2ac: {  	s18 =	sadd.s32 $0xFFFFFFFF, s13;
	s19 =	sadd.s32 $0x400, s15;
	s20 =	smov.u32 s14;
	v3 =	vimm.f32 $0.0e+00;
	v1 =	vimm.f32 $0.0e+00  }
.LBB2_108:
0x2ad: {  	s21 =	sand.u32 $0xFFFFE000, s19;
	s20 =	sadd.s32 $0x80, s20;
	p1 =	sne.s32 s18, $0x1  }
.Ltmp107:
0x2ae: {  	s18 =	sadd.s32 $0xFFFFFFFF, s18;
	s22 =	sand.u32 $0x380, s20;
	(pc) =	sbr.rel @p1 .LBB2_108-.Ltmp107, $3  }
0x2af: {  	s21 =	sor.u32 s22, s21;
	v3 =	vadd.f32 v2, v3  }
0x2b0: {  	v2 =	vld [tilespmem:s21+$0x1880];
	_ =	sdelay $0x1  }
0x2b1: {  	s19 =	sadd.s32 $0x400, s19  }
.LBB2_109:
0x2b2: {  	_ =	sdelay $0x1  }
0x2b3: {  	v2 =	vadd.f32 v2, v3  }
.Ltmp108:
0x2b4: {  	_ = 	snop;
	(pc) =	sbr.rel @!p0 .LBB2_111-.Ltmp108, $3  }
0x2b5: {  	[tilespmem:$0x10380] =	vst v2  }
0x2b6: {  	v2 =	vld [tilespmem:s17+$0x1890];
	_ =	sdelay $0x1  }
0x2b7: {  	s18 =	sadd.s32 $0xFFFFFFFF, s13;
	s19 =	sadd.s32 $0x400, s15;
	s20 =	smov.u32 s14  }
.LBB2_110:
0x2b8: {  	s21 =	sand.u32 $0xFFFFE000, s19;
	s20 =	sadd.s32 $0x80, s20;
	p1 =	sne.s32 s18, $0x1  }
.Ltmp109:
0x2b9: {  	s18 =	sadd.s32 $0xFFFFFFFF, s18;
	s22 =	sand.u32 $0x380, s20;
	(pc) =	sbr.rel @p1 .LBB2_110-.Ltmp109, $3  }
0x2ba: {  	s21 =	sor.u32 s22, s21;
	v1 =	vadd.f32 v2, v1  }
0x2bb: {  	v2 =	vld [tilespmem:s21+$0x1890];
	_ =	sdelay $0x1  }
0x2bc: {  	s19 =	sadd.s32 $0x400, s19  }
.LBB2_111:
0x2bd: {  	_ =	sdelay $0x1  }
0x2be: {  	v1 =	vadd.f32 v2, v1  }
.Ltmp110:
0x2bf: {  	_ = 	snop;
	(pc) =	sbr.rel @!p0 .LBB2_113-.Ltmp110, $3  }
0x2c0: {  	[tilespmem:$0x10390] =	vst v1  }
0x2c1: {  	v2 =	vld [tilespmem:s17+$0x18A0];
	_ =	sdelay $0x1  }
0x2c2: {  	s18 =	sadd.s32 $0xFFFFFFFF, s13;
	s19 =	sadd.s32 $0x400, s15;
	s20 =	smov.u32 s14;
	v3 =	vimm.f32 $0.0e+00;
	v1 =	vimm.f32 $0.0e+00  }
.LBB2_112:
0x2c3: {  	s21 =	sand.u32 $0xFFFFE000, s19;
	s20 =	sadd.s32 $0x80, s20;
	p1 =	sne.s32 s18, $0x1  }
.Ltmp111:
0x2c4: {  	s18 =	sadd.s32 $0xFFFFFFFF, s18;
	s22 =	sand.u32 $0x380, s20;
	(pc) =	sbr.rel @p1 .LBB2_112-.Ltmp111, $3  }
0x2c5: {  	s21 =	sor.u32 s22, s21;
	v3 =	vadd.f32 v2, v3  }
0x2c6: {  	v2 =	vld [tilespmem:s21+$0x18A0];
	_ =	sdelay $0x1  }
0x2c7: {  	s19 =	sadd.s32 $0x400, s19  }
.LBB2_113:
0x2c8: {  	_ =	sdelay $0x1  }
0x2c9: {  	v2 =	vadd.f32 v2, v3  }
.Ltmp112:
0x2ca: {  	_ = 	snop;
	(pc) =	sbr.rel @!p0 .LBB2_115-.Ltmp112, $3  }
0x2cb: {  	[tilespmem:$0x103A0] =	vst v2  }
0x2cc: {  	v2 =	vld [tilespmem:s17+$0x18B0];
	_ =	sdelay $0x1  }
0x2cd: {  	s18 =	sadd.s32 $0xFFFFFFFF, s13;
	s19 =	sadd.s32 $0x400, s15;
	s20 =	smov.u32 s14  }
.LBB2_114:
0x2ce: {  	s21 =	sand.u32 $0xFFFFE000, s19;
	s20 =	sadd.s32 $0x80, s20;
	p1 =	sne.s32 s18, $0x1  }
.Ltmp113:
0x2cf: {  	s18 =	sadd.s32 $0xFFFFFFFF, s18;
	s22 =	sand.u32 $0x380, s20;
	(pc) =	sbr.rel @p1 .LBB2_114-.Ltmp113, $3  }
0x2d0: {  	s21 =	sor.u32 s22, s21;
	v1 =	vadd.f32 v2, v1  }
0x2d1: {  	v2 =	vld [tilespmem:s21+$0x18B0];
	_ =	sdelay $0x1  }
0x2d2: {  	s19 =	sadd.s32 $0x400, s19  }
.LBB2_115:
0x2d3: {  	_ =	sdelay $0x1  }
0x2d4: {  	v1 =	vadd.f32 v2, v1  }
.Ltmp114:
0x2d5: {  	_ = 	snop;
	(pc) =	sbr.rel @!p0 .LBB2_117-.Ltmp114, $3  }
0x2d6: {  	[tilespmem:$0x103B0] =	vst v1  }
0x2d7: {  	v2 =	vld [tilespmem:s17+$0x18C0];
	_ =	sdelay $0x1  }
0x2d8: {  	s18 =	sadd.s32 $0xFFFFFFFF, s13;
	s19 =	sadd.s32 $0x400, s15;
	s20 =	smov.u32 s14;
	v3 =	vimm.f32 $0.0e+00;
	v1 =	vimm.f32 $0.0e+00  }
.LBB2_116:
0x2d9: {  	s21 =	sand.u32 $0xFFFFE000, s19;
	s20 =	sadd.s32 $0x80, s20;
	p1 =	sne.s32 s18, $0x1  }
.Ltmp115:
0x2da: {  	s18 =	sadd.s32 $0xFFFFFFFF, s18;
	s22 =	sand.u32 $0x380, s20;
	(pc) =	sbr.rel @p1 .LBB2_116-.Ltmp115, $3  }
0x2db: {  	s21 =	sor.u32 s22, s21;
	v3 =	vadd.f32 v2, v3  }
0x2dc: {  	v2 =	vld [tilespmem:s21+$0x18C0];
	_ =	sdelay $0x1  }
0x2dd: {  	s19 =	sadd.s32 $0x400, s19  }
.LBB2_117:
0x2de: {  	_ =	sdelay $0x1  }
0x2df: {  	v2 =	vadd.f32 v2, v3  }
.Ltmp116:
0x2e0: {  	_ = 	snop;
	(pc) =	sbr.rel @!p0 .LBB2_119-.Ltmp116, $3  }
0x2e1: {  	[tilespmem:$0x103C0] =	vst v2  }
0x2e2: {  	v2 =	vld [tilespmem:s17+$0x18D0];
	_ =	sdelay $0x1  }
0x2e3: {  	s18 =	sadd.s32 $0xFFFFFFFF, s13;
	s19 =	sadd.s32 $0x400, s15;
	s20 =	smov.u32 s14  }
.LBB2_118:
0x2e4: {  	s21 =	sand.u32 $0xFFFFE000, s19;
	s20 =	sadd.s32 $0x80, s20;
	p1 =	sne.s32 s18, $0x1  }
.Ltmp117:
0x2e5: {  	s18 =	sadd.s32 $0xFFFFFFFF, s18;
	s22 =	sand.u32 $0x380, s20;
	(pc) =	sbr.rel @p1 .LBB2_118-.Ltmp117, $3  }
0x2e6: {  	s21 =	sor.u32 s22, s21;
	v1 =	vadd.f32 v2, v1  }
0x2e7: {  	v2 =	vld [tilespmem:s21+$0x18D0];
	_ =	sdelay $0x1  }
0x2e8: {  	s19 =	sadd.s32 $0x400, s19  }
.LBB2_119:
0x2e9: {  	_ =	sdelay $0x1  }
0x2ea: {  	v1 =	vadd.f32 v2, v1  }
.Ltmp118:
0x2eb: {  	_ = 	snop;
	(pc) =	sbr.rel @!p0 .LBB2_121-.Ltmp118, $3  }
0x2ec: {  	[tilespmem:$0x103D0] =	vst v1  }
0x2ed: {  	v2 =	vld [tilespmem:s17+$0x18E0];
	_ =	sdelay $0x1  }
0x2ee: {  	s18 =	sadd.s32 $0xFFFFFFFF, s13;
	s19 =	sadd.s32 $0x400, s15;
	s20 =	smov.u32 s14;
	v3 =	vimm.f32 $0.0e+00;
	v1 =	vimm.f32 $0.0e+00  }
.LBB2_120:
0x2ef: {  	s21 =	sand.u32 $0xFFFFE000, s19;
	s20 =	sadd.s32 $0x80, s20;
	p1 =	sne.s32 s18, $0x1  }
.Ltmp119:
0x2f0: {  	s18 =	sadd.s32 $0xFFFFFFFF, s18;
	s22 =	sand.u32 $0x380, s20;
	(pc) =	sbr.rel @p1 .LBB2_120-.Ltmp119, $3  }
0x2f1: {  	s21 =	sor.u32 s22, s21;
	v3 =	vadd.f32 v2, v3  }
0x2f2: {  	v2 =	vld [tilespmem:s21+$0x18E0];
	_ =	sdelay $0x1  }
0x2f3: {  	s19 =	sadd.s32 $0x400, s19  }
.LBB2_121:
0x2f4: {  	_ =	sdelay $0x1  }
0x2f5: {  	v2 =	vadd.f32 v2, v3  }
.Ltmp120:
0x2f6: {  	_ = 	snop;
	(pc) =	sbr.rel @!p0 .LBB2_123-.Ltmp120, $3  }
0x2f7: {  	[tilespmem:$0x103E0] =	vst v2  }
0x2f8: {  	v2 =	vld [tilespmem:s17+$0x18F0];
	_ =	sdelay $0x1  }
0x2f9: {  	s18 =	sadd.s32 $0xFFFFFFFF, s13;
	s19 =	smov.u32 s14;
	s17 =	sadd.s32 $0x400, s15  }
.LBB2_122:
0x2fa: {  	s20 =	sand.u32 $0xFFFFE000, s17;
	s19 =	sadd.s32 $0x80, s19;
	p1 =	sne.s32 s18, $0x1  }
.Ltmp121:
0x2fb: {  	s18 =	sadd.s32 $0xFFFFFFFF, s18;
	s21 =	sand.u32 $0x380, s19;
	(pc) =	sbr.rel @p1 .LBB2_122-.Ltmp121, $3  }
0x2fc: {  	s20 =	sor.u32 s21, s20;
	v1 =	vadd.f32 v2, v1  }
0x2fd: {  	v2 =	vld [tilespmem:s20+$0x18F0];
	_ =	sdelay $0x1  }
0x2fe: {  	s17 =	sadd.s32 $0x400, s17  }
.LBB2_123:
0x2ff: {  	_ =	sdelay $0x1  }
0x300: {  	v1 =	vadd.f32 v2, v1  }
.Ltmp122:
0x301: {  	s16 =	sadd.s32 s16, s15;
	(pc) =	sbr.rel @!p0 .LBB2_125-.Ltmp122, $3  }
0x302: {  	s18 =	sor.u32 $0x1C00, s16;
	[tilespmem:$0x103F0] =	vst v1  }
0x303: {  	v2 =	vld [tilespmem:s18+$0x80];
	_ =	sdelay $0x1  }
0x304: {  	s17 =	sadd.s32 $0xFFFFFFFF, s13;
	s19 =	sadd.s32 $0x400, s15;
	v3 =	vimm.f32 $0.0e+00;
	v1 =	vimm.f32 $0.0e+00;
	s18 =	sadd.s32 $0x80, s14  }
.LBB2_124:
0x305: {  	s20 =	sand.u32 $0x380, s18;
	p1 =	sne.s32 s17, $0x1;
	s17 =	sadd.s32 $0xFFFFFFFF, s17  }
.Ltmp123:
0x306: {  	s20 =	sadd.s32 s20, s19;
	(pc) =	sbr.rel @p1 .LBB2_124-.Ltmp123, $3  }
0x307: {  	s20 =	sor.u32 $0x1C00, s20;
	v3 =	vadd.f32 v2, v3  }
0x308: {  	v2 =	vld [tilespmem:s20+$0x80];
	_ =	sdelay $0x1  }
0x309: {  	s18 =	sadd.s32 $0x80, s18;
	s19 =	sadd.s32 $0x400, s19  }
.LBB2_125:
0x30a: {  	_ =	sdelay $0x1  }
0x30b: {  	v2 =	vadd.f32 v2, v3  }
.Ltmp124:
0x30c: {  	_ = 	snop;
	(pc) =	sbr.rel @!p0 .LBB2_127-.Ltmp124, $3  }
0x30d: {  	s18 =	sor.u32 $0x1C10, s16;
	[tilespmem:$0x10400] =	vst v2  }
0x30e: {  	v2 =	vld [tilespmem:s18+$0x80];
	_ =	sdelay $0x1  }
0x30f: {  	s17 =	sadd.s32 $0xFFFFFFFF, s13;
	s19 =	sadd.s32 $0x400, s15;
	s18 =	sadd.s32 $0x80, s14  }
.LBB2_126:
0x310: {  	s20 =	sand.u32 $0x380, s18;
	p1 =	sne.s32 s17, $0x1;
	s17 =	sadd.s32 $0xFFFFFFFF, s17  }
.Ltmp125:
0x311: {  	s20 =	sadd.s32 s20, s19;
	(pc) =	sbr.rel @p1 .LBB2_126-.Ltmp125, $3  }
0x312: {  	s20 =	sor.u32 $0x1C10, s20;
	v1 =	vadd.f32 v2, v1  }
0x313: {  	v2 =	vld [tilespmem:s20+$0x80];
	_ =	sdelay $0x1  }
0x314: {  	s18 =	sadd.s32 $0x80, s18;
	s19 =	sadd.s32 $0x400, s19  }
.LBB2_127:
0x315: {  	_ =	sdelay $0x1  }
0x316: {  	v1 =	vadd.f32 v2, v1  }
.Ltmp126:
0x317: {  	_ = 	snop;
	(pc) =	sbr.rel @!p0 .LBB2_129-.Ltmp126, $3  }
0x318: {  	s18 =	sor.u32 $0x1C20, s16;
	[tilespmem:$0x10410] =	vst v1  }
0x319: {  	v2 =	vld [tilespmem:s18+$0x80];
	_ =	sdelay $0x1  }
0x31a: {  	s17 =	sadd.s32 $0xFFFFFFFF, s13;
	s19 =	sadd.s32 $0x400, s15;
	v3 =	vimm.f32 $0.0e+00;
	v1 =	vimm.f32 $0.0e+00;
	s18 =	sadd.s32 $0x80, s14  }
.LBB2_128:
0x31b: {  	s20 =	sand.u32 $0x380, s18;
	p1 =	sne.s32 s17, $0x1;
	s17 =	sadd.s32 $0xFFFFFFFF, s17  }
.Ltmp127:
0x31c: {  	s20 =	sadd.s32 s20, s19;
	(pc) =	sbr.rel @p1 .LBB2_128-.Ltmp127, $3  }
0x31d: {  	s20 =	sor.u32 $0x1C20, s20;
	v3 =	vadd.f32 v2, v3  }
0x31e: {  	v2 =	vld [tilespmem:s20+$0x80];
	_ =	sdelay $0x1  }
0x31f: {  	s18 =	sadd.s32 $0x80, s18;
	s19 =	sadd.s32 $0x400, s19  }
.LBB2_129:
0x320: {  	_ =	sdelay $0x1  }
0x321: {  	v2 =	vadd.f32 v2, v3  }
.Ltmp128:
0x322: {  	_ = 	snop;
	(pc) =	sbr.rel @!p0 .LBB2_131-.Ltmp128, $3  }
0x323: {  	s18 =	sor.u32 $0x1C30, s16;
	[tilespmem:$0x10420] =	vst v2  }
0x324: {  	v2 =	vld [tilespmem:s18+$0x80];
	_ =	sdelay $0x1  }
0x325: {  	s17 =	sadd.s32 $0xFFFFFFFF, s13;
	s19 =	sadd.s32 $0x400, s15;
	s18 =	sadd.s32 $0x80, s14  }
.LBB2_130:
0x326: {  	s20 =	sand.u32 $0x380, s18;
	p1 =	sne.s32 s17, $0x1;
	s17 =	sadd.s32 $0xFFFFFFFF, s17  }
.Ltmp129:
0x327: {  	s20 =	sadd.s32 s20, s19;
	(pc) =	sbr.rel @p1 .LBB2_130-.Ltmp129, $3  }
0x328: {  	s20 =	sor.u32 $0x1C30, s20;
	v1 =	vadd.f32 v2, v1  }
0x329: {  	v2 =	vld [tilespmem:s20+$0x80];
	_ =	sdelay $0x1  }
0x32a: {  	s18 =	sadd.s32 $0x80, s18;
	s19 =	sadd.s32 $0x400, s19  }
.LBB2_131:
0x32b: {  	_ =	sdelay $0x1  }
0x32c: {  	v1 =	vadd.f32 v2, v1  }
.Ltmp130:
0x32d: {  	_ = 	snop;
	(pc) =	sbr.rel @!p0 .LBB2_133-.Ltmp130, $3  }
0x32e: {  	s18 =	sor.u32 $0x1C40, s16;
	[tilespmem:$0x10430] =	vst v1  }
0x32f: {  	v2 =	vld [tilespmem:s18+$0x80];
	_ =	sdelay $0x1  }
0x330: {  	s17 =	sadd.s32 $0xFFFFFFFF, s13;
	s19 =	sadd.s32 $0x400, s15;
	v3 =	vimm.f32 $0.0e+00;
	v1 =	vimm.f32 $0.0e+00;
	s18 =	sadd.s32 $0x80, s14  }
.LBB2_132:
0x331: {  	s20 =	sand.u32 $0x380, s18;
	p1 =	sne.s32 s17, $0x1;
	s17 =	sadd.s32 $0xFFFFFFFF, s17  }
.Ltmp131:
0x332: {  	s20 =	sadd.s32 s20, s19;
	(pc) =	sbr.rel @p1 .LBB2_132-.Ltmp131, $3  }
0x333: {  	s20 =	sor.u32 $0x1C40, s20;
	v3 =	vadd.f32 v2, v3  }
0x334: {  	v2 =	vld [tilespmem:s20+$0x80];
	_ =	sdelay $0x1  }
0x335: {  	s18 =	sadd.s32 $0x80, s18;
	s19 =	sadd.s32 $0x400, s19  }
.LBB2_133:
0x336: {  	_ =	sdelay $0x1  }
0x337: {  	v2 =	vadd.f32 v2, v3  }
.Ltmp132:
0x338: {  	_ = 	snop;
	(pc) =	sbr.rel @!p0 .LBB2_135-.Ltmp132, $3  }
0x339: {  	s18 =	sor.u32 $0x1C50, s16;
	[tilespmem:$0x10440] =	vst v2  }
0x33a: {  	v2 =	vld [tilespmem:s18+$0x80];
	_ =	sdelay $0x1  }
0x33b: {  	s17 =	sadd.s32 $0xFFFFFFFF, s13;
	s19 =	sadd.s32 $0x400, s15;
	s18 =	sadd.s32 $0x80, s14  }
.LBB2_134:
0x33c: {  	s20 =	sand.u32 $0x380, s18;
	p1 =	sne.s32 s17, $0x1;
	s17 =	sadd.s32 $0xFFFFFFFF, s17  }
.Ltmp133:
0x33d: {  	s20 =	sadd.s32 s20, s19;
	(pc) =	sbr.rel @p1 .LBB2_134-.Ltmp133, $3  }
0x33e: {  	s20 =	sor.u32 $0x1C50, s20;
	v1 =	vadd.f32 v2, v1  }
0x33f: {  	v2 =	vld [tilespmem:s20+$0x80];
	_ =	sdelay $0x1  }
0x340: {  	s18 =	sadd.s32 $0x80, s18;
	s19 =	sadd.s32 $0x400, s19  }
.LBB2_135:
0x341: {  	_ =	sdelay $0x1  }
0x342: {  	p1 =	seq.s32 s13, $0x1;
	v1 =	vadd.f32 v2, v1  }
.Ltmp134:
0x343: {  	_ = 	snop;
	(pc) =	sbr.rel @p1 .LBB2_137-.Ltmp134, $3  }
0x344: {  	s18 =	sor.u32 $0x1C60, s16;
	[tilespmem:$0x10450] =	vst v1  }
0x345: {  	v2 =	vld [tilespmem:s18+$0x80];
	_ =	sdelay $0x1  }
0x346: {  	s17 =	sadd.s32 $0xFFFFFFFF, s13;
	s19 =	sadd.s32 $0x400, s15;
	v1 =	vimm.f32 $0.0e+00;
	s18 =	sadd.s32 $0x80, s14  }
.LBB2_136:
0x347: {  	s20 =	sand.u32 $0x380, s18;
	p1 =	seq.s32 s17, $0x1;
	s17 =	sadd.s32 $0xFFFFFFFF, s17  }
.Ltmp135:
0x348: {  	s20 =	sadd.s32 s20, s19;
	(pc) =	sbr.rel @!p1 .LBB2_136-.Ltmp135, $3  }
0x349: {  	s20 =	sor.u32 $0x1C60, s20;
	v1 =	vadd.f32 v2, v1  }
0x34a: {  	v2 =	vld [tilespmem:s20+$0x80];
	_ =	sdelay $0x1  }
0x34b: {  	s18 =	sadd.s32 $0x80, s18;
	s19 =	sadd.s32 $0x400, s19  }
.LBB2_137:
0x34c: {  	_ =	sdelay $0x1  }
0x34d: {  	v1 =	vadd.f32 v2, v1  }
.Ltmp136:
0x34e: {  	_ = 	snop;
	(pc) =	sbr.rel @!p0 .LBB2_139-.Ltmp136, $3  }
0x34f: {  	s16 =	sor.u32 $0x1C70, s16;
	[tilespmem:$0x10460] =	vst v1  }
0x350: {  	v2 =	vld [tilespmem:s16+$0x80];
	_ =	sdelay $0x1  }
0x351: {  	s13 =	sadd.s32 $0xFFFFFFFF, s13;
	s14 =	sadd.s32 $0x80, s14;
	s15 =	sadd.s32 $0x400, s15;
	v1 =	vimm.f32 $0.0e+00  }
.LBB2_138:
0x352: {  	s16 =	sand.u32 $0x380, s14;
	p0 =	sne.s32 s13, $0x1;
	s13 =	sadd.s32 $0xFFFFFFFF, s13  }
.Ltmp137:
0x353: {  	s16 =	sadd.s32 s16, s15;
	(pc) =	sbr.rel @p0 .LBB2_138-.Ltmp137, $3  }
0x354: {  	s16 =	sor.u32 $0x1C70, s16;
	v1 =	vadd.f32 v2, v1  }
0x355: {  	v2 =	vld [tilespmem:s16+$0x80];
	_ =	sdelay $0x1  }
0x356: {  	s14 =	sadd.s32 $0x80, s14;
	s15 =	sadd.s32 $0x400, s15  }
.LBB2_139:
.Ltmp138:
0x357: {  	(pc) =	sbr.rel .LBB2_140-.Ltmp138, $2  }
0x358: {  	_ =	sdelay $0x1  }
0x359: {  	v1 =	vadd.f32 v2, v1;
	_ =	sdelay $0x1  }
.LBB2_142:
0x35a: {  	_ =	sfence.sel $0x180000  }
0x35b: {  	[bflag:$0x0] =	sbarrier.arrive $0xFFFF  }
0x35c: {  	p0 =	sne.s32 s2, $0x0;
	_ =	strace $0x90000047  }
0x35d: {  	s0 =	sadd.s32 @!p0 $0x100000, s1;
	[bflag:$0x2] =	sbarrier.arrive $0xFFFF  }
0x35e: {  	[sflag:s0] =	ssyncadd.tile.s32 @!p0 $0x1;
	_ =	shalt  }
.Lfunc_end2:
_tile_overlayer_lowered:
.L_overlay_start_2:
0x35f: {  	(tag) =	ssettag $0x2  }
0x360: {  	s0 =	rddreg [dreg:$0x0];
	s2 =	stileid.u32  }
0x361: {  	s1 =	rddreg [dreg:$0x1];
	p0 =	sne.s32 s2, $0x0  }
0x362: {  	s3 =	rddreg [dreg:$0x2];
	[bflag:$0x3] =	sbarrier.arrive $0xFFFF;
	s2 =	simm.s32 @!p0 $0x1C02  }
0x363: {  	[timem:s3], [sflag:s2] =	dma.local @!p0 [hbm:s0], s1  }
0x364: {  	s0 =	simm.s32 @!p0 $0x2  }
0x365: {  	_ =	swait.ge @!p0 [sflag:s0], s1  }
0x366: {  	s1 =	ssub.s32 @!p0 $0x0, s1;
	[sflag:s0] =	ssyncset.done @!p0 $0x0  }
0x367: {  	[sflag:s0] =	ssyncadd.s32 @!p0 s1  }
0x368: {  	[bflag:$0x3] =	sbarrier.arrive $0xFFFF  }
0x369: {  	_ =	shalt  }

</sc_bundles>
